<compile_context>
chip_gen: v7x
topology: tpu7x:2x2x1
jax: 0.10.2.dev20260603
libtpu: 0.0.44.dev20260713+nightly
codegen_flags: <defaults>
</compile_context>

<pallas_src>
import functools

import jax
import jax.numpy as jnp
from jax import lax
from jax.experimental import pallas as pl
from jax.experimental.pallas import tpu as pltpu
from jax.experimental.pallas import tpu_sc as plsc

B = 16384
F = 26
V = 1000
D = 128
NCF = 4
ROWS = B * F
NPART = 2
PB = B // NPART
LOG2PB = 13
PROWS = PB * F

SC_CORES = 2
SC_SUBCORES = 16
NW = SC_CORES * SC_SUBCORES
PROWS_PER_W = PROWS // NW
CH = 256
CHB = CH // 128
PNCHUNK = PROWS_PER_W // CH


def _sc_gather_part(fitp, emb):
    mesh = plsc.VectorSubcoreMesh(core_axis_name="c", subcore_axis_name="s")

    @functools.partial(
        pl.kernel,
        mesh=mesh,
        out_type=jax.ShapeDtypeStruct((PROWS, D), jnp.float32),
        scratch_types=[
            pltpu.VMEM((CHB, 128), jnp.int32),
            pltpu.VMEM((CHB, 128), jnp.int32),
            pltpu.VMEM((CH, D), jnp.float32),
            pltpu.VMEM((CH, D), jnp.float32),
            pltpu.SemaphoreType.DMA,
            pltpu.SemaphoreType.DMA,
            pltpu.SemaphoreType.DMA,
            pltpu.SemaphoreType.DMA,
        ],
    )
    def k(fi_hbm, emb_hbm, oute_hbm, i0, i1, r0, r1, e0, e1, w0, w1):
        wid = lax.axis_index("c") * SC_SUBCORES + lax.axis_index("s")
        w_base = wid * PROWS_PER_W
        w_row0 = wid * (PROWS_PER_W // 128)

        def stage(ci, idx_v):
            rb = w_row0 + ci * CHB
            pltpu.sync_copy(fi_hbm.at[pl.ds(rb, CHB)], idx_v)
            off = lax.shift_right_logical(w_base + ci * CH, LOG2PB) * V
            for j in range(CHB):
                for k16 in range(8):
                    sl = (j, pl.ds(k16 * 16, 16))
                    idx_v[sl] = idx_v[sl] + off

        def gstart(idx_v, rows_v, sem):
            for j in range(CHB):
                pltpu.make_async_copy(
                    emb_hbm.at[idx_v.at[j]],
                    rows_v.at[pl.ds(j * 128, 128)], sem).start()

        def gwait(idx_v, rows_v, sem):
            for j in range(CHB):
                pltpu.make_async_copy(
                    emb_hbm.at[idx_v.at[j]],
                    rows_v.at[pl.ds(j * 128, 128)], sem).wait()

        def sstart(ci, rows_v, sem):
            pltpu.make_async_copy(
                rows_v, oute_hbm.at[pl.ds(w_base + ci * CH, CH)], sem).start()

        def swait(ci, rows_v, sem):
            pltpu.make_async_copy(
                rows_v, oute_hbm.at[pl.ds(w_base + ci * CH, CH)], sem).wait()

        stage(0, i0)
        gstart(i0, r0, e0)
        stage(1, i1)
        gstart(i1, r1, e1)

        def body(g, carry):
            a = 2 * g
            b = a + 1
            gwait(i0, r0, e0)
            sstart(a, r0, w0)
            gwait(i1, r1, e1)
            sstart(b, r1, w1)
            stage(a + 2, i0)
            swait(a, r0, w0)
            gstart(i0, r0, e0)
            stage(b + 2, i1)
            swait(b, r1, w1)
            gstart(i1, r1, e1)
            return carry

        lax.fori_loop(0, PNCHUNK // 2 - 1, body, 0)
        gwait(i0, r0, e0)
        sstart(PNCHUNK - 2, r0, w0)
        gwait(i1, r1, e1)
        sstart(PNCHUNK - 1, r1, w1)
        swait(PNCHUNK - 2, r0, w0)
        swait(PNCHUNK - 1, r1, w1)

    return k(fitp, emb)


LCH = 512


LROWS_PER_W = ROWS // NW
LNCHUNK_FULL = LROWS_PER_W // LCH
LOG2B = 14


def _sc_linear(fi_flat, lin_flat):
    mesh = plsc.VectorSubcoreMesh(core_axis_name="c", subcore_axis_name="s")

    @functools.partial(
        pl.kernel,
        mesh=mesh,
        out_type=jax.ShapeDtypeStruct((F, B), jnp.float32),
        scratch_types=[
            pltpu.VMEM((F * V,), jnp.float32),
            pltpu.VMEM((LCH,), jnp.int32),
            pltpu.VMEM((LCH,), jnp.float32),
        ],
        compiler_params=pltpu.CompilerParams(needs_layout_passes=False),
    )
    def k(fi_hbm, lin_hbm, outl_hbm, tab_v, idx_v, val_v):
        wid = lax.axis_index("c") * SC_SUBCORES + lax.axis_index("s")
        w_base = wid * LROWS_PER_W
        pltpu.sync_copy(lin_hbm, tab_v)

        def chunk_body(ci, carry):
            base = w_base + ci * LCH
            fld = lax.shift_right_logical(base, LOG2B)
            s0 = base - fld * B
            pltpu.sync_copy(fi_hbm.at[pl.ds(base, LCH)], idx_v)
            off = fld * V
            for j in range(LCH // 16):
                sl = pl.ds(j * 16, 16)
                val_v[sl] = plsc.load_gather(tab_v, [idx_v[sl] + off])
            pltpu.sync_copy(val_v, outl_hbm.at[fld, pl.ds(s0, LCH)])
            return carry

        lax.fori_loop(0, LNCHUNK_FULL, chunk_body, 0)

    return k(fi_flat, lin_flat)


def _ln(h, g, b):
    m = jnp.mean(h, axis=-1, keepdims=True)
    d = h - m
    v = jnp.mean(d * d, axis=-1, keepdims=True)
    return d * lax.rsqrt(v + 1e-5) * g[None, :] + b[None, :]


def _make_tc_body(with_prev):
    def body(x3_ref, cont_ref, lv_ref, w1e_ref, w1c_ref, b1_ref, g1_ref,
             be1_ref, w2_ref, b2_ref, g2_ref, be2_ref, w3_ref, b3_ref,
             g3_ref, be3_ref, w4_ref, b4_ref, *rest):
        if with_prev:
            _, out_ref, embout_ref = rest
        else:
            out_ref, embout_ref = rest
        x3 = x3_ref[...]
        embout_ref[...] = x3
        xf = x3[0]
        s = xf
        ss = xf * xf
        for f in range(1, F):
            xf = x3[f]
            s = s + xf
            ss = ss + xf * xf
        xall = jnp.concatenate([x3[f] for f in range(F)], axis=1)
        h = jnp.dot(xall.astype(jnp.bfloat16), w1e_ref[...],
                    preferred_element_type=jnp.float32)
        second = 0.5 * jnp.sum(s * s - ss, axis=1, keepdims=True)
        first = jnp.sum(lv_ref[...], axis=0)[:, None]
        h = h + jnp.dot(cont_ref[...], w1c_ref[...],
                        preferred_element_type=jnp.float32)
        h = jnp.maximum(h + b1_ref[...][None, :], 0.0)
        h = _ln(h, g1_ref[...], be1_ref[...])
        h = jnp.dot(h.astype(jnp.bfloat16), w2_ref[...],
                    preferred_element_type=jnp.float32)
        h = jnp.maximum(h + b2_ref[...][None, :], 0.0)
        h = _ln(h, g2_ref[...], be2_ref[...])
        h = jnp.dot(h.astype(jnp.bfloat16), w3_ref[...],
                    preferred_element_type=jnp.float32)
        h = jnp.maximum(h + b3_ref[...][None, :], 0.0)
        h = _ln(h, g3_ref[...], be3_ref[...])
        deep = jnp.dot(h, w4_ref[...], preferred_element_type=jnp.float32)
        out_ref[...] = first + second + deep + b4_ref[0]

    return body


def _tc_mlp_part(x3, cont, lv, w1e, w1c, b1, g1, be1, w2, b2, g2, be2, w3,
                 b3, g3, be3, w4, b4, part, emb_prev):
    BB = 512
    grid = (PB // BB,)
    nb0 = part * (PB // BB)
    row = lambda i: (i, 0)
    rep2 = lambda i: (0, 0)
    rep1 = lambda i: (0,)
    h1, h2, h3 = 1024, 512, 256
    in_specs = [
        pl.BlockSpec((F, BB, D), lambda i: (0, i, 0)),
        pl.BlockSpec((BB, NCF), lambda i: (nb0 + i, 0)),
        pl.BlockSpec((F, BB), lambda i: (0, nb0 + i)),
        pl.BlockSpec((F * D, h1), rep2),
        pl.BlockSpec((NCF, h1), rep2),
        pl.BlockSpec((h1,), rep1),
        pl.BlockSpec((h1,), rep1),
        pl.BlockSpec((h1,), rep1),
        pl.BlockSpec((h1, h2), rep2),
        pl.BlockSpec((h2,), rep1),
        pl.BlockSpec((h2,), rep1),
        pl.BlockSpec((h2,), rep1),
        pl.BlockSpec((h2, h3), rep2),
        pl.BlockSpec((h3,), rep1),
        pl.BlockSpec((h3,), rep1),
        pl.BlockSpec((h3,), rep1),
        pl.BlockSpec((h3, 1), rep2),
        pl.BlockSpec((1,), rep1),
    ]
    args = [x3, cont, lv, w1e, w1c, b1, g1, be1, w2, b2, g2, be2, w3, b3, g3,
            be3, w4, b4]
    aliases = {}
    if emb_prev is not None:
        in_specs.append(pl.BlockSpec(memory_space=pl.ANY))
        args.append(emb_prev)
        aliases = {18: 1}
    return pl.pallas_call(
        _make_tc_body(emb_prev is not None),
        grid=grid,
        in_specs=in_specs,
        out_specs=[
            pl.BlockSpec((BB, 1), row),
            pl.BlockSpec((F, BB, D), lambda i: (0, nb0 + i, 0)),
        ],
        out_shape=[
            jax.ShapeDtypeStruct((PB, 1), jnp.float32),
            jax.ShapeDtypeStruct((F, B, D), jnp.float32),
        ],
        input_output_aliases=aliases,
        compiler_params=pltpu.CompilerParams(
            dimension_semantics=("arbitrary",)),
    )(*args)


def kernel(field_indices, continuous_features, embedding, linear_emb, W1, b1,
           g1, be1, W2, b2, g2, be2, W3, b3, g3, be3, W4, b4):
    ft = field_indices.astype(jnp.int32).T
    lin_flat = linear_emb.reshape(-1)
    fitp, rows = [], []
    for p in range(NPART):
        fitp.append(ft[:, p * PB:(p + 1) * PB].reshape(PROWS // 128, 128))
    lv = _sc_linear(ft.reshape(-1), lin_flat)
    for p in range(NPART):
        rows.append(_sc_gather_part(fitp[p], embedding))
    w1e = W1[:F * D].astype(jnp.bfloat16)
    w1c = W1[F * D:]
    w2b = W2.astype(jnp.bfloat16)
    w3b = W3.astype(jnp.bfloat16)
    logits_parts = []
    emb = None
    for p in range(NPART):
        x3 = rows[p].reshape(F, PB, D)
        lp, emb = _tc_mlp_part(x3, continuous_features, lv, w1e, w1c, b1,
                               g1, be1, w2b, b2, g2, be2, w3b, b3, g3, be3,
                               W4, b4, p, emb)
        logits_parts.append(lp)
    logits = jnp.concatenate(logits_parts, axis=0)
    embeds = emb.transpose(1, 0, 2)
    return (logits, embeds)

# --- scband reference (transcript-rebuilt; emitter-appended) ---
"""Pipeline reference for scband-deep-fm-57380763075069 (READ-ONLY COPY).

The authoritative reference and input builder live on the scoring server;
editing this copy changes nothing except your own understanding.
"""

import jax, jax.numpy as jnp
import numpy as np

B = 16384
F = 26
V = 1000
D = 128
NC = 4
H = [1024, 512, 256]
IN = F * D + NC


def setup_inputs(seed: int = 0) -> dict:
    key = jax.random.key(seed)
    ks = jax.random.split(key, 16)
    inp = {}
    inp["field_indices"] = jax.random.randint(ks[0], (B, F), 0, V)
    inp["continuous_features"] = jax.random.normal(ks[1], (B, NC), dtype=jnp.float32)
    inp["embedding"] = jax.random.normal(ks[2], (F * V, D), dtype=jnp.float32) * 0.02
    inp["linear_emb"] = jax.random.normal(ks[3], (F * V, 1), dtype=jnp.float32) * 0.02
    dims = [IN] + H
    ki = 4
    for li in range(3):
        inp[f"W{li+1}"] = jax.random.normal(ks[ki], (dims[li], dims[li + 1]), dtype=jnp.float32) * (1.0 / np.sqrt(dims[li]))
        ki += 1
        inp[f"b{li+1}"] = jnp.zeros((dims[li + 1],), jnp.float32)
        inp[f"g{li+1}"] = jnp.ones((dims[li + 1],), jnp.float32)
        inp[f"be{li+1}"] = jnp.zeros((dims[li + 1],), jnp.float32)
    inp["W4"] = jax.random.normal(ks[ki], (H[-1], 1), dtype=jnp.float32) * (1.0 / np.sqrt(H[-1]))
    inp["b4"] = jnp.zeros((1,), jnp.float32)
    return inp


def _ln(x, g, b):
    m = x.mean(-1, keepdims=True)
    v = x.var(-1, keepdims=True)
    return (x - m) / jnp.sqrt(v + 1e-5) * g + b


def reference(field_indices, continuous_features, embedding, linear_emb, W1, b1, g1, be1, W2, b2, g2, be2, W3, b3, g3, be3, W4, b4):
    # MultiFieldFM (dropout layers are identity in eval mode)
    offsets = jnp.arange(F, dtype=field_indices.dtype) * V
    gi = field_indices + offsets[None, :]
    first_order = jnp.take(linear_emb, gi, axis=0).sum(axis=1)  # [B, 1]
    embeds = jnp.take(embedding, gi, axis=0)  # [B, F, D]
    square_of_sum = jnp.square(embeds.sum(axis=1))
    sum_of_square = jnp.square(embeds).sum(axis=1)
    second_order = 0.5 * (square_of_sum - sum_of_square).sum(axis=1, keepdims=True)
    fm_out = first_order + second_order
    # Deep MLP: Linear -> ReLU -> LayerNorm (Dropout = identity in eval)
    h = jnp.concatenate([embeds.reshape(embeds.shape[0], -1), continuous_features], axis=1)
    h = _ln(jax.nn.relu(h @ W1 + b1), g1, be1)
    h = _ln(jax.nn.relu(h @ W2 + b2), g2, be2)
    h = _ln(jax.nn.relu(h @ W3 + b3), g3, be3)
    deep_out = h @ W4 + b4
    logits = fm_out + deep_out
    return (logits, embeds)

if __name__ == "__main__":
    import jax
    _d = setup_inputs()
    print(jax.jit(kernel)(*tuple(_d.values())))

</pallas_src>

<mosaic_0001>
#map = affine_map<(d0, d1) -> (0, 0)>
module attributes {stable_mosaic.version = 14 : i64} {
  func.func @k(%arg0: i32, %arg1: i32, %arg2: memref<1664x128xi32, #tpu.memory_space<hbm>>, %arg3: memref<26000x128xf32, #tpu.memory_space<hbm>>, %arg4: memref<212992x128xf32, #tpu.memory_space<hbm>>, %arg5: memref<2x128xi32, #tpu.memory_space<vmem>>, %arg6: memref<2x128xi32, #tpu.memory_space<vmem>>, %arg7: memref<256x128xf32, #tpu.memory_space<vmem>>, %arg8: memref<256x128xf32, #tpu.memory_space<vmem>>, %arg9: memref<!tpu.dma_semaphore, #tpu.memory_space<semaphore_mem>>, %arg10: memref<!tpu.dma_semaphore, #tpu.memory_space<semaphore_mem>>, %arg11: memref<!tpu.dma_semaphore, #tpu.memory_space<semaphore_mem>>, %arg12: memref<!tpu.dma_semaphore, #tpu.memory_space<semaphore_mem>>) attributes {dimension_semantics = [#tpu.dimension_semantics<core_parallel>, #tpu.dimension_semantics<subcore_parallel>], iteration_bounds = array<i64: 2, 16>, scalar_prefetch = 0 : i64, scratch_operands = 8 : i64, tpu.core_type = #tpu.core_type<sc_vector_subcore>, window_params = [{transform_indices = #map}, {transform_indices = #map}, {transform_indices = #map}]} {
    %mul3A = arith.constant 16 : i32
    %mul3A_0 = arith.muli %arg0, %mul3A : i32
    %add3A = arith.addi %mul3A_0, %arg1 : i32
    %mul3A_1 = arith.constant 6656 : i32
    %mul3A_2 = arith.muli %add3A, %mul3A_1 : i32
    %mul3A_3 = arith.constant 52 : i32
    %mul3A_4 = arith.muli %add3A, %mul3A_3 : i32
    %add3A_5 = arith.constant 0 : i32
    %add3A_6 = arith.addi %mul3A_4, %add3A_5 : i32
    "tpu.region"() ({
      %run_scoped3A = tpu.sem_alloc : memref<!tpu.dma_semaphore, #tpu.memory_space<semaphore_mem>>
      %dma_start3A_541 = arith.constant 0 : i32
      %dma_start3A_542 = tpu.memref_slice %arg2[%add3A_6, %dma_start3A_541] : memref<1664x128xi32, #tpu.memory_space<hbm>> -> memref<2x128xi32, #tpu.memory_space<hbm>>
      %dma_start3A_543 = arith.constant 0 : i32
      %dma_start3A_544 = tpu.memref_slice %arg2[%add3A_6, %dma_start3A_543] : memref<1664x128xi32, #tpu.memory_space<hbm>> -> memref<2x128xi32, #tpu.memory_space<hbm>>
      tpu.enqueue_dma source(%dma_start3A_544 : memref<2x128xi32, #tpu.memory_space<hbm>>) target(%arg5 : memref<2x128xi32, #tpu.memory_space<vmem>>) target_semaphore(%run_scoped3A : memref<!tpu.dma_semaphore, #tpu.memory_space<semaphore_mem>>)
      %dma_wait3A_545 = arith.constant 0 : i32
      %dma_wait3A_546 = tpu.memref_slice %arg2[%add3A_6, %dma_wait3A_545] : memref<1664x128xi32, #tpu.memory_space<hbm>> -> memref<2x128xi32, #tpu.memory_space<hbm>>
      %dma_wait3A_547 = arith.constant 0 : i32
      %dma_wait3A_548 = tpu.memref_slice %arg2[%add3A_6, %dma_wait3A_547] : memref<1664x128xi32, #tpu.memory_space<hbm>> -> memref<2x128xi32, #tpu.memory_space<hbm>>
      tpu.wait_dma2 semaphore(%run_scoped3A : memref<!tpu.dma_semaphore, #tpu.memory_space<semaphore_mem>>) src(%dma_wait3A_548 : memref<2x128xi32, #tpu.memory_space<hbm>>) dst(%arg5 : memref<2x128xi32, #tpu.memory_space<vmem>>)
      tpu.yield
    }) : () -> ()
    %add3A_7 = arith.constant 0 : i32
    %add3A_8 = arith.addi %mul3A_2, %add3A_7 : i32
    %shift_right_logical3A = arith.constant 13 : i32
    %shift_right_logical3A_9 = arith.shrui %add3A_8, %shift_right_logical3A : i32
    %mul3A_10 = arith.constant 1000 : i32
    %mul3A_11 = arith.muli %shift_right_logical3A_9, %mul3A_10 : i32
    %get3A = arith.constant 0 : i32
    %get3A_12 = arith.index_cast %get3A : i32 to index
    %get3A_13 = arith.constant 0 : index
    %get3A_14 = tpu.vector_load %arg5[%get3A_12, %get3A_13] {strides = array<i32>} : memref<2x128xi32, #tpu.memory_space<vmem>>, vector<1x16xi32>,
    %get3A_15 = vector.shape_cast %get3A_14 : vector<1x16xi32> to vector<16xi32>
    %add3A_16 = vector.broadcast %mul3A_11 : i32 to vector<16xi32>
    %add3A_17 = arith.addi %get3A_15, %add3A_16 : vector<16xi32>
    %swap3A = arith.constant 0 : i32
    %swap3A_18 = arith.index_cast %swap3A : i32 to index
    %swap3A_19 = arith.constant 0 : index
    %swap3A_20 = tpu.vector_load %arg5[%swap3A_18, %swap3A_19] {strides = array<i32>} : memref<2x128xi32, #tpu.memory_space<vmem>>, vector<1x16xi32>,
    %swap3A_21 = vector.shape_cast %swap3A_20 : vector<1x16xi32> to vector<16xi32>
    %swap3A_22 = vector.shape_cast %add3A_17 : vector<16xi32> to vector<1x16xi32>
    tpu.vector_store %arg5[%swap3A_18, %swap3A_19], %swap3A_22 {strides = array<i32>} : memref<2x128xi32, #tpu.memory_space<vmem>>, vector<1x16xi32>,
    %get3A_23 = arith.constant 0 : i32
    %get3A_24 = arith.index_cast %get3A_23 : i32 to index
    %get3A_25 = arith.constant 16 : index
    %get3A_26 = tpu.vector_load %arg5[%get3A_24, %get3A_25] {strides = array<i32>} : memref<2x128xi32, #tpu.memory_space<vmem>>, vector<1x16xi32>,
    %get3A_27 = vector.shape_cast %get3A_26 : vector<1x16xi32> to vector<16xi32>
    %add3A_28 = vector.broadcast %mul3A_11 : i32 to vector<16xi32>
    %add3A_29 = arith.addi %get3A_27, %add3A_28 : vector<16xi32>
    %swap3A_30 = arith.constant 0 : i32
    %swap3A_31 = arith.index_cast %swap3A_30 : i32 to index
    %swap3A_32 = arith.constant 16 : index
    %swap3A_33 = tpu.vector_load %arg5[%swap3A_31, %swap3A_32] {strides = array<i32>} : memref<2x128xi32, #tpu.memory_space<vmem>>, vector<1x16xi32>,
    %swap3A_34 = vector.shape_cast %swap3A_33 : vector<1x16xi32> to vector<16xi32>
    %swap3A_35 = vector.shape_cast %add3A_29 : vector<16xi32> to vector<1x16xi32>
    tpu.vector_store %arg5[%swap3A_31, %swap3A_32], %swap3A_35 {strides = array<i32>} : memref<2x128xi32, #tpu.memory_space<vmem>>, vector<1x16xi32>,
    %get3A_36 = arith.constant 0 : i32
    %get3A_37 = arith.index_cast %get3A_36 : i32 to index
    %get3A_38 = arith.constant 32 : index
    %get3A_39 = tpu.vector_load %arg5[%get3A_37, %get3A_38] {strides = array<i32>} : memref<2x128xi32, #tpu.memory_space<vmem>>, vector<1x16xi32>,
    %get3A_40 = vector.shape_cast %get3A_39 : vector<1x16xi32> to vector<16xi32>
    %add3A_41 = vector.broadcast %mul3A_11 : i32 to vector<16xi32>
    %add3A_42 = arith.addi %get3A_40, %add3A_41 : vector<16xi32>
    %swap3A_43 = arith.constant 0 : i32
    %swap3A_44 = arith.index_cast %swap3A_43 : i32 to index
    %swap3A_45 = arith.constant 32 : index
    %swap3A_46 = tpu.vector_load %arg5[%swap3A_44, %swap3A_45] {strides = array<i32>} : memref<2x128xi32, #tpu.memory_space<vmem>>, vector<1x16xi32>,
    %swap3A_47 = vector.shape_cast %swap3A_46 : vector<1x16xi32> to vector<16xi32>
    %swap3A_48 = vector.shape_cast %add3A_42 : vector<16xi32> to vector<1x16xi32>
    tpu.vector_store %arg5[%swap3A_44, %swap3A_45], %swap3A_48 {strides = array<i32>} : memref<2x128xi32, #tpu.memory_space<vmem>>, vector<1x16xi32>,
    %get3A_49 = arith.constant 0 : i32
    %get3A_50 = arith.index_cast %get3A_49 : i32 to index
    %get3A_51 = arith.constant 48 : index
    %get3A_52 = tpu.vector_load %arg5[%get3A_50, %get3A_51] {strides = array<i32>} : memref<2x128xi32, #tpu.memory_space<vmem>>, vector<1x16xi32>,
    %get3A_53 = vector.shape_cast %get3A_52 : vector<1x16xi32> to vector<16xi32>
    %add3A_54 = vector.broadcast %mul3A_11 : i32 to vector<16xi32>
    %add3A_55 = arith.addi %get3A_53, %add3A_54 : vector<16xi32>
    %swap3A_56 = arith.constant 0 : i32
    %swap3A_57 = arith.index_cast %swap3A_56 : i32 to index
    %swap3A_58 = arith.constant 48 : index
    %swap3A_59 = tpu.vector_load %arg5[%swap3A_57, %swap3A_58] {strides = array<i32>} : memref<2x128xi32, #tpu.memory_space<vmem>>, vector<1x16xi32>,
    %swap3A_60 = vector.shape_cast %swap3A_59 : vector<1x16xi32> to vector<16xi32>
    %swap3A_61 = vector.shape_cast %add3A_55 : vector<16xi32> to vector<1x16xi32>
    tpu.vector_store %arg5[%swap3A_57, %swap3A_58], %swap3A_61 {strides = array<i32>} : memref<2x128xi32, #tpu.memory_space<vmem>>, vector<1x16xi32>,
    %get3A_62 = arith.constant 0 : i32
    %get3A_63 = arith.index_cast %get3A_62 : i32 to index
    %get3A_64 = arith.constant 64 : index
    %get3A_65 = tpu.vector_load %arg5[%get3A_63, %get3A_64] {strides = array<i32>} : memref<2x128xi32, #tpu.memory_space<vmem>>, vector<1x16xi32>,
    %get3A_66 = vector.shape_cast %get3A_65 : vector<1x16xi32> to vector<16xi32>
    %add3A_67 = vector.broadcast %mul3A_11 : i32 to vector<16xi32>
    %add3A_68 = arith.addi %get3A_66, %add3A_67 : vector<16xi32>
    %swap3A_69 = arith.constant 0 : i32
    %swap3A_70 = arith.index_cast %swap3A_69 : i32 to index
    %swap3A_71 = arith.constant 64 : index
    %swap3A_72 = tpu.vector_load %arg5[%swap3A_70, %swap3A_71] {strides = array<i32>} : memref<2x128xi32, #tpu.memory_space<vmem>>, vector<1x16xi32>,
    %swap3A_73 = vector.shape_cast %swap3A_72 : vector<1x16xi32> to vector<16xi32>
    %swap3A_74 = vector.shape_cast %add3A_68 : vector<16xi32> to vector<1x16xi32>
    tpu.vector_store %arg5[%swap3A_70, %swap3A_71], %swap3A_74 {strides = array<i32>} : memref<2x128xi32, #tpu.memory_space<vmem>>, vector<1x16xi32>,
    %get3A_75 = arith.constant 0 : i32
    %get3A_76 = arith.index_cast %get3A_75 : i32 to index
    %get3A_77 = arith.constant 80 : index
    %get3A_78 = tpu.vector_load %arg5[%get3A_76, %get3A_77] {strides = array<i32>} : memref<2x128xi32, #tpu.memory_space<vmem>>, vector<1x16xi32>,
    %get3A_79 = vector.shape_cast %get3A_78 : vector<1x16xi32> to vector<16xi32>
    %add3A_80 = vector.broadcast %mul3A_11 : i32 to vector<16xi32>
    %add3A_81 = arith.addi %get3A_79, %add3A_80 : vector<16xi32>
    %swap3A_82 = arith.constant 0 : i32
    %swap3A_83 = arith.index_cast %swap3A_82 : i32 to index
    %swap3A_84 = arith.constant 80 : index
    %swap3A_85 = tpu.vector_load %arg5[%swap3A_83, %swap3A_84] {strides = array<i32>} : memref<2x128xi32, #tpu.memory_space<vmem>>, vector<1x16xi32>,
    %swap3A_86 = vector.shape_cast %swap3A_85 : vector<1x16xi32> to vector<16xi32>
    %swap3A_87 = vector.shape_cast %add3A_81 : vector<16xi32> to vector<1x16xi32>
    tpu.vector_store %arg5[%swap3A_83, %swap3A_84], %swap3A_87 {strides = array<i32>} : memref<2x128xi32, #tpu.memory_space<vmem>>, vector<1x16xi32>,
    %get3A_88 = arith.constant 0 : i32
    %get3A_89 = arith.index_cast %get3A_88 : i32 to index
    %get3A_90 = arith.constant 96 : index
    %get3A_91 = tpu.vector_load %arg5[%get3A_89, %get3A_90] {strides = array<i32>} : memref<2x128xi32, #tpu.memory_space<vmem>>, vector<1x16xi32>,
    %get3A_92 = vector.shape_cast %get3A_91 : vector<1x16xi32> to vector<16xi32>
    %add3A_93 = vector.broadcast %mul3A_11 : i32 to vector<16xi32>
    %add3A_94 = arith.addi %get3A_92, %add3A_93 : vector<16xi32>
    %swap3A_95 = arith.constant 0 : i32
    %swap3A_96 = arith.index_cast %swap3A_95 : i32 to index
    %swap3A_97 = arith.constant 96 : index
    %swap3A_98 = tpu.vector_load %arg5[%swap3A_96, %swap3A_97] {strides = array<i32>} : memref<2x128xi32, #tpu.memory_space<vmem>>, vector<1x16xi32>,
    %swap3A_99 = vector.shape_cast %swap3A_98 : vector<1x16xi32> to vector<16xi32>
    %swap3A_100 = vector.shape_cast %add3A_94 : vector<16xi32> to vector<1x16xi32>
    tpu.vector_store %arg5[%swap3A_96, %swap3A_97], %swap3A_100 {strides = array<i32>} : memref<2x128xi32, #tpu.memory_space<vmem>>, vector<1x16xi32>,
    %get3A_101 = arith.constant 0 : i32
    %get3A_102 = arith.index_cast %get3A_101 : i32 to index
    %get3A_103 = arith.constant 112 : index
    %get3A_104 = tpu.vector_load %arg5[%get3A_102, %get3A_103] {strides = array<i32>} : memref<2x128xi32, #tpu.memory_space<vmem>>, vector<1x16xi32>,
    %get3A_105 = vector.shape_cast %get3A_104 : vector<1x16xi32> to vector<16xi32>
    %add3A_106 = vector.broadcast %mul3A_11 : i32 to vector<16xi32>
    %add3A_107 = arith.addi %get3A_105, %add3A_106 : vector<16xi32>
    %swap3A_108 = arith.constant 0 : i32
    %swap3A_109 = arith.index_cast %swap3A_108 : i32 to index
    %swap3A_110 = arith.constant 112 : index
    %swap3A_111 = tpu.vector_load %arg5[%swap3A_109, %swap3A_110] {strides = array<i32>} : memref<2x128xi32, #tpu.memory_space<vmem>>, vector<1x16xi32>,
    %swap3A_112 = vector.shape_cast %swap3A_111 : vector<1x16xi32> to vector<16xi32>
    %swap3A_113 = vector.shape_cast %add3A_107 : vector<16xi32> to vector<1x16xi32>
    tpu.vector_store %arg5[%swap3A_109, %swap3A_110], %swap3A_113 {strides = array<i32>} : memref<2x128xi32, #tpu.memory_space<vmem>>, vector<1x16xi32>,
    %get3A_114 = arith.constant 1 : i32
    %get3A_115 = arith.index_cast %get3A_114 : i32 to index
    %get3A_116 = arith.constant 0 : index
    %get3A_117 = tpu.vector_load %arg5[%get3A_115, %get3A_116] {strides = array<i32>} : memref<2x128xi32, #tpu.memory_space<vmem>>, vector<1x16xi32>,
    %get3A_118 = vector.shape_cast %get3A_117 : vector<1x16xi32> to vector<16xi32>
    %add3A_119 = vector.broadcast %mul3A_11 : i32 to vector<16xi32>
    %add3A_120 = arith.addi %get3A_118, %add3A_119 : vector<16xi32>
    %swap3A_121 = arith.constant 1 : i32
    %swap3A_122 = arith.index_cast %swap3A_121 : i32 to index
    %swap3A_123 = arith.constant 0 : index
    %swap3A_124 = tpu.vector_load %arg5[%swap3A_122, %swap3A_123] {strides = array<i32>} : memref<2x128xi32, #tpu.memory_space<vmem>>, vector<1x16xi32>,
    %swap3A_125 = vector.shape_cast %swap3A_124 : vector<1x16xi32> to vector<16xi32>
    %swap3A_126 = vector.shape_cast %add3A_120 : vector<16xi32> to vector<1x16xi32>
    tpu.vector_store %arg5[%swap3A_122, %swap3A_123], %swap3A_126 {strides = array<i32>} : memref<2x128xi32, #tpu.memory_space<vmem>>, vector<1x16xi32>,
    %get3A_127 = arith.constant 1 : i32
    %get3A_128 = arith.index_cast %get3A_127 : i32 to index
    %get3A_129 = arith.constant 16 : index
    %get3A_130 = tpu.vector_load %arg5[%get3A_128, %get3A_129] {strides = array<i32>} : memref<2x128xi32, #tpu.memory_space<vmem>>, vector<1x16xi32>,
    %get3A_131 = vector.shape_cast %get3A_130 : vector<1x16xi32> to vector<16xi32>
    %add3A_132 = vector.broadcast %mul3A_11 : i32 to vector<16xi32>
    %add3A_133 = arith.addi %get3A_131, %add3A_132 : vector<16xi32>
    %swap3A_134 = arith.constant 1 : i32
    %swap3A_135 = arith.index_cast %swap3A_134 : i32 to index
    %swap3A_136 = arith.constant 16 : index
    %swap3A_137 = tpu.vector_load %arg5[%swap3A_135, %swap3A_136] {strides = array<i32>} : memref<2x128xi32, #tpu.memory_space<vmem>>, vector<1x16xi32>,
    %swap3A_138 = vector.shape_cast %swap3A_137 : vector<1x16xi32> to vector<16xi32>
    %swap3A_139 = vector.shape_cast %add3A_133 : vector<16xi32> to vector<1x16xi32>
    tpu.vector_store %arg5[%swap3A_135, %swap3A_136], %swap3A_139 {strides = array<i32>} : memref<2x128xi32, #tpu.memory_space<vmem>>, vector<1x16xi32>,
    %get3A_140 = arith.constant 1 : i32
    %get3A_141 = arith.index_cast %get3A_140 : i32 to index
    %get3A_142 = arith.constant 32 : index
    %get3A_143 = tpu.vector_load %arg5[%get3A_141, %get3A_142] {strides = array<i32>} : memref<2x128xi32, #tpu.memory_space<vmem>>, vector<1x16xi32>,
    %get3A_144 = vector.shape_cast %get3A_143 : vector<1x16xi32> to vector<16xi32>
    %add3A_145 = vector.broadcast %mul3A_11 : i32 to vector<16xi32>
    %add3A_146 = arith.addi %get3A_144, %add3A_145 : vector<16xi32>
    %swap3A_147 = arith.constant 1 : i32
    %swap3A_148 = arith.index_cast %swap3A_147 : i32 to index
    %swap3A_149 = arith.constant 32 : index
    %swap3A_150 = tpu.vector_load %arg5[%swap3A_148, %swap3A_149] {strides = array<i32>} : memref<2x128xi32, #tpu.memory_space<vmem>>, vector<1x16xi32>,
    %swap3A_151 = vector.shape_cast %swap3A_150 : vector<1x16xi32> to vector<16xi32>
    %swap3A_152 = vector.shape_cast %add3A_146 : vector<16xi32> to vector<1x16xi32>
    tpu.vector_store %arg5[%swap3A_148, %swap3A_149], %swap3A_152 {strides = array<i32>} : memref<2x128xi32, #tpu.memory_space<vmem>>, vector<1x16xi32>,
    %get3A_153 = arith.constant 1 : i32
    %get3A_154 = arith.index_cast %get3A_153 : i32 to index
    %get3A_155 = arith.constant 48 : index
    %get3A_156 = tpu.vector_load %arg5[%get3A_154, %get3A_155] {strides = array<i32>} : memref<2x128xi32, #tpu.memory_space<vmem>>, vector<1x16xi32>,
    %get3A_157 = vector.shape_cast %get3A_156 : vector<1x16xi32> to vector<16xi32>
    %add3A_158 = vector.broadcast %mul3A_11 : i32 to vector<16xi32>
    %add3A_159 = arith.addi %get3A_157, %add3A_158 : vector<16xi32>
    %swap3A_160 = arith.constant 1 : i32
    %swap3A_161 = arith.index_cast %swap3A_160 : i32 to index
    %swap3A_162 = arith.constant 48 : index
    %swap3A_163 = tpu.vector_load %arg5[%swap3A_161, %swap3A_162] {strides = array<i32>} : memref<2x128xi32, #tpu.memory_space<vmem>>, vector<1x16xi32>,
    %swap3A_164 = vector.shape_cast %swap3A_163 : vector<1x16xi32> to vector<16xi32>
    %swap3A_165 = vector.shape_cast %add3A_159 : vector<16xi32> to vector<1x16xi32>
    tpu.vector_store %arg5[%swap3A_161, %swap3A_162], %swap3A_165 {strides = array<i32>} : memref<2x128xi32, #tpu.memory_space<vmem>>, vector<1x16xi32>,
    %get3A_166 = arith.constant 1 : i32
    %get3A_167 = arith.index_cast %get3A_166 : i32 to index
    %get3A_168 = arith.constant 64 : index
    %get3A_169 = tpu.vector_load %arg5[%get3A_167, %get3A_168] {strides = array<i32>} : memref<2x128xi32, #tpu.memory_space<vmem>>, vector<1x16xi32>,
    %get3A_170 = vector.shape_cast %get3A_169 : vector<1x16xi32> to vector<16xi32>
    %add3A_171 = vector.broadcast %mul3A_11 : i32 to vector<16xi32>
    %add3A_172 = arith.addi %get3A_170, %add3A_171 : vector<16xi32>
    %swap3A_173 = arith.constant 1 : i32
    %swap3A_174 = arith.index_cast %swap3A_173 : i32 to index
    %swap3A_175 = arith.constant 64 : index
    %swap3A_176 = tpu.vector_load %arg5[%swap3A_174, %swap3A_175] {strides = array<i32>} : memref<2x128xi32, #tpu.memory_space<vmem>>, vector<1x16xi32>,
    %swap3A_177 = vector.shape_cast %swap3A_176 : vector<1x16xi32> to vector<16xi32>
    %swap3A_178 = vector.shape_cast %add3A_172 : vector<16xi32> to vector<1x16xi32>
    tpu.vector_store %arg5[%swap3A_174, %swap3A_175], %swap3A_178 {strides = array<i32>} : memref<2x128xi32, #tpu.memory_space<vmem>>, vector<1x16xi32>,
    %get3A_179 = arith.constant 1 : i32
    %get3A_180 = arith.index_cast %get3A_179 : i32 to index
    %get3A_181 = arith.constant 80 : index
    %get3A_182 = tpu.vector_load %arg5[%get3A_180, %get3A_181] {strides = array<i32>} : memref<2x128xi32, #tpu.memory_space<vmem>>, vector<1x16xi32>,
    %get3A_183 = vector.shape_cast %get3A_182 : vector<1x16xi32> to vector<16xi32>
    %add3A_184 = vector.broadcast %mul3A_11 : i32 to vector<16xi32>
    %add3A_185 = arith.addi %get3A_183, %add3A_184 : vector<16xi32>
    %swap3A_186 = arith.constant 1 : i32
    %swap3A_187 = arith.index_cast %swap3A_186 : i32 to index
    %swap3A_188 = arith.constant 80 : index
    %swap3A_189 = tpu.vector_load %arg5[%swap3A_187, %swap3A_188] {strides = array<i32>} : memref<2x128xi32, #tpu.memory_space<vmem>>, vector<1x16xi32>,
    %swap3A_190 = vector.shape_cast %swap3A_189 : vector<1x16xi32> to vector<16xi32>
    %swap3A_191 = vector.shape_cast %add3A_185 : vector<16xi32> to vector<1x16xi32>
    tpu.vector_store %arg5[%swap3A_187, %swap3A_188], %swap3A_191 {strides = array<i32>} : memref<2x128xi32, #tpu.memory_space<vmem>>, vector<1x16xi32>,
    %get3A_192 = arith.constant 1 : i32
    %get3A_193 = arith.index_cast %get3A_192 : i32 to index
    %get3A_194 = arith.constant 96 : index
    %get3A_195 = tpu.vector_load %arg5[%get3A_193, %get3A_194] {strides = array<i32>} : memref<2x128xi32, #tpu.memory_space<vmem>>, vector<1x16xi32>,
    %get3A_196 = vector.shape_cast %get3A_195 : vector<1x16xi32> to vector<16xi32>
    %add3A_197 = vector.broadcast %mul3A_11 : i32 to vector<16xi32>
    %add3A_198 = arith.addi %get3A_196, %add3A_197 : vector<16xi32>
    %swap3A_199 = arith.constant 1 : i32
    %swap3A_200 = arith.index_cast %swap3A_199 : i32 to index
    %swap3A_201 = arith.constant 96 : index
    %swap3A_202 = tpu.vector_load %arg5[%swap3A_200, %swap3A_201] {strides = array<i32>} : memref<2x128xi32, #tpu.memory_space<vmem>>, vector<1x16xi32>,
    %swap3A_203 = vector.shape_cast %swap3A_202 : vector<1x16xi32> to vector<16xi32>
    %swap3A_204 = vector.shape_cast %add3A_198 : vector<16xi32> to vector<1x16xi32>
    tpu.vector_store %arg5[%swap3A_200, %swap3A_201], %swap3A_204 {strides = array<i32>} : memref<2x128xi32, #tpu.memory_space<vmem>>, vector<1x16xi32>,
    %get3A_205 = arith.constant 1 : i32
    %get3A_206 = arith.index_cast %get3A_205 : i32 to index
    %get3A_207 = arith.constant 112 : index
    %get3A_208 = tpu.vector_load %arg5[%get3A_206, %get3A_207] {strides = array<i32>} : memref<2x128xi32, #tpu.memory_space<vmem>>, vector<1x16xi32>,
    %get3A_209 = vector.shape_cast %get3A_208 : vector<1x16xi32> to vector<16xi32>
    %add3A_210 = vector.broadcast %mul3A_11 : i32 to vector<16xi32>
    %add3A_211 = arith.addi %get3A_209, %add3A_210 : vector<16xi32>
    %swap3A_212 = arith.constant 1 : i32
    %swap3A_213 = arith.index_cast %swap3A_212 : i32 to index
    %swap3A_214 = arith.constant 112 : index
    %swap3A_215 = tpu.vector_load %arg5[%swap3A_213, %swap3A_214] {strides = array<i32>} : memref<2x128xi32, #tpu.memory_space<vmem>>, vector<1x16xi32>,
    %swap3A_216 = vector.shape_cast %swap3A_215 : vector<1x16xi32> to vector<16xi32>
    %swap3A_217 = vector.shape_cast %add3A_211 : vector<16xi32> to vector<1x16xi32>
    tpu.vector_store %arg5[%swap3A_213, %swap3A_214], %swap3A_217 {strides = array<i32>} : memref<2x128xi32, #tpu.memory_space<vmem>>, vector<1x16xi32>,
    %dma_start3A = arith.constant 0 : i32
    %dma_start3A_218 = arith.constant 0 : i32
    %dma_start3A_219 = arith.constant 0 : i32
    %dma_start3A_220 = tpu.memref_slice %arg7[%dma_start3A_218, %dma_start3A_219] : memref<256x128xf32, #tpu.memory_space<vmem>> -> memref<128x128xf32, #tpu.memory_space<vmem>>
    %dma_start3A_221 = arith.constant 0 : i32
    %dma_start3A_222 = tpu.memref_slice %arg5[%dma_start3A, %dma_start3A_221] : memref<2x128xi32, #tpu.memory_space<vmem>> -> memref<1x128xi32, #tpu.memory_space<vmem>>
    %dma_start3A_223 = tpu.memref_squeeze %dma_start3A_222 : memref<1x128xi32, #tpu.memory_space<vmem>> -> memref<128xi32, #tpu.memory_space<vmem>>
    %dma_start3A_224 = arith.constant 0 : i32
    %dma_start3A_225 = arith.constant 0 : i32
    %dma_start3A_226 = tpu.memref_slice %arg3[%dma_start3A_224, %dma_start3A_225] : memref<26000x128xf32, #tpu.memory_space<hbm>> -> memref<26000x128xf32, #tpu.memory_space<hbm>>
    tpu.enqueue_indirect_dma source(%dma_start3A_226 : memref<26000x128xf32, #tpu.memory_space<hbm>>) target(%dma_start3A_220 : memref<128x128xf32, #tpu.memory_space<vmem>>) offsets(%dma_start3A_223 : memref<128xi32, #tpu.memory_space<vmem>>) semaphore(%arg9 : memref<!tpu.dma_semaphore, #tpu.memory_space<semaphore_mem>>)
    %dma_start3A_227 = arith.constant 1 : i32
    %dma_start3A_228 = arith.constant 128 : i32
    %dma_start3A_229 = arith.constant 0 : i32
    %dma_start3A_230 = tpu.memref_slice %arg7[%dma_start3A_228, %dma_start3A_229] : memref<256x128xf32, #tpu.memory_space<vmem>> -> memref<128x128xf32, #tpu.memory_space<vmem>>
    %dma_start3A_231 = arith.constant 0 : i32
    %dma_start3A_232 = tpu.memref_slice %arg5[%dma_start3A_227, %dma_start3A_231] : memref<2x128xi32, #tpu.memory_space<vmem>> -> memref<1x128xi32, #tpu.memory_space<vmem>>
    %dma_start3A_233 = tpu.memref_squeeze %dma_start3A_232 : memref<1x128xi32, #tpu.memory_space<vmem>> -> memref<128xi32, #tpu.memory_space<vmem>>
    %dma_start3A_234 = arith.constant 0 : i32
    %dma_start3A_235 = arith.constant 0 : i32
    %dma_start3A_236 = tpu.memref_slice %arg3[%dma_start3A_234, %dma_start3A_235] : memref<26000x128xf32, #tpu.memory_space<hbm>> -> memref<26000x128xf32, #tpu.memory_space<hbm>>
    tpu.enqueue_indirect_dma source(%dma_start3A_236 : memref<26000x128xf32, #tpu.memory_space<hbm>>) target(%dma_start3A_230 : memref<128x128xf32, #tpu.memory_space<vmem>>) offsets(%dma_start3A_233 : memref<128xi32, #tpu.memory_space<vmem>>) semaphore(%arg9 : memref<!tpu.dma_semaphore, #tpu.memory_space<semaphore_mem>>)
    %add3A_237 = arith.constant 2 : i32
    %add3A_238 = arith.addi %mul3A_4, %add3A_237 : i32
    "tpu.region"() ({
      %run_scoped3A = tpu.sem_alloc : memref<!tpu.dma_semaphore, #tpu.memory_space<semaphore_mem>>
      %dma_start3A_541 = arith.constant 0 : i32
      %dma_start3A_542 = tpu.memref_slice %arg2[%add3A_238, %dma_start3A_541] : memref<1664x128xi32, #tpu.memory_space<hbm>> -> memref<2x128xi32, #tpu.memory_space<hbm>>
      %dma_start3A_543 = arith.constant 0 : i32
      %dma_start3A_544 = tpu.memref_slice %arg2[%add3A_238, %dma_start3A_543] : memref<1664x128xi32, #tpu.memory_space<hbm>> -> memref<2x128xi32, #tpu.memory_space<hbm>>
      tpu.enqueue_dma source(%dma_start3A_544 : memref<2x128xi32, #tpu.memory_space<hbm>>) target(%arg6 : memref<2x128xi32, #tpu.memory_space<vmem>>) target_semaphore(%run_scoped3A : memref<!tpu.dma_semaphore, #tpu.memory_space<semaphore_mem>>)
      %dma_wait3A_545 = arith.constant 0 : i32
      %dma_wait3A_546 = tpu.memref_slice %arg2[%add3A_238, %dma_wait3A_545] : memref<1664x128xi32, #tpu.memory_space<hbm>> -> memref<2x128xi32, #tpu.memory_space<hbm>>
      %dma_wait3A_547 = arith.constant 0 : i32
      %dma_wait3A_548 = tpu.memref_slice %arg2[%add3A_238, %dma_wait3A_547] : memref<1664x128xi32, #tpu.memory_space<hbm>> -> memref<2x128xi32, #tpu.memory_space<hbm>>
      tpu.wait_dma2 semaphore(%run_scoped3A : memref<!tpu.dma_semaphore, #tpu.memory_space<semaphore_mem>>) src(%dma_wait3A_548 : memref<2x128xi32, #tpu.memory_space<hbm>>) dst(%arg6 : memref<2x128xi32, #tpu.memory_space<vmem>>)
      tpu.yield
    }) : () -> ()
    %add3A_239 = arith.constant 256 : i32
    %add3A_240 = arith.addi %mul3A_2, %add3A_239 : i32
    %shift_right_logical3A_241 = arith.constant 13 : i32
    %shift_right_logical3A_242 = arith.shrui %add3A_240, %shift_right_logical3A_241 : i32
    %mul3A_243 = arith.constant 1000 : i32
    %mul3A_244 = arith.muli %shift_right_logical3A_242, %mul3A_243 : i32
    %get3A_245 = arith.constant 0 : i32
    %get3A_246 = arith.index_cast %get3A_245 : i32 to index
    %get3A_247 = arith.constant 0 : index
    %get3A_248 = tpu.vector_load %arg6[%get3A_246, %get3A_247] {strides = array<i32>} : memref<2x128xi32, #tpu.memory_space<vmem>>, vector<1x16xi32>,
    %get3A_249 = vector.shape_cast %get3A_248 : vector<1x16xi32> to vector<16xi32>
    %add3A_250 = vector.broadcast %mul3A_244 : i32 to vector<16xi32>
    %add3A_251 = arith.addi %get3A_249, %add3A_250 : vector<16xi32>
    %swap3A_252 = arith.constant 0 : i32
    %swap3A_253 = arith.index_cast %swap3A_252 : i32 to index
    %swap3A_254 = arith.constant 0 : index
    %swap3A_255 = tpu.vector_load %arg6[%swap3A_253, %swap3A_254] {strides = array<i32>} : memref<2x128xi32, #tpu.memory_space<vmem>>, vector<1x16xi32>,
    %swap3A_256 = vector.shape_cast %swap3A_255 : vector<1x16xi32> to vector<16xi32>
    %swap3A_257 = vector.shape_cast %add3A_251 : vector<16xi32> to vector<1x16xi32>
    tpu.vector_store %arg6[%swap3A_253, %swap3A_254], %swap3A_257 {strides = array<i32>} : memref<2x128xi32, #tpu.memory_space<vmem>>, vector<1x16xi32>,
    %get3A_258 = arith.constant 0 : i32
    %get3A_259 = arith.index_cast %get3A_258 : i32 to index
    %get3A_260 = arith.constant 16 : index
    %get3A_261 = tpu.vector_load %arg6[%get3A_259, %get3A_260] {strides = array<i32>} : memref<2x128xi32, #tpu.memory_space<vmem>>, vector<1x16xi32>,
    %get3A_262 = vector.shape_cast %get3A_261 : vector<1x16xi32> to vector<16xi32>
    %add3A_263 = vector.broadcast %mul3A_244 : i32 to vector<16xi32>
    %add3A_264 = arith.addi %get3A_262, %add3A_263 : vector<16xi32>
    %swap3A_265 = arith.constant 0 : i32
    %swap3A_266 = arith.index_cast %swap3A_265 : i32 to index
    %swap3A_267 = arith.constant 16 : index
    %swap3A_268 = tpu.vector_load %arg6[%swap3A_266, %swap3A_267] {strides = array<i32>} : memref<2x128xi32, #tpu.memory_space<vmem>>, vector<1x16xi32>,
    %swap3A_269 = vector.shape_cast %swap3A_268 : vector<1x16xi32> to vector<16xi32>
    %swap3A_270 = vector.shape_cast %add3A_264 : vector<16xi32> to vector<1x16xi32>
    tpu.vector_store %arg6[%swap3A_266, %swap3A_267], %swap3A_270 {strides = array<i32>} : memref<2x128xi32, #tpu.memory_space<vmem>>, vector<1x16xi32>,
    %get3A_271 = arith.constant 0 : i32
    %get3A_272 = arith.index_cast %get3A_271 : i32 to index
    %get3A_273 = arith.constant 32 : index
    %get3A_274 = tpu.vector_load %arg6[%get3A_272, %get3A_273] {strides = array<i32>} : memref<2x128xi32, #tpu.memory_space<vmem>>, vector<1x16xi32>,
    %get3A_275 = vector.shape_cast %get3A_274 : vector<1x16xi32> to vector<16xi32>
    %add3A_276 = vector.broadcast %mul3A_244 : i32 to vector<16xi32>
    %add3A_277 = arith.addi %get3A_275, %add3A_276 : vector<16xi32>
    %swap3A_278 = arith.constant 0 : i32
    %swap3A_279 = arith.index_cast %swap3A_278 : i32 to index
    %swap3A_280 = arith.constant 32 : index
    %swap3A_281 = tpu.vector_load %arg6[%swap3A_279, %swap3A_280] {strides = array<i32>} : memref<2x128xi32, #tpu.memory_space<vmem>>, vector<1x16xi32>,
    %swap3A_282 = vector.shape_cast %swap3A_281 : vector<1x16xi32> to vector<16xi32>
    %swap3A_283 = vector.shape_cast %add3A_277 : vector<16xi32> to vector<1x16xi32>
    tpu.vector_store %arg6[%swap3A_279, %swap3A_280], %swap3A_283 {strides = array<i32>} : memref<2x128xi32, #tpu.memory_space<vmem>>, vector<1x16xi32>,
    %get3A_284 = arith.constant 0 : i32
    %get3A_285 = arith.index_cast %get3A_284 : i32 to index
    %get3A_286 = arith.constant 48 : index
    %get3A_287 = tpu.vector_load %arg6[%get3A_285, %get3A_286] {strides = array<i32>} : memref<2x128xi32, #tpu.memory_space<vmem>>, vector<1x16xi32>,
    %get3A_288 = vector.shape_cast %get3A_287 : vector<1x16xi32> to vector<16xi32>
    %add3A_289 = vector.broadcast %mul3A_244 : i32 to vector<16xi32>
    %add3A_290 = arith.addi %get3A_288, %add3A_289 : vector<16xi32>
    %swap3A_291 = arith.constant 0 : i32
    %swap3A_292 = arith.index_cast %swap3A_291 : i32 to index
    %swap3A_293 = arith.constant 48 : index
    %swap3A_294 = tpu.vector_load %arg6[%swap3A_292, %swap3A_293] {strides = array<i32>} : memref<2x128xi32, #tpu.memory_space<vmem>>, vector<1x16xi32>,
    %swap3A_295 = vector.shape_cast %swap3A_294 : vector<1x16xi32> to vector<16xi32>
    %swap3A_296 = vector.shape_cast %add3A_290 : vector<16xi32> to vector<1x16xi32>
    tpu.vector_store %arg6[%swap3A_292, %swap3A_293], %swap3A_296 {strides = array<i32>} : memref<2x128xi32, #tpu.memory_space<vmem>>, vector<1x16xi32>,
    %get3A_297 = arith.constant 0 : i32
    %get3A_298 = arith.index_cast %get3A_297 : i32 to index
    %get3A_299 = arith.constant 64 : index
    %get3A_300 = tpu.vector_load %arg6[%get3A_298, %get3A_299] {strides = array<i32>} : memref<2x128xi32, #tpu.memory_space<vmem>>, vector<1x16xi32>,
    %get3A_301 = vector.shape_cast %get3A_300 : vector<1x16xi32> to vector<16xi32>
    %add3A_302 = vector.broadcast %mul3A_244 : i32 to vector<16xi32>
    %add3A_303 = arith.addi %get3A_301, %add3A_302 : vector<16xi32>
    %swap3A_304 = arith.constant 0 : i32
    %swap3A_305 = arith.index_cast %swap3A_304 : i32 to index
    %swap3A_306 = arith.constant 64 : index
    %swap3A_307 = tpu.vector_load %arg6[%swap3A_305, %swap3A_306] {strides = array<i32>} : memref<2x128xi32, #tpu.memory_space<vmem>>, vector<1x16xi32>,
    %swap3A_308 = vector.shape_cast %swap3A_307 : vector<1x16xi32> to vector<16xi32>
    %swap3A_309 = vector.shape_cast %add3A_303 : vector<16xi32> to vector<1x16xi32>
    tpu.vector_store %arg6[%swap3A_305, %swap3A_306], %swap3A_309 {strides = array<i32>} : memref<2x128xi32, #tpu.memory_space<vmem>>, vector<1x16xi32>,
    %get3A_310 = arith.constant 0 : i32
    %get3A_311 = arith.index_cast %get3A_310 : i32 to index
    %get3A_312 = arith.constant 80 : index
    %get3A_313 = tpu.vector_load %arg6[%get3A_311, %get3A_312] {strides = array<i32>} : memref<2x128xi32, #tpu.memory_space<vmem>>, vector<1x16xi32>,
    %get3A_314 = vector.shape_cast %get3A_313 : vector<1x16xi32> to vector<16xi32>
    %add3A_315 = vector.broadcast %mul3A_244 : i32 to vector<16xi32>
    %add3A_316 = arith.addi %get3A_314, %add3A_315 : vector<16xi32>
    %swap3A_317 = arith.constant 0 : i32
    %swap3A_318 = arith.index_cast %swap3A_317 : i32 to index
    %swap3A_319 = arith.constant 80 : index
    %swap3A_320 = tpu.vector_load %arg6[%swap3A_318, %swap3A_319] {strides = array<i32>} : memref<2x128xi32, #tpu.memory_space<vmem>>, vector<1x16xi32>,
    %swap3A_321 = vector.shape_cast %swap3A_320 : vector<1x16xi32> to vector<16xi32>
    %swap3A_322 = vector.shape_cast %add3A_316 : vector<16xi32> to vector<1x16xi32>
    tpu.vector_store %arg6[%swap3A_318, %swap3A_319], %swap3A_322 {strides = array<i32>} : memref<2x128xi32, #tpu.memory_space<vmem>>, vector<1x16xi32>,
    %get3A_323 = arith.constant 0 : i32
    %get3A_324 = arith.index_cast %get3A_323 : i32 to index
    %get3A_325 = arith.constant 96 : index
    %get3A_326 = tpu.vector_load %arg6[%get3A_324, %get3A_325] {strides = array<i32>} : memref<2x128xi32, #tpu.memory_space<vmem>>, vector<1x16xi32>,
    %get3A_327 = vector.shape_cast %get3A_326 : vector<1x16xi32> to vector<16xi32>
    %add3A_328 = vector.broadcast %mul3A_244 : i32 to vector<16xi32>
    %add3A_329 = arith.addi %get3A_327, %add3A_328 : vector<16xi32>
    %swap3A_330 = arith.constant 0 : i32
    %swap3A_331 = arith.index_cast %swap3A_330 : i32 to index
    %swap3A_332 = arith.constant 96 : index
    %swap3A_333 = tpu.vector_load %arg6[%swap3A_331, %swap3A_332] {strides = array<i32>} : memref<2x128xi32, #tpu.memory_space<vmem>>, vector<1x16xi32>,
    %swap3A_334 = vector.shape_cast %swap3A_333 : vector<1x16xi32> to vector<16xi32>
    %swap3A_335 = vector.shape_cast %add3A_329 : vector<16xi32> to vector<1x16xi32>
    tpu.vector_store %arg6[%swap3A_331, %swap3A_332], %swap3A_335 {strides = array<i32>} : memref<2x128xi32, #tpu.memory_space<vmem>>, vector<1x16xi32>,
    %get3A_336 = arith.constant 0 : i32
    %get3A_337 = arith.index_cast %get3A_336 : i32 to index
    %get3A_338 = arith.constant 112 : index
    %get3A_339 = tpu.vector_load %arg6[%get3A_337, %get3A_338] {strides = array<i32>} : memref<2x128xi32, #tpu.memory_space<vmem>>, vector<1x16xi32>,
    %get3A_340 = vector.shape_cast %get3A_339 : vector<1x16xi32> to vector<16xi32>
    %add3A_341 = vector.broadcast %mul3A_244 : i32 to vector<16xi32>
    %add3A_342 = arith.addi %get3A_340, %add3A_341 : vector<16xi32>
    %swap3A_343 = arith.constant 0 : i32
    %swap3A_344 = arith.index_cast %swap3A_343 : i32 to index
    %swap3A_345 = arith.constant 112 : index
    %swap3A_346 = tpu.vector_load %arg6[%swap3A_344, %swap3A_345] {strides = array<i32>} : memref<2x128xi32, #tpu.memory_space<vmem>>, vector<1x16xi32>,
    %swap3A_347 = vector.shape_cast %swap3A_346 : vector<1x16xi32> to vector<16xi32>
    %swap3A_348 = vector.shape_cast %add3A_342 : vector<16xi32> to vector<1x16xi32>
    tpu.vector_store %arg6[%swap3A_344, %swap3A_345], %swap3A_348 {strides = array<i32>} : memref<2x128xi32, #tpu.memory_space<vmem>>, vector<1x16xi32>,
    %get3A_349 = arith.constant 1 : i32
    %get3A_350 = arith.index_cast %get3A_349 : i32 to index
    %get3A_351 = arith.constant 0 : index
    %get3A_352 = tpu.vector_load %arg6[%get3A_350, %get3A_351] {strides = array<i32>} : memref<2x128xi32, #tpu.memory_space<vmem>>, vector<1x16xi32>,
    %get3A_353 = vector.shape_cast %get3A_352 : vector<1x16xi32> to vector<16xi32>
    %add3A_354 = vector.broadcast %mul3A_244 : i32 to vector<16xi32>
    %add3A_355 = arith.addi %get3A_353, %add3A_354 : vector<16xi32>
    %swap3A_356 = arith.constant 1 : i32
    %swap3A_357 = arith.index_cast %swap3A_356 : i32 to index
    %swap3A_358 = arith.constant 0 : index
    %swap3A_359 = tpu.vector_load %arg6[%swap3A_357, %swap3A_358] {strides = array<i32>} : memref<2x128xi32, #tpu.memory_space<vmem>>, vector<1x16xi32>,
    %swap3A_360 = vector.shape_cast %swap3A_359 : vector<1x16xi32> to vector<16xi32>
    %swap3A_361 = vector.shape_cast %add3A_355 : vector<16xi32> to vector<1x16xi32>
    tpu.vector_store %arg6[%swap3A_357, %swap3A_358], %swap3A_361 {strides = array<i32>} : memref<2x128xi32, #tpu.memory_space<vmem>>, vector<1x16xi32>,
    %get3A_362 = arith.constant 1 : i32
    %get3A_363 = arith.index_cast %get3A_362 : i32 to index
    %get3A_364 = arith.constant 16 : index
    %get3A_365 = tpu.vector_load %arg6[%get3A_363, %get3A_364] {strides = array<i32>} : memref<2x128xi32, #tpu.memory_space<vmem>>, vector<1x16xi32>,
    %get3A_366 = vector.shape_cast %get3A_365 : vector<1x16xi32> to vector<16xi32>
    %add3A_367 = vector.broadcast %mul3A_244 : i32 to vector<16xi32>
    %add3A_368 = arith.addi %get3A_366, %add3A_367 : vector<16xi32>
    %swap3A_369 = arith.constant 1 : i32
    %swap3A_370 = arith.index_cast %swap3A_369 : i32 to index
    %swap3A_371 = arith.constant 16 : index
    %swap3A_372 = tpu.vector_load %arg6[%swap3A_370, %swap3A_371] {strides = array<i32>} : memref<2x128xi32, #tpu.memory_space<vmem>>, vector<1x16xi32>,
    %swap3A_373 = vector.shape_cast %swap3A_372 : vector<1x16xi32> to vector<16xi32>
    %swap3A_374 = vector.shape_cast %add3A_368 : vector<16xi32> to vector<1x16xi32>
    tpu.vector_store %arg6[%swap3A_370, %swap3A_371], %swap3A_374 {strides = array<i32>} : memref<2x128xi32, #tpu.memory_space<vmem>>, vector<1x16xi32>,
    %get3A_375 = arith.constant 1 : i32
    %get3A_376 = arith.index_cast %get3A_375 : i32 to index
    %get3A_377 = arith.constant 32 : index
    %get3A_378 = tpu.vector_load %arg6[%get3A_376, %get3A_377] {strides = array<i32>} : memref<2x128xi32, #tpu.memory_space<vmem>>, vector<1x16xi32>,
    %get3A_379 = vector.shape_cast %get3A_378 : vector<1x16xi32> to vector<16xi32>
    %add3A_380 = vector.broadcast %mul3A_244 : i32 to vector<16xi32>
    %add3A_381 = arith.addi %get3A_379, %add3A_380 : vector<16xi32>
    %swap3A_382 = arith.constant 1 : i32
    %swap3A_383 = arith.index_cast %swap3A_382 : i32 to index
    %swap3A_384 = arith.constant 32 : index
    %swap3A_385 = tpu.vector_load %arg6[%swap3A_383, %swap3A_384] {strides = array<i32>} : memref<2x128xi32, #tpu.memory_space<vmem>>, vector<1x16xi32>,
    %swap3A_386 = vector.shape_cast %swap3A_385 : vector<1x16xi32> to vector<16xi32>
    %swap3A_387 = vector.shape_cast %add3A_381 : vector<16xi32> to vector<1x16xi32>
    tpu.vector_store %arg6[%swap3A_383, %swap3A_384], %swap3A_387 {strides = array<i32>} : memref<2x128xi32, #tpu.memory_space<vmem>>, vector<1x16xi32>,
    %get3A_388 = arith.constant 1 : i32
    %get3A_389 = arith.index_cast %get3A_388 : i32 to index
    %get3A_390 = arith.constant 48 : index
    %get3A_391 = tpu.vector_load %arg6[%get3A_389, %get3A_390] {strides = array<i32>} : memref<2x128xi32, #tpu.memory_space<vmem>>, vector<1x16xi32>,
    %get3A_392 = vector.shape_cast %get3A_391 : vector<1x16xi32> to vector<16xi32>
    %add3A_393 = vector.broadcast %mul3A_244 : i32 to vector<16xi32>
    %add3A_394 = arith.addi %get3A_392, %add3A_393 : vector<16xi32>
    %swap3A_395 = arith.constant 1 : i32
    %swap3A_396 = arith.index_cast %swap3A_395 : i32 to index
    %swap3A_397 = arith.constant 48 : index
    %swap3A_398 = tpu.vector_load %arg6[%swap3A_396, %swap3A_397] {strides = array<i32>} : memref<2x128xi32, #tpu.memory_space<vmem>>, vector<1x16xi32>,
    %swap3A_399 = vector.shape_cast %swap3A_398 : vector<1x16xi32> to vector<16xi32>
    %swap3A_400 = vector.shape_cast %add3A_394 : vector<16xi32> to vector<1x16xi32>
    tpu.vector_store %arg6[%swap3A_396, %swap3A_397], %swap3A_400 {strides = array<i32>} : memref<2x128xi32, #tpu.memory_space<vmem>>, vector<1x16xi32>,
    %get3A_401 = arith.constant 1 : i32
    %get3A_402 = arith.index_cast %get3A_401 : i32 to index
    %get3A_403 = arith.constant 64 : index
    %get3A_404 = tpu.vector_load %arg6[%get3A_402, %get3A_403] {strides = array<i32>} : memref<2x128xi32, #tpu.memory_space<vmem>>, vector<1x16xi32>,
    %get3A_405 = vector.shape_cast %get3A_404 : vector<1x16xi32> to vector<16xi32>
    %add3A_406 = vector.broadcast %mul3A_244 : i32 to vector<16xi32>
    %add3A_407 = arith.addi %get3A_405, %add3A_406 : vector<16xi32>
    %swap3A_408 = arith.constant 1 : i32
    %swap3A_409 = arith.index_cast %swap3A_408 : i32 to index
    %swap3A_410 = arith.constant 64 : index
    %swap3A_411 = tpu.vector_load %arg6[%swap3A_409, %swap3A_410] {strides = array<i32>} : memref<2x128xi32, #tpu.memory_space<vmem>>, vector<1x16xi32>,
    %swap3A_412 = vector.shape_cast %swap3A_411 : vector<1x16xi32> to vector<16xi32>
    %swap3A_413 = vector.shape_cast %add3A_407 : vector<16xi32> to vector<1x16xi32>
    tpu.vector_store %arg6[%swap3A_409, %swap3A_410], %swap3A_413 {strides = array<i32>} : memref<2x128xi32, #tpu.memory_space<vmem>>, vector<1x16xi32>,
    %get3A_414 = arith.constant 1 : i32
    %get3A_415 = arith.index_cast %get3A_414 : i32 to index
    %get3A_416 = arith.constant 80 : index
    %get3A_417 = tpu.vector_load %arg6[%get3A_415, %get3A_416] {strides = array<i32>} : memref<2x128xi32, #tpu.memory_space<vmem>>, vector<1x16xi32>,
    %get3A_418 = vector.shape_cast %get3A_417 : vector<1x16xi32> to vector<16xi32>
    %add3A_419 = vector.broadcast %mul3A_244 : i32 to vector<16xi32>
    %add3A_420 = arith.addi %get3A_418, %add3A_419 : vector<16xi32>
    %swap3A_421 = arith.constant 1 : i32
    %swap3A_422 = arith.index_cast %swap3A_421 : i32 to index
    %swap3A_423 = arith.constant 80 : index
    %swap3A_424 = tpu.vector_load %arg6[%swap3A_422, %swap3A_423] {strides = array<i32>} : memref<2x128xi32, #tpu.memory_space<vmem>>, vector<1x16xi32>,
    %swap3A_425 = vector.shape_cast %swap3A_424 : vector<1x16xi32> to vector<16xi32>
    %swap3A_426 = vector.shape_cast %add3A_420 : vector<16xi32> to vector<1x16xi32>
    tpu.vector_store %arg6[%swap3A_422, %swap3A_423], %swap3A_426 {strides = array<i32>} : memref<2x128xi32, #tpu.memory_space<vmem>>, vector<1x16xi32>,
    %get3A_427 = arith.constant 1 : i32
    %get3A_428 = arith.index_cast %get3A_427 : i32 to index
    %get3A_429 = arith.constant 96 : index
    %get3A_430 = tpu.vector_load %arg6[%get3A_428, %get3A_429] {strides = array<i32>} : memref<2x128xi32, #tpu.memory_space<vmem>>, vector<1x16xi32>,
    %get3A_431 = vector.shape_cast %get3A_430 : vector<1x16xi32> to vector<16xi32>
    %add3A_432 = vector.broadcast %mul3A_244 : i32 to vector<16xi32>
    %add3A_433 = arith.addi %get3A_431, %add3A_432 : vector<16xi32>
    %swap3A_434 = arith.constant 1 : i32
    %swap3A_435 = arith.index_cast %swap3A_434 : i32 to index
    %swap3A_436 = arith.constant 96 : index
    %swap3A_437 = tpu.vector_load %arg6[%swap3A_435, %swap3A_436] {strides = array<i32>} : memref<2x128xi32, #tpu.memory_space<vmem>>, vector<1x16xi32>,
    %swap3A_438 = vector.shape_cast %swap3A_437 : vector<1x16xi32> to vector<16xi32>
    %swap3A_439 = vector.shape_cast %add3A_433 : vector<16xi32> to vector<1x16xi32>
    tpu.vector_store %arg6[%swap3A_435, %swap3A_436], %swap3A_439 {strides = array<i32>} : memref<2x128xi32, #tpu.memory_space<vmem>>, vector<1x16xi32>,
    %get3A_440 = arith.constant 1 : i32
    %get3A_441 = arith.index_cast %get3A_440 : i32 to index
    %get3A_442 = arith.constant 112 : index
    %get3A_443 = tpu.vector_load %arg6[%get3A_441, %get3A_442] {strides = array<i32>} : memref<2x128xi32, #tpu.memory_space<vmem>>, vector<1x16xi32>,
    %get3A_444 = vector.shape_cast %get3A_443 : vector<1x16xi32> to vector<16xi32>
    %add3A_445 = vector.broadcast %mul3A_244 : i32 to vector<16xi32>
    %add3A_446 = arith.addi %get3A_444, %add3A_445 : vector<16xi32>
    %swap3A_447 = arith.constant 1 : i32
    %swap3A_448 = arith.index_cast %swap3A_447 : i32 to index
    %swap3A_449 = arith.constant 112 : index
    %swap3A_450 = tpu.vector_load %arg6[%swap3A_448, %swap3A_449] {strides = array<i32>} : memref<2x128xi32, #tpu.memory_space<vmem>>, vector<1x16xi32>,
    %swap3A_451 = vector.shape_cast %swap3A_450 : vector<1x16xi32> to vector<16xi32>
    %swap3A_452 = vector.shape_cast %add3A_446 : vector<16xi32> to vector<1x16xi32>
    tpu.vector_store %arg6[%swap3A_448, %swap3A_449], %swap3A_452 {strides = array<i32>} : memref<2x128xi32, #tpu.memory_space<vmem>>, vector<1x16xi32>,
    %dma_start3A_453 = arith.constant 0 : i32
    %dma_start3A_454 = arith.constant 0 : i32
    %dma_start3A_455 = arith.constant 0 : i32
    %dma_start3A_456 = tpu.memref_slice %arg8[%dma_start3A_454, %dma_start3A_455] : memref<256x128xf32, #tpu.memory_space<vmem>> -> memref<128x128xf32, #tpu.memory_space<vmem>>
    %dma_start3A_457 = arith.constant 0 : i32
    %dma_start3A_458 = tpu.memref_slice %arg6[%dma_start3A_453, %dma_start3A_457] : memref<2x128xi32, #tpu.memory_space<vmem>> -> memref<1x128xi32, #tpu.memory_space<vmem>>
    %dma_start3A_459 = tpu.memref_squeeze %dma_start3A_458 : memref<1x128xi32, #tpu.memory_space<vmem>> -> memref<128xi32, #tpu.memory_space<vmem>>
    %dma_start3A_460 = arith.constant 0 : i32
    %dma_start3A_461 = arith.constant 0 : i32
    %dma_start3A_462 = tpu.memref_slice %arg3[%dma_start3A_460, %dma_start3A_461] : memref<26000x128xf32, #tpu.memory_space<hbm>> -> memref<26000x128xf32, #tpu.memory_space<hbm>>
    tpu.enqueue_indirect_dma source(%dma_start3A_462 : memref<26000x128xf32, #tpu.memory_space<hbm>>) target(%dma_start3A_456 : memref<128x128xf32, #tpu.memory_space<vmem>>) offsets(%dma_start3A_459 : memref<128xi32, #tpu.memory_space<vmem>>) semaphore(%arg10 : memref<!tpu.dma_semaphore, #tpu.memory_space<semaphore_mem>>)
    %dma_start3A_463 = arith.constant 1 : i32
    %dma_start3A_464 = arith.constant 128 : i32
    %dma_start3A_465 = arith.constant 0 : i32
    %dma_start3A_466 = tpu.memref_slice %arg8[%dma_start3A_464, %dma_start3A_465] : memref<256x128xf32, #tpu.memory_space<vmem>> -> memref<128x128xf32, #tpu.memory_space<vmem>>
    %dma_start3A_467 = arith.constant 0 : i32
    %dma_start3A_468 = tpu.memref_slice %arg6[%dma_start3A_463, %dma_start3A_467] : memref<2x128xi32, #tpu.memory_space<vmem>> -> memref<1x128xi32, #tpu.memory_space<vmem>>
    %dma_start3A_469 = tpu.memref_squeeze %dma_start3A_468 : memref<1x128xi32, #tpu.memory_space<vmem>> -> memref<128xi32, #tpu.memory_space<vmem>>
    %dma_start3A_470 = arith.constant 0 : i32
    %dma_start3A_471 = arith.constant 0 : i32
    %dma_start3A_472 = tpu.memref_slice %arg3[%dma_start3A_470, %dma_start3A_471] : memref<26000x128xf32, #tpu.memory_space<hbm>> -> memref<26000x128xf32, #tpu.memory_space<hbm>>
    tpu.enqueue_indirect_dma source(%dma_start3A_472 : memref<26000x128xf32, #tpu.memory_space<hbm>>) target(%dma_start3A_466 : memref<128x128xf32, #tpu.memory_space<vmem>>) offsets(%dma_start3A_469 : memref<128xi32, #tpu.memory_space<vmem>>) semaphore(%arg10 : memref<!tpu.dma_semaphore, #tpu.memory_space<semaphore_mem>>)
    %scan3A = arith.constant 0 : i32
    %scan3A_473 = arith.constant 0 : i32
    %scan3A_474 = arith.constant 12 : i32
    %scan3A_475 = arith.addi %scan3A_473, %scan3A_474 : i32
    %scan3A_476 = arith.constant 1 : i32
    scf.for %scan3A_541 = %scan3A_473 to %scan3A_475 step %scan3A_476  : i32 {
      %mul3A_542 = arith.constant 2 : i32
      %mul3A_543 = arith.muli %mul3A_542, %scan3A_541 : i32
      %add3A_544 = arith.constant 1 : i32
      %add3A_545 = arith.addi %mul3A_543, %add3A_544 : i32
      %dma_wait3A_546 = arith.constant 0 : i32
      %dma_wait3A_547 = arith.constant 0 : i32
      %dma_wait3A_548 = arith.constant 0 : i32
      %dma_wait3A_549 = tpu.memref_slice %arg7[%dma_wait3A_547, %dma_wait3A_548] : memref<256x128xf32, #tpu.memory_space<vmem>> -> memref<128x128xf32, #tpu.memory_space<vmem>>
      %dma_wait3A_550 = arith.constant 0 : i32
      %dma_wait3A_551 = tpu.memref_slice %arg5[%dma_wait3A_546, %dma_wait3A_550] : memref<2x128xi32, #tpu.memory_space<vmem>> -> memref<1x128xi32, #tpu.memory_space<vmem>>
      %dma_wait3A_552 = tpu.memref_squeeze %dma_wait3A_551 : memref<1x128xi32, #tpu.memory_space<vmem>> -> memref<128xi32, #tpu.memory_space<vmem>>
      %dma_wait3A_553 = arith.constant 0 : i32
      %dma_wait3A_554 = arith.constant 0 : i32
      %dma_wait3A_555 = tpu.memref_slice %arg3[%dma_wait3A_553, %dma_wait3A_554] : memref<26000x128xf32, #tpu.memory_space<hbm>> -> memref<26000x128xf32, #tpu.memory_space<hbm>>
      tpu.wait_indirect_dma semaphore(%arg9 : memref<!tpu.dma_semaphore, #tpu.memory_space<semaphore_mem>>) src(%dma_wait3A_555 : memref<26000x128xf32, #tpu.memory_space<hbm>>) dst(%dma_wait3A_549 : memref<128x128xf32, #tpu.memory_space<vmem>>)
      %dma_wait3A_556 = arith.constant 1 : i32
      %dma_wait3A_557 = arith.constant 128 : i32
      %dma_wait3A_558 = arith.constant 0 : i32
      %dma_wait3A_559 = tpu.memref_slice %arg7[%dma_wait3A_557, %dma_wait3A_558] : memref<256x128xf32, #tpu.memory_space<vmem>> -> memref<128x128xf32, #tpu.memory_space<vmem>>
      %dma_wait3A_560 = arith.constant 0 : i32
      %dma_wait3A_561 = tpu.memref_slice %arg5[%dma_wait3A_556, %dma_wait3A_560] : memref<2x128xi32, #tpu.memory_space<vmem>> -> memref<1x128xi32, #tpu.memory_space<vmem>>
      %dma_wait3A_562 = tpu.memref_squeeze %dma_wait3A_561 : memref<1x128xi32, #tpu.memory_space<vmem>> -> memref<128xi32, #tpu.memory_space<vmem>>
      %dma_wait3A_563 = arith.constant 0 : i32
      %dma_wait3A_564 = arith.constant 0 : i32
      %dma_wait3A_565 = tpu.memref_slice %arg3[%dma_wait3A_563, %dma_wait3A_564] : memref<26000x128xf32, #tpu.memory_space<hbm>> -> memref<26000x128xf32, #tpu.memory_space<hbm>>
      tpu.wait_indirect_dma semaphore(%arg9 : memref<!tpu.dma_semaphore, #tpu.memory_space<semaphore_mem>>) src(%dma_wait3A_565 : memref<26000x128xf32, #tpu.memory_space<hbm>>) dst(%dma_wait3A_559 : memref<128x128xf32, #tpu.memory_space<vmem>>)
      %mul3A_566 = arith.constant 256 : i32
      %mul3A_567 = arith.muli %mul3A_543, %mul3A_566 : i32
      %add3A_568 = arith.addi %mul3A_2, %mul3A_567 : i32
      %dma_start3A_569 = arith.constant 0 : i32
      %dma_start3A_570 = tpu.memref_slice %arg4[%add3A_568, %dma_start3A_569] : memref<212992x128xf32, #tpu.memory_space<hbm>> -> memref<256x128xf32, #tpu.memory_space<hbm>>
      %dma_start3A_571 = arith.constant 0 : i32
      %dma_start3A_572 = tpu.memref_slice %arg4[%add3A_568, %dma_start3A_571] : memref<212992x128xf32, #tpu.memory_space<hbm>> -> memref<256x128xf32, #tpu.memory_space<hbm>>
      tpu.enqueue_dma source(%arg7 : memref<256x128xf32, #tpu.memory_space<vmem>>) target(%dma_start3A_572 : memref<256x128xf32, #tpu.memory_space<hbm>>) target_semaphore(%arg11 : memref<!tpu.dma_semaphore, #tpu.memory_space<semaphore_mem>>)
      %dma_wait3A_573 = arith.constant 0 : i32
      %dma_wait3A_574 = arith.constant 0 : i32
      %dma_wait3A_575 = arith.constant 0 : i32
      %dma_wait3A_576 = tpu.memref_slice %arg8[%dma_wait3A_574, %dma_wait3A_575] : memref<256x128xf32, #tpu.memory_space<vmem>> -> memref<128x128xf32, #tpu.memory_space<vmem>>
      %dma_wait3A_577 = arith.constant 0 : i32
      %dma_wait3A_578 = tpu.memref_slice %arg6[%dma_wait3A_573, %dma_wait3A_577] : memref<2x128xi32, #tpu.memory_space<vmem>> -> memref<1x128xi32, #tpu.memory_space<vmem>>
      %dma_wait3A_579 = tpu.memref_squeeze %dma_wait3A_578 : memref<1x128xi32, #tpu.memory_space<vmem>> -> memref<128xi32, #tpu.memory_space<vmem>>
      %dma_wait3A_580 = arith.constant 0 : i32
      %dma_wait3A_581 = arith.constant 0 : i32
      %dma_wait3A_582 = tpu.memref_slice %arg3[%dma_wait3A_580, %dma_wait3A_581] : memref<26000x128xf32, #tpu.memory_space<hbm>> -> memref<26000x128xf32, #tpu.memory_space<hbm>>
      tpu.wait_indirect_dma semaphore(%arg10 : memref<!tpu.dma_semaphore, #tpu.memory_space<semaphore_mem>>) src(%dma_wait3A_582 : memref<26000x128xf32, #tpu.memory_space<hbm>>) dst(%dma_wait3A_576 : memref<128x128xf32, #tpu.memory_space<vmem>>)
      %dma_wait3A_583 = arith.constant 1 : i32
      %dma_wait3A_584 = arith.constant 128 : i32
      %dma_wait3A_585 = arith.constant 0 : i32
      %dma_wait3A_586 = tpu.memref_slice %arg8[%dma_wait3A_584, %dma_wait3A_585] : memref<256x128xf32, #tpu.memory_space<vmem>> -> memref<128x128xf32, #tpu.memory_space<vmem>>
      %dma_wait3A_587 = arith.constant 0 : i32
      %dma_wait3A_588 = tpu.memref_slice %arg6[%dma_wait3A_583, %dma_wait3A_587] : memref<2x128xi32, #tpu.memory_space<vmem>> -> memref<1x128xi32, #tpu.memory_space<vmem>>
      %dma_wait3A_589 = tpu.memref_squeeze %dma_wait3A_588 : memref<1x128xi32, #tpu.memory_space<vmem>> -> memref<128xi32, #tpu.memory_space<vmem>>
      %dma_wait3A_590 = arith.constant 0 : i32
      %dma_wait3A_591 = arith.constant 0 : i32
      %dma_wait3A_592 = tpu.memref_slice %arg3[%dma_wait3A_590, %dma_wait3A_591] : memref<26000x128xf32, #tpu.memory_space<hbm>> -> memref<26000x128xf32, #tpu.memory_space<hbm>>
      tpu.wait_indirect_dma semaphore(%arg10 : memref<!tpu.dma_semaphore, #tpu.memory_space<semaphore_mem>>) src(%dma_wait3A_592 : memref<26000x128xf32, #tpu.memory_space<hbm>>) dst(%dma_wait3A_586 : memref<128x128xf32, #tpu.memory_space<vmem>>)
      %mul3A_593 = arith.constant 256 : i32
      %mul3A_594 = arith.muli %add3A_545, %mul3A_593 : i32
      %add3A_595 = arith.addi %mul3A_2, %mul3A_594 : i32
      %dma_start3A_596 = arith.constant 0 : i32
      %dma_start3A_597 = tpu.memref_slice %arg4[%add3A_595, %dma_start3A_596] : memref<212992x128xf32, #tpu.memory_space<hbm>> -> memref<256x128xf32, #tpu.memory_space<hbm>>
      %dma_start3A_598 = arith.constant 0 : i32
      %dma_start3A_599 = tpu.memref_slice %arg4[%add3A_595, %dma_start3A_598] : memref<212992x128xf32, #tpu.memory_space<hbm>> -> memref<256x128xf32, #tpu.memory_space<hbm>>
      tpu.enqueue_dma source(%arg8 : memref<256x128xf32, #tpu.memory_space<vmem>>) target(%dma_start3A_599 : memref<256x128xf32, #tpu.memory_space<hbm>>) target_semaphore(%arg12 : memref<!tpu.dma_semaphore, #tpu.memory_space<semaphore_mem>>)
      %add3A_600 = arith.constant 2 : i32
      %add3A_601 = arith.addi %mul3A_543, %add3A_600 : i32
      %mul3A_602 = arith.constant 2 : i32
      %mul3A_603 = arith.muli %add3A_601, %mul3A_602 : i32
      %add3A_604 = arith.addi %mul3A_4, %mul3A_603 : i32
      "tpu.region"() ({
        %run_scoped3A = tpu.sem_alloc : memref<!tpu.dma_semaphore, #tpu.memory_space<semaphore_mem>>
        %dma_start3A_1094 = arith.constant 0 : i32
        %dma_start3A_1095 = tpu.memref_slice %arg2[%add3A_604, %dma_start3A_1094] : memref<1664x128xi32, #tpu.memory_space<hbm>> -> memref<2x128xi32, #tpu.memory_space<hbm>>
        %dma_start3A_1096 = arith.constant 0 : i32
        %dma_start3A_1097 = tpu.memref_slice %arg2[%add3A_604, %dma_start3A_1096] : memref<1664x128xi32, #tpu.memory_space<hbm>> -> memref<2x128xi32, #tpu.memory_space<hbm>>
        tpu.enqueue_dma source(%dma_start3A_1097 : memref<2x128xi32, #tpu.memory_space<hbm>>) target(%arg5 : memref<2x128xi32, #tpu.memory_space<vmem>>) target_semaphore(%run_scoped3A : memref<!tpu.dma_semaphore, #tpu.memory_space<semaphore_mem>>)
        %dma_wait3A_1098 = arith.constant 0 : i32
        %dma_wait3A_1099 = tpu.memref_slice %arg2[%add3A_604, %dma_wait3A_1098] : memref<1664x128xi32, #tpu.memory_space<hbm>> -> memref<2x128xi32, #tpu.memory_space<hbm>>
        %dma_wait3A_1100 = arith.constant 0 : i32
        %dma_wait3A_1101 = tpu.memref_slice %arg2[%add3A_604, %dma_wait3A_1100] : memref<1664x128xi32, #tpu.memory_space<hbm>> -> memref<2x128xi32, #tpu.memory_space<hbm>>
        tpu.wait_dma2 semaphore(%run_scoped3A : memref<!tpu.dma_semaphore, #tpu.memory_space<semaphore_mem>>) src(%dma_wait3A_1101 : memref<2x128xi32, #tpu.memory_space<hbm>>) dst(%arg5 : memref<2x128xi32, #tpu.memory_space<vmem>>)
        tpu.yield
      }) : () -> ()
      %mul3A_605 = arith.constant 256 : i32
      %mul3A_606 = arith.muli %add3A_601, %mul3A_605 : i32
      %add3A_607 = arith.addi %mul3A_2, %mul3A_606 : i32
      %shift_right_logical3A_608 = arith.constant 13 : i32
      %shift_right_logical3A_609 = arith.shrui %add3A_607, %shift_right_logical3A_608 : i32
      %mul3A_610 = arith.constant 1000 : i32
      %mul3A_611 = arith.muli %shift_right_logical3A_609, %mul3A_610 : i32
      %get3A_612 = arith.constant 0 : i32
      %get3A_613 = arith.index_cast %get3A_612 : i32 to index
      %get3A_614 = arith.constant 0 : index
      %get3A_615 = tpu.vector_load %arg5[%get3A_613, %get3A_614] {strides = array<i32>} : memref<2x128xi32, #tpu.memory_space<vmem>>, vector<1x16xi32>,
      %get3A_616 = vector.shape_cast %get3A_615 : vector<1x16xi32> to vector<16xi32>
      %add3A_617 = vector.broadcast %mul3A_611 : i32 to vector<16xi32>
      %add3A_618 = arith.addi %get3A_616, %add3A_617 : vector<16xi32>
      %swap3A_619 = arith.constant 0 : i32
      %swap3A_620 = arith.index_cast %swap3A_619 : i32 to index
      %swap3A_621 = arith.constant 0 : index
      %swap3A_622 = tpu.vector_load %arg5[%swap3A_620, %swap3A_621] {strides = array<i32>} : memref<2x128xi32, #tpu.memory_space<vmem>>, vector<1x16xi32>,
      %swap3A_623 = vector.shape_cast %swap3A_622 : vector<1x16xi32> to vector<16xi32>
      %swap3A_624 = vector.shape_cast %add3A_618 : vector<16xi32> to vector<1x16xi32>
      tpu.vector_store %arg5[%swap3A_620, %swap3A_621], %swap3A_624 {strides = array<i32>} : memref<2x128xi32, #tpu.memory_space<vmem>>, vector<1x16xi32>,
      %get3A_625 = arith.constant 0 : i32
      %get3A_626 = arith.index_cast %get3A_625 : i32 to index
      %get3A_627 = arith.constant 16 : index
      %get3A_628 = tpu.vector_load %arg5[%get3A_626, %get3A_627] {strides = array<i32>} : memref<2x128xi32, #tpu.memory_space<vmem>>, vector<1x16xi32>,
      %get3A_629 = vector.shape_cast %get3A_628 : vector<1x16xi32> to vector<16xi32>
      %add3A_630 = vector.broadcast %mul3A_611 : i32 to vector<16xi32>
      %add3A_631 = arith.addi %get3A_629, %add3A_630 : vector<16xi32>
      %swap3A_632 = arith.constant 0 : i32
      %swap3A_633 = arith.index_cast %swap3A_632 : i32 to index
      %swap3A_634 = arith.constant 16 : index
      %swap3A_635 = tpu.vector_load %arg5[%swap3A_633, %swap3A_634] {strides = array<i32>} : memref<2x128xi32, #tpu.memory_space<vmem>>, vector<1x16xi32>,
      %swap3A_636 = vector.shape_cast %swap3A_635 : vector<1x16xi32> to vector<16xi32>
      %swap3A_637 = vector.shape_cast %add3A_631 : vector<16xi32> to vector<1x16xi32>
      tpu.vector_store %arg5[%swap3A_633, %swap3A_634], %swap3A_637 {strides = array<i32>} : memref<2x128xi32, #tpu.memory_space<vmem>>, vector<1x16xi32>,
      %get3A_638 = arith.constant 0 : i32
      %get3A_639 = arith.index_cast %get3A_638 : i32 to index
      %get3A_640 = arith.constant 32 : index
      %get3A_641 = tpu.vector_load %arg5[%get3A_639, %get3A_640] {strides = array<i32>} : memref<2x128xi32, #tpu.memory_space<vmem>>, vector<1x16xi32>,
      %get3A_642 = vector.shape_cast %get3A_641 : vector<1x16xi32> to vector<16xi32>
      %add3A_643 = vector.broadcast %mul3A_611 : i32 to vector<16xi32>
      %add3A_644 = arith.addi %get3A_642, %add3A_643 : vector<16xi32>
      %swap3A_645 = arith.constant 0 : i32
      %swap3A_646 = arith.index_cast %swap3A_645 : i32 to index
      %swap3A_647 = arith.constant 32 : index
      %swap3A_648 = tpu.vector_load %arg5[%swap3A_646, %swap3A_647] {strides = array<i32>} : memref<2x128xi32, #tpu.memory_space<vmem>>, vector<1x16xi32>,
      %swap3A_649 = vector.shape_cast %swap3A_648 : vector<1x16xi32> to vector<16xi32>
      %swap3A_650 = vector.shape_cast %add3A_644 : vector<16xi32> to vector<1x16xi32>
      tpu.vector_store %arg5[%swap3A_646, %swap3A_647], %swap3A_650 {strides = array<i32>} : memref<2x128xi32, #tpu.memory_space<vmem>>, vector<1x16xi32>,
      %get3A_651 = arith.constant 0 : i32
      %get3A_652 = arith.index_cast %get3A_651 : i32 to index
      %get3A_653 = arith.constant 48 : index
      %get3A_654 = tpu.vector_load %arg5[%get3A_652, %get3A_653] {strides = array<i32>} : memref<2x128xi32, #tpu.memory_space<vmem>>, vector<1x16xi32>,
      %get3A_655 = vector.shape_cast %get3A_654 : vector<1x16xi32> to vector<16xi32>
      %add3A_656 = vector.broadcast %mul3A_611 : i32 to vector<16xi32>
      %add3A_657 = arith.addi %get3A_655, %add3A_656 : vector<16xi32>
      %swap3A_658 = arith.constant 0 : i32
      %swap3A_659 = arith.index_cast %swap3A_658 : i32 to index
      %swap3A_660 = arith.constant 48 : index
      %swap3A_661 = tpu.vector_load %arg5[%swap3A_659, %swap3A_660] {strides = array<i32>} : memref<2x128xi32, #tpu.memory_space<vmem>>, vector<1x16xi32>,
      %swap3A_662 = vector.shape_cast %swap3A_661 : vector<1x16xi32> to vector<16xi32>
      %swap3A_663 = vector.shape_cast %add3A_657 : vector<16xi32> to vector<1x16xi32>
      tpu.vector_store %arg5[%swap3A_659, %swap3A_660], %swap3A_663 {strides = array<i32>} : memref<2x128xi32, #tpu.memory_space<vmem>>, vector<1x16xi32>,
      %get3A_664 = arith.constant 0 : i32
      %get3A_665 = arith.index_cast %get3A_664 : i32 to index
      %get3A_666 = arith.constant 64 : index
      %get3A_667 = tpu.vector_load %arg5[%get3A_665, %get3A_666] {strides = array<i32>} : memref<2x128xi32, #tpu.memory_space<vmem>>, vector<1x16xi32>,
      %get3A_668 = vector.shape_cast %get3A_667 : vector<1x16xi32> to vector<16xi32>
      %add3A_669 = vector.broadcast %mul3A_611 : i32 to vector<16xi32>
      %add3A_670 = arith.addi %get3A_668, %add3A_669 : vector<16xi32>
      %swap3A_671 = arith.constant 0 : i32
      %swap3A_672 = arith.index_cast %swap3A_671 : i32 to index
      %swap3A_673 = arith.constant 64 : index
      %swap3A_674 = tpu.vector_load %arg5[%swap3A_672, %swap3A_673] {strides = array<i32>} : memref<2x128xi32, #tpu.memory_space<vmem>>, vector<1x16xi32>,
      %swap3A_675 = vector.shape_cast %swap3A_674 : vector<1x16xi32> to vector<16xi32>
      %swap3A_676 = vector.shape_cast %add3A_670 : vector<16xi32> to vector<1x16xi32>
      tpu.vector_store %arg5[%swap3A_672, %swap3A_673], %swap3A_676 {strides = array<i32>} : memref<2x128xi32, #tpu.memory_space<vmem>>, vector<1x16xi32>,
      %get3A_677 = arith.constant 0 : i32
      %get3A_678 = arith.index_cast %get3A_677 : i32 to index
      %get3A_679 = arith.constant 80 : index
      %get3A_680 = tpu.vector_load %arg5[%get3A_678, %get3A_679] {strides = array<i32>} : memref<2x128xi32, #tpu.memory_space<vmem>>, vector<1x16xi32>,
      %get3A_681 = vector.shape_cast %get3A_680 : vector<1x16xi32> to vector<16xi32>
      %add3A_682 = vector.broadcast %mul3A_611 : i32 to vector<16xi32>
      %add3A_683 = arith.addi %get3A_681, %add3A_682 : vector<16xi32>
      %swap3A_684 = arith.constant 0 : i32
      %swap3A_685 = arith.index_cast %swap3A_684 : i32 to index
      %swap3A_686 = arith.constant 80 : index
      %swap3A_687 = tpu.vector_load %arg5[%swap3A_685, %swap3A_686] {strides = array<i32>} : memref<2x128xi32, #tpu.memory_space<vmem>>, vector<1x16xi32>,
      %swap3A_688 = vector.shape_cast %swap3A_687 : vector<1x16xi32> to vector<16xi32>
      %swap3A_689 = vector.shape_cast %add3A_683 : vector<16xi32> to vector<1x16xi32>
      tpu.vector_store %arg5[%swap3A_685, %swap3A_686], %swap3A_689 {strides = array<i32>} : memref<2x128xi32, #tpu.memory_space<vmem>>, vector<1x16xi32>,
      %get3A_690 = arith.constant 0 : i32
      %get3A_691 = arith.index_cast %get3A_690 : i32 to index
      %get3A_692 = arith.constant 96 : index
      %get3A_693 = tpu.vector_load %arg5[%get3A_691, %get3A_692] {strides = array<i32>} : memref<2x128xi32, #tpu.memory_space<vmem>>, vector<1x16xi32>,
      %get3A_694 = vector.shape_cast %get3A_693 : vector<1x16xi32> to vector<16xi32>
      %add3A_695 = vector.broadcast %mul3A_611 : i32 to vector<16xi32>
      %add3A_696 = arith.addi %get3A_694, %add3A_695 : vector<16xi32>
      %swap3A_697 = arith.constant 0 : i32
      %swap3A_698 = arith.index_cast %swap3A_697 : i32 to index
      %swap3A_699 = arith.constant 96 : index
      %swap3A_700 = tpu.vector_load %arg5[%swap3A_698, %swap3A_699] {strides = array<i32>} : memref<2x128xi32, #tpu.memory_space<vmem>>, vector<1x16xi32>,
      %swap3A_701 = vector.shape_cast %swap3A_700 : vector<1x16xi32> to vector<16xi32>
      %swap3A_702 = vector.shape_cast %add3A_696 : vector<16xi32> to vector<1x16xi32>
      tpu.vector_store %arg5[%swap3A_698, %swap3A_699], %swap3A_702 {strides = array<i32>} : memref<2x128xi32, #tpu.memory_space<vmem>>, vector<1x16xi32>,
      %get3A_703 = arith.constant 0 : i32
      %get3A_704 = arith.index_cast %get3A_703 : i32 to index
      %get3A_705 = arith.constant 112 : index
      %get3A_706 = tpu.vector_load %arg5[%get3A_704, %get3A_705] {strides = array<i32>} : memref<2x128xi32, #tpu.memory_space<vmem>>, vector<1x16xi32>,
      %get3A_707 = vector.shape_cast %get3A_706 : vector<1x16xi32> to vector<16xi32>
      %add3A_708 = vector.broadcast %mul3A_611 : i32 to vector<16xi32>
      %add3A_709 = arith.addi %get3A_707, %add3A_708 : vector<16xi32>
      %swap3A_710 = arith.constant 0 : i32
      %swap3A_711 = arith.index_cast %swap3A_710 : i32 to index
      %swap3A_712 = arith.constant 112 : index
      %swap3A_713 = tpu.vector_load %arg5[%swap3A_711, %swap3A_712] {strides = array<i32>} : memref<2x128xi32, #tpu.memory_space<vmem>>, vector<1x16xi32>,
      %swap3A_714 = vector.shape_cast %swap3A_713 : vector<1x16xi32> to vector<16xi32>
      %swap3A_715 = vector.shape_cast %add3A_709 : vector<16xi32> to vector<1x16xi32>
      tpu.vector_store %arg5[%swap3A_711, %swap3A_712], %swap3A_715 {strides = array<i32>} : memref<2x128xi32, #tpu.memory_space<vmem>>, vector<1x16xi32>,
      %get3A_716 = arith.constant 1 : i32
      %get3A_717 = arith.index_cast %get3A_716 : i32 to index
      %get3A_718 = arith.constant 0 : index
      %get3A_719 = tpu.vector_load %arg5[%get3A_717, %get3A_718] {strides = array<i32>} : memref<2x128xi32, #tpu.memory_space<vmem>>, vector<1x16xi32>,
      %get3A_720 = vector.shape_cast %get3A_719 : vector<1x16xi32> to vector<16xi32>
      %add3A_721 = vector.broadcast %mul3A_611 : i32 to vector<16xi32>
      %add3A_722 = arith.addi %get3A_720, %add3A_721 : vector<16xi32>
      %swap3A_723 = arith.constant 1 : i32
      %swap3A_724 = arith.index_cast %swap3A_723 : i32 to index
      %swap3A_725 = arith.constant 0 : index
      %swap3A_726 = tpu.vector_load %arg5[%swap3A_724, %swap3A_725] {strides = array<i32>} : memref<2x128xi32, #tpu.memory_space<vmem>>, vector<1x16xi32>,
      %swap3A_727 = vector.shape_cast %swap3A_726 : vector<1x16xi32> to vector<16xi32>
      %swap3A_728 = vector.shape_cast %add3A_722 : vector<16xi32> to vector<1x16xi32>
      tpu.vector_store %arg5[%swap3A_724, %swap3A_725], %swap3A_728 {strides = array<i32>} : memref<2x128xi32, #tpu.memory_space<vmem>>, vector<1x16xi32>,
      %get3A_729 = arith.constant 1 : i32
      %get3A_730 = arith.index_cast %get3A_729 : i32 to index
      %get3A_731 = arith.constant 16 : index
      %get3A_732 = tpu.vector_load %arg5[%get3A_730, %get3A_731] {strides = array<i32>} : memref<2x128xi32, #tpu.memory_space<vmem>>, vector<1x16xi32>,
      %get3A_733 = vector.shape_cast %get3A_732 : vector<1x16xi32> to vector<16xi32>
      %add3A_734 = vector.broadcast %mul3A_611 : i32 to vector<16xi32>
      %add3A_735 = arith.addi %get3A_733, %add3A_734 : vector<16xi32>
      %swap3A_736 = arith.constant 1 : i32
      %swap3A_737 = arith.index_cast %swap3A_736 : i32 to index
      %swap3A_738 = arith.constant 16 : index
      %swap3A_739 = tpu.vector_load %arg5[%swap3A_737, %swap3A_738] {strides = array<i32>} : memref<2x128xi32, #tpu.memory_space<vmem>>, vector<1x16xi32>,
      %swap3A_740 = vector.shape_cast %swap3A_739 : vector<1x16xi32> to vector<16xi32>
      %swap3A_741 = vector.shape_cast %add3A_735 : vector<16xi32> to vector<1x16xi32>
      tpu.vector_store %arg5[%swap3A_737, %swap3A_738], %swap3A_741 {strides = array<i32>} : memref<2x128xi32, #tpu.memory_space<vmem>>, vector<1x16xi32>,
      %get3A_742 = arith.constant 1 : i32
      %get3A_743 = arith.index_cast %get3A_742 : i32 to index
      %get3A_744 = arith.constant 32 : index
      %get3A_745 = tpu.vector_load %arg5[%get3A_743, %get3A_744] {strides = array<i32>} : memref<2x128xi32, #tpu.memory_space<vmem>>, vector<1x16xi32>,
      %get3A_746 = vector.shape_cast %get3A_745 : vector<1x16xi32> to vector<16xi32>
      %add3A_747 = vector.broadcast %mul3A_611 : i32 to vector<16xi32>
      %add3A_748 = arith.addi %get3A_746, %add3A_747 : vector<16xi32>
      %swap3A_749 = arith.constant 1 : i32
      %swap3A_750 = arith.index_cast %swap3A_749 : i32 to index
      %swap3A_751 = arith.constant 32 : index
      %swap3A_752 = tpu.vector_load %arg5[%swap3A_750, %swap3A_751] {strides = array<i32>} : memref<2x128xi32, #tpu.memory_space<vmem>>, vector<1x16xi32>,
      %swap3A_753 = vector.shape_cast %swap3A_752 : vector<1x16xi32> to vector<16xi32>
      %swap3A_754 = vector.shape_cast %add3A_748 : vector<16xi32> to vector<1x16xi32>
      tpu.vector_store %arg5[%swap3A_750, %swap3A_751], %swap3A_754 {strides = array<i32>} : memref<2x128xi32, #tpu.memory_space<vmem>>, vector<1x16xi32>,
      %get3A_755 = arith.constant 1 : i32
      %get3A_756 = arith.index_cast %get3A_755 : i32 to index
      %get3A_757 = arith.constant 48 : index
      %get3A_758 = tpu.vector_load %arg5[%get3A_756, %get3A_757] {strides = array<i32>} : memref<2x128xi32, #tpu.memory_space<vmem>>, vector<1x16xi32>,
      %get3A_759 = vector.shape_cast %get3A_758 : vector<1x16xi32> to vector<16xi32>
      %add3A_760 = vector.broadcast %mul3A_611 : i32 to vector<16xi32>
      %add3A_761 = arith.addi %get3A_759, %add3A_760 : vector<16xi32>
      %swap3A_762 = arith.constant 1 : i32
      %swap3A_763 = arith.index_cast %swap3A_762 : i32 to index
      %swap3A_764 = arith.constant 48 : index
      %swap3A_765 = tpu.vector_load %arg5[%swap3A_763, %swap3A_764] {strides = array<i32>} : memref<2x128xi32, #tpu.memory_space<vmem>>, vector<1x16xi32>,
      %swap3A_766 = vector.shape_cast %swap3A_765 : vector<1x16xi32> to vector<16xi32>
      %swap3A_767 = vector.shape_cast %add3A_761 : vector<16xi32> to vector<1x16xi32>
      tpu.vector_store %arg5[%swap3A_763, %swap3A_764], %swap3A_767 {strides = array<i32>} : memref<2x128xi32, #tpu.memory_space<vmem>>, vector<1x16xi32>,
      %get3A_768 = arith.constant 1 : i32
      %get3A_769 = arith.index_cast %get3A_768 : i32 to index
      %get3A_770 = arith.constant 64 : index
      %get3A_771 = tpu.vector_load %arg5[%get3A_769, %get3A_770] {strides = array<i32>} : memref<2x128xi32, #tpu.memory_space<vmem>>, vector<1x16xi32>,
      %get3A_772 = vector.shape_cast %get3A_771 : vector<1x16xi32> to vector<16xi32>
      %add3A_773 = vector.broadcast %mul3A_611 : i32 to vector<16xi32>
      %add3A_774 = arith.addi %get3A_772, %add3A_773 : vector<16xi32>
      %swap3A_775 = arith.constant 1 : i32
      %swap3A_776 = arith.index_cast %swap3A_775 : i32 to index
      %swap3A_777 = arith.constant 64 : index
      %swap3A_778 = tpu.vector_load %arg5[%swap3A_776, %swap3A_777] {strides = array<i32>} : memref<2x128xi32, #tpu.memory_space<vmem>>, vector<1x16xi32>,
      %swap3A_779 = vector.shape_cast %swap3A_778 : vector<1x16xi32> to vector<16xi32>
      %swap3A_780 = vector.shape_cast %add3A_774 : vector<16xi32> to vector<1x16xi32>
      tpu.vector_store %arg5[%swap3A_776, %swap3A_777], %swap3A_780 {strides = array<i32>} : memref<2x128xi32, #tpu.memory_space<vmem>>, vector<1x16xi32>,
      %get3A_781 = arith.constant 1 : i32
      %get3A_782 = arith.index_cast %get3A_781 : i32 to index
      %get3A_783 = arith.constant 80 : index
      %get3A_784 = tpu.vector_load %arg5[%get3A_782, %get3A_783] {strides = array<i32>} : memref<2x128xi32, #tpu.memory_space<vmem>>, vector<1x16xi32>,
      %get3A_785 = vector.shape_cast %get3A_784 : vector<1x16xi32> to vector<16xi32>
      %add3A_786 = vector.broadcast %mul3A_611 : i32 to vector<16xi32>
      %add3A_787 = arith.addi %get3A_785, %add3A_786 : vector<16xi32>
      %swap3A_788 = arith.constant 1 : i32
      %swap3A_789 = arith.index_cast %swap3A_788 : i32 to index
      %swap3A_790 = arith.constant 80 : index
      %swap3A_791 = tpu.vector_load %arg5[%swap3A_789, %swap3A_790] {strides = array<i32>} : memref<2x128xi32, #tpu.memory_space<vmem>>, vector<1x16xi32>,
      %swap3A_792 = vector.shape_cast %swap3A_791 : vector<1x16xi32> to vector<16xi32>
      %swap3A_793 = vector.shape_cast %add3A_787 : vector<16xi32> to vector<1x16xi32>
      tpu.vector_store %arg5[%swap3A_789, %swap3A_790], %swap3A_793 {strides = array<i32>} : memref<2x128xi32, #tpu.memory_space<vmem>>, vector<1x16xi32>,
      %get3A_794 = arith.constant 1 : i32
      %get3A_795 = arith.index_cast %get3A_794 : i32 to index
      %get3A_796 = arith.constant 96 : index
      %get3A_797 = tpu.vector_load %arg5[%get3A_795, %get3A_796] {strides = array<i32>} : memref<2x128xi32, #tpu.memory_space<vmem>>, vector<1x16xi32>,
      %get3A_798 = vector.shape_cast %get3A_797 : vector<1x16xi32> to vector<16xi32>
      %add3A_799 = vector.broadcast %mul3A_611 : i32 to vector<16xi32>
      %add3A_800 = arith.addi %get3A_798, %add3A_799 : vector<16xi32>
      %swap3A_801 = arith.constant 1 : i32
      %swap3A_802 = arith.index_cast %swap3A_801 : i32 to index
      %swap3A_803 = arith.constant 96 : index
      %swap3A_804 = tpu.vector_load %arg5[%swap3A_802, %swap3A_803] {strides = array<i32>} : memref<2x128xi32, #tpu.memory_space<vmem>>, vector<1x16xi32>,
      %swap3A_805 = vector.shape_cast %swap3A_804 : vector<1x16xi32> to vector<16xi32>
      %swap3A_806 = vector.shape_cast %add3A_800 : vector<16xi32> to vector<1x16xi32>
      tpu.vector_store %arg5[%swap3A_802, %swap3A_803], %swap3A_806 {strides = array<i32>} : memref<2x128xi32, #tpu.memory_space<vmem>>, vector<1x16xi32>,
      %get3A_807 = arith.constant 1 : i32
      %get3A_808 = arith.index_cast %get3A_807 : i32 to index
      %get3A_809 = arith.constant 112 : index
      %get3A_810 = tpu.vector_load %arg5[%get3A_808, %get3A_809] {strides = array<i32>} : memref<2x128xi32, #tpu.memory_space<vmem>>, vector<1x16xi32>,
      %get3A_811 = vector.shape_cast %get3A_810 : vector<1x16xi32> to vector<16xi32>
      %add3A_812 = vector.broadcast %mul3A_611 : i32 to vector<16xi32>
      %add3A_813 = arith.addi %get3A_811, %add3A_812 : vector<16xi32>
      %swap3A_814 = arith.constant 1 : i32
      %swap3A_815 = arith.index_cast %swap3A_814 : i32 to index
      %swap3A_816 = arith.constant 112 : index
      %swap3A_817 = tpu.vector_load %arg5[%swap3A_815, %swap3A_816] {strides = array<i32>} : memref<2x128xi32, #tpu.memory_space<vmem>>, vector<1x16xi32>,
      %swap3A_818 = vector.shape_cast %swap3A_817 : vector<1x16xi32> to vector<16xi32>
      %swap3A_819 = vector.shape_cast %add3A_813 : vector<16xi32> to vector<1x16xi32>
      tpu.vector_store %arg5[%swap3A_815, %swap3A_816], %swap3A_819 {strides = array<i32>} : memref<2x128xi32, #tpu.memory_space<vmem>>, vector<1x16xi32>,
      %mul3A_820 = arith.constant 256 : i32
      %mul3A_821 = arith.muli %mul3A_543, %mul3A_820 : i32
      %add3A_822 = arith.addi %mul3A_2, %mul3A_821 : i32
      %dma_wait3A_823 = arith.constant 0 : i32
      %dma_wait3A_824 = tpu.memref_slice %arg4[%add3A_822, %dma_wait3A_823] : memref<212992x128xf32, #tpu.memory_space<hbm>> -> memref<256x128xf32, #tpu.memory_space<hbm>>
      %dma_wait3A_825 = arith.constant 0 : i32
      %dma_wait3A_826 = tpu.memref_slice %arg4[%add3A_822, %dma_wait3A_825] : memref<212992x128xf32, #tpu.memory_space<hbm>> -> memref<256x128xf32, #tpu.memory_space<hbm>>
      tpu.wait_dma2 semaphore(%arg11 : memref<!tpu.dma_semaphore, #tpu.memory_space<semaphore_mem>>) src(%arg7 : memref<256x128xf32, #tpu.memory_space<vmem>>) dst(%dma_wait3A_826 : memref<256x128xf32, #tpu.memory_space<hbm>>)
      %dma_start3A_827 = arith.constant 0 : i32
      %dma_start3A_828 = arith.constant 0 : i32
      %dma_start3A_829 = arith.constant 0 : i32
      %dma_start3A_830 = tpu.memref_slice %arg7[%dma_start3A_828, %dma_start3A_829] : memref<256x128xf32, #tpu.memory_space<vmem>> -> memref<128x128xf32, #tpu.memory_space<vmem>>
      %dma_start3A_831 = arith.constant 0 : i32
      %dma_start3A_832 = tpu.memref_slice %arg5[%dma_start3A_827, %dma_start3A_831] : memref<2x128xi32, #tpu.memory_space<vmem>> -> memref<1x128xi32, #tpu.memory_space<vmem>>
      %dma_start3A_833 = tpu.memref_squeeze %dma_start3A_832 : memref<1x128xi32, #tpu.memory_space<vmem>> -> memref<128xi32, #tpu.memory_space<vmem>>
      %dma_start3A_834 = arith.constant 0 : i32
      %dma_start3A_835 = arith.constant 0 : i32
      %dma_start3A_836 = tpu.memref_slice %arg3[%dma_start3A_834, %dma_start3A_835] : memref<26000x128xf32, #tpu.memory_space<hbm>> -> memref<26000x128xf32, #tpu.memory_space<hbm>>
      tpu.enqueue_indirect_dma source(%dma_start3A_836 : memref<26000x128xf32, #tpu.memory_space<hbm>>) target(%dma_start3A_830 : memref<128x128xf32, #tpu.memory_space<vmem>>) offsets(%dma_start3A_833 : memref<128xi32, #tpu.memory_space<vmem>>) semaphore(%arg9 : memref<!tpu.dma_semaphore, #tpu.memory_space<semaphore_mem>>)
      %dma_start3A_837 = arith.constant 1 : i32
      %dma_start3A_838 = arith.constant 128 : i32
      %dma_start3A_839 = arith.constant 0 : i32
      %dma_start3A_840 = tpu.memref_slice %arg7[%dma_start3A_838, %dma_start3A_839] : memref<256x128xf32, #tpu.memory_space<vmem>> -> memref<128x128xf32, #tpu.memory_space<vmem>>
      %dma_start3A_841 = arith.constant 0 : i32
      %dma_start3A_842 = tpu.memref_slice %arg5[%dma_start3A_837, %dma_start3A_841] : memref<2x128xi32, #tpu.memory_space<vmem>> -> memref<1x128xi32, #tpu.memory_space<vmem>>
      %dma_start3A_843 = tpu.memref_squeeze %dma_start3A_842 : memref<1x128xi32, #tpu.memory_space<vmem>> -> memref<128xi32, #tpu.memory_space<vmem>>
      %dma_start3A_844 = arith.constant 0 : i32
      %dma_start3A_845 = arith.constant 0 : i32
      %dma_start3A_846 = tpu.memref_slice %arg3[%dma_start3A_844, %dma_start3A_845] : memref<26000x128xf32, #tpu.memory_space<hbm>> -> memref<26000x128xf32, #tpu.memory_space<hbm>>
      tpu.enqueue_indirect_dma source(%dma_start3A_846 : memref<26000x128xf32, #tpu.memory_space<hbm>>) target(%dma_start3A_840 : memref<128x128xf32, #tpu.memory_space<vmem>>) offsets(%dma_start3A_843 : memref<128xi32, #tpu.memory_space<vmem>>) semaphore(%arg9 : memref<!tpu.dma_semaphore, #tpu.memory_space<semaphore_mem>>)
      %add3A_847 = arith.constant 2 : i32
      %add3A_848 = arith.addi %add3A_545, %add3A_847 : i32
      %mul3A_849 = arith.constant 2 : i32
      %mul3A_850 = arith.muli %add3A_848, %mul3A_849 : i32
      %add3A_851 = arith.addi %mul3A_4, %mul3A_850 : i32
      "tpu.region"() ({
        %run_scoped3A = tpu.sem_alloc : memref<!tpu.dma_semaphore, #tpu.memory_space<semaphore_mem>>
        %dma_start3A_1094 = arith.constant 0 : i32
        %dma_start3A_1095 = tpu.memref_slice %arg2[%add3A_851, %dma_start3A_1094] : memref<1664x128xi32, #tpu.memory_space<hbm>> -> memref<2x128xi32, #tpu.memory_space<hbm>>
        %dma_start3A_1096 = arith.constant 0 : i32
        %dma_start3A_1097 = tpu.memref_slice %arg2[%add3A_851, %dma_start3A_1096] : memref<1664x128xi32, #tpu.memory_space<hbm>> -> memref<2x128xi32, #tpu.memory_space<hbm>>
        tpu.enqueue_dma source(%dma_start3A_1097 : memref<2x128xi32, #tpu.memory_space<hbm>>) target(%arg6 : memref<2x128xi32, #tpu.memory_space<vmem>>) target_semaphore(%run_scoped3A : memref<!tpu.dma_semaphore, #tpu.memory_space<semaphore_mem>>)
        %dma_wait3A_1098 = arith.constant 0 : i32
        %dma_wait3A_1099 = tpu.memref_slice %arg2[%add3A_851, %dma_wait3A_1098] : memref<1664x128xi32, #tpu.memory_space<hbm>> -> memref<2x128xi32, #tpu.memory_space<hbm>>
        %dma_wait3A_1100 = arith.constant 0 : i32
        %dma_wait3A_1101 = tpu.memref_slice %arg2[%add3A_851, %dma_wait3A_1100] : memref<1664x128xi32, #tpu.memory_space<hbm>> -> memref<2x128xi32, #tpu.memory_space<hbm>>
        tpu.wait_dma2 semaphore(%run_scoped3A : memref<!tpu.dma_semaphore, #tpu.memory_space<semaphore_mem>>) src(%dma_wait3A_1101 : memref<2x128xi32, #tpu.memory_space<hbm>>) dst(%arg6 : memref<2x128xi32, #tpu.memory_space<vmem>>)
        tpu.yield
      }) : () -> ()
      %mul3A_852 = arith.constant 256 : i32
      %mul3A_853 = arith.muli %add3A_848, %mul3A_852 : i32
      %add3A_854 = arith.addi %mul3A_2, %mul3A_853 : i32
      %shift_right_logical3A_855 = arith.constant 13 : i32
      %shift_right_logical3A_856 = arith.shrui %add3A_854, %shift_right_logical3A_855 : i32
      %mul3A_857 = arith.constant 1000 : i32
      %mul3A_858 = arith.muli %shift_right_logical3A_856, %mul3A_857 : i32
      %get3A_859 = arith.constant 0 : i32
      %get3A_860 = arith.index_cast %get3A_859 : i32 to index
      %get3A_861 = arith.constant 0 : index
      %get3A_862 = tpu.vector_load %arg6[%get3A_860, %get3A_861] {strides = array<i32>} : memref<2x128xi32, #tpu.memory_space<vmem>>, vector<1x16xi32>,
      %get3A_863 = vector.shape_cast %get3A_862 : vector<1x16xi32> to vector<16xi32>
      %add3A_864 = vector.broadcast %mul3A_858 : i32 to vector<16xi32>
      %add3A_865 = arith.addi %get3A_863, %add3A_864 : vector<16xi32>
      %swap3A_866 = arith.constant 0 : i32
      %swap3A_867 = arith.index_cast %swap3A_866 : i32 to index
      %swap3A_868 = arith.constant 0 : index
      %swap3A_869 = tpu.vector_load %arg6[%swap3A_867, %swap3A_868] {strides = array<i32>} : memref<2x128xi32, #tpu.memory_space<vmem>>, vector<1x16xi32>,
      %swap3A_870 = vector.shape_cast %swap3A_869 : vector<1x16xi32> to vector<16xi32>
      %swap3A_871 = vector.shape_cast %add3A_865 : vector<16xi32> to vector<1x16xi32>
      tpu.vector_store %arg6[%swap3A_867, %swap3A_868], %swap3A_871 {strides = array<i32>} : memref<2x128xi32, #tpu.memory_space<vmem>>, vector<1x16xi32>,
      %get3A_872 = arith.constant 0 : i32
      %get3A_873 = arith.index_cast %get3A_872 : i32 to index
      %get3A_874 = arith.constant 16 : index
      %get3A_875 = tpu.vector_load %arg6[%get3A_873, %get3A_874] {strides = array<i32>} : memref<2x128xi32, #tpu.memory_space<vmem>>, vector<1x16xi32>,
      %get3A_876 = vector.shape_cast %get3A_875 : vector<1x16xi32> to vector<16xi32>
      %add3A_877 = vector.broadcast %mul3A_858 : i32 to vector<16xi32>
      %add3A_878 = arith.addi %get3A_876, %add3A_877 : vector<16xi32>
      %swap3A_879 = arith.constant 0 : i32
      %swap3A_880 = arith.index_cast %swap3A_879 : i32 to index
      %swap3A_881 = arith.constant 16 : index
      %swap3A_882 = tpu.vector_load %arg6[%swap3A_880, %swap3A_881] {strides = array<i32>} : memref<2x128xi32, #tpu.memory_space<vmem>>, vector<1x16xi32>,
      %swap3A_883 = vector.shape_cast %swap3A_882 : vector<1x16xi32> to vector<16xi32>
      %swap3A_884 = vector.shape_cast %add3A_878 : vector<16xi32> to vector<1x16xi32>
      tpu.vector_store %arg6[%swap3A_880, %swap3A_881], %swap3A_884 {strides = array<i32>} : memref<2x128xi32, #tpu.memory_space<vmem>>, vector<1x16xi32>,
      %get3A_885 = arith.constant 0 : i32
      %get3A_886 = arith.index_cast %get3A_885 : i32 to index
      %get3A_887 = arith.constant 32 : index
      %get3A_888 = tpu.vector_load %arg6[%get3A_886, %get3A_887] {strides = array<i32>} : memref<2x128xi32, #tpu.memory_space<vmem>>, vector<1x16xi32>,
      %get3A_889 = vector.shape_cast %get3A_888 : vector<1x16xi32> to vector<16xi32>
      %add3A_890 = vector.broadcast %mul3A_858 : i32 to vector<16xi32>
      %add3A_891 = arith.addi %get3A_889, %add3A_890 : vector<16xi32>
      %swap3A_892 = arith.constant 0 : i32
      %swap3A_893 = arith.index_cast %swap3A_892 : i32 to index
      %swap3A_894 = arith.constant 32 : index
      %swap3A_895 = tpu.vector_load %arg6[%swap3A_893, %swap3A_894] {strides = array<i32>} : memref<2x128xi32, #tpu.memory_space<vmem>>, vector<1x16xi32>,
      %swap3A_896 = vector.shape_cast %swap3A_895 : vector<1x16xi32> to vector<16xi32>
      %swap3A_897 = vector.shape_cast %add3A_891 : vector<16xi32> to vector<1x16xi32>
      tpu.vector_store %arg6[%swap3A_893, %swap3A_894], %swap3A_897 {strides = array<i32>} : memref<2x128xi32, #tpu.memory_space<vmem>>, vector<1x16xi32>,
      %get3A_898 = arith.constant 0 : i32
      %get3A_899 = arith.index_cast %get3A_898 : i32 to index
      %get3A_900 = arith.constant 48 : index
      %get3A_901 = tpu.vector_load %arg6[%get3A_899, %get3A_900] {strides = array<i32>} : memref<2x128xi32, #tpu.memory_space<vmem>>, vector<1x16xi32>,
      %get3A_902 = vector.shape_cast %get3A_901 : vector<1x16xi32> to vector<16xi32>
      %add3A_903 = vector.broadcast %mul3A_858 : i32 to vector<16xi32>
      %add3A_904 = arith.addi %get3A_902, %add3A_903 : vector<16xi32>
      %swap3A_905 = arith.constant 0 : i32
      %swap3A_906 = arith.index_cast %swap3A_905 : i32 to index
      %swap3A_907 = arith.constant 48 : index
      %swap3A_908 = tpu.vector_load %arg6[%swap3A_906, %swap3A_907] {strides = array<i32>} : memref<2x128xi32, #tpu.memory_space<vmem>>, vector<1x16xi32>,
      %swap3A_909 = vector.shape_cast %swap3A_908 : vector<1x16xi32> to vector<16xi32>
      %swap3A_910 = vector.shape_cast %add3A_904 : vector<16xi32> to vector<1x16xi32>
      tpu.vector_store %arg6[%swap3A_906, %swap3A_907], %swap3A_910 {strides = array<i32>} : memref<2x128xi32, #tpu.memory_space<vmem>>, vector<1x16xi32>,
      %get3A_911 = arith.constant 0 : i32
      %get3A_912 = arith.index_cast %get3A_911 : i32 to index
      %get3A_913 = arith.constant 64 : index
      %get3A_914 = tpu.vector_load %arg6[%get3A_912, %get3A_913] {strides = array<i32>} : memref<2x128xi32, #tpu.memory_space<vmem>>, vector<1x16xi32>,
      %get3A_915 = vector.shape_cast %get3A_914 : vector<1x16xi32> to vector<16xi32>
      %add3A_916 = vector.broadcast %mul3A_858 : i32 to vector<16xi32>
      %add3A_917 = arith.addi %get3A_915, %add3A_916 : vector<16xi32>
      %swap3A_918 = arith.constant 0 : i32
      %swap3A_919 = arith.index_cast %swap3A_918 : i32 to index
      %swap3A_920 = arith.constant 64 : index
      %swap3A_921 = tpu.vector_load %arg6[%swap3A_919, %swap3A_920] {strides = array<i32>} : memref<2x128xi32, #tpu.memory_space<vmem>>, vector<1x16xi32>,
      %swap3A_922 = vector.shape_cast %swap3A_921 : vector<1x16xi32> to vector<16xi32>
      %swap3A_923 = vector.shape_cast %add3A_917 : vector<16xi32> to vector<1x16xi32>
      tpu.vector_store %arg6[%swap3A_919, %swap3A_920], %swap3A_923 {strides = array<i32>} : memref<2x128xi32, #tpu.memory_space<vmem>>, vector<1x16xi32>,
      %get3A_924 = arith.constant 0 : i32
      %get3A_925 = arith.index_cast %get3A_924 : i32 to index
      %get3A_926 = arith.constant 80 : index
      %get3A_927 = tpu.vector_load %arg6[%get3A_925, %get3A_926] {strides = array<i32>} : memref<2x128xi32, #tpu.memory_space<vmem>>, vector<1x16xi32>,
      %get3A_928 = vector.shape_cast %get3A_927 : vector<1x16xi32> to vector<16xi32>
      %add3A_929 = vector.broadcast %mul3A_858 : i32 to vector<16xi32>
      %add3A_930 = arith.addi %get3A_928, %add3A_929 : vector<16xi32>
      %swap3A_931 = arith.constant 0 : i32
      %swap3A_932 = arith.index_cast %swap3A_931 : i32 to index
      %swap3A_933 = arith.constant 80 : index
      %swap3A_934 = tpu.vector_load %arg6[%swap3A_932, %swap3A_933] {strides = array<i32>} : memref<2x128xi32, #tpu.memory_space<vmem>>, vector<1x16xi32>,
      %swap3A_935 = vector.shape_cast %swap3A_934 : vector<1x16xi32> to vector<16xi32>
      %swap3A_936 = vector.shape_cast %add3A_930 : vector<16xi32> to vector<1x16xi32>
      tpu.vector_store %arg6[%swap3A_932, %swap3A_933], %swap3A_936 {strides = array<i32>} : memref<2x128xi32, #tpu.memory_space<vmem>>, vector<1x16xi32>,
      %get3A_937 = arith.constant 0 : i32
      %get3A_938 = arith.index_cast %get3A_937 : i32 to index
      %get3A_939 = arith.constant 96 : index
      %get3A_940 = tpu.vector_load %arg6[%get3A_938, %get3A_939] {strides = array<i32>} : memref<2x128xi32, #tpu.memory_space<vmem>>, vector<1x16xi32>,
      %get3A_941 = vector.shape_cast %get3A_940 : vector<1x16xi32> to vector<16xi32>
      %add3A_942 = vector.broadcast %mul3A_858 : i32 to vector<16xi32>
      %add3A_943 = arith.addi %get3A_941, %add3A_942 : vector<16xi32>
      %swap3A_944 = arith.constant 0 : i32
      %swap3A_945 = arith.index_cast %swap3A_944 : i32 to index
      %swap3A_946 = arith.constant 96 : index
      %swap3A_947 = tpu.vector_load %arg6[%swap3A_945, %swap3A_946] {strides = array<i32>} : memref<2x128xi32, #tpu.memory_space<vmem>>, vector<1x16xi32>,
      %swap3A_948 = vector.shape_cast %swap3A_947 : vector<1x16xi32> to vector<16xi32>
      %swap3A_949 = vector.shape_cast %add3A_943 : vector<16xi32> to vector<1x16xi32>
      tpu.vector_store %arg6[%swap3A_945, %swap3A_946], %swap3A_949 {strides = array<i32>} : memref<2x128xi32, #tpu.memory_space<vmem>>, vector<1x16xi32>,
      %get3A_950 = arith.constant 0 : i32
      %get3A_951 = arith.index_cast %get3A_950 : i32 to index
      %get3A_952 = arith.constant 112 : index
      %get3A_953 = tpu.vector_load %arg6[%get3A_951, %get3A_952] {strides = array<i32>} : memref<2x128xi32, #tpu.memory_space<vmem>>, vector<1x16xi32>,
      %get3A_954 = vector.shape_cast %get3A_953 : vector<1x16xi32> to vector<16xi32>
      %add3A_955 = vector.broadcast %mul3A_858 : i32 to vector<16xi32>
      %add3A_956 = arith.addi %get3A_954, %add3A_955 : vector<16xi32>
      %swap3A_957 = arith.constant 0 : i32
      %swap3A_958 = arith.index_cast %swap3A_957 : i32 to index
      %swap3A_959 = arith.constant 112 : index
      %swap3A_960 = tpu.vector_load %arg6[%swap3A_958, %swap3A_959] {strides = array<i32>} : memref<2x128xi32, #tpu.memory_space<vmem>>, vector<1x16xi32>,
      %swap3A_961 = vector.shape_cast %swap3A_960 : vector<1x16xi32> to vector<16xi32>
      %swap3A_962 = vector.shape_cast %add3A_956 : vector<16xi32> to vector<1x16xi32>
      tpu.vector_store %arg6[%swap3A_958, %swap3A_959], %swap3A_962 {strides = array<i32>} : memref<2x128xi32, #tpu.memory_space<vmem>>, vector<1x16xi32>,
      %get3A_963 = arith.constant 1 : i32
      %get3A_964 = arith.index_cast %get3A_963 : i32 to index
      %get3A_965 = arith.constant 0 : index
      %get3A_966 = tpu.vector_load %arg6[%get3A_964, %get3A_965] {strides = array<i32>} : memref<2x128xi32, #tpu.memory_space<vmem>>, vector<1x16xi32>,
      %get3A_967 = vector.shape_cast %get3A_966 : vector<1x16xi32> to vector<16xi32>
      %add3A_968 = vector.broadcast %mul3A_858 : i32 to vector<16xi32>
      %add3A_969 = arith.addi %get3A_967, %add3A_968 : vector<16xi32>
      %swap3A_970 = arith.constant 1 : i32
      %swap3A_971 = arith.index_cast %swap3A_970 : i32 to index
      %swap3A_972 = arith.constant 0 : index
      %swap3A_973 = tpu.vector_load %arg6[%swap3A_971, %swap3A_972] {strides = array<i32>} : memref<2x128xi32, #tpu.memory_space<vmem>>, vector<1x16xi32>,
      %swap3A_974 = vector.shape_cast %swap3A_973 : vector<1x16xi32> to vector<16xi32>
      %swap3A_975 = vector.shape_cast %add3A_969 : vector<16xi32> to vector<1x16xi32>
      tpu.vector_store %arg6[%swap3A_971, %swap3A_972], %swap3A_975 {strides = array<i32>} : memref<2x128xi32, #tpu.memory_space<vmem>>, vector<1x16xi32>,
      %get3A_976 = arith.constant 1 : i32
      %get3A_977 = arith.index_cast %get3A_976 : i32 to index
      %get3A_978 = arith.constant 16 : index
      %get3A_979 = tpu.vector_load %arg6[%get3A_977, %get3A_978] {strides = array<i32>} : memref<2x128xi32, #tpu.memory_space<vmem>>, vector<1x16xi32>,
      %get3A_980 = vector.shape_cast %get3A_979 : vector<1x16xi32> to vector<16xi32>
      %add3A_981 = vector.broadcast %mul3A_858 : i32 to vector<16xi32>
      %add3A_982 = arith.addi %get3A_980, %add3A_981 : vector<16xi32>
      %swap3A_983 = arith.constant 1 : i32
      %swap3A_984 = arith.index_cast %swap3A_983 : i32 to index
      %swap3A_985 = arith.constant 16 : index
      %swap3A_986 = tpu.vector_load %arg6[%swap3A_984, %swap3A_985] {strides = array<i32>} : memref<2x128xi32, #tpu.memory_space<vmem>>, vector<1x16xi32>,
      %swap3A_987 = vector.shape_cast %swap3A_986 : vector<1x16xi32> to vector<16xi32>
      %swap3A_988 = vector.shape_cast %add3A_982 : vector<16xi32> to vector<1x16xi32>
      tpu.vector_store %arg6[%swap3A_984, %swap3A_985], %swap3A_988 {strides = array<i32>} : memref<2x128xi32, #tpu.memory_space<vmem>>, vector<1x16xi32>,
      %get3A_989 = arith.constant 1 : i32
      %get3A_990 = arith.index_cast %get3A_989 : i32 to index
      %get3A_991 = arith.constant 32 : index
      %get3A_992 = tpu.vector_load %arg6[%get3A_990, %get3A_991] {strides = array<i32>} : memref<2x128xi32, #tpu.memory_space<vmem>>, vector<1x16xi32>,
      %get3A_993 = vector.shape_cast %get3A_992 : vector<1x16xi32> to vector<16xi32>
      %add3A_994 = vector.broadcast %mul3A_858 : i32 to vector<16xi32>
      %add3A_995 = arith.addi %get3A_993, %add3A_994 : vector<16xi32>
      %swap3A_996 = arith.constant 1 : i32
      %swap3A_997 = arith.index_cast %swap3A_996 : i32 to index
      %swap3A_998 = arith.constant 32 : index
      %swap3A_999 = tpu.vector_load %arg6[%swap3A_997, %swap3A_998] {strides = array<i32>} : memref<2x128xi32, #tpu.memory_space<vmem>>, vector<1x16xi32>,
      %swap3A_1000 = vector.shape_cast %swap3A_999 : vector<1x16xi32> to vector<16xi32>
      %swap3A_1001 = vector.shape_cast %add3A_995 : vector<16xi32> to vector<1x16xi32>
      tpu.vector_store %arg6[%swap3A_997, %swap3A_998], %swap3A_1001 {strides = array<i32>} : memref<2x128xi32, #tpu.memory_space<vmem>>, vector<1x16xi32>,
      %get3A_1002 = arith.constant 1 : i32
      %get3A_1003 = arith.index_cast %get3A_1002 : i32 to index
      %get3A_1004 = arith.constant 48 : index
      %get3A_1005 = tpu.vector_load %arg6[%get3A_1003, %get3A_1004] {strides = array<i32>} : memref<2x128xi32, #tpu.memory_space<vmem>>, vector<1x16xi32>,
      %get3A_1006 = vector.shape_cast %get3A_1005 : vector<1x16xi32> to vector<16xi32>
      %add3A_1007 = vector.broadcast %mul3A_858 : i32 to vector<16xi32>
      %add3A_1008 = arith.addi %get3A_1006, %add3A_1007 : vector<16xi32>
      %swap3A_1009 = arith.constant 1 : i32
      %swap3A_1010 = arith.index_cast %swap3A_1009 : i32 to index
      %swap3A_1011 = arith.constant 48 : index
      %swap3A_1012 = tpu.vector_load %arg6[%swap3A_1010, %swap3A_1011] {strides = array<i32>} : memref<2x128xi32, #tpu.memory_space<vmem>>, vector<1x16xi32>,
      %swap3A_1013 = vector.shape_cast %swap3A_1012 : vector<1x16xi32> to vector<16xi32>
      %swap3A_1014 = vector.shape_cast %add3A_1008 : vector<16xi32> to vector<1x16xi32>
      tpu.vector_store %arg6[%swap3A_1010, %swap3A_1011], %swap3A_1014 {strides = array<i32>} : memref<2x128xi32, #tpu.memory_space<vmem>>, vector<1x16xi32>,
      %get3A_1015 = arith.constant 1 : i32
      %get3A_1016 = arith.index_cast %get3A_1015 : i32 to index
      %get3A_1017 = arith.constant 64 : index
      %get3A_1018 = tpu.vector_load %arg6[%get3A_1016, %get3A_1017] {strides = array<i32>} : memref<2x128xi32, #tpu.memory_space<vmem>>, vector<1x16xi32>,
      %get3A_1019 = vector.shape_cast %get3A_1018 : vector<1x16xi32> to vector<16xi32>
      %add3A_1020 = vector.broadcast %mul3A_858 : i32 to vector<16xi32>
      %add3A_1021 = arith.addi %get3A_1019, %add3A_1020 : vector<16xi32>
      %swap3A_1022 = arith.constant 1 : i32
      %swap3A_1023 = arith.index_cast %swap3A_1022 : i32 to index
      %swap3A_1024 = arith.constant 64 : index
      %swap3A_1025 = tpu.vector_load %arg6[%swap3A_1023, %swap3A_1024] {strides = array<i32>} : memref<2x128xi32, #tpu.memory_space<vmem>>, vector<1x16xi32>,
      %swap3A_1026 = vector.shape_cast %swap3A_1025 : vector<1x16xi32> to vector<16xi32>
      %swap3A_1027 = vector.shape_cast %add3A_1021 : vector<16xi32> to vector<1x16xi32>
      tpu.vector_store %arg6[%swap3A_1023, %swap3A_1024], %swap3A_1027 {strides = array<i32>} : memref<2x128xi32, #tpu.memory_space<vmem>>, vector<1x16xi32>,
      %get3A_1028 = arith.constant 1 : i32
      %get3A_1029 = arith.index_cast %get3A_1028 : i32 to index
      %get3A_1030 = arith.constant 80 : index
      %get3A_1031 = tpu.vector_load %arg6[%get3A_1029, %get3A_1030] {strides = array<i32>} : memref<2x128xi32, #tpu.memory_space<vmem>>, vector<1x16xi32>,
      %get3A_1032 = vector.shape_cast %get3A_1031 : vector<1x16xi32> to vector<16xi32>
      %add3A_1033 = vector.broadcast %mul3A_858 : i32 to vector<16xi32>
      %add3A_1034 = arith.addi %get3A_1032, %add3A_1033 : vector<16xi32>
      %swap3A_1035 = arith.constant 1 : i32
      %swap3A_1036 = arith.index_cast %swap3A_1035 : i32 to index
      %swap3A_1037 = arith.constant 80 : index
      %swap3A_1038 = tpu.vector_load %arg6[%swap3A_1036, %swap3A_1037] {strides = array<i32>} : memref<2x128xi32, #tpu.memory_space<vmem>>, vector<1x16xi32>,
      %swap3A_1039 = vector.shape_cast %swap3A_1038 : vector<1x16xi32> to vector<16xi32>
      %swap3A_1040 = vector.shape_cast %add3A_1034 : vector<16xi32> to vector<1x16xi32>
      tpu.vector_store %arg6[%swap3A_1036, %swap3A_1037], %swap3A_1040 {strides = array<i32>} : memref<2x128xi32, #tpu.memory_space<vmem>>, vector<1x16xi32>,
      %get3A_1041 = arith.constant 1 : i32
      %get3A_1042 = arith.index_cast %get3A_1041 : i32 to index
      %get3A_1043 = arith.constant 96 : index
      %get3A_1044 = tpu.vector_load %arg6[%get3A_1042, %get3A_1043] {strides = array<i32>} : memref<2x128xi32, #tpu.memory_space<vmem>>, vector<1x16xi32>,
      %get3A_1045 = vector.shape_cast %get3A_1044 : vector<1x16xi32> to vector<16xi32>
      %add3A_1046 = vector.broadcast %mul3A_858 : i32 to vector<16xi32>
      %add3A_1047 = arith.addi %get3A_1045, %add3A_1046 : vector<16xi32>
      %swap3A_1048 = arith.constant 1 : i32
      %swap3A_1049 = arith.index_cast %swap3A_1048 : i32 to index
      %swap3A_1050 = arith.constant 96 : index
      %swap3A_1051 = tpu.vector_load %arg6[%swap3A_1049, %swap3A_1050] {strides = array<i32>} : memref<2x128xi32, #tpu.memory_space<vmem>>, vector<1x16xi32>,
      %swap3A_1052 = vector.shape_cast %swap3A_1051 : vector<1x16xi32> to vector<16xi32>
      %swap3A_1053 = vector.shape_cast %add3A_1047 : vector<16xi32> to vector<1x16xi32>
      tpu.vector_store %arg6[%swap3A_1049, %swap3A_1050], %swap3A_1053 {strides = array<i32>} : memref<2x128xi32, #tpu.memory_space<vmem>>, vector<1x16xi32>,
      %get3A_1054 = arith.constant 1 : i32
      %get3A_1055 = arith.index_cast %get3A_1054 : i32 to index
      %get3A_1056 = arith.constant 112 : index
      %get3A_1057 = tpu.vector_load %arg6[%get3A_1055, %get3A_1056] {strides = array<i32>} : memref<2x128xi32, #tpu.memory_space<vmem>>, vector<1x16xi32>,
      %get3A_1058 = vector.shape_cast %get3A_1057 : vector<1x16xi32> to vector<16xi32>
      %add3A_1059 = vector.broadcast %mul3A_858 : i32 to vector<16xi32>
      %add3A_1060 = arith.addi %get3A_1058, %add3A_1059 : vector<16xi32>
      %swap3A_1061 = arith.constant 1 : i32
      %swap3A_1062 = arith.index_cast %swap3A_1061 : i32 to index
      %swap3A_1063 = arith.constant 112 : index
      %swap3A_1064 = tpu.vector_load %arg6[%swap3A_1062, %swap3A_1063] {strides = array<i32>} : memref<2x128xi32, #tpu.memory_space<vmem>>, vector<1x16xi32>,
      %swap3A_1065 = vector.shape_cast %swap3A_1064 : vector<1x16xi32> to vector<16xi32>
      %swap3A_1066 = vector.shape_cast %add3A_1060 : vector<16xi32> to vector<1x16xi32>
      tpu.vector_store %arg6[%swap3A_1062, %swap3A_1063], %swap3A_1066 {strides = array<i32>} : memref<2x128xi32, #tpu.memory_space<vmem>>, vector<1x16xi32>,
      %mul3A_1067 = arith.constant 256 : i32
      %mul3A_1068 = arith.muli %add3A_545, %mul3A_1067 : i32
      %add3A_1069 = arith.addi %mul3A_2, %mul3A_1068 : i32
      %dma_wait3A_1070 = arith.constant 0 : i32
      %dma_wait3A_1071 = tpu.memref_slice %arg4[%add3A_1069, %dma_wait3A_1070] : memref<212992x128xf32, #tpu.memory_space<hbm>> -> memref<256x128xf32, #tpu.memory_space<hbm>>
      %dma_wait3A_1072 = arith.constant 0 : i32
      %dma_wait3A_1073 = tpu.memref_slice %arg4[%add3A_1069, %dma_wait3A_1072] : memref<212992x128xf32, #tpu.memory_space<hbm>> -> memref<256x128xf32, #tpu.memory_space<hbm>>
      tpu.wait_dma2 semaphore(%arg12 : memref<!tpu.dma_semaphore, #tpu.memory_space<semaphore_mem>>) src(%arg8 : memref<256x128xf32, #tpu.memory_space<vmem>>) dst(%dma_wait3A_1073 : memref<256x128xf32, #tpu.memory_space<hbm>>)
      %dma_start3A_1074 = arith.constant 0 : i32
      %dma_start3A_1075 = arith.constant 0 : i32
      %dma_start3A_1076 = arith.constant 0 : i32
      %dma_start3A_1077 = tpu.memref_slice %arg8[%dma_start3A_1075, %dma_start3A_1076] : memref<256x128xf32, #tpu.memory_space<vmem>> -> memref<128x128xf32, #tpu.memory_space<vmem>>
      %dma_start3A_1078 = arith.constant 0 : i32
      %dma_start3A_1079 = tpu.memref_slice %arg6[%dma_start3A_1074, %dma_start3A_1078] : memref<2x128xi32, #tpu.memory_space<vmem>> -> memref<1x128xi32, #tpu.memory_space<vmem>>
      %dma_start3A_1080 = tpu.memref_squeeze %dma_start3A_1079 : memref<1x128xi32, #tpu.memory_space<vmem>> -> memref<128xi32, #tpu.memory_space<vmem>>
      %dma_start3A_1081 = arith.constant 0 : i32
      %dma_start3A_1082 = arith.constant 0 : i32
      %dma_start3A_1083 = tpu.memref_slice %arg3[%dma_start3A_1081, %dma_start3A_1082] : memref<26000x128xf32, #tpu.memory_space<hbm>> -> memref<26000x128xf32, #tpu.memory_space<hbm>>
      tpu.enqueue_indirect_dma source(%dma_start3A_1083 : memref<26000x128xf32, #tpu.memory_space<hbm>>) target(%dma_start3A_1077 : memref<128x128xf32, #tpu.memory_space<vmem>>) offsets(%dma_start3A_1080 : memref<128xi32, #tpu.memory_space<vmem>>) semaphore(%arg10 : memref<!tpu.dma_semaphore, #tpu.memory_space<semaphore_mem>>)
      %dma_start3A_1084 = arith.constant 1 : i32
      %dma_start3A_1085 = arith.constant 128 : i32
      %dma_start3A_1086 = arith.constant 0 : i32
      %dma_start3A_1087 = tpu.memref_slice %arg8[%dma_start3A_1085, %dma_start3A_1086] : memref<256x128xf32, #tpu.memory_space<vmem>> -> memref<128x128xf32, #tpu.memory_space<vmem>>
      %dma_start3A_1088 = arith.constant 0 : i32
      %dma_start3A_1089 = tpu.memref_slice %arg6[%dma_start3A_1084, %dma_start3A_1088] : memref<2x128xi32, #tpu.memory_space<vmem>> -> memref<1x128xi32, #tpu.memory_space<vmem>>
      %dma_start3A_1090 = tpu.memref_squeeze %dma_start3A_1089 : memref<1x128xi32, #tpu.memory_space<vmem>> -> memref<128xi32, #tpu.memory_space<vmem>>
      %dma_start3A_1091 = arith.constant 0 : i32
      %dma_start3A_1092 = arith.constant 0 : i32
      %dma_start3A_1093 = tpu.memref_slice %arg3[%dma_start3A_1091, %dma_start3A_1092] : memref<26000x128xf32, #tpu.memory_space<hbm>> -> memref<26000x128xf32, #tpu.memory_space<hbm>>
      tpu.enqueue_indirect_dma source(%dma_start3A_1093 : memref<26000x128xf32, #tpu.memory_space<hbm>>) target(%dma_start3A_1087 : memref<128x128xf32, #tpu.memory_space<vmem>>) offsets(%dma_start3A_1090 : memref<128xi32, #tpu.memory_space<vmem>>) semaphore(%arg10 : memref<!tpu.dma_semaphore, #tpu.memory_space<semaphore_mem>>)
    }
    %scan3A_477 = arith.constant 12 : i32
    %dma_wait3A = arith.constant 0 : i32
    %dma_wait3A_478 = arith.constant 0 : i32
    %dma_wait3A_479 = arith.constant 0 : i32
    %dma_wait3A_480 = tpu.memref_slice %arg7[%dma_wait3A_478, %dma_wait3A_479] : memref<256x128xf32, #tpu.memory_space<vmem>> -> memref<128x128xf32, #tpu.memory_space<vmem>>
    %dma_wait3A_481 = arith.constant 0 : i32
    %dma_wait3A_482 = tpu.memref_slice %arg5[%dma_wait3A, %dma_wait3A_481] : memref<2x128xi32, #tpu.memory_space<vmem>> -> memref<1x128xi32, #tpu.memory_space<vmem>>
    %dma_wait3A_483 = tpu.memref_squeeze %dma_wait3A_482 : memref<1x128xi32, #tpu.memory_space<vmem>> -> memref<128xi32, #tpu.memory_space<vmem>>
    %dma_wait3A_484 = arith.constant 0 : i32
    %dma_wait3A_485 = arith.constant 0 : i32
    %dma_wait3A_486 = tpu.memref_slice %arg3[%dma_wait3A_484, %dma_wait3A_485] : memref<26000x128xf32, #tpu.memory_space<hbm>> -> memref<26000x128xf32, #tpu.memory_space<hbm>>
    tpu.wait_indirect_dma semaphore(%arg9 : memref<!tpu.dma_semaphore, #tpu.memory_space<semaphore_mem>>) src(%dma_wait3A_486 : memref<26000x128xf32, #tpu.memory_space<hbm>>) dst(%dma_wait3A_480 : memref<128x128xf32, #tpu.memory_space<vmem>>)
    %dma_wait3A_487 = arith.constant 1 : i32
    %dma_wait3A_488 = arith.constant 128 : i32
    %dma_wait3A_489 = arith.constant 0 : i32
    %dma_wait3A_490 = tpu.memref_slice %arg7[%dma_wait3A_488, %dma_wait3A_489] : memref<256x128xf32, #tpu.memory_space<vmem>> -> memref<128x128xf32, #tpu.memory_space<vmem>>
    %dma_wait3A_491 = arith.constant 0 : i32
    %dma_wait3A_492 = tpu.memref_slice %arg5[%dma_wait3A_487, %dma_wait3A_491] : memref<2x128xi32, #tpu.memory_space<vmem>> -> memref<1x128xi32, #tpu.memory_space<vmem>>
    %dma_wait3A_493 = tpu.memref_squeeze %dma_wait3A_492 : memref<1x128xi32, #tpu.memory_space<vmem>> -> memref<128xi32, #tpu.memory_space<vmem>>
    %dma_wait3A_494 = arith.constant 0 : i32
    %dma_wait3A_495 = arith.constant 0 : i32
    %dma_wait3A_496 = tpu.memref_slice %arg3[%dma_wait3A_494, %dma_wait3A_495] : memref<26000x128xf32, #tpu.memory_space<hbm>> -> memref<26000x128xf32, #tpu.memory_space<hbm>>
    tpu.wait_indirect_dma semaphore(%arg9 : memref<!tpu.dma_semaphore, #tpu.memory_space<semaphore_mem>>) src(%dma_wait3A_496 : memref<26000x128xf32, #tpu.memory_space<hbm>>) dst(%dma_wait3A_490 : memref<128x128xf32, #tpu.memory_space<vmem>>)
    %add3A_497 = arith.constant 6144 : i32
    %add3A_498 = arith.addi %mul3A_2, %add3A_497 : i32
    %dma_start3A_499 = arith.constant 0 : i32
    %dma_start3A_500 = tpu.memref_slice %arg4[%add3A_498, %dma_start3A_499] : memref<212992x128xf32, #tpu.memory_space<hbm>> -> memref<256x128xf32, #tpu.memory_space<hbm>>
    %dma_start3A_501 = arith.constant 0 : i32
    %dma_start3A_502 = tpu.memref_slice %arg4[%add3A_498, %dma_start3A_501] : memref<212992x128xf32, #tpu.memory_space<hbm>> -> memref<256x128xf32, #tpu.memory_space<hbm>>
    tpu.enqueue_dma source(%arg7 : memref<256x128xf32, #tpu.memory_space<vmem>>) target(%dma_start3A_502 : memref<256x128xf32, #tpu.memory_space<hbm>>) target_semaphore(%arg11 : memref<!tpu.dma_semaphore, #tpu.memory_space<semaphore_mem>>)
    %dma_wait3A_503 = arith.constant 0 : i32
    %dma_wait3A_504 = arith.constant 0 : i32
    %dma_wait3A_505 = arith.constant 0 : i32
    %dma_wait3A_506 = tpu.memref_slice %arg8[%dma_wait3A_504, %dma_wait3A_505] : memref<256x128xf32, #tpu.memory_space<vmem>> -> memref<128x128xf32, #tpu.memory_space<vmem>>
    %dma_wait3A_507 = arith.constant 0 : i32
    %dma_wait3A_508 = tpu.memref_slice %arg6[%dma_wait3A_503, %dma_wait3A_507] : memref<2x128xi32, #tpu.memory_space<vmem>> -> memref<1x128xi32, #tpu.memory_space<vmem>>
    %dma_wait3A_509 = tpu.memref_squeeze %dma_wait3A_508 : memref<1x128xi32, #tpu.memory_space<vmem>> -> memref<128xi32, #tpu.memory_space<vmem>>
    %dma_wait3A_510 = arith.constant 0 : i32
    %dma_wait3A_511 = arith.constant 0 : i32
    %dma_wait3A_512 = tpu.memref_slice %arg3[%dma_wait3A_510, %dma_wait3A_511] : memref<26000x128xf32, #tpu.memory_space<hbm>> -> memref<26000x128xf32, #tpu.memory_space<hbm>>
    tpu.wait_indirect_dma semaphore(%arg10 : memref<!tpu.dma_semaphore, #tpu.memory_space<semaphore_mem>>) src(%dma_wait3A_512 : memref<26000x128xf32, #tpu.memory_space<hbm>>) dst(%dma_wait3A_506 : memref<128x128xf32, #tpu.memory_space<vmem>>)
    %dma_wait3A_513 = arith.constant 1 : i32
    %dma_wait3A_514 = arith.constant 128 : i32
    %dma_wait3A_515 = arith.constant 0 : i32
    %dma_wait3A_516 = tpu.memref_slice %arg8[%dma_wait3A_514, %dma_wait3A_515] : memref<256x128xf32, #tpu.memory_space<vmem>> -> memref<128x128xf32, #tpu.memory_space<vmem>>
    %dma_wait3A_517 = arith.constant 0 : i32
    %dma_wait3A_518 = tpu.memref_slice %arg6[%dma_wait3A_513, %dma_wait3A_517] : memref<2x128xi32, #tpu.memory_space<vmem>> -> memref<1x128xi32, #tpu.memory_space<vmem>>
    %dma_wait3A_519 = tpu.memref_squeeze %dma_wait3A_518 : memref<1x128xi32, #tpu.memory_space<vmem>> -> memref<128xi32, #tpu.memory_space<vmem>>
    %dma_wait3A_520 = arith.constant 0 : i32
    %dma_wait3A_521 = arith.constant 0 : i32
    %dma_wait3A_522 = tpu.memref_slice %arg3[%dma_wait3A_520, %dma_wait3A_521] : memref<26000x128xf32, #tpu.memory_space<hbm>> -> memref<26000x128xf32, #tpu.memory_space<hbm>>
    tpu.wait_indirect_dma semaphore(%arg10 : memref<!tpu.dma_semaphore, #tpu.memory_space<semaphore_mem>>) src(%dma_wait3A_522 : memref<26000x128xf32, #tpu.memory_space<hbm>>) dst(%dma_wait3A_516 : memref<128x128xf32, #tpu.memory_space<vmem>>)
    %add3A_523 = arith.constant 6400 : i32
    %add3A_524 = arith.addi %mul3A_2, %add3A_523 : i32
    %dma_start3A_525 = arith.constant 0 : i32
    %dma_start3A_526 = tpu.memref_slice %arg4[%add3A_524, %dma_start3A_525] : memref<212992x128xf32, #tpu.memory_space<hbm>> -> memref<256x128xf32, #tpu.memory_space<hbm>>
    %dma_start3A_527 = arith.constant 0 : i32
    %dma_start3A_528 = tpu.memref_slice %arg4[%add3A_524, %dma_start3A_527] : memref<212992x128xf32, #tpu.memory_space<hbm>> -> memref<256x128xf32, #tpu.memory_space<hbm>>
    tpu.enqueue_dma source(%arg8 : memref<256x128xf32, #tpu.memory_space<vmem>>) target(%dma_start3A_528 : memref<256x128xf32, #tpu.memory_space<hbm>>) target_semaphore(%arg12 : memref<!tpu.dma_semaphore, #tpu.memory_space<semaphore_mem>>)
    %add3A_529 = arith.constant 6144 : i32
    %add3A_530 = arith.addi %mul3A_2, %add3A_529 : i32
    %dma_wait3A_531 = arith.constant 0 : i32
    %dma_wait3A_532 = tpu.memref_slice %arg4[%add3A_530, %dma_wait3A_531] : memref<212992x128xf32, #tpu.memory_space<hbm>> -> memref<256x128xf32, #tpu.memory_space<hbm>>
    %dma_wait3A_533 = arith.constant 0 : i32
    %dma_wait3A_534 = tpu.memref_slice %arg4[%add3A_530, %dma_wait3A_533] : memref<212992x128xf32, #tpu.memory_space<hbm>> -> memref<256x128xf32, #tpu.memory_space<hbm>>
    tpu.wait_dma2 semaphore(%arg11 : memref<!tpu.dma_semaphore, #tpu.memory_space<semaphore_mem>>) src(%arg7 : memref<256x128xf32, #tpu.memory_space<vmem>>) dst(%dma_wait3A_534 : memref<256x128xf32, #tpu.memory_space<hbm>>)
    %add3A_535 = arith.constant 6400 : i32
    %add3A_536 = arith.addi %mul3A_2, %add3A_535 : i32
    %dma_wait3A_537 = arith.constant 0 : i32
    %dma_wait3A_538 = tpu.memref_slice %arg4[%add3A_536, %dma_wait3A_537] : memref<212992x128xf32, #tpu.memory_space<hbm>> -> memref<256x128xf32, #tpu.memory_space<hbm>>
    %dma_wait3A_539 = arith.constant 0 : i32
    %dma_wait3A_540 = tpu.memref_slice %arg4[%add3A_536, %dma_wait3A_539] : memref<212992x128xf32, #tpu.memory_space<hbm>> -> memref<256x128xf32, #tpu.memory_space<hbm>>
    tpu.wait_dma2 semaphore(%arg12 : memref<!tpu.dma_semaphore, #tpu.memory_space<semaphore_mem>>) src(%arg8 : memref<256x128xf32, #tpu.memory_space<vmem>>) dst(%dma_wait3A_540 : memref<256x128xf32, #tpu.memory_space<hbm>>)
    return
  }
}

#map = affine_map<(d0, d1) -> (0, 0)>
module attributes {stable_mosaic.version = 14 : i64} {
  func.func @k(%arg0: i32, %arg1: i32, %arg2: memref<1664x128xi32, #tpu.memory_space<hbm>>, %arg3: memref<26000x128xf32, #tpu.memory_space<hbm>>, %arg4: memref<212992x128xf32, #tpu.memory_space<hbm>>, %arg5: memref<2x128xi32, #tpu.memory_space<vmem>>, %arg6: memref<2x128xi32, #tpu.memory_space<vmem>>, %arg7: memref<256x128xf32, #tpu.memory_space<vmem>>, %arg8: memref<256x128xf32, #tpu.memory_space<vmem>>, %arg9: memref<!tpu.dma_semaphore, #tpu.memory_space<semaphore_mem>>, %arg10: memref<!tpu.dma_semaphore, #tpu.memory_space<semaphore_mem>>, %arg11: memref<!tpu.dma_semaphore, #tpu.memory_space<semaphore_mem>>, %arg12: memref<!tpu.dma_semaphore, #tpu.memory_space<semaphore_mem>>) attributes {dimension_semantics = [#tpu.dimension_semantics<core_parallel>, #tpu.dimension_semantics<subcore_parallel>], iteration_bounds = array<i64: 2, 16>, scalar_prefetch = 0 : i64, scratch_operands = 8 : i64, tpu.core_type = #tpu.core_type<sc_vector_subcore>, window_params = [{transform_indices = #map}, {transform_indices = #map}, {transform_indices = #map}]} {
    %mul3A = arith.constant 16 : i32
    %mul3A_0 = arith.muli %arg0, %mul3A : i32
    %add3A = arith.addi %mul3A_0, %arg1 : i32
    %mul3A_1 = arith.constant 6656 : i32
    %mul3A_2 = arith.muli %add3A, %mul3A_1 : i32
    %mul3A_3 = arith.constant 52 : i32
    %mul3A_4 = arith.muli %add3A, %mul3A_3 : i32
    %add3A_5 = arith.constant 0 : i32
    %add3A_6 = arith.addi %mul3A_4, %add3A_5 : i32
    "tpu.region"() ({
      %run_scoped3A = tpu.sem_alloc : memref<!tpu.dma_semaphore, #tpu.memory_space<semaphore_mem>>
      %dma_start3A_541 = arith.constant 0 : i32
      %dma_start3A_542 = tpu.memref_slice %arg2[%add3A_6, %dma_start3A_541] : memref<1664x128xi32, #tpu.memory_space<hbm>> -> memref<2x128xi32, #tpu.memory_space<hbm>>
      %dma_start3A_543 = arith.constant 0 : i32
      %dma_start3A_544 = tpu.memref_slice %arg2[%add3A_6, %dma_start3A_543] : memref<1664x128xi32, #tpu.memory_space<hbm>> -> memref<2x128xi32, #tpu.memory_space<hbm>>
      tpu.enqueue_dma source(%dma_start3A_544 : memref<2x128xi32, #tpu.memory_space<hbm>>) target(%arg5 : memref<2x128xi32, #tpu.memory_space<vmem>>) target_semaphore(%run_scoped3A : memref<!tpu.dma_semaphore, #tpu.memory_space<semaphore_mem>>)
      %dma_wait3A_545 = arith.constant 0 : i32
      %dma_wait3A_546 = tpu.memref_slice %arg2[%add3A_6, %dma_wait3A_545] : memref<1664x128xi32, #tpu.memory_space<hbm>> -> memref<2x128xi32, #tpu.memory_space<hbm>>
      %dma_wait3A_547 = arith.constant 0 : i32
      %dma_wait3A_548 = tpu.memref_slice %arg2[%add3A_6, %dma_wait3A_547] : memref<1664x128xi32, #tpu.memory_space<hbm>> -> memref<2x128xi32, #tpu.memory_space<hbm>>
      tpu.wait_dma2 semaphore(%run_scoped3A : memref<!tpu.dma_semaphore, #tpu.memory_space<semaphore_mem>>) src(%dma_wait3A_548 : memref<2x128xi32, #tpu.memory_space<hbm>>) dst(%arg5 : memref<2x128xi32, #tpu.memory_space<vmem>>)
      tpu.yield
    }) : () -> ()
    %add3A_7 = arith.constant 0 : i32
    %add3A_8 = arith.addi %mul3A_2, %add3A_7 : i32
    %shift_right_logical3A = arith.constant 13 : i32
    %shift_right_logical3A_9 = arith.shrui %add3A_8, %shift_right_logical3A : i32
    %mul3A_10 = arith.constant 1000 : i32
    %mul3A_11 = arith.muli %shift_right_logical3A_9, %mul3A_10 : i32
    %get3A = arith.constant 0 : i32
    %get3A_12 = arith.index_cast %get3A : i32 to index
    %get3A_13 = arith.constant 0 : index
    %get3A_14 = tpu.vector_load %arg5[%get3A_12, %get3A_13] {strides = array<i32>} : memref<2x128xi32, #tpu.memory_space<vmem>>, vector<1x16xi32>,
    %get3A_15 = vector.shape_cast %get3A_14 : vector<1x16xi32> to vector<16xi32>
    %add3A_16 = vector.broadcast %mul3A_11 : i32 to vector<16xi32>
    %add3A_17 = arith.addi %get3A_15, %add3A_16 : vector<16xi32>
    %swap3A = arith.constant 0 : i32
    %swap3A_18 = arith.index_cast %swap3A : i32 to index
    %swap3A_19 = arith.constant 0 : index
    %swap3A_20 = tpu.vector_load %arg5[%swap3A_18, %swap3A_19] {strides = array<i32>} : memref<2x128xi32, #tpu.memory_space<vmem>>, vector<1x16xi32>,
    %swap3A_21 = vector.shape_cast %swap3A_20 : vector<1x16xi32> to vector<16xi32>
    %swap3A_22 = vector.shape_cast %add3A_17 : vector<16xi32> to vector<1x16xi32>
    tpu.vector_store %arg5[%swap3A_18, %swap3A_19], %swap3A_22 {strides = array<i32>} : memref<2x128xi32, #tpu.memory_space<vmem>>, vector<1x16xi32>,
    %get3A_23 = arith.constant 0 : i32
    %get3A_24 = arith.index_cast %get3A_23 : i32 to index
    %get3A_25 = arith.constant 16 : index
    %get3A_26 = tpu.vector_load %arg5[%get3A_24, %get3A_25] {strides = array<i32>} : memref<2x128xi32, #tpu.memory_space<vmem>>, vector<1x16xi32>,
    %get3A_27 = vector.shape_cast %get3A_26 : vector<1x16xi32> to vector<16xi32>
    %add3A_28 = vector.broadcast %mul3A_11 : i32 to vector<16xi32>
    %add3A_29 = arith.addi %get3A_27, %add3A_28 : vector<16xi32>
    %swap3A_30 = arith.constant 0 : i32
    %swap3A_31 = arith.index_cast %swap3A_30 : i32 to index
    %swap3A_32 = arith.constant 16 : index
    %swap3A_33 = tpu.vector_load %arg5[%swap3A_31, %swap3A_32] {strides = array<i32>} : memref<2x128xi32, #tpu.memory_space<vmem>>, vector<1x16xi32>,
    %swap3A_34 = vector.shape_cast %swap3A_33 : vector<1x16xi32> to vector<16xi32>
    %swap3A_35 = vector.shape_cast %add3A_29 : vector<16xi32> to vector<1x16xi32>
    tpu.vector_store %arg5[%swap3A_31, %swap3A_32], %swap3A_35 {strides = array<i32>} : memref<2x128xi32, #tpu.memory_space<vmem>>, vector<1x16xi32>,
    %get3A_36 = arith.constant 0 : i32
    %get3A_37 = arith.index_cast %get3A_36 : i32 to index
    %get3A_38 = arith.constant 32 : index
    %get3A_39 = tpu.vector_load %arg5[%get3A_37, %get3A_38] {strides = array<i32>} : memref<2x128xi32, #tpu.memory_space<vmem>>, vector<1x16xi32>,
    %get3A_40 = vector.shape_cast %get3A_39 : vector<1x16xi32> to vector<16xi32>
    %add3A_41 = vector.broadcast %mul3A_11 : i32 to vector<16xi32>
    %add3A_42 = arith.addi %get3A_40, %add3A_41 : vector<16xi32>
    %swap3A_43 = arith.constant 0 : i32
    %swap3A_44 = arith.index_cast %swap3A_43 : i32 to index
    %swap3A_45 = arith.constant 32 : index
    %swap3A_46 = tpu.vector_load %arg5[%swap3A_44, %swap3A_45] {strides = array<i32>} : memref<2x128xi32, #tpu.memory_space<vmem>>, vector<1x16xi32>,
    %swap3A_47 = vector.shape_cast %swap3A_46 : vector<1x16xi32> to vector<16xi32>
    %swap3A_48 = vector.shape_cast %add3A_42 : vector<16xi32> to vector<1x16xi32>
    tpu.vector_store %arg5[%swap3A_44, %swap3A_45], %swap3A_48 {strides = array<i32>} : memref<2x128xi32, #tpu.memory_space<vmem>>, vector<1x16xi32>,
    %get3A_49 = arith.constant 0 : i32
    %get3A_50 = arith.index_cast %get3A_49 : i32 to index
    %get3A_51 = arith.constant 48 : index
    %get3A_52 = tpu.vector_load %arg5[%get3A_50, %get3A_51] {strides = array<i32>} : memref<2x128xi32, #tpu.memory_space<vmem>>, vector<1x16xi32>,
    %get3A_53 = vector.shape_cast %get3A_52 : vector<1x16xi32> to vector<16xi32>
    %add3A_54 = vector.broadcast %mul3A_11 : i32 to vector<16xi32>
    %add3A_55 = arith.addi %get3A_53, %add3A_54 : vector<16xi32>
    %swap3A_56 = arith.constant 0 : i32
    %swap3A_57 = arith.index_cast %swap3A_56 : i32 to index
    %swap3A_58 = arith.constant 48 : index
    %swap3A_59 = tpu.vector_load %arg5[%swap3A_57, %swap3A_58] {strides = array<i32>} : memref<2x128xi32, #tpu.memory_space<vmem>>, vector<1x16xi32>,
    %swap3A_60 = vector.shape_cast %swap3A_59 : vector<1x16xi32> to vector<16xi32>
    %swap3A_61 = vector.shape_cast %add3A_55 : vector<16xi32> to vector<1x16xi32>
    tpu.vector_store %arg5[%swap3A_57, %swap3A_58], %swap3A_61 {strides = array<i32>} : memref<2x128xi32, #tpu.memory_space<vmem>>, vector<1x16xi32>,
    %get3A_62 = arith.constant 0 : i32
    %get3A_63 = arith.index_cast %get3A_62 : i32 to index
    %get3A_64 = arith.constant 64 : index
    %get3A_65 = tpu.vector_load %arg5[%get3A_63, %get3A_64] {strides = array<i32>} : memref<2x128xi32, #tpu.memory_space<vmem>>, vector<1x16xi32>,
    %get3A_66 = vector.shape_cast %get3A_65 : vector<1x16xi32> to vector<16xi32>
    %add3A_67 = vector.broadcast %mul3A_11 : i32 to vector<16xi32>
    %add3A_68 = arith.addi %get3A_66, %add3A_67 : vector<16xi32>
    %swap3A_69 = arith.constant 0 : i32
    %swap3A_70 = arith.index_cast %swap3A_69 : i32 to index
    %swap3A_71 = arith.constant 64 : index
    %swap3A_72 = tpu.vector_load %arg5[%swap3A_70, %swap3A_71] {strides = array<i32>} : memref<2x128xi32, #tpu.memory_space<vmem>>, vector<1x16xi32>,
    %swap3A_73 = vector.shape_cast %swap3A_72 : vector<1x16xi32> to vector<16xi32>
    %swap3A_74 = vector.shape_cast %add3A_68 : vector<16xi32> to vector<1x16xi32>
    tpu.vector_store %arg5[%swap3A_70, %swap3A_71], %swap3A_74 {strides = array<i32>} : memref<2x128xi32, #tpu.memory_space<vmem>>, vector<1x16xi32>,
    %get3A_75 = arith.constant 0 : i32
    %get3A_76 = arith.index_cast %get3A_75 : i32 to index
    %get3A_77 = arith.constant 80 : index
    %get3A_78 = tpu.vector_load %arg5[%get3A_76, %get3A_77] {strides = array<i32>} : memref<2x128xi32, #tpu.memory_space<vmem>>, vector<1x16xi32>,
    %get3A_79 = vector.shape_cast %get3A_78 : vector<1x16xi32> to vector<16xi32>
    %add3A_80 = vector.broadcast %mul3A_11 : i32 to vector<16xi32>
    %add3A_81 = arith.addi %get3A_79, %add3A_80 : vector<16xi32>
    %swap3A_82 = arith.constant 0 : i32
    %swap3A_83 = arith.index_cast %swap3A_82 : i32 to index
    %swap3A_84 = arith.constant 80 : index
    %swap3A_85 = tpu.vector_load %arg5[%swap3A_83, %swap3A_84] {strides = array<i32>} : memref<2x128xi32, #tpu.memory_space<vmem>>, vector<1x16xi32>,
    %swap3A_86 = vector.shape_cast %swap3A_85 : vector<1x16xi32> to vector<16xi32>
    %swap3A_87 = vector.shape_cast %add3A_81 : vector<16xi32> to vector<1x16xi32>
    tpu.vector_store %arg5[%swap3A_83, %swap3A_84], %swap3A_87 {strides = array<i32>} : memref<2x128xi32, #tpu.memory_space<vmem>>, vector<1x16xi32>,
    %get3A_88 = arith.constant 0 : i32
    %get3A_89 = arith.index_cast %get3A_88 : i32 to index
    %get3A_90 = arith.constant 96 : index
    %get3A_91 = tpu.vector_load %arg5[%get3A_89, %get3A_90] {strides = array<i32>} : memref<2x128xi32, #tpu.memory_space<vmem>>, vector<1x16xi32>,
    %get3A_92 = vector.shape_cast %get3A_91 : vector<1x16xi32> to vector<16xi32>
    %add3A_93 = vector.broadcast %mul3A_11 : i32 to vector<16xi32>
    %add3A_94 = arith.addi %get3A_92, %add3A_93 : vector<16xi32>
    %swap3A_95 = arith.constant 0 : i32
    %swap3A_96 = arith.index_cast %swap3A_95 : i32 to index
    %swap3A_97 = arith.constant 96 : index
    %swap3A_98 = tpu.vector_load %arg5[%swap3A_96, %swap3A_97] {strides = array<i32>} : memref<2x128xi32, #tpu.memory_space<vmem>>, vector<1x16xi32>,
    %swap3A_99 = vector.shape_cast %swap3A_98 : vector<1x16xi32> to vector<16xi32>
    %swap3A_100 = vector.shape_cast %add3A_94 : vector<16xi32> to vector<1x16xi32>
    tpu.vector_store %arg5[%swap3A_96, %swap3A_97], %swap3A_100 {strides = array<i32>} : memref<2x128xi32, #tpu.memory_space<vmem>>, vector<1x16xi32>,
    %get3A_101 = arith.constant 0 : i32
    %get3A_102 = arith.index_cast %get3A_101 : i32 to index
    %get3A_103 = arith.constant 112 : index
    %get3A_104 = tpu.vector_load %arg5[%get3A_102, %get3A_103] {strides = array<i32>} : memref<2x128xi32, #tpu.memory_space<vmem>>, vector<1x16xi32>,
    %get3A_105 = vector.shape_cast %get3A_104 : vector<1x16xi32> to vector<16xi32>
    %add3A_106 = vector.broadcast %mul3A_11 : i32 to vector<16xi32>
    %add3A_107 = arith.addi %get3A_105, %add3A_106 : vector<16xi32>
    %swap3A_108 = arith.constant 0 : i32
    %swap3A_109 = arith.index_cast %swap3A_108 : i32 to index
    %swap3A_110 = arith.constant 112 : index
    %swap3A_111 = tpu.vector_load %arg5[%swap3A_109, %swap3A_110] {strides = array<i32>} : memref<2x128xi32, #tpu.memory_space<vmem>>, vector<1x16xi32>,
    %swap3A_112 = vector.shape_cast %swap3A_111 : vector<1x16xi32> to vector<16xi32>
    %swap3A_113 = vector.shape_cast %add3A_107 : vector<16xi32> to vector<1x16xi32>
    tpu.vector_store %arg5[%swap3A_109, %swap3A_110], %swap3A_113 {strides = array<i32>} : memref<2x128xi32, #tpu.memory_space<vmem>>, vector<1x16xi32>,
    %get3A_114 = arith.constant 1 : i32
    %get3A_115 = arith.index_cast %get3A_114 : i32 to index
    %get3A_116 = arith.constant 0 : index
    %get3A_117 = tpu.vector_load %arg5[%get3A_115, %get3A_116] {strides = array<i32>} : memref<2x128xi32, #tpu.memory_space<vmem>>, vector<1x16xi32>,
    %get3A_118 = vector.shape_cast %get3A_117 : vector<1x16xi32> to vector<16xi32>
    %add3A_119 = vector.broadcast %mul3A_11 : i32 to vector<16xi32>
    %add3A_120 = arith.addi %get3A_118, %add3A_119 : vector<16xi32>
    %swap3A_121 = arith.constant 1 : i32
    %swap3A_122 = arith.index_cast %swap3A_121 : i32 to index
    %swap3A_123 = arith.constant 0 : index
    %swap3A_124 = tpu.vector_load %arg5[%swap3A_122, %swap3A_123] {strides = array<i32>} : memref<2x128xi32, #tpu.memory_space<vmem>>, vector<1x16xi32>,
    %swap3A_125 = vector.shape_cast %swap3A_124 : vector<1x16xi32> to vector<16xi32>
    %swap3A_126 = vector.shape_cast %add3A_120 : vector<16xi32> to vector<1x16xi32>
    tpu.vector_store %arg5[%swap3A_122, %swap3A_123], %swap3A_126 {strides = array<i32>} : memref<2x128xi32, #tpu.memory_space<vmem>>, vector<1x16xi32>,
    %get3A_127 = arith.constant 1 : i32
    %get3A_128 = arith.index_cast %get3A_127 : i32 to index
    %get3A_129 = arith.constant 16 : index
    %get3A_130 = tpu.vector_load %arg5[%get3A_128, %get3A_129] {strides = array<i32>} : memref<2x128xi32, #tpu.memory_space<vmem>>, vector<1x16xi32>,
    %get3A_131 = vector.shape_cast %get3A_130 : vector<1x16xi32> to vector<16xi32>
    %add3A_132 = vector.broadcast %mul3A_11 : i32 to vector<16xi32>
    %add3A_133 = arith.addi %get3A_131, %add3A_132 : vector<16xi32>
    %swap3A_134 = arith.constant 1 : i32
    %swap3A_135 = arith.index_cast %swap3A_134 : i32 to index
    %swap3A_136 = arith.constant 16 : index
    %swap3A_137 = tpu.vector_load %arg5[%swap3A_135, %swap3A_136] {strides = array<i32>} : memref<2x128xi32, #tpu.memory_space<vmem>>, vector<1x16xi32>,
    %swap3A_138 = vector.shape_cast %swap3A_137 : vector<1x16xi32> to vector<16xi32>
    %swap3A_139 = vector.shape_cast %add3A_133 : vector<16xi32> to vector<1x16xi32>
    tpu.vector_store %arg5[%swap3A_135, %swap3A_136], %swap3A_139 {strides = array<i32>} : memref<2x128xi32, #tpu.memory_space<vmem>>, vector<1x16xi32>,
    %get3A_140 = arith.constant 1 : i32
    %get3A_141 = arith.index_cast %get3A_140 : i32 to index
    %get3A_142 = arith.constant 32 : index
    %get3A_143 = tpu.vector_load %arg5[%get3A_141, %get3A_142] {strides = array<i32>} : memref<2x128xi32, #tpu.memory_space<vmem>>, vector<1x16xi32>,
    %get3A_144 = vector.shape_cast %get3A_143 : vector<1x16xi32> to vector<16xi32>
    %add3A_145 = vector.broadcast %mul3A_11 : i32 to vector<16xi32>
    %add3A_146 = arith.addi %get3A_144, %add3A_145 : vector<16xi32>
    %swap3A_147 = arith.constant 1 : i32
    %swap3A_148 = arith.index_cast %swap3A_147 : i32 to index
    %swap3A_149 = arith.constant 32 : index
    %swap3A_150 = tpu.vector_load %arg5[%swap3A_148, %swap3A_149] {strides = array<i32>} : memref<2x128xi32, #tpu.memory_space<vmem>>, vector<1x16xi32>,
    %swap3A_151 = vector.shape_cast %swap3A_150 : vector<1x16xi32> to vector<16xi32>
    %swap3A_152 = vector.shape_cast %add3A_146 : vector<16xi32> to vector<1x16xi32>
    tpu.vector_store %arg5[%swap3A_148, %swap3A_149], %swap3A_152 {strides = array<i32>} : memref<2x128xi32, #tpu.memory_space<vmem>>, vector<1x16xi32>,
    %get3A_153 = arith.constant 1 : i32
    %get3A_154 = arith.index_cast %get3A_153 : i32 to index
    %get3A_155 = arith.constant 48 : index
    %get3A_156 = tpu.vector_load %arg5[%get3A_154, %get3A_155] {strides = array<i32>} : memref<2x128xi32, #tpu.memory_space<vmem>>, vector<1x16xi32>,
    %get3A_157 = vector.shape_cast %get3A_156 : vector<1x16xi32> to vector<16xi32>
    %add3A_158 = vector.broadcast %mul3A_11 : i32 to vector<16xi32>
    %add3A_159 = arith.addi %get3A_157, %add3A_158 : vector<16xi32>
    %swap3A_160 = arith.constant 1 : i32
    %swap3A_161 = arith.index_cast %swap3A_160 : i32 to index
    %swap3A_162 = arith.constant 48 : index
    %swap3A_163 = tpu.vector_load %arg5[%swap3A_161, %swap3A_162] {strides = array<i32>} : memref<2x128xi32, #tpu.memory_space<vmem>>, vector<1x16xi32>,
    %swap3A_164 = vector.shape_cast %swap3A_163 : vector<1x16xi32> to vector<16xi32>
    %swap3A_165 = vector.shape_cast %add3A_159 : vector<16xi32> to vector<1x16xi32>
    tpu.vector_store %arg5[%swap3A_161, %swap3A_162], %swap3A_165 {strides = array<i32>} : memref<2x128xi32, #tpu.memory_space<vmem>>, vector<1x16xi32>,
    %get3A_166 = arith.constant 1 : i32
    %get3A_167 = arith.index_cast %get3A_166 : i32 to index
    %get3A_168 = arith.constant 64 : index
    %get3A_169 = tpu.vector_load %arg5[%get3A_167, %get3A_168] {strides = array<i32>} : memref<2x128xi32, #tpu.memory_space<vmem>>, vector<1x16xi32>,
    %get3A_170 = vector.shape_cast %get3A_169 : vector<1x16xi32> to vector<16xi32>
    %add3A_171 = vector.broadcast %mul3A_11 : i32 to vector<16xi32>
    %add3A_172 = arith.addi %get3A_170, %add3A_171 : vector<16xi32>
    %swap3A_173 = arith.constant 1 : i32
    %swap3A_174 = arith.index_cast %swap3A_173 : i32 to index
    %swap3A_175 = arith.constant 64 : index
    %swap3A_176 = tpu.vector_load %arg5[%swap3A_174, %swap3A_175] {strides = array<i32>} : memref<2x128xi32, #tpu.memory_space<vmem>>, vector<1x16xi32>,
    %swap3A_177 = vector.shape_cast %swap3A_176 : vector<1x16xi32> to vector<16xi32>
    %swap3A_178 = vector.shape_cast %add3A_172 : vector<16xi32> to vector<1x16xi32>
    tpu.vector_store %arg5[%swap3A_174, %swap3A_175], %swap3A_178 {strides = array<i32>} : memref<2x128xi32, #tpu.memory_space<vmem>>, vector<1x16xi32>,
    %get3A_179 = arith.constant 1 : i32
    %get3A_180 = arith.index_cast %get3A_179 : i32 to index
    %get3A_181 = arith.constant 80 : index
    %get3A_182 = tpu.vector_load %arg5[%get3A_180, %get3A_181] {strides = array<i32>} : memref<2x128xi32, #tpu.memory_space<vmem>>, vector<1x16xi32>,
    %get3A_183 = vector.shape_cast %get3A_182 : vector<1x16xi32> to vector<16xi32>
    %add3A_184 = vector.broadcast %mul3A_11 : i32 to vector<16xi32>
    %add3A_185 = arith.addi %get3A_183, %add3A_184 : vector<16xi32>
    %swap3A_186 = arith.constant 1 : i32
    %swap3A_187 = arith.index_cast %swap3A_186 : i32 to index
    %swap3A_188 = arith.constant 80 : index
    %swap3A_189 = tpu.vector_load %arg5[%swap3A_187, %swap3A_188] {strides = array<i32>} : memref<2x128xi32, #tpu.memory_space<vmem>>, vector<1x16xi32>,
    %swap3A_190 = vector.shape_cast %swap3A_189 : vector<1x16xi32> to vector<16xi32>
    %swap3A_191 = vector.shape_cast %add3A_185 : vector<16xi32> to vector<1x16xi32>
    tpu.vector_store %arg5[%swap3A_187, %swap3A_188], %swap3A_191 {strides = array<i32>} : memref<2x128xi32, #tpu.memory_space<vmem>>, vector<1x16xi32>,
    %get3A_192 = arith.constant 1 : i32
    %get3A_193 = arith.index_cast %get3A_192 : i32 to index
    %get3A_194 = arith.constant 96 : index
    %get3A_195 = tpu.vector_load %arg5[%get3A_193, %get3A_194] {strides = array<i32>} : memref<2x128xi32, #tpu.memory_space<vmem>>, vector<1x16xi32>,
    %get3A_196 = vector.shape_cast %get3A_195 : vector<1x16xi32> to vector<16xi32>
    %add3A_197 = vector.broadcast %mul3A_11 : i32 to vector<16xi32>
    %add3A_198 = arith.addi %get3A_196, %add3A_197 : vector<16xi32>
    %swap3A_199 = arith.constant 1 : i32
    %swap3A_200 = arith.index_cast %swap3A_199 : i32 to index
    %swap3A_201 = arith.constant 96 : index
    %swap3A_202 = tpu.vector_load %arg5[%swap3A_200, %swap3A_201] {strides = array<i32>} : memref<2x128xi32, #tpu.memory_space<vmem>>, vector<1x16xi32>,
    %swap3A_203 = vector.shape_cast %swap3A_202 : vector<1x16xi32> to vector<16xi32>
    %swap3A_204 = vector.shape_cast %add3A_198 : vector<16xi32> to vector<1x16xi32>
    tpu.vector_store %arg5[%swap3A_200, %swap3A_201], %swap3A_204 {strides = array<i32>} : memref<2x128xi32, #tpu.memory_space<vmem>>, vector<1x16xi32>,
    %get3A_205 = arith.constant 1 : i32
    %get3A_206 = arith.index_cast %get3A_205 : i32 to index
    %get3A_207 = arith.constant 112 : index
    %get3A_208 = tpu.vector_load %arg5[%get3A_206, %get3A_207] {strides = array<i32>} : memref<2x128xi32, #tpu.memory_space<vmem>>, vector<1x16xi32>,
    %get3A_209 = vector.shape_cast %get3A_208 : vector<1x16xi32> to vector<16xi32>
    %add3A_210 = vector.broadcast %mul3A_11 : i32 to vector<16xi32>
    %add3A_211 = arith.addi %get3A_209, %add3A_210 : vector<16xi32>
    %swap3A_212 = arith.constant 1 : i32
    %swap3A_213 = arith.index_cast %swap3A_212 : i32 to index
    %swap3A_214 = arith.constant 112 : index
    %swap3A_215 = tpu.vector_load %arg5[%swap3A_213, %swap3A_214] {strides = array<i32>} : memref<2x128xi32, #tpu.memory_space<vmem>>, vector<1x16xi32>,
    %swap3A_216 = vector.shape_cast %swap3A_215 : vector<1x16xi32> to vector<16xi32>
    %swap3A_217 = vector.shape_cast %add3A_211 : vector<16xi32> to vector<1x16xi32>
    tpu.vector_store %arg5[%swap3A_213, %swap3A_214], %swap3A_217 {strides = array<i32>} : memref<2x128xi32, #tpu.memory_space<vmem>>, vector<1x16xi32>,
    %dma_start3A = arith.constant 0 : i32
    %dma_start3A_218 = arith.constant 0 : i32
    %dma_start3A_219 = arith.constant 0 : i32
    %dma_start3A_220 = tpu.memref_slice %arg7[%dma_start3A_218, %dma_start3A_219] : memref<256x128xf32, #tpu.memory_space<vmem>> -> memref<128x128xf32, #tpu.memory_space<vmem>>
    %dma_start3A_221 = arith.constant 0 : i32
    %dma_start3A_222 = tpu.memref_slice %arg5[%dma_start3A, %dma_start3A_221] : memref<2x128xi32, #tpu.memory_space<vmem>> -> memref<1x128xi32, #tpu.memory_space<vmem>>
    %dma_start3A_223 = tpu.memref_squeeze %dma_start3A_222 : memref<1x128xi32, #tpu.memory_space<vmem>> -> memref<128xi32, #tpu.memory_space<vmem>>
    %dma_start3A_224 = arith.constant 0 : i32
    %dma_start3A_225 = arith.constant 0 : i32
    %dma_start3A_226 = tpu.memref_slice %arg3[%dma_start3A_224, %dma_start3A_225] : memref<26000x128xf32, #tpu.memory_space<hbm>> -> memref<26000x128xf32, #tpu.memory_space<hbm>>
    tpu.enqueue_indirect_dma source(%dma_start3A_226 : memref<26000x128xf32, #tpu.memory_space<hbm>>) target(%dma_start3A_220 : memref<128x128xf32, #tpu.memory_space<vmem>>) offsets(%dma_start3A_223 : memref<128xi32, #tpu.memory_space<vmem>>) semaphore(%arg9 : memref<!tpu.dma_semaphore, #tpu.memory_space<semaphore_mem>>)
    %dma_start3A_227 = arith.constant 1 : i32
    %dma_start3A_228 = arith.constant 128 : i32
    %dma_start3A_229 = arith.constant 0 : i32
    %dma_start3A_230 = tpu.memref_slice %arg7[%dma_start3A_228, %dma_start3A_229] : memref<256x128xf32, #tpu.memory_space<vmem>> -> memref<128x128xf32, #tpu.memory_space<vmem>>
    %dma_start3A_231 = arith.constant 0 : i32
    %dma_start3A_232 = tpu.memref_slice %arg5[%dma_start3A_227, %dma_start3A_231] : memref<2x128xi32, #tpu.memory_space<vmem>> -> memref<1x128xi32, #tpu.memory_space<vmem>>
    %dma_start3A_233 = tpu.memref_squeeze %dma_start3A_232 : memref<1x128xi32, #tpu.memory_space<vmem>> -> memref<128xi32, #tpu.memory_space<vmem>>
    %dma_start3A_234 = arith.constant 0 : i32
    %dma_start3A_235 = arith.constant 0 : i32
    %dma_start3A_236 = tpu.memref_slice %arg3[%dma_start3A_234, %dma_start3A_235] : memref<26000x128xf32, #tpu.memory_space<hbm>> -> memref<26000x128xf32, #tpu.memory_space<hbm>>
    tpu.enqueue_indirect_dma source(%dma_start3A_236 : memref<26000x128xf32, #tpu.memory_space<hbm>>) target(%dma_start3A_230 : memref<128x128xf32, #tpu.memory_space<vmem>>) offsets(%dma_start3A_233 : memref<128xi32, #tpu.memory_space<vmem>>) semaphore(%arg9 : memref<!tpu.dma_semaphore, #tpu.memory_space<semaphore_mem>>)
    %add3A_237 = arith.constant 2 : i32
    %add3A_238 = arith.addi %mul3A_4, %add3A_237 : i32
    "tpu.region"() ({
      %run_scoped3A = tpu.sem_alloc : memref<!tpu.dma_semaphore, #tpu.memory_space<semaphore_mem>>
      %dma_start3A_541 = arith.constant 0 : i32
      %dma_start3A_542 = tpu.memref_slice %arg2[%add3A_238, %dma_start3A_541] : memref<1664x128xi32, #tpu.memory_space<hbm>> -> memref<2x128xi32, #tpu.memory_space<hbm>>
      %dma_start3A_543 = arith.constant 0 : i32
      %dma_start3A_544 = tpu.memref_slice %arg2[%add3A_238, %dma_start3A_543] : memref<1664x128xi32, #tpu.memory_space<hbm>> -> memref<2x128xi32, #tpu.memory_space<hbm>>
      tpu.enqueue_dma source(%dma_start3A_544 : memref<2x128xi32, #tpu.memory_space<hbm>>) target(%arg6 : memref<2x128xi32, #tpu.memory_space<vmem>>) target_semaphore(%run_scoped3A : memref<!tpu.dma_semaphore, #tpu.memory_space<semaphore_mem>>)
      %dma_wait3A_545 = arith.constant 0 : i32
      %dma_wait3A_546 = tpu.memref_slice %arg2[%add3A_238, %dma_wait3A_545] : memref<1664x128xi32, #tpu.memory_space<hbm>> -> memref<2x128xi32, #tpu.memory_space<hbm>>
      %dma_wait3A_547 = arith.constant 0 : i32
      %dma_wait3A_548 = tpu.memref_slice %arg2[%add3A_238, %dma_wait3A_547] : memref<1664x128xi32, #tpu.memory_space<hbm>> -> memref<2x128xi32, #tpu.memory_space<hbm>>
      tpu.wait_dma2 semaphore(%run_scoped3A : memref<!tpu.dma_semaphore, #tpu.memory_space<semaphore_mem>>) src(%dma_wait3A_548 : memref<2x128xi32, #tpu.memory_space<hbm>>) dst(%arg6 : memref<2x128xi32, #tpu.memory_space<vmem>>)
      tpu.yield
    }) : () -> ()
    %add3A_239 = arith.constant 256 : i32
    %add3A_240 = arith.addi %mul3A_2, %add3A_239 : i32
    %shift_right_logical3A_241 = arith.constant 13 : i32
    %shift_right_logical3A_242 = arith.shrui %add3A_240, %shift_right_logical3A_241 : i32
    %mul3A_243 = arith.constant 1000 : i32
    %mul3A_244 = arith.muli %shift_right_logical3A_242, %mul3A_243 : i32
    %get3A_245 = arith.constant 0 : i32
    %get3A_246 = arith.index_cast %get3A_245 : i32 to index
    %get3A_247 = arith.constant 0 : index
    %get3A_248 = tpu.vector_load %arg6[%get3A_246, %get3A_247] {strides = array<i32>} : memref<2x128xi32, #tpu.memory_space<vmem>>, vector<1x16xi32>,
    %get3A_249 = vector.shape_cast %get3A_248 : vector<1x16xi32> to vector<16xi32>
    %add3A_250 = vector.broadcast %mul3A_244 : i32 to vector<16xi32>
    %add3A_251 = arith.addi %get3A_249, %add3A_250 : vector<16xi32>
    %swap3A_252 = arith.constant 0 : i32
    %swap3A_253 = arith.index_cast %swap3A_252 : i32 to index
    %swap3A_254 = arith.constant 0 : index
    %swap3A_255 = tpu.vector_load %arg6[%swap3A_253, %swap3A_254] {strides = array<i32>} : memref<2x128xi32, #tpu.memory_space<vmem>>, vector<1x16xi32>,
    %swap3A_256 = vector.shape_cast %swap3A_255 : vector<1x16xi32> to vector<16xi32>
    %swap3A_257 = vector.shape_cast %add3A_251 : vector<16xi32> to vector<1x16xi32>
    tpu.vector_store %arg6[%swap3A_253, %swap3A_254], %swap3A_257 {strides = array<i32>} : memref<2x128xi32, #tpu.memory_space<vmem>>, vector<1x16xi32>,
    %get3A_258 = arith.constant 0 : i32
    %get3A_259 = arith.index_cast %get3A_258 : i32 to index
    %get3A_260 = arith.constant 16 : index
    %get3A_261 = tpu.vector_load %arg6[%get3A_259, %get3A_260] {strides = array<i32>} : memref<2x128xi32, #tpu.memory_space<vmem>>, vector<1x16xi32>,
    %get3A_262 = vector.shape_cast %get3A_261 : vector<1x16xi32> to vector<16xi32>
    %add3A_263 = vector.broadcast %mul3A_244 : i32 to vector<16xi32>
    %add3A_264 = arith.addi %get3A_262, %add3A_263 : vector<16xi32>
    %swap3A_265 = arith.constant 0 : i32
    %swap3A_266 = arith.index_cast %swap3A_265 : i32 to index
    %swap3A_267 = arith.constant 16 : index
    %swap3A_268 = tpu.vector_load %arg6[%swap3A_266, %swap3A_267] {strides = array<i32>} : memref<2x128xi32, #tpu.memory_space<vmem>>, vector<1x16xi32>,
    %swap3A_269 = vector.shape_cast %swap3A_268 : vector<1x16xi32> to vector<16xi32>
    %swap3A_270 = vector.shape_cast %add3A_264 : vector<16xi32> to vector<1x16xi32>
    tpu.vector_store %arg6[%swap3A_266, %swap3A_267], %swap3A_270 {strides = array<i32>} : memref<2x128xi32, #tpu.memory_space<vmem>>, vector<1x16xi32>,
    %get3A_271 = arith.constant 0 : i32
    %get3A_272 = arith.index_cast %get3A_271 : i32 to index
    %get3A_273 = arith.constant 32 : index
    %get3A_274 = tpu.vector_load %arg6[%get3A_272, %get3A_273] {strides = array<i32>} : memref<2x128xi32, #tpu.memory_space<vmem>>, vector<1x16xi32>,
    %get3A_275 = vector.shape_cast %get3A_274 : vector<1x16xi32> to vector<16xi32>
    %add3A_276 = vector.broadcast %mul3A_244 : i32 to vector<16xi32>
    %add3A_277 = arith.addi %get3A_275, %add3A_276 : vector<16xi32>
    %swap3A_278 = arith.constant 0 : i32
    %swap3A_279 = arith.index_cast %swap3A_278 : i32 to index
    %swap3A_280 = arith.constant 32 : index
    %swap3A_281 = tpu.vector_load %arg6[%swap3A_279, %swap3A_280] {strides = array<i32>} : memref<2x128xi32, #tpu.memory_space<vmem>>, vector<1x16xi32>,
    %swap3A_282 = vector.shape_cast %swap3A_281 : vector<1x16xi32> to vector<16xi32>
    %swap3A_283 = vector.shape_cast %add3A_277 : vector<16xi32> to vector<1x16xi32>
    tpu.vector_store %arg6[%swap3A_279, %swap3A_280], %swap3A_283 {strides = array<i32>} : memref<2x128xi32, #tpu.memory_space<vmem>>, vector<1x16xi32>,
    %get3A_284 = arith.constant 0 : i32
    %get3A_285 = arith.index_cast %get3A_284 : i32 to index
    %get3A_286 = arith.constant 48 : index
    %get3A_287 = tpu.vector_load %arg6[%get3A_285, %get3A_286] {strides = array<i32>} : memref<2x128xi32, #tpu.memory_space<vmem>>, vector<1x16xi32>,
    %get3A_288 = vector.shape_cast %get3A_287 : vector<1x16xi32> to vector<16xi32>
    %add3A_289 = vector.broadcast %mul3A_244 : i32 to vector<16xi32>
    %add3A_290 = arith.addi %get3A_288, %add3A_289 : vector<16xi32>
    %swap3A_291 = arith.constant 0 : i32
    %swap3A_292 = arith.index_cast %swap3A_291 : i32 to index
    %swap3A_293 = arith.constant 48 : index
    %swap3A_294 = tpu.vector_load %arg6[%swap3A_292, %swap3A_293] {strides = array<i32>} : memref<2x128xi32, #tpu.memory_space<vmem>>, vector<1x16xi32>,
    %swap3A_295 = vector.shape_cast %swap3A_294 : vector<1x16xi32> to vector<16xi32>
    %swap3A_296 = vector.shape_cast %add3A_290 : vector<16xi32> to vector<1x16xi32>
    tpu.vector_store %arg6[%swap3A_292, %swap3A_293], %swap3A_296 {strides = array<i32>} : memref<2x128xi32, #tpu.memory_space<vmem>>, vector<1x16xi32>,
    %get3A_297 = arith.constant 0 : i32
    %get3A_298 = arith.index_cast %get3A_297 : i32 to index
    %get3A_299 = arith.constant 64 : index
    %get3A_300 = tpu.vector_load %arg6[%get3A_298, %get3A_299] {strides = array<i32>} : memref<2x128xi32, #tpu.memory_space<vmem>>, vector<1x16xi32>,
    %get3A_301 = vector.shape_cast %get3A_300 : vector<1x16xi32> to vector<16xi32>
    %add3A_302 = vector.broadcast %mul3A_244 : i32 to vector<16xi32>
    %add3A_303 = arith.addi %get3A_301, %add3A_302 : vector<16xi32>
    %swap3A_304 = arith.constant 0 : i32
    %swap3A_305 = arith.index_cast %swap3A_304 : i32 to index
    %swap3A_306 = arith.constant 64 : index
    %swap3A_307 = tpu.vector_load %arg6[%swap3A_305, %swap3A_306] {strides = array<i32>} : memref<2x128xi32, #tpu.memory_space<vmem>>, vector<1x16xi32>,
    %swap3A_308 = vector.shape_cast %swap3A_307 : vector<1x16xi32> to vector<16xi32>
    %swap3A_309 = vector.shape_cast %add3A_303 : vector<16xi32> to vector<1x16xi32>
    tpu.vector_store %arg6[%swap3A_305, %swap3A_306], %swap3A_309 {strides = array<i32>} : memref<2x128xi32, #tpu.memory_space<vmem>>, vector<1x16xi32>,
    %get3A_310 = arith.constant 0 : i32
    %get3A_311 = arith.index_cast %get3A_310 : i32 to index
    %get3A_312 = arith.constant 80 : index
    %get3A_313 = tpu.vector_load %arg6[%get3A_311, %get3A_312] {strides = array<i32>} : memref<2x128xi32, #tpu.memory_space<vmem>>, vector<1x16xi32>,
    %get3A_314 = vector.shape_cast %get3A_313 : vector<1x16xi32> to vector<16xi32>
    %add3A_315 = vector.broadcast %mul3A_244 : i32 to vector<16xi32>
    %add3A_316 = arith.addi %get3A_314, %add3A_315 : vector<16xi32>
    %swap3A_317 = arith.constant 0 : i32
    %swap3A_318 = arith.index_cast %swap3A_317 : i32 to index
    %swap3A_319 = arith.constant 80 : index
    %swap3A_320 = tpu.vector_load %arg6[%swap3A_318, %swap3A_319] {strides = array<i32>} : memref<2x128xi32, #tpu.memory_space<vmem>>, vector<1x16xi32>,
    %swap3A_321 = vector.shape_cast %swap3A_320 : vector<1x16xi32> to vector<16xi32>
    %swap3A_322 = vector.shape_cast %add3A_316 : vector<16xi32> to vector<1x16xi32>
    tpu.vector_store %arg6[%swap3A_318, %swap3A_319], %swap3A_322 {strides = array<i32>} : memref<2x128xi32, #tpu.memory_space<vmem>>, vector<1x16xi32>,
    %get3A_323 = arith.constant 0 : i32
    %get3A_324 = arith.index_cast %get3A_323 : i32 to index
    %get3A_325 = arith.constant 96 : index
    %get3A_326 = tpu.vector_load %arg6[%get3A_324, %get3A_325] {strides = array<i32>} : memref<2x128xi32, #tpu.memory_space<vmem>>, vector<1x16xi32>,
    %get3A_327 = vector.shape_cast %get3A_326 : vector<1x16xi32> to vector<16xi32>
    %add3A_328 = vector.broadcast %mul3A_244 : i32 to vector<16xi32>
    %add3A_329 = arith.addi %get3A_327, %add3A_328 : vector<16xi32>
    %swap3A_330 = arith.constant 0 : i32
    %swap3A_331 = arith.index_cast %swap3A_330 : i32 to index
    %swap3A_332 = arith.constant 96 : index
    %swap3A_333 = tpu.vector_load %arg6[%swap3A_331, %swap3A_332] {strides = array<i32>} : memref<2x128xi32, #tpu.memory_space<vmem>>, vector<1x16xi32>,
    %swap3A_334 = vector.shape_cast %swap3A_333 : vector<1x16xi32> to vector<16xi32>
    %swap3A_335 = vector.shape_cast %add3A_329 : vector<16xi32> to vector<1x16xi32>
    tpu.vector_store %arg6[%swap3A_331, %swap3A_332], %swap3A_335 {strides = array<i32>} : memref<2x128xi32, #tpu.memory_space<vmem>>, vector<1x16xi32>,
    %get3A_336 = arith.constant 0 : i32
    %get3A_337 = arith.index_cast %get3A_336 : i32 to index
    %get3A_338 = arith.constant 112 : index
    %get3A_339 = tpu.vector_load %arg6[%get3A_337, %get3A_338] {strides = array<i32>} : memref<2x128xi32, #tpu.memory_space<vmem>>, vector<1x16xi32>,
    %get3A_340 = vector.shape_cast %get3A_339 : vector<1x16xi32> to vector<16xi32>
    %add3A_341 = vector.broadcast %mul3A_244 : i32 to vector<16xi32>
    %add3A_342 = arith.addi %get3A_340, %add3A_341 : vector<16xi32>
    %swap3A_343 = arith.constant 0 : i32
    %swap3A_344 = arith.index_cast %swap3A_343 : i32 to index
    %swap3A_345 = arith.constant 112 : index
    %swap3A_346 = tpu.vector_load %arg6[%swap3A_344, %swap3A_345] {strides = array<i32>} : memref<2x128xi32, #tpu.memory_space<vmem>>, vector<1x16xi32>,
    %swap3A_347 = vector.shape_cast %swap3A_346 : vector<1x16xi32> to vector<16xi32>
    %swap3A_348 = vector.shape_cast %add3A_342 : vector<16xi32> to vector<1x16xi32>
    tpu.vector_store %arg6[%swap3A_344, %swap3A_345], %swap3A_348 {strides = array<i32>} : memref<2x128xi32, #tpu.memory_space<vmem>>, vector<1x16xi32>,
    %get3A_349 = arith.constant 1 : i32
    %get3A_350 = arith.index_cast %get3A_349 : i32 to index
    %get3A_351 = arith.constant 0 : index
    %get3A_352 = tpu.vector_load %arg6[%get3A_350, %get3A_351] {strides = array<i32>} : memref<2x128xi32, #tpu.memory_space<vmem>>, vector<1x16xi32>,
    %get3A_353 = vector.shape_cast %get3A_352 : vector<1x16xi32> to vector<16xi32>
    %add3A_354 = vector.broadcast %mul3A_244 : i32 to vector<16xi32>
    %add3A_355 = arith.addi %get3A_353, %add3A_354 : vector<16xi32>
    %swap3A_356 = arith.constant 1 : i32
    %swap3A_357 = arith.index_cast %swap3A_356 : i32 to index
    %swap3A_358 = arith.constant 0 : index
    %swap3A_359 = tpu.vector_load %arg6[%swap3A_357, %swap3A_358] {strides = array<i32>} : memref<2x128xi32, #tpu.memory_space<vmem>>, vector<1x16xi32>,
    %swap3A_360 = vector.shape_cast %swap3A_359 : vector<1x16xi32> to vector<16xi32>
    %swap3A_361 = vector.shape_cast %add3A_355 : vector<16xi32> to vector<1x16xi32>
    tpu.vector_store %arg6[%swap3A_357, %swap3A_358], %swap3A_361 {strides = array<i32>} : memref<2x128xi32, #tpu.memory_space<vmem>>, vector<1x16xi32>,
    %get3A_362 = arith.constant 1 : i32
    %get3A_363 = arith.index_cast %get3A_362 : i32 to index
    %get3A_364 = arith.constant 16 : index
    %get3A_365 = tpu.vector_load %arg6[%get3A_363, %get3A_364] {strides = array<i32>} : memref<2x128xi32, #tpu.memory_space<vmem>>, vector<1x16xi32>,
    %get3A_366 = vector.shape_cast %get3A_365 : vector<1x16xi32> to vector<16xi32>
    %add3A_367 = vector.broadcast %mul3A_244 : i32 to vector<16xi32>
    %add3A_368 = arith.addi %get3A_366, %add3A_367 : vector<16xi32>
    %swap3A_369 = arith.constant 1 : i32
    %swap3A_370 = arith.index_cast %swap3A_369 : i32 to index
    %swap3A_371 = arith.constant 16 : index
    %swap3A_372 = tpu.vector_load %arg6[%swap3A_370, %swap3A_371] {strides = array<i32>} : memref<2x128xi32, #tpu.memory_space<vmem>>, vector<1x16xi32>,
    %swap3A_373 = vector.shape_cast %swap3A_372 : vector<1x16xi32> to vector<16xi32>
    %swap3A_374 = vector.shape_cast %add3A_368 : vector<16xi32> to vector<1x16xi32>
    tpu.vector_store %arg6[%swap3A_370, %swap3A_371], %swap3A_374 {strides = array<i32>} : memref<2x128xi32, #tpu.memory_space<vmem>>, vector<1x16xi32>,
    %get3A_375 = arith.constant 1 : i32
    %get3A_376 = arith.index_cast %get3A_375 : i32 to index
    %get3A_377 = arith.constant 32 : index
    %get3A_378 = tpu.vector_load %arg6[%get3A_376, %get3A_377] {strides = array<i32>} : memref<2x128xi32, #tpu.memory_space<vmem>>, vector<1x16xi32>,
    %get3A_379 = vector.shape_cast %get3A_378 : vector<1x16xi32> to vector<16xi32>
    %add3A_380 = vector.broadcast %mul3A_244 : i32 to vector<16xi32>
    %add3A_381 = arith.addi %get3A_379, %add3A_380 : vector<16xi32>
    %swap3A_382 = arith.constant 1 : i32
    %swap3A_383 = arith.index_cast %swap3A_382 : i32 to index
    %swap3A_384 = arith.constant 32 : index
    %swap3A_385 = tpu.vector_load %arg6[%swap3A_383, %swap3A_384] {strides = array<i32>} : memref<2x128xi32, #tpu.memory_space<vmem>>, vector<1x16xi32>,
    %swap3A_386 = vector.shape_cast %swap3A_385 : vector<1x16xi32> to vector<16xi32>
    %swap3A_387 = vector.shape_cast %add3A_381 : vector<16xi32> to vector<1x16xi32>
    tpu.vector_store %arg6[%swap3A_383, %swap3A_384], %swap3A_387 {strides = array<i32>} : memref<2x128xi32, #tpu.memory_space<vmem>>, vector<1x16xi32>,
    %get3A_388 = arith.constant 1 : i32
    %get3A_389 = arith.index_cast %get3A_388 : i32 to index
    %get3A_390 = arith.constant 48 : index
    %get3A_391 = tpu.vector_load %arg6[%get3A_389, %get3A_390] {strides = array<i32>} : memref<2x128xi32, #tpu.memory_space<vmem>>, vector<1x16xi32>,
    %get3A_392 = vector.shape_cast %get3A_391 : vector<1x16xi32> to vector<16xi32>
    %add3A_393 = vector.broadcast %mul3A_244 : i32 to vector<16xi32>
    %add3A_394 = arith.addi %get3A_392, %add3A_393 : vector<16xi32>
    %swap3A_395 = arith.constant 1 : i32
    %swap3A_396 = arith.index_cast %swap3A_395 : i32 to index
    %swap3A_397 = arith.constant 48 : index
    %swap3A_398 = tpu.vector_load %arg6[%swap3A_396, %swap3A_397] {strides = array<i32>} : memref<2x128xi32, #tpu.memory_space<vmem>>, vector<1x16xi32>,
    %swap3A_399 = vector.shape_cast %swap3A_398 : vector<1x16xi32> to vector<16xi32>
    %swap3A_400 = vector.shape_cast %add3A_394 : vector<16xi32> to vector<1x16xi32>
    tpu.vector_store %arg6[%swap3A_396, %swap3A_397], %swap3A_400 {strides = array<i32>} : memref<2x128xi32, #tpu.memory_space<vmem>>, vector<1x16xi32>,
    %get3A_401 = arith.constant 1 : i32
    %get3A_402 = arith.index_cast %get3A_401 : i32 to index
    %get3A_403 = arith.constant 64 : index
    %get3A_404 = tpu.vector_load %arg6[%get3A_402, %get3A_403] {strides = array<i32>} : memref<2x128xi32, #tpu.memory_space<vmem>>, vector<1x16xi32>,
    %get3A_405 = vector.shape_cast %get3A_404 : vector<1x16xi32> to vector<16xi32>
    %add3A_406 = vector.broadcast %mul3A_244 : i32 to vector<16xi32>
    %add3A_407 = arith.addi %get3A_405, %add3A_406 : vector<16xi32>
    %swap3A_408 = arith.constant 1 : i32
    %swap3A_409 = arith.index_cast %swap3A_408 : i32 to index
    %swap3A_410 = arith.constant 64 : index
    %swap3A_411 = tpu.vector_load %arg6[%swap3A_409, %swap3A_410] {strides = array<i32>} : memref<2x128xi32, #tpu.memory_space<vmem>>, vector<1x16xi32>,
    %swap3A_412 = vector.shape_cast %swap3A_411 : vector<1x16xi32> to vector<16xi32>
    %swap3A_413 = vector.shape_cast %add3A_407 : vector<16xi32> to vector<1x16xi32>
    tpu.vector_store %arg6[%swap3A_409, %swap3A_410], %swap3A_413 {strides = array<i32>} : memref<2x128xi32, #tpu.memory_space<vmem>>, vector<1x16xi32>,
    %get3A_414 = arith.constant 1 : i32
    %get3A_415 = arith.index_cast %get3A_414 : i32 to index
    %get3A_416 = arith.constant 80 : index
    %get3A_417 = tpu.vector_load %arg6[%get3A_415, %get3A_416] {strides = array<i32>} : memref<2x128xi32, #tpu.memory_space<vmem>>, vector<1x16xi32>,
    %get3A_418 = vector.shape_cast %get3A_417 : vector<1x16xi32> to vector<16xi32>
    %add3A_419 = vector.broadcast %mul3A_244 : i32 to vector<16xi32>
    %add3A_420 = arith.addi %get3A_418, %add3A_419 : vector<16xi32>
    %swap3A_421 = arith.constant 1 : i32
    %swap3A_422 = arith.index_cast %swap3A_421 : i32 to index
    %swap3A_423 = arith.constant 80 : index
    %swap3A_424 = tpu.vector_load %arg6[%swap3A_422, %swap3A_423] {strides = array<i32>} : memref<2x128xi32, #tpu.memory_space<vmem>>, vector<1x16xi32>,
    %swap3A_425 = vector.shape_cast %swap3A_424 : vector<1x16xi32> to vector<16xi32>
    %swap3A_426 = vector.shape_cast %add3A_420 : vector<16xi32> to vector<1x16xi32>
    tpu.vector_store %arg6[%swap3A_422, %swap3A_423], %swap3A_426 {strides = array<i32>} : memref<2x128xi32, #tpu.memory_space<vmem>>, vector<1x16xi32>,
    %get3A_427 = arith.constant 1 : i32
    %get3A_428 = arith.index_cast %get3A_427 : i32 to index
    %get3A_429 = arith.constant 96 : index
    %get3A_430 = tpu.vector_load %arg6[%get3A_428, %get3A_429] {strides = array<i32>} : memref<2x128xi32, #tpu.memory_space<vmem>>, vector<1x16xi32>,
    %get3A_431 = vector.shape_cast %get3A_430 : vector<1x16xi32> to vector<16xi32>
    %add3A_432 = vector.broadcast %mul3A_244 : i32 to vector<16xi32>
    %add3A_433 = arith.addi %get3A_431, %add3A_432 : vector<16xi32>
    %swap3A_434 = arith.constant 1 : i32
    %swap3A_435 = arith.index_cast %swap3A_434 : i32 to index
    %swap3A_436 = arith.constant 96 : index
    %swap3A_437 = tpu.vector_load %arg6[%swap3A_435, %swap3A_436] {strides = array<i32>} : memref<2x128xi32, #tpu.memory_space<vmem>>, vector<1x16xi32>,
    %swap3A_438 = vector.shape_cast %swap3A_437 : vector<1x16xi32> to vector<16xi32>
    %swap3A_439 = vector.shape_cast %add3A_433 : vector<16xi32> to vector<1x16xi32>
    tpu.vector_store %arg6[%swap3A_435, %swap3A_436], %swap3A_439 {strides = array<i32>} : memref<2x128xi32, #tpu.memory_space<vmem>>, vector<1x16xi32>,
    %get3A_440 = arith.constant 1 : i32
    %get3A_441 = arith.index_cast %get3A_440 : i32 to index
    %get3A_442 = arith.constant 112 : index
    %get3A_443 = tpu.vector_load %arg6[%get3A_441, %get3A_442] {strides = array<i32>} : memref<2x128xi32, #tpu.memory_space<vmem>>, vector<1x16xi32>,
    %get3A_444 = vector.shape_cast %get3A_443 : vector<1x16xi32> to vector<16xi32>
    %add3A_445 = vector.broadcast %mul3A_244 : i32 to vector<16xi32>
    %add3A_446 = arith.addi %get3A_444, %add3A_445 : vector<16xi32>
    %swap3A_447 = arith.constant 1 : i32
    %swap3A_448 = arith.index_cast %swap3A_447 : i32 to index
    %swap3A_449 = arith.constant 112 : index
    %swap3A_450 = tpu.vector_load %arg6[%swap3A_448, %swap3A_449] {strides = array<i32>} : memref<2x128xi32, #tpu.memory_space<vmem>>, vector<1x16xi32>,
    %swap3A_451 = vector.shape_cast %swap3A_450 : vector<1x16xi32> to vector<16xi32>
    %swap3A_452 = vector.shape_cast %add3A_446 : vector<16xi32> to vector<1x16xi32>
    tpu.vector_store %arg6[%swap3A_448, %swap3A_449], %swap3A_452 {strides = array<i32>} : memref<2x128xi32, #tpu.memory_space<vmem>>, vector<1x16xi32>,
    %dma_start3A_453 = arith.constant 0 : i32
    %dma_start3A_454 = arith.constant 0 : i32
    %dma_start3A_455 = arith.constant 0 : i32
    %dma_start3A_456 = tpu.memref_slice %arg8[%dma_start3A_454, %dma_start3A_455] : memref<256x128xf32, #tpu.memory_space<vmem>> -> memref<128x128xf32, #tpu.memory_space<vmem>>
    %dma_start3A_457 = arith.constant 0 : i32
    %dma_start3A_458 = tpu.memref_slice %arg6[%dma_start3A_453, %dma_start3A_457] : memref<2x128xi32, #tpu.memory_space<vmem>> -> memref<1x128xi32, #tpu.memory_space<vmem>>
    %dma_start3A_459 = tpu.memref_squeeze %dma_start3A_458 : memref<1x128xi32, #tpu.memory_space<vmem>> -> memref<128xi32, #tpu.memory_space<vmem>>
    %dma_start3A_460 = arith.constant 0 : i32
    %dma_start3A_461 = arith.constant 0 : i32
    %dma_start3A_462 = tpu.memref_slice %arg3[%dma_start3A_460, %dma_start3A_461] : memref<26000x128xf32, #tpu.memory_space<hbm>> -> memref<26000x128xf32, #tpu.memory_space<hbm>>
    tpu.enqueue_indirect_dma source(%dma_start3A_462 : memref<26000x128xf32, #tpu.memory_space<hbm>>) target(%dma_start3A_456 : memref<128x128xf32, #tpu.memory_space<vmem>>) offsets(%dma_start3A_459 : memref<128xi32, #tpu.memory_space<vmem>>) semaphore(%arg10 : memref<!tpu.dma_semaphore, #tpu.memory_space<semaphore_mem>>)
    %dma_start3A_463 = arith.constant 1 : i32
    %dma_start3A_464 = arith.constant 128 : i32
    %dma_start3A_465 = arith.constant 0 : i32
    %dma_start3A_466 = tpu.memref_slice %arg8[%dma_start3A_464, %dma_start3A_465] : memref<256x128xf32, #tpu.memory_space<vmem>> -> memref<128x128xf32, #tpu.memory_space<vmem>>
    %dma_start3A_467 = arith.constant 0 : i32
    %dma_start3A_468 = tpu.memref_slice %arg6[%dma_start3A_463, %dma_start3A_467] : memref<2x128xi32, #tpu.memory_space<vmem>> -> memref<1x128xi32, #tpu.memory_space<vmem>>
    %dma_start3A_469 = tpu.memref_squeeze %dma_start3A_468 : memref<1x128xi32, #tpu.memory_space<vmem>> -> memref<128xi32, #tpu.memory_space<vmem>>
    %dma_start3A_470 = arith.constant 0 : i32
    %dma_start3A_471 = arith.constant 0 : i32
    %dma_start3A_472 = tpu.memref_slice %arg3[%dma_start3A_470, %dma_start3A_471] : memref<26000x128xf32, #tpu.memory_space<hbm>> -> memref<26000x128xf32, #tpu.memory_space<hbm>>
    tpu.enqueue_indirect_dma source(%dma_start3A_472 : memref<26000x128xf32, #tpu.memory_space<hbm>>) target(%dma_start3A_466 : memref<128x128xf32, #tpu.memory_space<vmem>>) offsets(%dma_start3A_469 : memref<128xi32, #tpu.memory_space<vmem>>) semaphore(%arg10 : memref<!tpu.dma_semaphore, #tpu.memory_space<semaphore_mem>>)
    %scan3A = arith.constant 0 : i32
    %scan3A_473 = arith.constant 0 : i32
    %scan3A_474 = arith.constant 12 : i32
    %scan3A_475 = arith.addi %scan3A_473, %scan3A_474 : i32
    %scan3A_476 = arith.constant 1 : i32
    scf.for %scan3A_541 = %scan3A_473 to %scan3A_475 step %scan3A_476  : i32 {
      %mul3A_542 = arith.constant 2 : i32
      %mul3A_543 = arith.muli %mul3A_542, %scan3A_541 : i32
      %add3A_544 = arith.constant 1 : i32
      %add3A_545 = arith.addi %mul3A_543, %add3A_544 : i32
      %dma_wait3A_546 = arith.constant 0 : i32
      %dma_wait3A_547 = arith.constant 0 : i32
      %dma_wait3A_548 = arith.constant 0 : i32
      %dma_wait3A_549 = tpu.memref_slice %arg7[%dma_wait3A_547, %dma_wait3A_548] : memref<256x128xf32, #tpu.memory_space<vmem>> -> memref<128x128xf32, #tpu.memory_space<vmem>>
      %dma_wait3A_550 = arith.constant 0 : i32
      %dma_wait3A_551 = tpu.memref_slice %arg5[%dma_wait3A_546, %dma_wait3A_550] : memref<2x128xi32, #tpu.memory_space<vmem>> -> memref<1x128xi32, #tpu.memory_space<vmem>>
      %dma_wait3A_552 = tpu.memref_squeeze %dma_wait3A_551 : memref<1x128xi32, #tpu.memory_space<vmem>> -> memref<128xi32, #tpu.memory_space<vmem>>
      %dma_wait3A_553 = arith.constant 0 : i32
      %dma_wait3A_554 = arith.constant 0 : i32
      %dma_wait3A_555 = tpu.memref_slice %arg3[%dma_wait3A_553, %dma_wait3A_554] : memref<26000x128xf32, #tpu.memory_space<hbm>> -> memref<26000x128xf32, #tpu.memory_space<hbm>>
      tpu.wait_indirect_dma semaphore(%arg9 : memref<!tpu.dma_semaphore, #tpu.memory_space<semaphore_mem>>) src(%dma_wait3A_555 : memref<26000x128xf32, #tpu.memory_space<hbm>>) dst(%dma_wait3A_549 : memref<128x128xf32, #tpu.memory_space<vmem>>)
      %dma_wait3A_556 = arith.constant 1 : i32
      %dma_wait3A_557 = arith.constant 128 : i32
      %dma_wait3A_558 = arith.constant 0 : i32
      %dma_wait3A_559 = tpu.memref_slice %arg7[%dma_wait3A_557, %dma_wait3A_558] : memref<256x128xf32, #tpu.memory_space<vmem>> -> memref<128x128xf32, #tpu.memory_space<vmem>>
      %dma_wait3A_560 = arith.constant 0 : i32
      %dma_wait3A_561 = tpu.memref_slice %arg5[%dma_wait3A_556, %dma_wait3A_560] : memref<2x128xi32, #tpu.memory_space<vmem>> -> memref<1x128xi32, #tpu.memory_space<vmem>>
      %dma_wait3A_562 = tpu.memref_squeeze %dma_wait3A_561 : memref<1x128xi32, #tpu.memory_space<vmem>> -> memref<128xi32, #tpu.memory_space<vmem>>
      %dma_wait3A_563 = arith.constant 0 : i32
      %dma_wait3A_564 = arith.constant 0 : i32
      %dma_wait3A_565 = tpu.memref_slice %arg3[%dma_wait3A_563, %dma_wait3A_564] : memref<26000x128xf32, #tpu.memory_space<hbm>> -> memref<26000x128xf32, #tpu.memory_space<hbm>>
      tpu.wait_indirect_dma semaphore(%arg9 : memref<!tpu.dma_semaphore, #tpu.memory_space<semaphore_mem>>) src(%dma_wait3A_565 : memref<26000x128xf32, #tpu.memory_space<hbm>>) dst(%dma_wait3A_559 : memref<128x128xf32, #tpu.memory_space<vmem>>)
      %mul3A_566 = arith.constant 256 : i32
      %mul3A_567 = arith.muli %mul3A_543, %mul3A_566 : i32
      %add3A_568 = arith.addi %mul3A_2, %mul3A_567 : i32
      %dma_start3A_569 = arith.constant 0 : i32
      %dma_start3A_570 = tpu.memref_slice %arg4[%add3A_568, %dma_start3A_569] : memref<212992x128xf32, #tpu.memory_space<hbm>> -> memref<256x128xf32, #tpu.memory_space<hbm>>
      %dma_start3A_571 = arith.constant 0 : i32
      %dma_start3A_572 = tpu.memref_slice %arg4[%add3A_568, %dma_start3A_571] : memref<212992x128xf32, #tpu.memory_space<hbm>> -> memref<256x128xf32, #tpu.memory_space<hbm>>
      tpu.enqueue_dma source(%arg7 : memref<256x128xf32, #tpu.memory_space<vmem>>) target(%dma_start3A_572 : memref<256x128xf32, #tpu.memory_space<hbm>>) target_semaphore(%arg11 : memref<!tpu.dma_semaphore, #tpu.memory_space<semaphore_mem>>)
      %dma_wait3A_573 = arith.constant 0 : i32
      %dma_wait3A_574 = arith.constant 0 : i32
      %dma_wait3A_575 = arith.constant 0 : i32
      %dma_wait3A_576 = tpu.memref_slice %arg8[%dma_wait3A_574, %dma_wait3A_575] : memref<256x128xf32, #tpu.memory_space<vmem>> -> memref<128x128xf32, #tpu.memory_space<vmem>>
      %dma_wait3A_577 = arith.constant 0 : i32
      %dma_wait3A_578 = tpu.memref_slice %arg6[%dma_wait3A_573, %dma_wait3A_577] : memref<2x128xi32, #tpu.memory_space<vmem>> -> memref<1x128xi32, #tpu.memory_space<vmem>>
      %dma_wait3A_579 = tpu.memref_squeeze %dma_wait3A_578 : memref<1x128xi32, #tpu.memory_space<vmem>> -> memref<128xi32, #tpu.memory_space<vmem>>
      %dma_wait3A_580 = arith.constant 0 : i32
      %dma_wait3A_581 = arith.constant 0 : i32
      %dma_wait3A_582 = tpu.memref_slice %arg3[%dma_wait3A_580, %dma_wait3A_581] : memref<26000x128xf32, #tpu.memory_space<hbm>> -> memref<26000x128xf32, #tpu.memory_space<hbm>>
      tpu.wait_indirect_dma semaphore(%arg10 : memref<!tpu.dma_semaphore, #tpu.memory_space<semaphore_mem>>) src(%dma_wait3A_582 : memref<26000x128xf32, #tpu.memory_space<hbm>>) dst(%dma_wait3A_576 : memref<128x128xf32, #tpu.memory_space<vmem>>)
      %dma_wait3A_583 = arith.constant 1 : i32
      %dma_wait3A_584 = arith.constant 128 : i32
      %dma_wait3A_585 = arith.constant 0 : i32
      %dma_wait3A_586 = tpu.memref_slice %arg8[%dma_wait3A_584, %dma_wait3A_585] : memref<256x128xf32, #tpu.memory_space<vmem>> -> memref<128x128xf32, #tpu.memory_space<vmem>>
      %dma_wait3A_587 = arith.constant 0 : i32
      %dma_wait3A_588 = tpu.memref_slice %arg6[%dma_wait3A_583, %dma_wait3A_587] : memref<2x128xi32, #tpu.memory_space<vmem>> -> memref<1x128xi32, #tpu.memory_space<vmem>>
      %dma_wait3A_589 = tpu.memref_squeeze %dma_wait3A_588 : memref<1x128xi32, #tpu.memory_space<vmem>> -> memref<128xi32, #tpu.memory_space<vmem>>
      %dma_wait3A_590 = arith.constant 0 : i32
      %dma_wait3A_591 = arith.constant 0 : i32
      %dma_wait3A_592 = tpu.memref_slice %arg3[%dma_wait3A_590, %dma_wait3A_591] : memref<26000x128xf32, #tpu.memory_space<hbm>> -> memref<26000x128xf32, #tpu.memory_space<hbm>>
      tpu.wait_indirect_dma semaphore(%arg10 : memref<!tpu.dma_semaphore, #tpu.memory_space<semaphore_mem>>) src(%dma_wait3A_592 : memref<26000x128xf32, #tpu.memory_space<hbm>>) dst(%dma_wait3A_586 : memref<128x128xf32, #tpu.memory_space<vmem>>)
      %mul3A_593 = arith.constant 256 : i32
      %mul3A_594 = arith.muli %add3A_545, %mul3A_593 : i32
      %add3A_595 = arith.addi %mul3A_2, %mul3A_594 : i32
      %dma_start3A_596 = arith.constant 0 : i32
      %dma_start3A_597 = tpu.memref_slice %arg4[%add3A_595, %dma_start3A_596] : memref<212992x128xf32, #tpu.memory_space<hbm>> -> memref<256x128xf32, #tpu.memory_space<hbm>>
      %dma_start3A_598 = arith.constant 0 : i32
      %dma_start3A_599 = tpu.memref_slice %arg4[%add3A_595, %dma_start3A_598] : memref<212992x128xf32, #tpu.memory_space<hbm>> -> memref<256x128xf32, #tpu.memory_space<hbm>>
      tpu.enqueue_dma source(%arg8 : memref<256x128xf32, #tpu.memory_space<vmem>>) target(%dma_start3A_599 : memref<256x128xf32, #tpu.memory_space<hbm>>) target_semaphore(%arg12 : memref<!tpu.dma_semaphore, #tpu.memory_space<semaphore_mem>>)
      %add3A_600 = arith.constant 2 : i32
      %add3A_601 = arith.addi %mul3A_543, %add3A_600 : i32
      %mul3A_602 = arith.constant 2 : i32
      %mul3A_603 = arith.muli %add3A_601, %mul3A_602 : i32
      %add3A_604 = arith.addi %mul3A_4, %mul3A_603 : i32
      "tpu.region"() ({
        %run_scoped3A = tpu.sem_alloc : memref<!tpu.dma_semaphore, #tpu.memory_space<semaphore_mem>>
        %dma_start3A_1094 = arith.constant 0 : i32
        %dma_start3A_1095 = tpu.memref_slice %arg2[%add3A_604, %dma_start3A_1094] : memref<1664x128xi32, #tpu.memory_space<hbm>> -> memref<2x128xi32, #tpu.memory_space<hbm>>
        %dma_start3A_1096 = arith.constant 0 : i32
        %dma_start3A_1097 = tpu.memref_slice %arg2[%add3A_604, %dma_start3A_1096] : memref<1664x128xi32, #tpu.memory_space<hbm>> -> memref<2x128xi32, #tpu.memory_space<hbm>>
        tpu.enqueue_dma source(%dma_start3A_1097 : memref<2x128xi32, #tpu.memory_space<hbm>>) target(%arg5 : memref<2x128xi32, #tpu.memory_space<vmem>>) target_semaphore(%run_scoped3A : memref<!tpu.dma_semaphore, #tpu.memory_space<semaphore_mem>>)
        %dma_wait3A_1098 = arith.constant 0 : i32
        %dma_wait3A_1099 = tpu.memref_slice %arg2[%add3A_604, %dma_wait3A_1098] : memref<1664x128xi32, #tpu.memory_space<hbm>> -> memref<2x128xi32, #tpu.memory_space<hbm>>
        %dma_wait3A_1100 = arith.constant 0 : i32
        %dma_wait3A_1101 = tpu.memref_slice %arg2[%add3A_604, %dma_wait3A_1100] : memref<1664x128xi32, #tpu.memory_space<hbm>> -> memref<2x128xi32, #tpu.memory_space<hbm>>
        tpu.wait_dma2 semaphore(%run_scoped3A : memref<!tpu.dma_semaphore, #tpu.memory_space<semaphore_mem>>) src(%dma_wait3A_1101 : memref<2x128xi32, #tpu.memory_space<hbm>>) dst(%arg5 : memref<2x128xi32, #tpu.memory_space<vmem>>)
        tpu.yield
      }) : () -> ()
      %mul3A_605 = arith.constant 256 : i32
      %mul3A_606 = arith.muli %add3A_601, %mul3A_605 : i32
      %add3A_607 = arith.addi %mul3A_2, %mul3A_606 : i32
      %shift_right_logical3A_608 = arith.constant 13 : i32
      %shift_right_logical3A_609 = arith.shrui %add3A_607, %shift_right_logical3A_608 : i32
      %mul3A_610 = arith.constant 1000 : i32
      %mul3A_611 = arith.muli %shift_right_logical3A_609, %mul3A_610 : i32
      %get3A_612 = arith.constant 0 : i32
      %get3A_613 = arith.index_cast %get3A_612 : i32 to index
      %get3A_614 = arith.constant 0 : index
      %get3A_615 = tpu.vector_load %arg5[%get3A_613, %get3A_614] {strides = array<i32>} : memref<2x128xi32, #tpu.memory_space<vmem>>, vector<1x16xi32>,
      %get3A_616 = vector.shape_cast %get3A_615 : vector<1x16xi32> to vector<16xi32>
      %add3A_617 = vector.broadcast %mul3A_611 : i32 to vector<16xi32>
      %add3A_618 = arith.addi %get3A_616, %add3A_617 : vector<16xi32>
      %swap3A_619 = arith.constant 0 : i32
      %swap3A_620 = arith.index_cast %swap3A_619 : i32 to index
      %swap3A_621 = arith.constant 0 : index
      %swap3A_622 = tpu.vector_load %arg5[%swap3A_620, %swap3A_621] {strides = array<i32>} : memref<2x128xi32, #tpu.memory_space<vmem>>, vector<1x16xi32>,
      %swap3A_623 = vector.shape_cast %swap3A_622 : vector<1x16xi32> to vector<16xi32>
      %swap3A_624 = vector.shape_cast %add3A_618 : vector<16xi32> to vector<1x16xi32>
      tpu.vector_store %arg5[%swap3A_620, %swap3A_621], %swap3A_624 {strides = array<i32>} : memref<2x128xi32, #tpu.memory_space<vmem>>, vector<1x16xi32>,
      %get3A_625 = arith.constant 0 : i32
      %get3A_626 = arith.index_cast %get3A_625 : i32 to index
      %get3A_627 = arith.constant 16 : index
      %get3A_628 = tpu.vector_load %arg5[%get3A_626, %get3A_627] {strides = array<i32>} : memref<2x128xi32, #tpu.memory_space<vmem>>, vector<1x16xi32>,
      %get3A_629 = vector.shape_cast %get3A_628 : vector<1x16xi32> to vector<16xi32>
      %add3A_630 = vector.broadcast %mul3A_611 : i32 to vector<16xi32>
      %add3A_631 = arith.addi %get3A_629, %add3A_630 : vector<16xi32>
      %swap3A_632 = arith.constant 0 : i32
      %swap3A_633 = arith.index_cast %swap3A_632 : i32 to index
      %swap3A_634 = arith.constant 16 : index
      %swap3A_635 = tpu.vector_load %arg5[%swap3A_633, %swap3A_634] {strides = array<i32>} : memref<2x128xi32, #tpu.memory_space<vmem>>, vector<1x16xi32>,
      %swap3A_636 = vector.shape_cast %swap3A_635 : vector<1x16xi32> to vector<16xi32>
      %swap3A_637 = vector.shape_cast %add3A_631 : vector<16xi32> to vector<1x16xi32>
      tpu.vector_store %arg5[%swap3A_633, %swap3A_634], %swap3A_637 {strides = array<i32>} : memref<2x128xi32, #tpu.memory_space<vmem>>, vector<1x16xi32>,
      %get3A_638 = arith.constant 0 : i32
      %get3A_639 = arith.index_cast %get3A_638 : i32 to index
      %get3A_640 = arith.constant 32 : index
      %get3A_641 = tpu.vector_load %arg5[%get3A_639, %get3A_640] {strides = array<i32>} : memref<2x128xi32, #tpu.memory_space<vmem>>, vector<1x16xi32>,
      %get3A_642 = vector.shape_cast %get3A_641 : vector<1x16xi32> to vector<16xi32>
      %add3A_643 = vector.broadcast %mul3A_611 : i32 to vector<16xi32>
      %add3A_644 = arith.addi %get3A_642, %add3A_643 : vector<16xi32>
      %swap3A_645 = arith.constant 0 : i32
      %swap3A_646 = arith.index_cast %swap3A_645 : i32 to index
      %swap3A_647 = arith.constant 32 : index
      %swap3A_648 = tpu.vector_load %arg5[%swap3A_646, %swap3A_647] {strides = array<i32>} : memref<2x128xi32, #tpu.memory_space<vmem>>, vector<1x16xi32>,
      %swap3A_649 = vector.shape_cast %swap3A_648 : vector<1x16xi32> to vector<16xi32>
      %swap3A_650 = vector.shape_cast %add3A_644 : vector<16xi32> to vector<1x16xi32>
      tpu.vector_store %arg5[%swap3A_646, %swap3A_647], %swap3A_650 {strides = array<i32>} : memref<2x128xi32, #tpu.memory_space<vmem>>, vector<1x16xi32>,
      %get3A_651 = arith.constant 0 : i32
      %get3A_652 = arith.index_cast %get3A_651 : i32 to index
      %get3A_653 = arith.constant 48 : index
      %get3A_654 = tpu.vector_load %arg5[%get3A_652, %get3A_653] {strides = array<i32>} : memref<2x128xi32, #tpu.memory_space<vmem>>, vector<1x16xi32>,
      %get3A_655 = vector.shape_cast %get3A_654 : vector<1x16xi32> to vector<16xi32>
      %add3A_656 = vector.broadcast %mul3A_611 : i32 to vector<16xi32>
      %add3A_657 = arith.addi %get3A_655, %add3A_656 : vector<16xi32>
      %swap3A_658 = arith.constant 0 : i32
      %swap3A_659 = arith.index_cast %swap3A_658 : i32 to index
      %swap3A_660 = arith.constant 48 : index
      %swap3A_661 = tpu.vector_load %arg5[%swap3A_659, %swap3A_660] {strides = array<i32>} : memref<2x128xi32, #tpu.memory_space<vmem>>, vector<1x16xi32>,
      %swap3A_662 = vector.shape_cast %swap3A_661 : vector<1x16xi32> to vector<16xi32>
      %swap3A_663 = vector.shape_cast %add3A_657 : vector<16xi32> to vector<1x16xi32>
      tpu.vector_store %arg5[%swap3A_659, %swap3A_660], %swap3A_663 {strides = array<i32>} : memref<2x128xi32, #tpu.memory_space<vmem>>, vector<1x16xi32>,
      %get3A_664 = arith.constant 0 : i32
      %get3A_665 = arith.index_cast %get3A_664 : i32 to index
      %get3A_666 = arith.constant 64 : index
      %get3A_667 = tpu.vector_load %arg5[%get3A_665, %get3A_666] {strides = array<i32>} : memref<2x128xi32, #tpu.memory_space<vmem>>, vector<1x16xi32>,
      %get3A_668 = vector.shape_cast %get3A_667 : vector<1x16xi32> to vector<16xi32>
      %add3A_669 = vector.broadcast %mul3A_611 : i32 to vector<16xi32>
      %add3A_670 = arith.addi %get3A_668, %add3A_669 : vector<16xi32>
      %swap3A_671 = arith.constant 0 : i32
      %swap3A_672 = arith.index_cast %swap3A_671 : i32 to index
      %swap3A_673 = arith.constant 64 : index
      %swap3A_674 = tpu.vector_load %arg5[%swap3A_672, %swap3A_673] {strides = array<i32>} : memref<2x128xi32, #tpu.memory_space<vmem>>, vector<1x16xi32>,
      %swap3A_675 = vector.shape_cast %swap3A_674 : vector<1x16xi32> to vector<16xi32>
      %swap3A_676 = vector.shape_cast %add3A_670 : vector<16xi32> to vector<1x16xi32>
      tpu.vector_store %arg5[%swap3A_672, %swap3A_673], %swap3A_676 {strides = array<i32>} : memref<2x128xi32, #tpu.memory_space<vmem>>, vector<1x16xi32>,
      %get3A_677 = arith.constant 0 : i32
      %get3A_678 = arith.index_cast %get3A_677 : i32 to index
      %get3A_679 = arith.constant 80 : index
      %get3A_680 = tpu.vector_load %arg5[%get3A_678, %get3A_679] {strides = array<i32>} : memref<2x128xi32, #tpu.memory_space<vmem>>, vector<1x16xi32>,
      %get3A_681 = vector.shape_cast %get3A_680 : vector<1x16xi32> to vector<16xi32>
      %add3A_682 = vector.broadcast %mul3A_611 : i32 to vector<16xi32>
      %add3A_683 = arith.addi %get3A_681, %add3A_682 : vector<16xi32>
      %swap3A_684 = arith.constant 0 : i32
      %swap3A_685 = arith.index_cast %swap3A_684 : i32 to index
      %swap3A_686 = arith.constant 80 : index
      %swap3A_687 = tpu.vector_load %arg5[%swap3A_685, %swap3A_686] {strides = array<i32>} : memref<2x128xi32, #tpu.memory_space<vmem>>, vector<1x16xi32>,
      %swap3A_688 = vector.shape_cast %swap3A_687 : vector<1x16xi32> to vector<16xi32>
      %swap3A_689 = vector.shape_cast %add3A_683 : vector<16xi32> to vector<1x16xi32>
      tpu.vector_store %arg5[%swap3A_685, %swap3A_686], %swap3A_689 {strides = array<i32>} : memref<2x128xi32, #tpu.memory_space<vmem>>, vector<1x16xi32>,
      %get3A_690 = arith.constant 0 : i32
      %get3A_691 = arith.index_cast %get3A_690 : i32 to index
      %get3A_692 = arith.constant 96 : index
      %get3A_693 = tpu.vector_load %arg5[%get3A_691, %get3A_692] {strides = array<i32>} : memref<2x128xi32, #tpu.memory_space<vmem>>, vector<1x16xi32>,
      %get3A_694 = vector.shape_cast %get3A_693 : vector<1x16xi32> to vector<16xi32>
      %add3A_695 = vector.broadcast %mul3A_611 : i32 to vector<16xi32>
      %add3A_696 = arith.addi %get3A_694, %add3A_695 : vector<16xi32>
      %swap3A_697 = arith.constant 0 : i32
      %swap3A_698 = arith.index_cast %swap3A_697 : i32 to index
      %swap3A_699 = arith.constant 96 : index
      %swap3A_700 = tpu.vector_load %arg5[%swap3A_698, %swap3A_699] {strides = array<i32>} : memref<2x128xi32, #tpu.memory_space<vmem>>, vector<1x16xi32>,
      %swap3A_701 = vector.shape_cast %swap3A_700 : vector<1x16xi32> to vector<16xi32>
      %swap3A_702 = vector.shape_cast %add3A_696 : vector<16xi32> to vector<1x16xi32>
      tpu.vector_store %arg5[%swap3A_698, %swap3A_699], %swap3A_702 {strides = array<i32>} : memref<2x128xi32, #tpu.memory_space<vmem>>, vector<1x16xi32>,
      %get3A_703 = arith.constant 0 : i32
      %get3A_704 = arith.index_cast %get3A_703 : i32 to index
      %get3A_705 = arith.constant 112 : index
      %get3A_706 = tpu.vector_load %arg5[%get3A_704, %get3A_705] {strides = array<i32>} : memref<2x128xi32, #tpu.memory_space<vmem>>, vector<1x16xi32>,
      %get3A_707 = vector.shape_cast %get3A_706 : vector<1x16xi32> to vector<16xi32>
      %add3A_708 = vector.broadcast %mul3A_611 : i32 to vector<16xi32>
      %add3A_709 = arith.addi %get3A_707, %add3A_708 : vector<16xi32>
      %swap3A_710 = arith.constant 0 : i32
      %swap3A_711 = arith.index_cast %swap3A_710 : i32 to index
      %swap3A_712 = arith.constant 112 : index
      %swap3A_713 = tpu.vector_load %arg5[%swap3A_711, %swap3A_712] {strides = array<i32>} : memref<2x128xi32, #tpu.memory_space<vmem>>, vector<1x16xi32>,
      %swap3A_714 = vector.shape_cast %swap3A_713 : vector<1x16xi32> to vector<16xi32>
      %swap3A_715 = vector.shape_cast %add3A_709 : vector<16xi32> to vector<1x16xi32>
      tpu.vector_store %arg5[%swap3A_711, %swap3A_712], %swap3A_715 {strides = array<i32>} : memref<2x128xi32, #tpu.memory_space<vmem>>, vector<1x16xi32>,
      %get3A_716 = arith.constant 1 : i32
      %get3A_717 = arith.index_cast %get3A_716 : i32 to index
      %get3A_718 = arith.constant 0 : index
      %get3A_719 = tpu.vector_load %arg5[%get3A_717, %get3A_718] {strides = array<i32>} : memref<2x128xi32, #tpu.memory_space<vmem>>, vector<1x16xi32>,
      %get3A_720 = vector.shape_cast %get3A_719 : vector<1x16xi32> to vector<16xi32>
      %add3A_721 = vector.broadcast %mul3A_611 : i32 to vector<16xi32>
      %add3A_722 = arith.addi %get3A_720, %add3A_721 : vector<16xi32>
      %swap3A_723 = arith.constant 1 : i32
      %swap3A_724 = arith.index_cast %swap3A_723 : i32 to index
      %swap3A_725 = arith.constant 0 : index
      %swap3A_726 = tpu.vector_load %arg5[%swap3A_724, %swap3A_725] {strides = array<i32>} : memref<2x128xi32, #tpu.memory_space<vmem>>, vector<1x16xi32>,
      %swap3A_727 = vector.shape_cast %swap3A_726 : vector<1x16xi32> to vector<16xi32>
      %swap3A_728 = vector.shape_cast %add3A_722 : vector<16xi32> to vector<1x16xi32>
      tpu.vector_store %arg5[%swap3A_724, %swap3A_725], %swap3A_728 {strides = array<i32>} : memref<2x128xi32, #tpu.memory_space<vmem>>, vector<1x16xi32>,
      %get3A_729 = arith.constant 1 : i32
      %get3A_730 = arith.index_cast %get3A_729 : i32 to index
      %get3A_731 = arith.constant 16 : index
      %get3A_732 = tpu.vector_load %arg5[%get3A_730, %get3A_731] {strides = array<i32>} : memref<2x128xi32, #tpu.memory_space<vmem>>, vector<1x16xi32>,
      %get3A_733 = vector.shape_cast %get3A_732 : vector<1x16xi32> to vector<16xi32>
      %add3A_734 = vector.broadcast %mul3A_611 : i32 to vector<16xi32>
      %add3A_735 = arith.addi %get3A_733, %add3A_734 : vector<16xi32>
      %swap3A_736 = arith.constant 1 : i32
      %swap3A_737 = arith.index_cast %swap3A_736 : i32 to index
      %swap3A_738 = arith.constant 16 : index
      %swap3A_739 = tpu.vector_load %arg5[%swap3A_737, %swap3A_738] {strides = array<i32>} : memref<2x128xi32, #tpu.memory_space<vmem>>, vector<1x16xi32>,
      %swap3A_740 = vector.shape_cast %swap3A_739 : vector<1x16xi32> to vector<16xi32>
      %swap3A_741 = vector.shape_cast %add3A_735 : vector<16xi32> to vector<1x16xi32>
      tpu.vector_store %arg5[%swap3A_737, %swap3A_738], %swap3A_741 {strides = array<i32>} : memref<2x128xi32, #tpu.memory_space<vmem>>, vector<1x16xi32>,
      %get3A_742 = arith.constant 1 : i32
      %get3A_743 = arith.index_cast %get3A_742 : i32 to index
      %get3A_744 = arith.constant 32 : index
      %get3A_745 = tpu.vector_load %arg5[%get3A_743, %get3A_744] {strides = array<i32>} : memref<2x128xi32, #tpu.memory_space<vmem>>, vector<1x16xi32>,
      %get3A_746 = vector.shape_cast %get3A_745 : vector<1x16xi32> to vector<16xi32>
      %add3A_747 = vector.broadcast %mul3A_611 : i32 to vector<16xi32>
      %add3A_748 = arith.addi %get3A_746, %add3A_747 : vector<16xi32>
      %swap3A_749 = arith.constant 1 : i32
      %swap3A_750 = arith.index_cast %swap3A_749 : i32 to index
      %swap3A_751 = arith.constant 32 : index
      %swap3A_752 = tpu.vector_load %arg5[%swap3A_750, %swap3A_751] {strides = array<i32>} : memref<2x128xi32, #tpu.memory_space<vmem>>, vector<1x16xi32>,
      %swap3A_753 = vector.shape_cast %swap3A_752 : vector<1x16xi32> to vector<16xi32>
      %swap3A_754 = vector.shape_cast %add3A_748 : vector<16xi32> to vector<1x16xi32>
      tpu.vector_store %arg5[%swap3A_750, %swap3A_751], %swap3A_754 {strides = array<i32>} : memref<2x128xi32, #tpu.memory_space<vmem>>, vector<1x16xi32>,
      %get3A_755 = arith.constant 1 : i32
      %get3A_756 = arith.index_cast %get3A_755 : i32 to index
      %get3A_757 = arith.constant 48 : index
      %get3A_758 = tpu.vector_load %arg5[%get3A_756, %get3A_757] {strides = array<i32>} : memref<2x128xi32, #tpu.memory_space<vmem>>, vector<1x16xi32>,
      %get3A_759 = vector.shape_cast %get3A_758 : vector<1x16xi32> to vector<16xi32>
      %add3A_760 = vector.broadcast %mul3A_611 : i32 to vector<16xi32>
      %add3A_761 = arith.addi %get3A_759, %add3A_760 : vector<16xi32>
      %swap3A_762 = arith.constant 1 : i32
      %swap3A_763 = arith.index_cast %swap3A_762 : i32 to index
      %swap3A_764 = arith.constant 48 : index
      %swap3A_765 = tpu.vector_load %arg5[%swap3A_763, %swap3A_764] {strides = array<i32>} : memref<2x128xi32, #tpu.memory_space<vmem>>, vector<1x16xi32>,
      %swap3A_766 = vector.shape_cast %swap3A_765 : vector<1x16xi32> to vector<16xi32>
      %swap3A_767 = vector.shape_cast %add3A_761 : vector<16xi32> to vector<1x16xi32>
      tpu.vector_store %arg5[%swap3A_763, %swap3A_764], %swap3A_767 {strides = array<i32>} : memref<2x128xi32, #tpu.memory_space<vmem>>, vector<1x16xi32>,
      %get3A_768 = arith.constant 1 : i32
      %get3A_769 = arith.index_cast %get3A_768 : i32 to index
      %get3A_770 = arith.constant 64 : index
      %get3A_771 = tpu.vector_load %arg5[%get3A_769, %get3A_770] {strides = array<i32>} : memref<2x128xi32, #tpu.memory_space<vmem>>, vector<1x16xi32>,
      %get3A_772 = vector.shape_cast %get3A_771 : vector<1x16xi32> to vector<16xi32>
      %add3A_773 = vector.broadcast %mul3A_611 : i32 to vector<16xi32>
      %add3A_774 = arith.addi %get3A_772, %add3A_773 : vector<16xi32>
      %swap3A_775 = arith.constant 1 : i32
      %swap3A_776 = arith.index_cast %swap3A_775 : i32 to index
      %swap3A_777 = arith.constant 64 : index
      %swap3A_778 = tpu.vector_load %arg5[%swap3A_776, %swap3A_777] {strides = array<i32>} : memref<2x128xi32, #tpu.memory_space<vmem>>, vector<1x16xi32>,
      %swap3A_779 = vector.shape_cast %swap3A_778 : vector<1x16xi32> to vector<16xi32>
      %swap3A_780 = vector.shape_cast %add3A_774 : vector<16xi32> to vector<1x16xi32>
      tpu.vector_store %arg5[%swap3A_776, %swap3A_777], %swap3A_780 {strides = array<i32>} : memref<2x128xi32, #tpu.memory_space<vmem>>, vector<1x16xi32>,
      %get3A_781 = arith.constant 1 : i32
      %get3A_782 = arith.index_cast %get3A_781 : i32 to index
      %get3A_783 = arith.constant 80 : index
      %get3A_784 = tpu.vector_load %arg5[%get3A_782, %get3A_783] {strides = array<i32>} : memref<2x128xi32, #tpu.memory_space<vmem>>, vector<1x16xi32>,
      %get3A_785 = vector.shape_cast %get3A_784 : vector<1x16xi32> to vector<16xi32>
      %add3A_786 = vector.broadcast %mul3A_611 : i32 to vector<16xi32>
      %add3A_787 = arith.addi %get3A_785, %add3A_786 : vector<16xi32>
      %swap3A_788 = arith.constant 1 : i32
      %swap3A_789 = arith.index_cast %swap3A_788 : i32 to index
      %swap3A_790 = arith.constant 80 : index
      %swap3A_791 = tpu.vector_load %arg5[%swap3A_789, %swap3A_790] {strides = array<i32>} : memref<2x128xi32, #tpu.memory_space<vmem>>, vector<1x16xi32>,
      %swap3A_792 = vector.shape_cast %swap3A_791 : vector<1x16xi32> to vector<16xi32>
      %swap3A_793 = vector.shape_cast %add3A_787 : vector<16xi32> to vector<1x16xi32>
      tpu.vector_store %arg5[%swap3A_789, %swap3A_790], %swap3A_793 {strides = array<i32>} : memref<2x128xi32, #tpu.memory_space<vmem>>, vector<1x16xi32>,
      %get3A_794 = arith.constant 1 : i32
      %get3A_795 = arith.index_cast %get3A_794 : i32 to index
      %get3A_796 = arith.constant 96 : index
      %get3A_797 = tpu.vector_load %arg5[%get3A_795, %get3A_796] {strides = array<i32>} : memref<2x128xi32, #tpu.memory_space<vmem>>, vector<1x16xi32>,
      %get3A_798 = vector.shape_cast %get3A_797 : vector<1x16xi32> to vector<16xi32>
      %add3A_799 = vector.broadcast %mul3A_611 : i32 to vector<16xi32>
      %add3A_800 = arith.addi %get3A_798, %add3A_799 : vector<16xi32>
      %swap3A_801 = arith.constant 1 : i32
      %swap3A_802 = arith.index_cast %swap3A_801 : i32 to index
      %swap3A_803 = arith.constant 96 : index
      %swap3A_804 = tpu.vector_load %arg5[%swap3A_802, %swap3A_803] {strides = array<i32>} : memref<2x128xi32, #tpu.memory_space<vmem>>, vector<1x16xi32>,
      %swap3A_805 = vector.shape_cast %swap3A_804 : vector<1x16xi32> to vector<16xi32>
      %swap3A_806 = vector.shape_cast %add3A_800 : vector<16xi32> to vector<1x16xi32>
      tpu.vector_store %arg5[%swap3A_802, %swap3A_803], %swap3A_806 {strides = array<i32>} : memref<2x128xi32, #tpu.memory_space<vmem>>, vector<1x16xi32>,
      %get3A_807 = arith.constant 1 : i32
      %get3A_808 = arith.index_cast %get3A_807 : i32 to index
      %get3A_809 = arith.constant 112 : index
      %get3A_810 = tpu.vector_load %arg5[%get3A_808, %get3A_809] {strides = array<i32>} : memref<2x128xi32, #tpu.memory_space<vmem>>, vector<1x16xi32>,
      %get3A_811 = vector.shape_cast %get3A_810 : vector<1x16xi32> to vector<16xi32>
      %add3A_812 = vector.broadcast %mul3A_611 : i32 to vector<16xi32>
      %add3A_813 = arith.addi %get3A_811, %add3A_812 : vector<16xi32>
      %swap3A_814 = arith.constant 1 : i32
      %swap3A_815 = arith.index_cast %swap3A_814 : i32 to index
      %swap3A_816 = arith.constant 112 : index
      %swap3A_817 = tpu.vector_load %arg5[%swap3A_815, %swap3A_816] {strides = array<i32>} : memref<2x128xi32, #tpu.memory_space<vmem>>, vector<1x16xi32>,
      %swap3A_818 = vector.shape_cast %swap3A_817 : vector<1x16xi32> to vector<16xi32>
      %swap3A_819 = vector.shape_cast %add3A_813 : vector<16xi32> to vector<1x16xi32>
      tpu.vector_store %arg5[%swap3A_815, %swap3A_816], %swap3A_819 {strides = array<i32>} : memref<2x128xi32, #tpu.memory_space<vmem>>, vector<1x16xi32>,
      %mul3A_820 = arith.constant 256 : i32
      %mul3A_821 = arith.muli %mul3A_543, %mul3A_820 : i32
      %add3A_822 = arith.addi %mul3A_2, %mul3A_821 : i32
      %dma_wait3A_823 = arith.constant 0 : i32
      %dma_wait3A_824 = tpu.memref_slice %arg4[%add3A_822, %dma_wait3A_823] : memref<212992x128xf32, #tpu.memory_space<hbm>> -> memref<256x128xf32, #tpu.memory_space<hbm>>
      %dma_wait3A_825 = arith.constant 0 : i32
      %dma_wait3A_826 = tpu.memref_slice %arg4[%add3A_822, %dma_wait3A_825] : memref<212992x128xf32, #tpu.memory_space<hbm>> -> memref<256x128xf32, #tpu.memory_space<hbm>>
      tpu.wait_dma2 semaphore(%arg11 : memref<!tpu.dma_semaphore, #tpu.memory_space<semaphore_mem>>) src(%arg7 : memref<256x128xf32, #tpu.memory_space<vmem>>) dst(%dma_wait3A_826 : memref<256x128xf32, #tpu.memory_space<hbm>>)
      %dma_start3A_827 = arith.constant 0 : i32
      %dma_start3A_828 = arith.constant 0 : i32
      %dma_start3A_829 = arith.constant 0 : i32
      %dma_start3A_830 = tpu.memref_slice %arg7[%dma_start3A_828, %dma_start3A_829] : memref<256x128xf32, #tpu.memory_space<vmem>> -> memref<128x128xf32, #tpu.memory_space<vmem>>
      %dma_start3A_831 = arith.constant 0 : i32
      %dma_start3A_832 = tpu.memref_slice %arg5[%dma_start3A_827, %dma_start3A_831] : memref<2x128xi32, #tpu.memory_space<vmem>> -> memref<1x128xi32, #tpu.memory_space<vmem>>
      %dma_start3A_833 = tpu.memref_squeeze %dma_start3A_832 : memref<1x128xi32, #tpu.memory_space<vmem>> -> memref<128xi32, #tpu.memory_space<vmem>>
      %dma_start3A_834 = arith.constant 0 : i32
      %dma_start3A_835 = arith.constant 0 : i32
      %dma_start3A_836 = tpu.memref_slice %arg3[%dma_start3A_834, %dma_start3A_835] : memref<26000x128xf32, #tpu.memory_space<hbm>> -> memref<26000x128xf32, #tpu.memory_space<hbm>>
      tpu.enqueue_indirect_dma source(%dma_start3A_836 : memref<26000x128xf32, #tpu.memory_space<hbm>>) target(%dma_start3A_830 : memref<128x128xf32, #tpu.memory_space<vmem>>) offsets(%dma_start3A_833 : memref<128xi32, #tpu.memory_space<vmem>>) semaphore(%arg9 : memref<!tpu.dma_semaphore, #tpu.memory_space<semaphore_mem>>)
      %dma_start3A_837 = arith.constant 1 : i32
      %dma_start3A_838 = arith.constant 128 : i32
      %dma_start3A_839 = arith.constant 0 : i32
      %dma_start3A_840 = tpu.memref_slice %arg7[%dma_start3A_838, %dma_start3A_839] : memref<256x128xf32, #tpu.memory_space<vmem>> -> memref<128x128xf32, #tpu.memory_space<vmem>>
      %dma_start3A_841 = arith.constant 0 : i32
      %dma_start3A_842 = tpu.memref_slice %arg5[%dma_start3A_837, %dma_start3A_841] : memref<2x128xi32, #tpu.memory_space<vmem>> -> memref<1x128xi32, #tpu.memory_space<vmem>>
      %dma_start3A_843 = tpu.memref_squeeze %dma_start3A_842 : memref<1x128xi32, #tpu.memory_space<vmem>> -> memref<128xi32, #tpu.memory_space<vmem>>
      %dma_start3A_844 = arith.constant 0 : i32
      %dma_start3A_845 = arith.constant 0 : i32
      %dma_start3A_846 = tpu.memref_slice %arg3[%dma_start3A_844, %dma_start3A_845] : memref<26000x128xf32, #tpu.memory_space<hbm>> -> memref<26000x128xf32, #tpu.memory_space<hbm>>
      tpu.enqueue_indirect_dma source(%dma_start3A_846 : memref<26000x128xf32, #tpu.memory_space<hbm>>) target(%dma_start3A_840 : memref<128x128xf32, #tpu.memory_space<vmem>>) offsets(%dma_start3A_843 : memref<128xi32, #tpu.memory_space<vmem>>) semaphore(%arg9 : memref<!tpu.dma_semaphore, #tpu.memory_space<semaphore_mem>>)
      %add3A_847 = arith.constant 2 : i32
      %add3A_848 = arith.addi %add3A_545, %add3A_847 : i32
      %mul3A_849 = arith.constant 2 : i32
      %mul3A_850 = arith.muli %add3A_848, %mul3A_849 : i32
      %add3A_851 = arith.addi %mul3A_4, %mul3A_850 : i32
      "tpu.region"() ({
        %run_scoped3A = tpu.sem_alloc : memref<!tpu.dma_semaphore, #tpu.memory_space<semaphore_mem>>
        %dma_start3A_1094 = arith.constant 0 : i32
        %dma_start3A_1095 = tpu.memref_slice %arg2[%add3A_851, %dma_start3A_1094] : memref<1664x128xi32, #tpu.memory_space<hbm>> -> memref<2x128xi32, #tpu.memory_space<hbm>>
        %dma_start3A_1096 = arith.constant 0 : i32
        %dma_start3A_1097 = tpu.memref_slice %arg2[%add3A_851, %dma_start3A_1096] : memref<1664x128xi32, #tpu.memory_space<hbm>> -> memref<2x128xi32, #tpu.memory_space<hbm>>
        tpu.enqueue_dma source(%dma_start3A_1097 : memref<2x128xi32, #tpu.memory_space<hbm>>) target(%arg6 : memref<2x128xi32, #tpu.memory_space<vmem>>) target_semaphore(%run_scoped3A : memref<!tpu.dma_semaphore, #tpu.memory_space<semaphore_mem>>)
        %dma_wait3A_1098 = arith.constant 0 : i32
        %dma_wait3A_1099 = tpu.memref_slice %arg2[%add3A_851, %dma_wait3A_1098] : memref<1664x128xi32, #tpu.memory_space<hbm>> -> memref<2x128xi32, #tpu.memory_space<hbm>>
        %dma_wait3A_1100 = arith.constant 0 : i32
        %dma_wait3A_1101 = tpu.memref_slice %arg2[%add3A_851, %dma_wait3A_1100] : memref<1664x128xi32, #tpu.memory_space<hbm>> -> memref<2x128xi32, #tpu.memory_space<hbm>>
        tpu.wait_dma2 semaphore(%run_scoped3A : memref<!tpu.dma_semaphore, #tpu.memory_space<semaphore_mem>>) src(%dma_wait3A_1101 : memref<2x128xi32, #tpu.memory_space<hbm>>) dst(%arg6 : memref<2x128xi32, #tpu.memory_space<vmem>>)
        tpu.yield
      }) : () -> ()
      %mul3A_852 = arith.constant 256 : i32
      %mul3A_853 = arith.muli %add3A_848, %mul3A_852 : i32
      %add3A_854 = arith.addi %mul3A_2, %mul3A_853 : i32
      %shift_right_logical3A_855 = arith.constant 13 : i32
      %shift_right_logical3A_856 = arith.shrui %add3A_854, %shift_right_logical3A_855 : i32
      %mul3A_857 = arith.constant 1000 : i32
      %mul3A_858 = arith.muli %shift_right_logical3A_856, %mul3A_857 : i32
      %get3A_859 = arith.constant 0 : i32
      %get3A_860 = arith.index_cast %get3A_859 : i32 to index
      %get3A_861 = arith.constant 0 : index
      %get3A_862 = tpu.vector_load %arg6[%get3A_860, %get3A_861] {strides = array<i32>} : memref<2x128xi32, #tpu.memory_space<vmem>>, vector<1x16xi32>,
      %get3A_863 = vector.shape_cast %get3A_862 : vector<1x16xi32> to vector<16xi32>
      %add3A_864 = vector.broadcast %mul3A_858 : i32 to vector<16xi32>
      %add3A_865 = arith.addi %get3A_863, %add3A_864 : vector<16xi32>
      %swap3A_866 = arith.constant 0 : i32
      %swap3A_867 = arith.index_cast %swap3A_866 : i32 to index
      %swap3A_868 = arith.constant 0 : index
      %swap3A_869 = tpu.vector_load %arg6[%swap3A_867, %swap3A_868] {strides = array<i32>} : memref<2x128xi32, #tpu.memory_space<vmem>>, vector<1x16xi32>,
      %swap3A_870 = vector.shape_cast %swap3A_869 : vector<1x16xi32> to vector<16xi32>
      %swap3A_871 = vector.shape_cast %add3A_865 : vector<16xi32> to vector<1x16xi32>
      tpu.vector_store %arg6[%swap3A_867, %swap3A_868], %swap3A_871 {strides = array<i32>} : memref<2x128xi32, #tpu.memory_space<vmem>>, vector<1x16xi32>,
      %get3A_872 = arith.constant 0 : i32
      %get3A_873 = arith.index_cast %get3A_872 : i32 to index
      %get3A_874 = arith.constant 16 : index
      %get3A_875 = tpu.vector_load %arg6[%get3A_873, %get3A_874] {strides = array<i32>} : memref<2x128xi32, #tpu.memory_space<vmem>>, vector<1x16xi32>,
      %get3A_876 = vector.shape_cast %get3A_875 : vector<1x16xi32> to vector<16xi32>
      %add3A_877 = vector.broadcast %mul3A_858 : i32 to vector<16xi32>
      %add3A_878 = arith.addi %get3A_876, %add3A_877 : vector<16xi32>
      %swap3A_879 = arith.constant 0 : i32
      %swap3A_880 = arith.index_cast %swap3A_879 : i32 to index
      %swap3A_881 = arith.constant 16 : index
      %swap3A_882 = tpu.vector_load %arg6[%swap3A_880, %swap3A_881] {strides = array<i32>} : memref<2x128xi32, #tpu.memory_space<vmem>>, vector<1x16xi32>,
      %swap3A_883 = vector.shape_cast %swap3A_882 : vector<1x16xi32> to vector<16xi32>
      %swap3A_884 = vector.shape_cast %add3A_878 : vector<16xi32> to vector<1x16xi32>
      tpu.vector_store %arg6[%swap3A_880, %swap3A_881], %swap3A_884 {strides = array<i32>} : memref<2x128xi32, #tpu.memory_space<vmem>>, vector<1x16xi32>,
      %get3A_885 = arith.constant 0 : i32
      %get3A_886 = arith.index_cast %get3A_885 : i32 to index
      %get3A_887 = arith.constant 32 : index
      %get3A_888 = tpu.vector_load %arg6[%get3A_886, %get3A_887] {strides = array<i32>} : memref<2x128xi32, #tpu.memory_space<vmem>>, vector<1x16xi32>,
      %get3A_889 = vector.shape_cast %get3A_888 : vector<1x16xi32> to vector<16xi32>
      %add3A_890 = vector.broadcast %mul3A_858 : i32 to vector<16xi32>
      %add3A_891 = arith.addi %get3A_889, %add3A_890 : vector<16xi32>
      %swap3A_892 = arith.constant 0 : i32
      %swap3A_893 = arith.index_cast %swap3A_892 : i32 to index
      %swap3A_894 = arith.constant 32 : index
      %swap3A_895 = tpu.vector_load %arg6[%swap3A_893, %swap3A_894] {strides = array<i32>} : memref<2x128xi32, #tpu.memory_space<vmem>>, vector<1x16xi32>,
      %swap3A_896 = vector.shape_cast %swap3A_895 : vector<1x16xi32> to vector<16xi32>
      %swap3A_897 = vector.shape_cast %add3A_891 : vector<16xi32> to vector<1x16xi32>
      tpu.vector_store %arg6[%swap3A_893, %swap3A_894], %swap3A_897 {strides = array<i32>} : memref<2x128xi32, #tpu.memory_space<vmem>>, vector<1x16xi32>,
      %get3A_898 = arith.constant 0 : i32
      %get3A_899 = arith.index_cast %get3A_898 : i32 to index
      %get3A_900 = arith.constant 48 : index
      %get3A_901 = tpu.vector_load %arg6[%get3A_899, %get3A_900] {strides = array<i32>} : memref<2x128xi32, #tpu.memory_space<vmem>>, vector<1x16xi32>,
      %get3A_902 = vector.shape_cast %get3A_901 : vector<1x16xi32> to vector<16xi32>
      %add3A_903 = vector.broadcast %mul3A_858 : i32 to vector<16xi32>
      %add3A_904 = arith.addi %get3A_902, %add3A_903 : vector<16xi32>
      %swap3A_905 = arith.constant 0 : i32
      %swap3A_906 = arith.index_cast %swap3A_905 : i32 to index
      %swap3A_907 = arith.constant 48 : index
      %swap3A_908 = tpu.vector_load %arg6[%swap3A_906, %swap3A_907] {strides = array<i32>} : memref<2x128xi32, #tpu.memory_space<vmem>>, vector<1x16xi32>,
      %swap3A_909 = vector.shape_cast %swap3A_908 : vector<1x16xi32> to vector<16xi32>
      %swap3A_910 = vector.shape_cast %add3A_904 : vector<16xi32> to vector<1x16xi32>
      tpu.vector_store %arg6[%swap3A_906, %swap3A_907], %swap3A_910 {strides = array<i32>} : memref<2x128xi32, #tpu.memory_space<vmem>>, vector<1x16xi32>,
      %get3A_911 = arith.constant 0 : i32
      %get3A_912 = arith.index_cast %get3A_911 : i32 to index
      %get3A_913 = arith.constant 64 : index
      %get3A_914 = tpu.vector_load %arg6[%get3A_912, %get3A_913] {strides = array<i32>} : memref<2x128xi32, #tpu.memory_space<vmem>>, vector<1x16xi32>,
      %get3A_915 = vector.shape_cast %get3A_914 : vector<1x16xi32> to vector<16xi32>
      %add3A_916 = vector.broadcast %mul3A_858 : i32 to vector<16xi32>
      %add3A_917 = arith.addi %get3A_915, %add3A_916 : vector<16xi32>
      %swap3A_918 = arith.constant 0 : i32
      %swap3A_919 = arith.index_cast %swap3A_918 : i32 to index
      %swap3A_920 = arith.constant 64 : index
      %swap3A_921 = tpu.vector_load %arg6[%swap3A_919, %swap3A_920] {strides = array<i32>} : memref<2x128xi32, #tpu.memory_space<vmem>>, vector<1x16xi32>,
      %swap3A_922 = vector.shape_cast %swap3A_921 : vector<1x16xi32> to vector<16xi32>
      %swap3A_923 = vector.shape_cast %add3A_917 : vector<16xi32> to vector<1x16xi32>
      tpu.vector_store %arg6[%swap3A_919, %swap3A_920], %swap3A_923 {strides = array<i32>} : memref<2x128xi32, #tpu.memory_space<vmem>>, vector<1x16xi32>,
      %get3A_924 = arith.constant 0 : i32
      %get3A_925 = arith.index_cast %get3A_924 : i32 to index
      %get3A_926 = arith.constant 80 : index
      %get3A_927 = tpu.vector_load %arg6[%get3A_925, %get3A_926] {strides = array<i32>} : memref<2x128xi32, #tpu.memory_space<vmem>>, vector<1x16xi32>,
      %get3A_928 = vector.shape_cast %get3A_927 : vector<1x16xi32> to vector<16xi32>
      %add3A_929 = vector.broadcast %mul3A_858 : i32 to vector<16xi32>
      %add3A_930 = arith.addi %get3A_928, %add3A_929 : vector<16xi32>
      %swap3A_931 = arith.constant 0 : i32
      %swap3A_932 = arith.index_cast %swap3A_931 : i32 to index
      %swap3A_933 = arith.constant 80 : index
      %swap3A_934 = tpu.vector_load %arg6[%swap3A_932, %swap3A_933] {strides = array<i32>} : memref<2x128xi32, #tpu.memory_space<vmem>>, vector<1x16xi32>,
      %swap3A_935 = vector.shape_cast %swap3A_934 : vector<1x16xi32> to vector<16xi32>
      %swap3A_936 = vector.shape_cast %add3A_930 : vector<16xi32> to vector<1x16xi32>
      tpu.vector_store %arg6[%swap3A_932, %swap3A_933], %swap3A_936 {strides = array<i32>} : memref<2x128xi32, #tpu.memory_space<vmem>>, vector<1x16xi32>,
      %get3A_937 = arith.constant 0 : i32
      %get3A_938 = arith.index_cast %get3A_937 : i32 to index
      %get3A_939 = arith.constant 96 : index
      %get3A_940 = tpu.vector_load %arg6[%get3A_938, %get3A_939] {strides = array<i32>} : memref<2x128xi32, #tpu.memory_space<vmem>>, vector<1x16xi32>,
      %get3A_941 = vector.shape_cast %get3A_940 : vector<1x16xi32> to vector<16xi32>
      %add3A_942 = vector.broadcast %mul3A_858 : i32 to vector<16xi32>
      %add3A_943 = arith.addi %get3A_941, %add3A_942 : vector<16xi32>
      %swap3A_944 = arith.constant 0 : i32
      %swap3A_945 = arith.index_cast %swap3A_944 : i32 to index
      %swap3A_946 = arith.constant 96 : index
      %swap3A_947 = tpu.vector_load %arg6[%swap3A_945, %swap3A_946] {strides = array<i32>} : memref<2x128xi32, #tpu.memory_space<vmem>>, vector<1x16xi32>,
      %swap3A_948 = vector.shape_cast %swap3A_947 : vector<1x16xi32> to vector<16xi32>
      %swap3A_949 = vector.shape_cast %add3A_943 : vector<16xi32> to vector<1x16xi32>
      tpu.vector_store %arg6[%swap3A_945, %swap3A_946], %swap3A_949 {strides = array<i32>} : memref<2x128xi32, #tpu.memory_space<vmem>>, vector<1x16xi32>,
      %get3A_950 = arith.constant 0 : i32
      %get3A_951 = arith.index_cast %get3A_950 : i32 to index
      %get3A_952 = arith.constant 112 : index
      %get3A_953 = tpu.vector_load %arg6[%get3A_951, %get3A_952] {strides = array<i32>} : memref<2x128xi32, #tpu.memory_space<vmem>>, vector<1x16xi32>,
      %get3A_954 = vector.shape_cast %get3A_953 : vector<1x16xi32> to vector<16xi32>
      %add3A_955 = vector.broadcast %mul3A_858 : i32 to vector<16xi32>
      %add3A_956 = arith.addi %get3A_954, %add3A_955 : vector<16xi32>
      %swap3A_957 = arith.constant 0 : i32
      %swap3A_958 = arith.index_cast %swap3A_957 : i32 to index
      %swap3A_959 = arith.constant 112 : index
      %swap3A_960 = tpu.vector_load %arg6[%swap3A_958, %swap3A_959] {strides = array<i32>} : memref<2x128xi32, #tpu.memory_space<vmem>>, vector<1x16xi32>,
      %swap3A_961 = vector.shape_cast %swap3A_960 : vector<1x16xi32> to vector<16xi32>
      %swap3A_962 = vector.shape_cast %add3A_956 : vector<16xi32> to vector<1x16xi32>
      tpu.vector_store %arg6[%swap3A_958, %swap3A_959], %swap3A_962 {strides = array<i32>} : memref<2x128xi32, #tpu.memory_space<vmem>>, vector<1x16xi32>,
      %get3A_963 = arith.constant 1 : i32
      %get3A_964 = arith.index_cast %get3A_963 : i32 to index
      %get3A_965 = arith.constant 0 : index
      %get3A_966 = tpu.vector_load %arg6[%get3A_964, %get3A_965] {strides = array<i32>} : memref<2x128xi32, #tpu.memory_space<vmem>>, vector<1x16xi32>,
      %get3A_967 = vector.shape_cast %get3A_966 : vector<1x16xi32> to vector<16xi32>
      %add3A_968 = vector.broadcast %mul3A_858 : i32 to vector<16xi32>
      %add3A_969 = arith.addi %get3A_967, %add3A_968 : vector<16xi32>
      %swap3A_970 = arith.constant 1 : i32
      %swap3A_971 = arith.index_cast %swap3A_970 : i32 to index
      %swap3A_972 = arith.constant 0 : index
      %swap3A_973 = tpu.vector_load %arg6[%swap3A_971, %swap3A_972] {strides = array<i32>} : memref<2x128xi32, #tpu.memory_space<vmem>>, vector<1x16xi32>,
      %swap3A_974 = vector.shape_cast %swap3A_973 : vector<1x16xi32> to vector<16xi32>
      %swap3A_975 = vector.shape_cast %add3A_969 : vector<16xi32> to vector<1x16xi32>
      tpu.vector_store %arg6[%swap3A_971, %swap3A_972], %swap3A_975 {strides = array<i32>} : memref<2x128xi32, #tpu.memory_space<vmem>>, vector<1x16xi32>,
      %get3A_976 = arith.constant 1 : i32
      %get3A_977 = arith.index_cast %get3A_976 : i32 to index
      %get3A_978 = arith.constant 16 : index
      %get3A_979 = tpu.vector_load %arg6[%get3A_977, %get3A_978] {strides = array<i32>} : memref<2x128xi32, #tpu.memory_space<vmem>>, vector<1x16xi32>,
      %get3A_980 = vector.shape_cast %get3A_979 : vector<1x16xi32> to vector<16xi32>
      %add3A_981 = vector.broadcast %mul3A_858 : i32 to vector<16xi32>
      %add3A_982 = arith.addi %get3A_980, %add3A_981 : vector<16xi32>
      %swap3A_983 = arith.constant 1 : i32
      %swap3A_984 = arith.index_cast %swap3A_983 : i32 to index
      %swap3A_985 = arith.constant 16 : index
      %swap3A_986 = tpu.vector_load %arg6[%swap3A_984, %swap3A_985] {strides = array<i32>} : memref<2x128xi32, #tpu.memory_space<vmem>>, vector<1x16xi32>,
      %swap3A_987 = vector.shape_cast %swap3A_986 : vector<1x16xi32> to vector<16xi32>
      %swap3A_988 = vector.shape_cast %add3A_982 : vector<16xi32> to vector<1x16xi32>
      tpu.vector_store %arg6[%swap3A_984, %swap3A_985], %swap3A_988 {strides = array<i32>} : memref<2x128xi32, #tpu.memory_space<vmem>>, vector<1x16xi32>,
      %get3A_989 = arith.constant 1 : i32
      %get3A_990 = arith.index_cast %get3A_989 : i32 to index
      %get3A_991 = arith.constant 32 : index
      %get3A_992 = tpu.vector_load %arg6[%get3A_990, %get3A_991] {strides = array<i32>} : memref<2x128xi32, #tpu.memory_space<vmem>>, vector<1x16xi32>,
      %get3A_993 = vector.shape_cast %get3A_992 : vector<1x16xi32> to vector<16xi32>
      %add3A_994 = vector.broadcast %mul3A_858 : i32 to vector<16xi32>
      %add3A_995 = arith.addi %get3A_993, %add3A_994 : vector<16xi32>
      %swap3A_996 = arith.constant 1 : i32
      %swap3A_997 = arith.index_cast %swap3A_996 : i32 to index
      %swap3A_998 = arith.constant 32 : index
      %swap3A_999 = tpu.vector_load %arg6[%swap3A_997, %swap3A_998] {strides = array<i32>} : memref<2x128xi32, #tpu.memory_space<vmem>>, vector<1x16xi32>,
      %swap3A_1000 = vector.shape_cast %swap3A_999 : vector<1x16xi32> to vector<16xi32>
      %swap3A_1001 = vector.shape_cast %add3A_995 : vector<16xi32> to vector<1x16xi32>
      tpu.vector_store %arg6[%swap3A_997, %swap3A_998], %swap3A_1001 {strides = array<i32>} : memref<2x128xi32, #tpu.memory_space<vmem>>, vector<1x16xi32>,
      %get3A_1002 = arith.constant 1 : i32
      %get3A_1003 = arith.index_cast %get3A_1002 : i32 to index
      %get3A_1004 = arith.constant 48 : index
      %get3A_1005 = tpu.vector_load %arg6[%get3A_1003, %get3A_1004] {strides = array<i32>} : memref<2x128xi32, #tpu.memory_space<vmem>>, vector<1x16xi32>,
      %get3A_1006 = vector.shape_cast %get3A_1005 : vector<1x16xi32> to vector<16xi32>
      %add3A_1007 = vector.broadcast %mul3A_858 : i32 to vector<16xi32>
      %add3A_1008 = arith.addi %get3A_1006, %add3A_1007 : vector<16xi32>
      %swap3A_1009 = arith.constant 1 : i32
      %swap3A_1010 = arith.index_cast %swap3A_1009 : i32 to index
      %swap3A_1011 = arith.constant 48 : index
      %swap3A_1012 = tpu.vector_load %arg6[%swap3A_1010, %swap3A_1011] {strides = array<i32>} : memref<2x128xi32, #tpu.memory_space<vmem>>, vector<1x16xi32>,
      %swap3A_1013 = vector.shape_cast %swap3A_1012 : vector<1x16xi32> to vector<16xi32>
      %swap3A_1014 = vector.shape_cast %add3A_1008 : vector<16xi32> to vector<1x16xi32>
      tpu.vector_store %arg6[%swap3A_1010, %swap3A_1011], %swap3A_1014 {strides = array<i32>} : memref<2x128xi32, #tpu.memory_space<vmem>>, vector<1x16xi32>,
      %get3A_1015 = arith.constant 1 : i32
      %get3A_1016 = arith.index_cast %get3A_1015 : i32 to index
      %get3A_1017 = arith.constant 64 : index
      %get3A_1018 = tpu.vector_load %arg6[%get3A_1016, %get3A_1017] {strides = array<i32>} : memref<2x128xi32, #tpu.memory_space<vmem>>, vector<1x16xi32>,
      %get3A_1019 = vector.shape_cast %get3A_1018 : vector<1x16xi32> to vector<16xi32>
      %add3A_1020 = vector.broadcast %mul3A_858 : i32 to vector<16xi32>
      %add3A_1021 = arith.addi %get3A_1019, %add3A_1020 : vector<16xi32>
      %swap3A_1022 = arith.constant 1 : i32
      %swap3A_1023 = arith.index_cast %swap3A_1022 : i32 to index
      %swap3A_1024 = arith.constant 64 : index
      %swap3A_1025 = tpu.vector_load %arg6[%swap3A_1023, %swap3A_1024] {strides = array<i32>} : memref<2x128xi32, #tpu.memory_space<vmem>>, vector<1x16xi32>,
      %swap3A_1026 = vector.shape_cast %swap3A_1025 : vector<1x16xi32> to vector<16xi32>
      %swap3A_1027 = vector.shape_cast %add3A_1021 : vector<16xi32> to vector<1x16xi32>
      tpu.vector_store %arg6[%swap3A_1023, %swap3A_1024], %swap3A_1027 {strides = array<i32>} : memref<2x128xi32, #tpu.memory_space<vmem>>, vector<1x16xi32>,
      %get3A_1028 = arith.constant 1 : i32
      %get3A_1029 = arith.index_cast %get3A_1028 : i32 to index
      %get3A_1030 = arith.constant 80 : index
      %get3A_1031 = tpu.vector_load %arg6[%get3A_1029, %get3A_1030] {strides = array<i32>} : memref<2x128xi32, #tpu.memory_space<vmem>>, vector<1x16xi32>,
      %get3A_1032 = vector.shape_cast %get3A_1031 : vector<1x16xi32> to vector<16xi32>
      %add3A_1033 = vector.broadcast %mul3A_858 : i32 to vector<16xi32>
      %add3A_1034 = arith.addi %get3A_1032, %add3A_1033 : vector<16xi32>
      %swap3A_1035 = arith.constant 1 : i32
      %swap3A_1036 = arith.index_cast %swap3A_1035 : i32 to index
      %swap3A_1037 = arith.constant 80 : index
      %swap3A_1038 = tpu.vector_load %arg6[%swap3A_1036, %swap3A_1037] {strides = array<i32>} : memref<2x128xi32, #tpu.memory_space<vmem>>, vector<1x16xi32>,
      %swap3A_1039 = vector.shape_cast %swap3A_1038 : vector<1x16xi32> to vector<16xi32>
      %swap3A_1040 = vector.shape_cast %add3A_1034 : vector<16xi32> to vector<1x16xi32>
      tpu.vector_store %arg6[%swap3A_1036, %swap3A_1037], %swap3A_1040 {strides = array<i32>} : memref<2x128xi32, #tpu.memory_space<vmem>>, vector<1x16xi32>,
      %get3A_1041 = arith.constant 1 : i32
      %get3A_1042 = arith.index_cast %get3A_1041 : i32 to index
      %get3A_1043 = arith.constant 96 : index
      %get3A_1044 = tpu.vector_load %arg6[%get3A_1042, %get3A_1043] {strides = array<i32>} : memref<2x128xi32, #tpu.memory_space<vmem>>, vector<1x16xi32>,
      %get3A_1045 = vector.shape_cast %get3A_1044 : vector<1x16xi32> to vector<16xi32>
      %add3A_1046 = vector.broadcast %mul3A_858 : i32 to vector<16xi32>
      %add3A_1047 = arith.addi %get3A_1045, %add3A_1046 : vector<16xi32>
      %swap3A_1048 = arith.constant 1 : i32
      %swap3A_1049 = arith.index_cast %swap3A_1048 : i32 to index
      %swap3A_1050 = arith.constant 96 : index
      %swap3A_1051 = tpu.vector_load %arg6[%swap3A_1049, %swap3A_1050] {strides = array<i32>} : memref<2x128xi32, #tpu.memory_space<vmem>>, vector<1x16xi32>,
      %swap3A_1052 = vector.shape_cast %swap3A_1051 : vector<1x16xi32> to vector<16xi32>
      %swap3A_1053 = vector.shape_cast %add3A_1047 : vector<16xi32> to vector<1x16xi32>
      tpu.vector_store %arg6[%swap3A_1049, %swap3A_1050], %swap3A_1053 {strides = array<i32>} : memref<2x128xi32, #tpu.memory_space<vmem>>, vector<1x16xi32>,
      %get3A_1054 = arith.constant 1 : i32
      %get3A_1055 = arith.index_cast %get3A_1054 : i32 to index
      %get3A_1056 = arith.constant 112 : index
      %get3A_1057 = tpu.vector_load %arg6[%get3A_1055, %get3A_1056] {strides = array<i32>} : memref<2x128xi32, #tpu.memory_space<vmem>>, vector<1x16xi32>,
      %get3A_1058 = vector.shape_cast %get3A_1057 : vector<1x16xi32> to vector<16xi32>
      %add3A_1059 = vector.broadcast %mul3A_858 : i32 to vector<16xi32>
      %add3A_1060 = arith.addi %get3A_1058, %add3A_1059 : vector<16xi32>
      %swap3A_1061 = arith.constant 1 : i32
      %swap3A_1062 = arith.index_cast %swap3A_1061 : i32 to index
      %swap3A_1063 = arith.constant 112 : index
      %swap3A_1064 = tpu.vector_load %arg6[%swap3A_1062, %swap3A_1063] {strides = array<i32>} : memref<2x128xi32, #tpu.memory_space<vmem>>, vector<1x16xi32>,
      %swap3A_1065 = vector.shape_cast %swap3A_1064 : vector<1x16xi32> to vector<16xi32>
      %swap3A_1066 = vector.shape_cast %add3A_1060 : vector<16xi32> to vector<1x16xi32>
      tpu.vector_store %arg6[%swap3A_1062, %swap3A_1063], %swap3A_1066 {strides = array<i32>} : memref<2x128xi32, #tpu.memory_space<vmem>>, vector<1x16xi32>,
      %mul3A_1067 = arith.constant 256 : i32
      %mul3A_1068 = arith.muli %add3A_545, %mul3A_1067 : i32
      %add3A_1069 = arith.addi %mul3A_2, %mul3A_1068 : i32
      %dma_wait3A_1070 = arith.constant 0 : i32
      %dma_wait3A_1071 = tpu.memref_slice %arg4[%add3A_1069, %dma_wait3A_1070] : memref<212992x128xf32, #tpu.memory_space<hbm>> -> memref<256x128xf32, #tpu.memory_space<hbm>>
      %dma_wait3A_1072 = arith.constant 0 : i32
      %dma_wait3A_1073 = tpu.memref_slice %arg4[%add3A_1069, %dma_wait3A_1072] : memref<212992x128xf32, #tpu.memory_space<hbm>> -> memref<256x128xf32, #tpu.memory_space<hbm>>
      tpu.wait_dma2 semaphore(%arg12 : memref<!tpu.dma_semaphore, #tpu.memory_space<semaphore_mem>>) src(%arg8 : memref<256x128xf32, #tpu.memory_space<vmem>>) dst(%dma_wait3A_1073 : memref<256x128xf32, #tpu.memory_space<hbm>>)
      %dma_start3A_1074 = arith.constant 0 : i32
      %dma_start3A_1075 = arith.constant 0 : i32
      %dma_start3A_1076 = arith.constant 0 : i32
      %dma_start3A_1077 = tpu.memref_slice %arg8[%dma_start3A_1075, %dma_start3A_1076] : memref<256x128xf32, #tpu.memory_space<vmem>> -> memref<128x128xf32, #tpu.memory_space<vmem>>
      %dma_start3A_1078 = arith.constant 0 : i32
      %dma_start3A_1079 = tpu.memref_slice %arg6[%dma_start3A_1074, %dma_start3A_1078] : memref<2x128xi32, #tpu.memory_space<vmem>> -> memref<1x128xi32, #tpu.memory_space<vmem>>
      %dma_start3A_1080 = tpu.memref_squeeze %dma_start3A_1079 : memref<1x128xi32, #tpu.memory_space<vmem>> -> memref<128xi32, #tpu.memory_space<vmem>>
      %dma_start3A_1081 = arith.constant 0 : i32
      %dma_start3A_1082 = arith.constant 0 : i32
      %dma_start3A_1083 = tpu.memref_slice %arg3[%dma_start3A_1081, %dma_start3A_1082] : memref<26000x128xf32, #tpu.memory_space<hbm>> -> memref<26000x128xf32, #tpu.memory_space<hbm>>
      tpu.enqueue_indirect_dma source(%dma_start3A_1083 : memref<26000x128xf32, #tpu.memory_space<hbm>>) target(%dma_start3A_1077 : memref<128x128xf32, #tpu.memory_space<vmem>>) offsets(%dma_start3A_1080 : memref<128xi32, #tpu.memory_space<vmem>>) semaphore(%arg10 : memref<!tpu.dma_semaphore, #tpu.memory_space<semaphore_mem>>)
      %dma_start3A_1084 = arith.constant 1 : i32
      %dma_start3A_1085 = arith.constant 128 : i32
      %dma_start3A_1086 = arith.constant 0 : i32
      %dma_start3A_1087 = tpu.memref_slice %arg8[%dma_start3A_1085, %dma_start3A_1086] : memref<256x128xf32, #tpu.memory_space<vmem>> -> memref<128x128xf32, #tpu.memory_space<vmem>>
      %dma_start3A_1088 = arith.constant 0 : i32
      %dma_start3A_1089 = tpu.memref_slice %arg6[%dma_start3A_1084, %dma_start3A_1088] : memref<2x128xi32, #tpu.memory_space<vmem>> -> memref<1x128xi32, #tpu.memory_space<vmem>>
      %dma_start3A_1090 = tpu.memref_squeeze %dma_start3A_1089 : memref<1x128xi32, #tpu.memory_space<vmem>> -> memref<128xi32, #tpu.memory_space<vmem>>
      %dma_start3A_1091 = arith.constant 0 : i32
      %dma_start3A_1092 = arith.constant 0 : i32
      %dma_start3A_1093 = tpu.memref_slice %arg3[%dma_start3A_1091, %dma_start3A_1092] : memref<26000x128xf32, #tpu.memory_space<hbm>> -> memref<26000x128xf32, #tpu.memory_space<hbm>>
      tpu.enqueue_indirect_dma source(%dma_start3A_1093 : memref<26000x128xf32, #tpu.memory_space<hbm>>) target(%dma_start3A_1087 : memref<128x128xf32, #tpu.memory_space<vmem>>) offsets(%dma_start3A_1090 : memref<128xi32, #tpu.memory_space<vmem>>) semaphore(%arg10 : memref<!tpu.dma_semaphore, #tpu.memory_space<semaphore_mem>>)
    }
    %scan3A_477 = arith.constant 12 : i32
    %dma_wait3A = arith.constant 0 : i32
    %dma_wait3A_478 = arith.constant 0 : i32
    %dma_wait3A_479 = arith.constant 0 : i32
    %dma_wait3A_480 = tpu.memref_slice %arg7[%dma_wait3A_478, %dma_wait3A_479] : memref<256x128xf32, #tpu.memory_space<vmem>> -> memref<128x128xf32, #tpu.memory_space<vmem>>
    %dma_wait3A_481 = arith.constant 0 : i32
    %dma_wait3A_482 = tpu.memref_slice %arg5[%dma_wait3A, %dma_wait3A_481] : memref<2x128xi32, #tpu.memory_space<vmem>> -> memref<1x128xi32, #tpu.memory_space<vmem>>
    %dma_wait3A_483 = tpu.memref_squeeze %dma_wait3A_482 : memref<1x128xi32, #tpu.memory_space<vmem>> -> memref<128xi32, #tpu.memory_space<vmem>>
    %dma_wait3A_484 = arith.constant 0 : i32
    %dma_wait3A_485 = arith.constant 0 : i32
    %dma_wait3A_486 = tpu.memref_slice %arg3[%dma_wait3A_484, %dma_wait3A_485] : memref<26000x128xf32, #tpu.memory_space<hbm>> -> memref<26000x128xf32, #tpu.memory_space<hbm>>
    tpu.wait_indirect_dma semaphore(%arg9 : memref<!tpu.dma_semaphore, #tpu.memory_space<semaphore_mem>>) src(%dma_wait3A_486 : memref<26000x128xf32, #tpu.memory_space<hbm>>) dst(%dma_wait3A_480 : memref<128x128xf32, #tpu.memory_space<vmem>>)
    %dma_wait3A_487 = arith.constant 1 : i32
    %dma_wait3A_488 = arith.constant 128 : i32
    %dma_wait3A_489 = arith.constant 0 : i32
    %dma_wait3A_490 = tpu.memref_slice %arg7[%dma_wait3A_488, %dma_wait3A_489] : memref<256x128xf32, #tpu.memory_space<vmem>> -> memref<128x128xf32, #tpu.memory_space<vmem>>
    %dma_wait3A_491 = arith.constant 0 : i32
    %dma_wait3A_492 = tpu.memref_slice %arg5[%dma_wait3A_487, %dma_wait3A_491] : memref<2x128xi32, #tpu.memory_space<vmem>> -> memref<1x128xi32, #tpu.memory_space<vmem>>
    %dma_wait3A_493 = tpu.memref_squeeze %dma_wait3A_492 : memref<1x128xi32, #tpu.memory_space<vmem>> -> memref<128xi32, #tpu.memory_space<vmem>>
    %dma_wait3A_494 = arith.constant 0 : i32
    %dma_wait3A_495 = arith.constant 0 : i32
    %dma_wait3A_496 = tpu.memref_slice %arg3[%dma_wait3A_494, %dma_wait3A_495] : memref<26000x128xf32, #tpu.memory_space<hbm>> -> memref<26000x128xf32, #tpu.memory_space<hbm>>
    tpu.wait_indirect_dma semaphore(%arg9 : memref<!tpu.dma_semaphore, #tpu.memory_space<semaphore_mem>>) src(%dma_wait3A_496 : memref<26000x128xf32, #tpu.memory_space<hbm>>) dst(%dma_wait3A_490 : memref<128x128xf32, #tpu.memory_space<vmem>>)
    %add3A_497 = arith.constant 6144 : i32
    %add3A_498 = arith.addi %mul3A_2, %add3A_497 : i32
    %dma_start3A_499 = arith.constant 0 : i32
    %dma_start3A_500 = tpu.memref_slice %arg4[%add3A_498, %dma_start3A_499] : memref<212992x128xf32, #tpu.memory_space<hbm>> -> memref<256x128xf32, #tpu.memory_space<hbm>>
    %dma_start3A_501 = arith.constant 0 : i32
    %dma_start3A_502 = tpu.memref_slice %arg4[%add3A_498, %dma_start3A_501] : memref<212992x128xf32, #tpu.memory_space<hbm>> -> memref<256x128xf32, #tpu.memory_space<hbm>>
    tpu.enqueue_dma source(%arg7 : memref<256x128xf32, #tpu.memory_space<vmem>>) target(%dma_start3A_502 : memref<256x128xf32, #tpu.memory_space<hbm>>) target_semaphore(%arg11 : memref<!tpu.dma_semaphore, #tpu.memory_space<semaphore_mem>>)
    %dma_wait3A_503 = arith.constant 0 : i32
    %dma_wait3A_504 = arith.constant 0 : i32
    %dma_wait3A_505 = arith.constant 0 : i32
    %dma_wait3A_506 = tpu.memref_slice %arg8[%dma_wait3A_504, %dma_wait3A_505] : memref<256x128xf32, #tpu.memory_space<vmem>> -> memref<128x128xf32, #tpu.memory_space<vmem>>
    %dma_wait3A_507 = arith.constant 0 : i32
    %dma_wait3A_508 = tpu.memref_slice %arg6[%dma_wait3A_503, %dma_wait3A_507] : memref<2x128xi32, #tpu.memory_space<vmem>> -> memref<1x128xi32, #tpu.memory_space<vmem>>
    %dma_wait3A_509 = tpu.memref_squeeze %dma_wait3A_508 : memref<1x128xi32, #tpu.memory_space<vmem>> -> memref<128xi32, #tpu.memory_space<vmem>>
    %dma_wait3A_510 = arith.constant 0 : i32
    %dma_wait3A_511 = arith.constant 0 : i32
    %dma_wait3A_512 = tpu.memref_slice %arg3[%dma_wait3A_510, %dma_wait3A_511] : memref<26000x128xf32, #tpu.memory_space<hbm>> -> memref<26000x128xf32, #tpu.memory_space<hbm>>
    tpu.wait_indirect_dma semaphore(%arg10 : memref<!tpu.dma_semaphore, #tpu.memory_space<semaphore_mem>>) src(%dma_wait3A_512 : memref<26000x128xf32, #tpu.memory_space<hbm>>) dst(%dma_wait3A_506 : memref<128x128xf32, #tpu.memory_space<vmem>>)
    %dma_wait3A_513 = arith.constant 1 : i32
    %dma_wait3A_514 = arith.constant 128 : i32
    %dma_wait3A_515 = arith.constant 0 : i32
    %dma_wait3A_516 = tpu.memref_slice %arg8[%dma_wait3A_514, %dma_wait3A_515] : memref<256x128xf32, #tpu.memory_space<vmem>> -> memref<128x128xf32, #tpu.memory_space<vmem>>
    %dma_wait3A_517 = arith.constant 0 : i32
    %dma_wait3A_518 = tpu.memref_slice %arg6[%dma_wait3A_513, %dma_wait3A_517] : memref<2x128xi32, #tpu.memory_space<vmem>> -> memref<1x128xi32, #tpu.memory_space<vmem>>
    %dma_wait3A_519 = tpu.memref_squeeze %dma_wait3A_518 : memref<1x128xi32, #tpu.memory_space<vmem>> -> memref<128xi32, #tpu.memory_space<vmem>>
    %dma_wait3A_520 = arith.constant 0 : i32
    %dma_wait3A_521 = arith.constant 0 : i32
    %dma_wait3A_522 = tpu.memref_slice %arg3[%dma_wait3A_520, %dma_wait3A_521] : memref<26000x128xf32, #tpu.memory_space<hbm>> -> memref<26000x128xf32, #tpu.memory_space<hbm>>
    tpu.wait_indirect_dma semaphore(%arg10 : memref<!tpu.dma_semaphore, #tpu.memory_space<semaphore_mem>>) src(%dma_wait3A_522 : memref<26000x128xf32, #tpu.memory_space<hbm>>) dst(%dma_wait3A_516 : memref<128x128xf32, #tpu.memory_space<vmem>>)
    %add3A_523 = arith.constant 6400 : i32
    %add3A_524 = arith.addi %mul3A_2, %add3A_523 : i32
    %dma_start3A_525 = arith.constant 0 : i32
    %dma_start3A_526 = tpu.memref_slice %arg4[%add3A_524, %dma_start3A_525] : memref<212992x128xf32, #tpu.memory_space<hbm>> -> memref<256x128xf32, #tpu.memory_space<hbm>>
    %dma_start3A_527 = arith.constant 0 : i32
    %dma_start3A_528 = tpu.memref_slice %arg4[%add3A_524, %dma_start3A_527] : memref<212992x128xf32, #tpu.memory_space<hbm>> -> memref<256x128xf32, #tpu.memory_space<hbm>>
    tpu.enqueue_dma source(%arg8 : memref<256x128xf32, #tpu.memory_space<vmem>>) target(%dma_start3A_528 : memref<256x128xf32, #tpu.memory_space<hbm>>) target_semaphore(%arg12 : memref<!tpu.dma_semaphore, #tpu.memory_space<semaphore_mem>>)
    %add3A_529 = arith.constant 6144 : i32
    %add3A_530 = arith.addi %mul3A_2, %add3A_529 : i32
    %dma_wait3A_531 = arith.constant 0 : i32
    %dma_wait3A_532 = tpu.memref_slice %arg4[%add3A_530, %dma_wait3A_531] : memref<212992x128xf32, #tpu.memory_space<hbm>> -> memref<256x128xf32, #tpu.memory_space<hbm>>
    %dma_wait3A_533 = arith.constant 0 : i32
    %dma_wait3A_534 = tpu.memref_slice %arg4[%add3A_530, %dma_wait3A_533] : memref<212992x128xf32, #tpu.memory_space<hbm>> -> memref<256x128xf32, #tpu.memory_space<hbm>>
    tpu.wait_dma2 semaphore(%arg11 : memref<!tpu.dma_semaphore, #tpu.memory_space<semaphore_mem>>) src(%arg7 : memref<256x128xf32, #tpu.memory_space<vmem>>) dst(%dma_wait3A_534 : memref<256x128xf32, #tpu.memory_space<hbm>>)
    %add3A_535 = arith.constant 6400 : i32
    %add3A_536 = arith.addi %mul3A_2, %add3A_535 : i32
    %dma_wait3A_537 = arith.constant 0 : i32
    %dma_wait3A_538 = tpu.memref_slice %arg4[%add3A_536, %dma_wait3A_537] : memref<212992x128xf32, #tpu.memory_space<hbm>> -> memref<256x128xf32, #tpu.memory_space<hbm>>
    %dma_wait3A_539 = arith.constant 0 : i32
    %dma_wait3A_540 = tpu.memref_slice %arg4[%add3A_536, %dma_wait3A_539] : memref<212992x128xf32, #tpu.memory_space<hbm>> -> memref<256x128xf32, #tpu.memory_space<hbm>>
    tpu.wait_dma2 semaphore(%arg12 : memref<!tpu.dma_semaphore, #tpu.memory_space<semaphore_mem>>) src(%arg8 : memref<256x128xf32, #tpu.memory_space<vmem>>) dst(%dma_wait3A_540 : memref<256x128xf32, #tpu.memory_space<hbm>>)
    return
  }
}

#map = affine_map<(d0, d1) -> (0)>
#map1 = affine_map<(d0, d1) -> (0, 0)>
module attributes {stable_mosaic.version = 14 : i64} {
  func.func @k(%arg0: i32, %arg1: i32, %arg2: memref<425984xi32, #tpu.memory_space<hbm>>, %arg3: memref<26000xf32, #tpu.memory_space<hbm>>, %arg4: memref<26x16384xf32, #tpu.memory_space<hbm>>, %arg5: memref<26000xf32, #tpu.memory_space<vmem>>, %arg6: memref<512xi32, #tpu.memory_space<vmem>>, %arg7: memref<512xf32, #tpu.memory_space<vmem>>) attributes {dimension_semantics = [#tpu.dimension_semantics<core_parallel>, #tpu.dimension_semantics<subcore_parallel>], iteration_bounds = array<i64: 2, 16>, scalar_prefetch = 0 : i64, scratch_operands = 3 : i64, tpu.core_type = #tpu.core_type<sc_vector_subcore>, window_params = [{transform_indices = #map}, {transform_indices = #map}, {transform_indices = #map1}]} {
    %mul3A = arith.constant 16 : i32
    %mul3A_0 = arith.muli %arg0, %mul3A : i32
    %add3A = arith.addi %mul3A_0, %arg1 : i32
    %mul3A_1 = arith.constant 13312 : i32
    %mul3A_2 = arith.muli %add3A, %mul3A_1 : i32
    "tpu.region"() ({
      %run_scoped3A = tpu.sem_alloc : memref<!tpu.dma_semaphore, #tpu.memory_space<semaphore_mem>>
      tpu.enqueue_dma source(%arg3 : memref<26000xf32, #tpu.memory_space<hbm>>) target(%arg5 : memref<26000xf32, #tpu.memory_space<vmem>>) target_semaphore(%run_scoped3A : memref<!tpu.dma_semaphore, #tpu.memory_space<semaphore_mem>>)
      tpu.wait_dma2 semaphore(%run_scoped3A : memref<!tpu.dma_semaphore, #tpu.memory_space<semaphore_mem>>) src(%arg3 : memref<26000xf32, #tpu.memory_space<hbm>>) dst(%arg5 : memref<26000xf32, #tpu.memory_space<vmem>>)
      tpu.yield
    }) : () -> ()
    %scan3A = arith.constant 0 : i32
    %scan3A_3 = arith.constant 0 : i32
    %scan3A_4 = arith.constant 26 : i32
    %scan3A_5 = arith.addi %scan3A_3, %scan3A_4 : i32
    %scan3A_6 = arith.constant 1 : i32
    scf.for %scan3A_8 = %scan3A_3 to %scan3A_5 step %scan3A_6  : i32 {
      %mul3A_9 = arith.constant 512 : i32
      %mul3A_10 = arith.muli %scan3A_8, %mul3A_9 : i32
      %add3A_11 = arith.addi %mul3A_2, %mul3A_10 : i32
      %shift_right_logical3A = arith.constant 14 : i32
      %shift_right_logical3A_12 = arith.shrui %add3A_11, %shift_right_logical3A : i32
      %mul3A_13 = arith.constant 16384 : i32
      %mul3A_14 = arith.muli %shift_right_logical3A_12, %mul3A_13 : i32
      %sub3A = arith.subi %add3A_11, %mul3A_14 : i32
      "tpu.region"() ({
        %run_scoped3A = tpu.sem_alloc : memref<!tpu.dma_semaphore, #tpu.memory_space<semaphore_mem>>
        %dma_start3A = tpu.memref_slice %arg2[%add3A_11] : memref<425984xi32, #tpu.memory_space<hbm>> -> memref<512xi32, #tpu.memory_space<hbm>>
        %dma_start3A_238 = tpu.memref_slice %arg2[%add3A_11] : memref<425984xi32, #tpu.memory_space<hbm>> -> memref<512xi32, #tpu.memory_space<hbm>>
        tpu.enqueue_dma source(%dma_start3A_238 : memref<512xi32, #tpu.memory_space<hbm>>) target(%arg6 : memref<512xi32, #tpu.memory_space<vmem>>) target_semaphore(%run_scoped3A : memref<!tpu.dma_semaphore, #tpu.memory_space<semaphore_mem>>)
        %dma_wait3A = tpu.memref_slice %arg2[%add3A_11] : memref<425984xi32, #tpu.memory_space<hbm>> -> memref<512xi32, #tpu.memory_space<hbm>>
        %dma_wait3A_239 = tpu.memref_slice %arg2[%add3A_11] : memref<425984xi32, #tpu.memory_space<hbm>> -> memref<512xi32, #tpu.memory_space<hbm>>
        tpu.wait_dma2 semaphore(%run_scoped3A : memref<!tpu.dma_semaphore, #tpu.memory_space<semaphore_mem>>) src(%dma_wait3A_239 : memref<512xi32, #tpu.memory_space<hbm>>) dst(%arg6 : memref<512xi32, #tpu.memory_space<vmem>>)
        tpu.yield
      }) : () -> ()
      %mul3A_15 = arith.constant 1000 : i32
      %mul3A_16 = arith.muli %shift_right_logical3A_12, %mul3A_15 : i32
      %get3A = arith.constant 0 : index
      %get3A_17 = tpu.vector_load %arg6[%get3A] {strides = array<i32>} : memref<512xi32, #tpu.memory_space<vmem>>, vector<16xi32>,
      %add3A_18 = vector.broadcast %mul3A_16 : i32 to vector<16xi32>
      %add3A_19 = arith.addi %get3A_17, %add3A_18 : vector<16xi32>
      %gather3A = tpu.vector_load_idx %arg5[%add3A_19] : memref<26000xf32, #tpu.memory_space<vmem>>[vector<16xi32>], vector<16xf32>,
      %swap3A = arith.constant 0 : index
      %swap3A_20 = tpu.vector_load %arg7[%swap3A] {strides = array<i32>} : memref<512xf32, #tpu.memory_space<vmem>>, vector<16xf32>,
      tpu.vector_store %arg7[%swap3A], %gather3A {strides = array<i32>} : memref<512xf32, #tpu.memory_space<vmem>>, vector<16xf32>,
      %get3A_21 = arith.constant 16 : index
      %get3A_22 = tpu.vector_load %arg6[%get3A_21] {strides = array<i32>} : memref<512xi32, #tpu.memory_space<vmem>>, vector<16xi32>,
      %add3A_23 = vector.broadcast %mul3A_16 : i32 to vector<16xi32>
      %add3A_24 = arith.addi %get3A_22, %add3A_23 : vector<16xi32>
      %gather3A_25 = tpu.vector_load_idx %arg5[%add3A_24] : memref<26000xf32, #tpu.memory_space<vmem>>[vector<16xi32>], vector<16xf32>,
      %swap3A_26 = arith.constant 16 : index
      %swap3A_27 = tpu.vector_load %arg7[%swap3A_26] {strides = array<i32>} : memref<512xf32, #tpu.memory_space<vmem>>, vector<16xf32>,
      tpu.vector_store %arg7[%swap3A_26], %gather3A_25 {strides = array<i32>} : memref<512xf32, #tpu.memory_space<vmem>>, vector<16xf32>,
      %get3A_28 = arith.constant 32 : index
      %get3A_29 = tpu.vector_load %arg6[%get3A_28] {strides = array<i32>} : memref<512xi32, #tpu.memory_space<vmem>>, vector<16xi32>,
      %add3A_30 = vector.broadcast %mul3A_16 : i32 to vector<16xi32>
      %add3A_31 = arith.addi %get3A_29, %add3A_30 : vector<16xi32>
      %gather3A_32 = tpu.vector_load_idx %arg5[%add3A_31] : memref<26000xf32, #tpu.memory_space<vmem>>[vector<16xi32>], vector<16xf32>,
      %swap3A_33 = arith.constant 32 : index
      %swap3A_34 = tpu.vector_load %arg7[%swap3A_33] {strides = array<i32>} : memref<512xf32, #tpu.memory_space<vmem>>, vector<16xf32>,
      tpu.vector_store %arg7[%swap3A_33], %gather3A_32 {strides = array<i32>} : memref<512xf32, #tpu.memory_space<vmem>>, vector<16xf32>,
      %get3A_35 = arith.constant 48 : index
      %get3A_36 = tpu.vector_load %arg6[%get3A_35] {strides = array<i32>} : memref<512xi32, #tpu.memory_space<vmem>>, vector<16xi32>,
      %add3A_37 = vector.broadcast %mul3A_16 : i32 to vector<16xi32>
      %add3A_38 = arith.addi %get3A_36, %add3A_37 : vector<16xi32>
      %gather3A_39 = tpu.vector_load_idx %arg5[%add3A_38] : memref<26000xf32, #tpu.memory_space<vmem>>[vector<16xi32>], vector<16xf32>,
      %swap3A_40 = arith.constant 48 : index
      %swap3A_41 = tpu.vector_load %arg7[%swap3A_40] {strides = array<i32>} : memref<512xf32, #tpu.memory_space<vmem>>, vector<16xf32>,
      tpu.vector_store %arg7[%swap3A_40], %gather3A_39 {strides = array<i32>} : memref<512xf32, #tpu.memory_space<vmem>>, vector<16xf32>,
      %get3A_42 = arith.constant 64 : index
      %get3A_43 = tpu.vector_load %arg6[%get3A_42] {strides = array<i32>} : memref<512xi32, #tpu.memory_space<vmem>>, vector<16xi32>,
      %add3A_44 = vector.broadcast %mul3A_16 : i32 to vector<16xi32>
      %add3A_45 = arith.addi %get3A_43, %add3A_44 : vector<16xi32>
      %gather3A_46 = tpu.vector_load_idx %arg5[%add3A_45] : memref<26000xf32, #tpu.memory_space<vmem>>[vector<16xi32>], vector<16xf32>,
      %swap3A_47 = arith.constant 64 : index
      %swap3A_48 = tpu.vector_load %arg7[%swap3A_47] {strides = array<i32>} : memref<512xf32, #tpu.memory_space<vmem>>, vector<16xf32>,
      tpu.vector_store %arg7[%swap3A_47], %gather3A_46 {strides = array<i32>} : memref<512xf32, #tpu.memory_space<vmem>>, vector<16xf32>,
      %get3A_49 = arith.constant 80 : index
      %get3A_50 = tpu.vector_load %arg6[%get3A_49] {strides = array<i32>} : memref<512xi32, #tpu.memory_space<vmem>>, vector<16xi32>,
      %add3A_51 = vector.broadcast %mul3A_16 : i32 to vector<16xi32>
      %add3A_52 = arith.addi %get3A_50, %add3A_51 : vector<16xi32>
      %gather3A_53 = tpu.vector_load_idx %arg5[%add3A_52] : memref<26000xf32, #tpu.memory_space<vmem>>[vector<16xi32>], vector<16xf32>,
      %swap3A_54 = arith.constant 80 : index
      %swap3A_55 = tpu.vector_load %arg7[%swap3A_54] {strides = array<i32>} : memref<512xf32, #tpu.memory_space<vmem>>, vector<16xf32>,
      tpu.vector_store %arg7[%swap3A_54], %gather3A_53 {strides = array<i32>} : memref<512xf32, #tpu.memory_space<vmem>>, vector<16xf32>,
      %get3A_56 = arith.constant 96 : index
      %get3A_57 = tpu.vector_load %arg6[%get3A_56] {strides = array<i32>} : memref<512xi32, #tpu.memory_space<vmem>>, vector<16xi32>,
      %add3A_58 = vector.broadcast %mul3A_16 : i32 to vector<16xi32>
      %add3A_59 = arith.addi %get3A_57, %add3A_58 : vector<16xi32>
      %gather3A_60 = tpu.vector_load_idx %arg5[%add3A_59] : memref<26000xf32, #tpu.memory_space<vmem>>[vector<16xi32>], vector<16xf32>,
      %swap3A_61 = arith.constant 96 : index
      %swap3A_62 = tpu.vector_load %arg7[%swap3A_61] {strides = array<i32>} : memref<512xf32, #tpu.memory_space<vmem>>, vector<16xf32>,
      tpu.vector_store %arg7[%swap3A_61], %gather3A_60 {strides = array<i32>} : memref<512xf32, #tpu.memory_space<vmem>>, vector<16xf32>,
      %get3A_63 = arith.constant 112 : index
      %get3A_64 = tpu.vector_load %arg6[%get3A_63] {strides = array<i32>} : memref<512xi32, #tpu.memory_space<vmem>>, vector<16xi32>,
      %add3A_65 = vector.broadcast %mul3A_16 : i32 to vector<16xi32>
      %add3A_66 = arith.addi %get3A_64, %add3A_65 : vector<16xi32>
      %gather3A_67 = tpu.vector_load_idx %arg5[%add3A_66] : memref<26000xf32, #tpu.memory_space<vmem>>[vector<16xi32>], vector<16xf32>,
      %swap3A_68 = arith.constant 112 : index
      %swap3A_69 = tpu.vector_load %arg7[%swap3A_68] {strides = array<i32>} : memref<512xf32, #tpu.memory_space<vmem>>, vector<16xf32>,
      tpu.vector_store %arg7[%swap3A_68], %gather3A_67 {strides = array<i32>} : memref<512xf32, #tpu.memory_space<vmem>>, vector<16xf32>,
      %get3A_70 = arith.constant 128 : index
      %get3A_71 = tpu.vector_load %arg6[%get3A_70] {strides = array<i32>} : memref<512xi32, #tpu.memory_space<vmem>>, vector<16xi32>,
      %add3A_72 = vector.broadcast %mul3A_16 : i32 to vector<16xi32>
      %add3A_73 = arith.addi %get3A_71, %add3A_72 : vector<16xi32>
      %gather3A_74 = tpu.vector_load_idx %arg5[%add3A_73] : memref<26000xf32, #tpu.memory_space<vmem>>[vector<16xi32>], vector<16xf32>,
      %swap3A_75 = arith.constant 128 : index
      %swap3A_76 = tpu.vector_load %arg7[%swap3A_75] {strides = array<i32>} : memref<512xf32, #tpu.memory_space<vmem>>, vector<16xf32>,
      tpu.vector_store %arg7[%swap3A_75], %gather3A_74 {strides = array<i32>} : memref<512xf32, #tpu.memory_space<vmem>>, vector<16xf32>,
      %get3A_77 = arith.constant 144 : index
      %get3A_78 = tpu.vector_load %arg6[%get3A_77] {strides = array<i32>} : memref<512xi32, #tpu.memory_space<vmem>>, vector<16xi32>,
      %add3A_79 = vector.broadcast %mul3A_16 : i32 to vector<16xi32>
      %add3A_80 = arith.addi %get3A_78, %add3A_79 : vector<16xi32>
      %gather3A_81 = tpu.vector_load_idx %arg5[%add3A_80] : memref<26000xf32, #tpu.memory_space<vmem>>[vector<16xi32>], vector<16xf32>,
      %swap3A_82 = arith.constant 144 : index
      %swap3A_83 = tpu.vector_load %arg7[%swap3A_82] {strides = array<i32>} : memref<512xf32, #tpu.memory_space<vmem>>, vector<16xf32>,
      tpu.vector_store %arg7[%swap3A_82], %gather3A_81 {strides = array<i32>} : memref<512xf32, #tpu.memory_space<vmem>>, vector<16xf32>,
      %get3A_84 = arith.constant 160 : index
      %get3A_85 = tpu.vector_load %arg6[%get3A_84] {strides = array<i32>} : memref<512xi32, #tpu.memory_space<vmem>>, vector<16xi32>,
      %add3A_86 = vector.broadcast %mul3A_16 : i32 to vector<16xi32>
      %add3A_87 = arith.addi %get3A_85, %add3A_86 : vector<16xi32>
      %gather3A_88 = tpu.vector_load_idx %arg5[%add3A_87] : memref<26000xf32, #tpu.memory_space<vmem>>[vector<16xi32>], vector<16xf32>,
      %swap3A_89 = arith.constant 160 : index
      %swap3A_90 = tpu.vector_load %arg7[%swap3A_89] {strides = array<i32>} : memref<512xf32, #tpu.memory_space<vmem>>, vector<16xf32>,
      tpu.vector_store %arg7[%swap3A_89], %gather3A_88 {strides = array<i32>} : memref<512xf32, #tpu.memory_space<vmem>>, vector<16xf32>,
      %get3A_91 = arith.constant 176 : index
      %get3A_92 = tpu.vector_load %arg6[%get3A_91] {strides = array<i32>} : memref<512xi32, #tpu.memory_space<vmem>>, vector<16xi32>,
      %add3A_93 = vector.broadcast %mul3A_16 : i32 to vector<16xi32>
      %add3A_94 = arith.addi %get3A_92, %add3A_93 : vector<16xi32>
      %gather3A_95 = tpu.vector_load_idx %arg5[%add3A_94] : memref<26000xf32, #tpu.memory_space<vmem>>[vector<16xi32>], vector<16xf32>,
      %swap3A_96 = arith.constant 176 : index
      %swap3A_97 = tpu.vector_load %arg7[%swap3A_96] {strides = array<i32>} : memref<512xf32, #tpu.memory_space<vmem>>, vector<16xf32>,
      tpu.vector_store %arg7[%swap3A_96], %gather3A_95 {strides = array<i32>} : memref<512xf32, #tpu.memory_space<vmem>>, vector<16xf32>,
      %get3A_98 = arith.constant 192 : index
      %get3A_99 = tpu.vector_load %arg6[%get3A_98] {strides = array<i32>} : memref<512xi32, #tpu.memory_space<vmem>>, vector<16xi32>,
      %add3A_100 = vector.broadcast %mul3A_16 : i32 to vector<16xi32>
      %add3A_101 = arith.addi %get3A_99, %add3A_100 : vector<16xi32>
      %gather3A_102 = tpu.vector_load_idx %arg5[%add3A_101] : memref<26000xf32, #tpu.memory_space<vmem>>[vector<16xi32>], vector<16xf32>,
      %swap3A_103 = arith.constant 192 : index
      %swap3A_104 = tpu.vector_load %arg7[%swap3A_103] {strides = array<i32>} : memref<512xf32, #tpu.memory_space<vmem>>, vector<16xf32>,
      tpu.vector_store %arg7[%swap3A_103], %gather3A_102 {strides = array<i32>} : memref<512xf32, #tpu.memory_space<vmem>>, vector<16xf32>,
      %get3A_105 = arith.constant 208 : index
      %get3A_106 = tpu.vector_load %arg6[%get3A_105] {strides = array<i32>} : memref<512xi32, #tpu.memory_space<vmem>>, vector<16xi32>,
      %add3A_107 = vector.broadcast %mul3A_16 : i32 to vector<16xi32>
      %add3A_108 = arith.addi %get3A_106, %add3A_107 : vector<16xi32>
      %gather3A_109 = tpu.vector_load_idx %arg5[%add3A_108] : memref<26000xf32, #tpu.memory_space<vmem>>[vector<16xi32>], vector<16xf32>,
      %swap3A_110 = arith.constant 208 : index
      %swap3A_111 = tpu.vector_load %arg7[%swap3A_110] {strides = array<i32>} : memref<512xf32, #tpu.memory_space<vmem>>, vector<16xf32>,
      tpu.vector_store %arg7[%swap3A_110], %gather3A_109 {strides = array<i32>} : memref<512xf32, #tpu.memory_space<vmem>>, vector<16xf32>,
      %get3A_112 = arith.constant 224 : index
      %get3A_113 = tpu.vector_load %arg6[%get3A_112] {strides = array<i32>} : memref<512xi32, #tpu.memory_space<vmem>>, vector<16xi32>,
      %add3A_114 = vector.broadcast %mul3A_16 : i32 to vector<16xi32>
      %add3A_115 = arith.addi %get3A_113, %add3A_114 : vector<16xi32>
      %gather3A_116 = tpu.vector_load_idx %arg5[%add3A_115] : memref<26000xf32, #tpu.memory_space<vmem>>[vector<16xi32>], vector<16xf32>,
      %swap3A_117 = arith.constant 224 : index
      %swap3A_118 = tpu.vector_load %arg7[%swap3A_117] {strides = array<i32>} : memref<512xf32, #tpu.memory_space<vmem>>, vector<16xf32>,
      tpu.vector_store %arg7[%swap3A_117], %gather3A_116 {strides = array<i32>} : memref<512xf32, #tpu.memory_space<vmem>>, vector<16xf32>,
      %get3A_119 = arith.constant 240 : index
      %get3A_120 = tpu.vector_load %arg6[%get3A_119] {strides = array<i32>} : memref<512xi32, #tpu.memory_space<vmem>>, vector<16xi32>,
      %add3A_121 = vector.broadcast %mul3A_16 : i32 to vector<16xi32>
      %add3A_122 = arith.addi %get3A_120, %add3A_121 : vector<16xi32>
      %gather3A_123 = tpu.vector_load_idx %arg5[%add3A_122] : memref<26000xf32, #tpu.memory_space<vmem>>[vector<16xi32>], vector<16xf32>,
      %swap3A_124 = arith.constant 240 : index
      %swap3A_125 = tpu.vector_load %arg7[%swap3A_124] {strides = array<i32>} : memref<512xf32, #tpu.memory_space<vmem>>, vector<16xf32>,
      tpu.vector_store %arg7[%swap3A_124], %gather3A_123 {strides = array<i32>} : memref<512xf32, #tpu.memory_space<vmem>>, vector<16xf32>,
      %get3A_126 = arith.constant 256 : index
      %get3A_127 = tpu.vector_load %arg6[%get3A_126] {strides = array<i32>} : memref<512xi32, #tpu.memory_space<vmem>>, vector<16xi32>,
      %add3A_128 = vector.broadcast %mul3A_16 : i32 to vector<16xi32>
      %add3A_129 = arith.addi %get3A_127, %add3A_128 : vector<16xi32>
      %gather3A_130 = tpu.vector_load_idx %arg5[%add3A_129] : memref<26000xf32, #tpu.memory_space<vmem>>[vector<16xi32>], vector<16xf32>,
      %swap3A_131 = arith.constant 256 : index
      %swap3A_132 = tpu.vector_load %arg7[%swap3A_131] {strides = array<i32>} : memref<512xf32, #tpu.memory_space<vmem>>, vector<16xf32>,
      tpu.vector_store %arg7[%swap3A_131], %gather3A_130 {strides = array<i32>} : memref<512xf32, #tpu.memory_space<vmem>>, vector<16xf32>,
      %get3A_133 = arith.constant 272 : index
      %get3A_134 = tpu.vector_load %arg6[%get3A_133] {strides = array<i32>} : memref<512xi32, #tpu.memory_space<vmem>>, vector<16xi32>,
      %add3A_135 = vector.broadcast %mul3A_16 : i32 to vector<16xi32>
      %add3A_136 = arith.addi %get3A_134, %add3A_135 : vector<16xi32>
      %gather3A_137 = tpu.vector_load_idx %arg5[%add3A_136] : memref<26000xf32, #tpu.memory_space<vmem>>[vector<16xi32>], vector<16xf32>,
      %swap3A_138 = arith.constant 272 : index
      %swap3A_139 = tpu.vector_load %arg7[%swap3A_138] {strides = array<i32>} : memref<512xf32, #tpu.memory_space<vmem>>, vector<16xf32>,
      tpu.vector_store %arg7[%swap3A_138], %gather3A_137 {strides = array<i32>} : memref<512xf32, #tpu.memory_space<vmem>>, vector<16xf32>,
      %get3A_140 = arith.constant 288 : index
      %get3A_141 = tpu.vector_load %arg6[%get3A_140] {strides = array<i32>} : memref<512xi32, #tpu.memory_space<vmem>>, vector<16xi32>,
      %add3A_142 = vector.broadcast %mul3A_16 : i32 to vector<16xi32>
      %add3A_143 = arith.addi %get3A_141, %add3A_142 : vector<16xi32>
      %gather3A_144 = tpu.vector_load_idx %arg5[%add3A_143] : memref<26000xf32, #tpu.memory_space<vmem>>[vector<16xi32>], vector<16xf32>,
      %swap3A_145 = arith.constant 288 : index
      %swap3A_146 = tpu.vector_load %arg7[%swap3A_145] {strides = array<i32>} : memref<512xf32, #tpu.memory_space<vmem>>, vector<16xf32>,
      tpu.vector_store %arg7[%swap3A_145], %gather3A_144 {strides = array<i32>} : memref<512xf32, #tpu.memory_space<vmem>>, vector<16xf32>,
      %get3A_147 = arith.constant 304 : index
      %get3A_148 = tpu.vector_load %arg6[%get3A_147] {strides = array<i32>} : memref<512xi32, #tpu.memory_space<vmem>>, vector<16xi32>,
      %add3A_149 = vector.broadcast %mul3A_16 : i32 to vector<16xi32>
      %add3A_150 = arith.addi %get3A_148, %add3A_149 : vector<16xi32>
      %gather3A_151 = tpu.vector_load_idx %arg5[%add3A_150] : memref<26000xf32, #tpu.memory_space<vmem>>[vector<16xi32>], vector<16xf32>,
      %swap3A_152 = arith.constant 304 : index
      %swap3A_153 = tpu.vector_load %arg7[%swap3A_152] {strides = array<i32>} : memref<512xf32, #tpu.memory_space<vmem>>, vector<16xf32>,
      tpu.vector_store %arg7[%swap3A_152], %gather3A_151 {strides = array<i32>} : memref<512xf32, #tpu.memory_space<vmem>>, vector<16xf32>,
      %get3A_154 = arith.constant 320 : index
      %get3A_155 = tpu.vector_load %arg6[%get3A_154] {strides = array<i32>} : memref<512xi32, #tpu.memory_space<vmem>>, vector<16xi32>,
      %add3A_156 = vector.broadcast %mul3A_16 : i32 to vector<16xi32>
      %add3A_157 = arith.addi %get3A_155, %add3A_156 : vector<16xi32>
      %gather3A_158 = tpu.vector_load_idx %arg5[%add3A_157] : memref<26000xf32, #tpu.memory_space<vmem>>[vector<16xi32>], vector<16xf32>,
      %swap3A_159 = arith.constant 320 : index
      %swap3A_160 = tpu.vector_load %arg7[%swap3A_159] {strides = array<i32>} : memref<512xf32, #tpu.memory_space<vmem>>, vector<16xf32>,
      tpu.vector_store %arg7[%swap3A_159], %gather3A_158 {strides = array<i32>} : memref<512xf32, #tpu.memory_space<vmem>>, vector<16xf32>,
      %get3A_161 = arith.constant 336 : index
      %get3A_162 = tpu.vector_load %arg6[%get3A_161] {strides = array<i32>} : memref<512xi32, #tpu.memory_space<vmem>>, vector<16xi32>,
      %add3A_163 = vector.broadcast %mul3A_16 : i32 to vector<16xi32>
      %add3A_164 = arith.addi %get3A_162, %add3A_163 : vector<16xi32>
      %gather3A_165 = tpu.vector_load_idx %arg5[%add3A_164] : memref<26000xf32, #tpu.memory_space<vmem>>[vector<16xi32>], vector<16xf32>,
      %swap3A_166 = arith.constant 336 : index
      %swap3A_167 = tpu.vector_load %arg7[%swap3A_166] {strides = array<i32>} : memref<512xf32, #tpu.memory_space<vmem>>, vector<16xf32>,
      tpu.vector_store %arg7[%swap3A_166], %gather3A_165 {strides = array<i32>} : memref<512xf32, #tpu.memory_space<vmem>>, vector<16xf32>,
      %get3A_168 = arith.constant 352 : index
      %get3A_169 = tpu.vector_load %arg6[%get3A_168] {strides = array<i32>} : memref<512xi32, #tpu.memory_space<vmem>>, vector<16xi32>,
      %add3A_170 = vector.broadcast %mul3A_16 : i32 to vector<16xi32>
      %add3A_171 = arith.addi %get3A_169, %add3A_170 : vector<16xi32>
      %gather3A_172 = tpu.vector_load_idx %arg5[%add3A_171] : memref<26000xf32, #tpu.memory_space<vmem>>[vector<16xi32>], vector<16xf32>,
      %swap3A_173 = arith.constant 352 : index
      %swap3A_174 = tpu.vector_load %arg7[%swap3A_173] {strides = array<i32>} : memref<512xf32, #tpu.memory_space<vmem>>, vector<16xf32>,
      tpu.vector_store %arg7[%swap3A_173], %gather3A_172 {strides = array<i32>} : memref<512xf32, #tpu.memory_space<vmem>>, vector<16xf32>,
      %get3A_175 = arith.constant 368 : index
      %get3A_176 = tpu.vector_load %arg6[%get3A_175] {strides = array<i32>} : memref<512xi32, #tpu.memory_space<vmem>>, vector<16xi32>,
      %add3A_177 = vector.broadcast %mul3A_16 : i32 to vector<16xi32>
      %add3A_178 = arith.addi %get3A_176, %add3A_177 : vector<16xi32>
      %gather3A_179 = tpu.vector_load_idx %arg5[%add3A_178] : memref<26000xf32, #tpu.memory_space<vmem>>[vector<16xi32>], vector<16xf32>,
      %swap3A_180 = arith.constant 368 : index
      %swap3A_181 = tpu.vector_load %arg7[%swap3A_180] {strides = array<i32>} : memref<512xf32, #tpu.memory_space<vmem>>, vector<16xf32>,
      tpu.vector_store %arg7[%swap3A_180], %gather3A_179 {strides = array<i32>} : memref<512xf32, #tpu.memory_space<vmem>>, vector<16xf32>,
      %get3A_182 = arith.constant 384 : index
      %get3A_183 = tpu.vector_load %arg6[%get3A_182] {strides = array<i32>} : memref<512xi32, #tpu.memory_space<vmem>>, vector<16xi32>,
      %add3A_184 = vector.broadcast %mul3A_16 : i32 to vector<16xi32>
      %add3A_185 = arith.addi %get3A_183, %add3A_184 : vector<16xi32>
      %gather3A_186 = tpu.vector_load_idx %arg5[%add3A_185] : memref<26000xf32, #tpu.memory_space<vmem>>[vector<16xi32>], vector<16xf32>,
      %swap3A_187 = arith.constant 384 : index
      %swap3A_188 = tpu.vector_load %arg7[%swap3A_187] {strides = array<i32>} : memref<512xf32, #tpu.memory_space<vmem>>, vector<16xf32>,
      tpu.vector_store %arg7[%swap3A_187], %gather3A_186 {strides = array<i32>} : memref<512xf32, #tpu.memory_space<vmem>>, vector<16xf32>,
      %get3A_189 = arith.constant 400 : index
      %get3A_190 = tpu.vector_load %arg6[%get3A_189] {strides = array<i32>} : memref<512xi32, #tpu.memory_space<vmem>>, vector<16xi32>,
      %add3A_191 = vector.broadcast %mul3A_16 : i32 to vector<16xi32>
      %add3A_192 = arith.addi %get3A_190, %add3A_191 : vector<16xi32>
      %gather3A_193 = tpu.vector_load_idx %arg5[%add3A_192] : memref<26000xf32, #tpu.memory_space<vmem>>[vector<16xi32>], vector<16xf32>,
      %swap3A_194 = arith.constant 400 : index
      %swap3A_195 = tpu.vector_load %arg7[%swap3A_194] {strides = array<i32>} : memref<512xf32, #tpu.memory_space<vmem>>, vector<16xf32>,
      tpu.vector_store %arg7[%swap3A_194], %gather3A_193 {strides = array<i32>} : memref<512xf32, #tpu.memory_space<vmem>>, vector<16xf32>,
      %get3A_196 = arith.constant 416 : index
      %get3A_197 = tpu.vector_load %arg6[%get3A_196] {strides = array<i32>} : memref<512xi32, #tpu.memory_space<vmem>>, vector<16xi32>,
      %add3A_198 = vector.broadcast %mul3A_16 : i32 to vector<16xi32>
      %add3A_199 = arith.addi %get3A_197, %add3A_198 : vector<16xi32>
      %gather3A_200 = tpu.vector_load_idx %arg5[%add3A_199] : memref<26000xf32, #tpu.memory_space<vmem>>[vector<16xi32>], vector<16xf32>,
      %swap3A_201 = arith.constant 416 : index
      %swap3A_202 = tpu.vector_load %arg7[%swap3A_201] {strides = array<i32>} : memref<512xf32, #tpu.memory_space<vmem>>, vector<16xf32>,
      tpu.vector_store %arg7[%swap3A_201], %gather3A_200 {strides = array<i32>} : memref<512xf32, #tpu.memory_space<vmem>>, vector<16xf32>,
      %get3A_203 = arith.constant 432 : index
      %get3A_204 = tpu.vector_load %arg6[%get3A_203] {strides = array<i32>} : memref<512xi32, #tpu.memory_space<vmem>>, vector<16xi32>,
      %add3A_205 = vector.broadcast %mul3A_16 : i32 to vector<16xi32>
      %add3A_206 = arith.addi %get3A_204, %add3A_205 : vector<16xi32>
      %gather3A_207 = tpu.vector_load_idx %arg5[%add3A_206] : memref<26000xf32, #tpu.memory_space<vmem>>[vector<16xi32>], vector<16xf32>,
      %swap3A_208 = arith.constant 432 : index
      %swap3A_209 = tpu.vector_load %arg7[%swap3A_208] {strides = array<i32>} : memref<512xf32, #tpu.memory_space<vmem>>, vector<16xf32>,
      tpu.vector_store %arg7[%swap3A_208], %gather3A_207 {strides = array<i32>} : memref<512xf32, #tpu.memory_space<vmem>>, vector<16xf32>,
      %get3A_210 = arith.constant 448 : index
      %get3A_211 = tpu.vector_load %arg6[%get3A_210] {strides = array<i32>} : memref<512xi32, #tpu.memory_space<vmem>>, vector<16xi32>,
      %add3A_212 = vector.broadcast %mul3A_16 : i32 to vector<16xi32>
      %add3A_213 = arith.addi %get3A_211, %add3A_212 : vector<16xi32>
      %gather3A_214 = tpu.vector_load_idx %arg5[%add3A_213] : memref<26000xf32, #tpu.memory_space<vmem>>[vector<16xi32>], vector<16xf32>,
      %swap3A_215 = arith.constant 448 : index
      %swap3A_216 = tpu.vector_load %arg7[%swap3A_215] {strides = array<i32>} : memref<512xf32, #tpu.memory_space<vmem>>, vector<16xf32>,
      tpu.vector_store %arg7[%swap3A_215], %gather3A_214 {strides = array<i32>} : memref<512xf32, #tpu.memory_space<vmem>>, vector<16xf32>,
      %get3A_217 = arith.constant 464 : index
      %get3A_218 = tpu.vector_load %arg6[%get3A_217] {strides = array<i32>} : memref<512xi32, #tpu.memory_space<vmem>>, vector<16xi32>,
      %add3A_219 = vector.broadcast %mul3A_16 : i32 to vector<16xi32>
      %add3A_220 = arith.addi %get3A_218, %add3A_219 : vector<16xi32>
      %gather3A_221 = tpu.vector_load_idx %arg5[%add3A_220] : memref<26000xf32, #tpu.memory_space<vmem>>[vector<16xi32>], vector<16xf32>,
      %swap3A_222 = arith.constant 464 : index
      %swap3A_223 = tpu.vector_load %arg7[%swap3A_222] {strides = array<i32>} : memref<512xf32, #tpu.memory_space<vmem>>, vector<16xf32>,
      tpu.vector_store %arg7[%swap3A_222], %gather3A_221 {strides = array<i32>} : memref<512xf32, #tpu.memory_space<vmem>>, vector<16xf32>,
      %get3A_224 = arith.constant 480 : index
      %get3A_225 = tpu.vector_load %arg6[%get3A_224] {strides = array<i32>} : memref<512xi32, #tpu.memory_space<vmem>>, vector<16xi32>,
      %add3A_226 = vector.broadcast %mul3A_16 : i32 to vector<16xi32>
      %add3A_227 = arith.addi %get3A_225, %add3A_226 : vector<16xi32>
      %gather3A_228 = tpu.vector_load_idx %arg5[%add3A_227] : memref<26000xf32, #tpu.memory_space<vmem>>[vector<16xi32>], vector<16xf32>,
      %swap3A_229 = arith.constant 480 : index
      %swap3A_230 = tpu.vector_load %arg7[%swap3A_229] {strides = array<i32>} : memref<512xf32, #tpu.memory_space<vmem>>, vector<16xf32>,
      tpu.vector_store %arg7[%swap3A_229], %gather3A_228 {strides = array<i32>} : memref<512xf32, #tpu.memory_space<vmem>>, vector<16xf32>,
      %get3A_231 = arith.constant 496 : index
      %get3A_232 = tpu.vector_load %arg6[%get3A_231] {strides = array<i32>} : memref<512xi32, #tpu.memory_space<vmem>>, vector<16xi32>,
      %add3A_233 = vector.broadcast %mul3A_16 : i32 to vector<16xi32>
      %add3A_234 = arith.addi %get3A_232, %add3A_233 : vector<16xi32>
      %gather3A_235 = tpu.vector_load_idx %arg5[%add3A_234] : memref<26000xf32, #tpu.memory_space<vmem>>[vector<16xi32>], vector<16xf32>,
      %swap3A_236 = arith.constant 496 : index
      %swap3A_237 = tpu.vector_load %arg7[%swap3A_236] {strides = array<i32>} : memref<512xf32, #tpu.memory_space<vmem>>, vector<16xf32>,
      tpu.vector_store %arg7[%swap3A_236], %gather3A_235 {strides = array<i32>} : memref<512xf32, #tpu.memory_space<vmem>>, vector<16xf32>,
      "tpu.region"() ({
        %run_scoped3A = tpu.sem_alloc : memref<!tpu.dma_semaphore, #tpu.memory_space<semaphore_mem>>
        %dma_start3A = tpu.memref_slice %arg4[%shift_right_logical3A_12, %sub3A] : memref<26x16384xf32, #tpu.memory_space<hbm>> -> memref<1x512xf32, #tpu.memory_space<hbm>>
        %dma_start3A_238 = tpu.memref_squeeze %dma_start3A : memref<1x512xf32, #tpu.memory_space<hbm>> -> memref<512xf32, #tpu.memory_space<hbm>>
        %dma_start3A_239 = tpu.memref_slice %arg4[%shift_right_logical3A_12, %sub3A] : memref<26x16384xf32, #tpu.memory_space<hbm>> -> memref<1x512xf32, #tpu.memory_space<hbm>>
        %dma_start3A_240 = tpu.memref_squeeze %dma_start3A_239 : memref<1x512xf32, #tpu.memory_space<hbm>> -> memref<512xf32, #tpu.memory_space<hbm>>
        tpu.enqueue_dma source(%arg7 : memref<512xf32, #tpu.memory_space<vmem>>) target(%dma_start3A_240 : memref<512xf32, #tpu.memory_space<hbm>>) target_semaphore(%run_scoped3A : memref<!tpu.dma_semaphore, #tpu.memory_space<semaphore_mem>>)
        %dma_wait3A = tpu.memref_slice %arg4[%shift_right_logical3A_12, %sub3A] : memref<26x16384xf32, #tpu.memory_space<hbm>> -> memref<1x512xf32, #tpu.memory_space<hbm>>
        %dma_wait3A_241 = tpu.memref_squeeze %dma_wait3A : memref<1x512xf32, #tpu.memory_space<hbm>> -> memref<512xf32, #tpu.memory_space<hbm>>
        %dma_wait3A_242 = tpu.memref_slice %arg4[%shift_right_logical3A_12, %sub3A] : memref<26x16384xf32, #tpu.memory_space<hbm>> -> memref<1x512xf32, #tpu.memory_space<hbm>>
        %dma_wait3A_243 = tpu.memref_squeeze %dma_wait3A_242 : memref<1x512xf32, #tpu.memory_space<hbm>> -> memref<512xf32, #tpu.memory_space<hbm>>
        tpu.wait_dma2 semaphore(%run_scoped3A : memref<!tpu.dma_semaphore, #tpu.memory_space<semaphore_mem>>) src(%arg7 : memref<512xf32, #tpu.memory_space<vmem>>) dst(%dma_wait3A_243 : memref<512xf32, #tpu.memory_space<hbm>>)
        tpu.yield
      }) : () -> ()
    }
    %scan3A_7 = arith.constant 26 : i32
    return
  }
}

module attributes {stable_mosaic.version = 14 : i64} {
  func.func @body(%arg0: i32, %arg1: memref<26x512x128xf32, #tpu.memory_space<vmem>>, %arg2: memref<512x4xf32, #tpu.memory_space<vmem>>, %arg3: memref<26x512xf32, #tpu.memory_space<vmem>>, %arg4: memref<3328x1024xbf16, #tpu.memory_space<vmem>>, %arg5: memref<4x1024xf32, #tpu.memory_space<vmem>>, %arg6: memref<1024xf32, #tpu.memory_space<vmem>>, %arg7: memref<1024xf32, #tpu.memory_space<vmem>>, %arg8: memref<1024xf32, #tpu.memory_space<vmem>>, %arg9: memref<1024x512xbf16, #tpu.memory_space<vmem>>, %arg10: memref<512xf32, #tpu.memory_space<vmem>>, %arg11: memref<512xf32, #tpu.memory_space<vmem>>, %arg12: memref<512xf32, #tpu.memory_space<vmem>>, %arg13: memref<512x256xbf16, #tpu.memory_space<vmem>>, %arg14: memref<256xf32, #tpu.memory_space<vmem>>, %arg15: memref<256xf32, #tpu.memory_space<vmem>>, %arg16: memref<256xf32, #tpu.memory_space<vmem>>, %arg17: memref<256x1xf32, #tpu.memory_space<vmem>>, %arg18: memref<1xf32, #tpu.memory_space<vmem>>, %arg19: memref<512x1xf32, #tpu.memory_space<vmem>>, %arg20: memref<26x512x128xf32, #tpu.memory_space<vmem>>) attributes {dimension_semantics = [#tpu.dimension_semantics<arbitrary>], iteration_bounds = array<i64: 16>, scalar_prefetch = 0 : i64, scratch_operands = 0 : i64, tpu.core_type = #tpu.core_type<tc>, window_params = [{transform_indices = @transform_0, window_bounds = array<i64: 26, 512, 128>}, {transform_indices = @transform_1, window_bounds = array<i64: 512, 4>}, {transform_indices = @transform_2, window_bounds = array<i64: 26, 512>}, {pipeline_mode = #tpu.pipeline_mode<synchronous>, transform_indices = @transform_3, window_bounds = array<i64: 3328, 1024>}, {pipeline_mode = #tpu.pipeline_mode<synchronous>, transform_indices = @transform_4, window_bounds = array<i64: 4, 1024>}, {pipeline_mode = #tpu.pipeline_mode<synchronous>, transform_indices = @transform_5, window_bounds = array<i64: 1024>}, {pipeline_mode = #tpu.pipeline_mode<synchronous>, transform_indices = @transform_6, window_bounds = array<i64: 1024>}, {pipeline_mode = #tpu.pipeline_mode<synchronous>, transform_indices = @transform_7, window_bounds = array<i64: 1024>}, {pipeline_mode = #tpu.pipeline_mode<synchronous>, transform_indices = @transform_8, window_bounds = array<i64: 1024, 512>}, {pipeline_mode = #tpu.pipeline_mode<synchronous>, transform_indices = @transform_9, window_bounds = array<i64: 512>}, {pipeline_mode = #tpu.pipeline_mode<synchronous>, transform_indices = @transform_10, window_bounds = array<i64: 512>}, {pipeline_mode = #tpu.pipeline_mode<synchronous>, transform_indices = @transform_11, window_bounds = array<i64: 512>}, {pipeline_mode = #tpu.pipeline_mode<synchronous>, transform_indices = @transform_12, window_bounds = array<i64: 512, 256>}, {pipeline_mode = #tpu.pipeline_mode<synchronous>, transform_indices = @transform_13, window_bounds = array<i64: 256>}, {pipeline_mode = #tpu.pipeline_mode<synchronous>, transform_indices = @transform_14, window_bounds = array<i64: 256>}, {pipeline_mode = #tpu.pipeline_mode<synchronous>, transform_indices = @transform_15, window_bounds = array<i64: 256>}, {pipeline_mode = #tpu.pipeline_mode<synchronous>, transform_indices = @transform_16, window_bounds = array<i64: 256, 1>}, {pipeline_mode = #tpu.pipeline_mode<synchronous>, transform_indices = @transform_17, window_bounds = array<i64: 1>}, {transform_indices = @transform_18, window_bounds = array<i64: 512, 1>}, {transform_indices = @transform_19, window_bounds = array<i64: 26, 512, 128>}]} {
    %get3A = arith.constant 0 : index
    %get3A_0 = arith.constant 0 : index
    %get3A_1 = arith.constant 0 : index
    %get3A_2 = vector.load %arg1[%get3A, %get3A_0, %get3A_1] : memref<26x512x128xf32, #tpu.memory_space<vmem>>, vector<26x512x128xf32>
    %swap3A = arith.constant 0 : index
    %swap3A_3 = arith.constant 0 : index
    %swap3A_4 = arith.constant 0 : index
    %swap3A_5 = vector.load %arg20[%swap3A, %swap3A_3, %swap3A_4] : memref<26x512x128xf32, #tpu.memory_space<vmem>>, vector<26x512x128xf32>
    tpu.vector_store %arg20[%swap3A, %swap3A_3, %swap3A_4], %get3A_2 {strides = array<i32>} : memref<26x512x128xf32, #tpu.memory_space<vmem>>, vector<26x512x128xf32>,
    %slice3A = vector.extract_strided_slice %get3A_2 {offsets = [0, 0, 0], sizes = [1, 512, 128], strides = [1, 1, 1]} : vector<26x512x128xf32> to vector<1x512x128xf32>
    %squeeze3A = vector.shape_cast %slice3A : vector<1x512x128xf32> to vector<512x128xf32>
    %mul3A = arith.mulf %squeeze3A, %squeeze3A : vector<512x128xf32>
    %slice3A_6 = vector.extract_strided_slice %get3A_2 {offsets = [1, 0, 0], sizes = [1, 512, 128], strides = [1, 1, 1]} : vector<26x512x128xf32> to vector<1x512x128xf32>
    %squeeze3A_7 = vector.shape_cast %slice3A_6 : vector<1x512x128xf32> to vector<512x128xf32>
    %add3A = arith.addf %squeeze3A, %squeeze3A_7 : vector<512x128xf32>
    %mul3A_8 = arith.mulf %squeeze3A_7, %squeeze3A_7 : vector<512x128xf32>
    %add3A_9 = arith.addf %mul3A, %mul3A_8 : vector<512x128xf32>
    %slice3A_10 = vector.extract_strided_slice %get3A_2 {offsets = [2, 0, 0], sizes = [1, 512, 128], strides = [1, 1, 1]} : vector<26x512x128xf32> to vector<1x512x128xf32>
    %squeeze3A_11 = vector.shape_cast %slice3A_10 : vector<1x512x128xf32> to vector<512x128xf32>
    %add3A_12 = arith.addf %add3A, %squeeze3A_11 : vector<512x128xf32>
    %mul3A_13 = arith.mulf %squeeze3A_11, %squeeze3A_11 : vector<512x128xf32>
    %add3A_14 = arith.addf %add3A_9, %mul3A_13 : vector<512x128xf32>
    %slice3A_15 = vector.extract_strided_slice %get3A_2 {offsets = [3, 0, 0], sizes = [1, 512, 128], strides = [1, 1, 1]} : vector<26x512x128xf32> to vector<1x512x128xf32>
    %squeeze3A_16 = vector.shape_cast %slice3A_15 : vector<1x512x128xf32> to vector<512x128xf32>
    %add3A_17 = arith.addf %add3A_12, %squeeze3A_16 : vector<512x128xf32>
    %mul3A_18 = arith.mulf %squeeze3A_16, %squeeze3A_16 : vector<512x128xf32>
    %add3A_19 = arith.addf %add3A_14, %mul3A_18 : vector<512x128xf32>
    %slice3A_20 = vector.extract_strided_slice %get3A_2 {offsets = [4, 0, 0], sizes = [1, 512, 128], strides = [1, 1, 1]} : vector<26x512x128xf32> to vector<1x512x128xf32>
    %squeeze3A_21 = vector.shape_cast %slice3A_20 : vector<1x512x128xf32> to vector<512x128xf32>
    %add3A_22 = arith.addf %add3A_17, %squeeze3A_21 : vector<512x128xf32>
    %mul3A_23 = arith.mulf %squeeze3A_21, %squeeze3A_21 : vector<512x128xf32>
    %add3A_24 = arith.addf %add3A_19, %mul3A_23 : vector<512x128xf32>
    %slice3A_25 = vector.extract_strided_slice %get3A_2 {offsets = [5, 0, 0], sizes = [1, 512, 128], strides = [1, 1, 1]} : vector<26x512x128xf32> to vector<1x512x128xf32>
    %squeeze3A_26 = vector.shape_cast %slice3A_25 : vector<1x512x128xf32> to vector<512x128xf32>
    %add3A_27 = arith.addf %add3A_22, %squeeze3A_26 : vector<512x128xf32>
    %mul3A_28 = arith.mulf %squeeze3A_26, %squeeze3A_26 : vector<512x128xf32>
    %add3A_29 = arith.addf %add3A_24, %mul3A_28 : vector<512x128xf32>
    %slice3A_30 = vector.extract_strided_slice %get3A_2 {offsets = [6, 0, 0], sizes = [1, 512, 128], strides = [1, 1, 1]} : vector<26x512x128xf32> to vector<1x512x128xf32>
    %squeeze3A_31 = vector.shape_cast %slice3A_30 : vector<1x512x128xf32> to vector<512x128xf32>
    %add3A_32 = arith.addf %add3A_27, %squeeze3A_31 : vector<512x128xf32>
    %mul3A_33 = arith.mulf %squeeze3A_31, %squeeze3A_31 : vector<512x128xf32>
    %add3A_34 = arith.addf %add3A_29, %mul3A_33 : vector<512x128xf32>
    %slice3A_35 = vector.extract_strided_slice %get3A_2 {offsets = [7, 0, 0], sizes = [1, 512, 128], strides = [1, 1, 1]} : vector<26x512x128xf32> to vector<1x512x128xf32>
    %squeeze3A_36 = vector.shape_cast %slice3A_35 : vector<1x512x128xf32> to vector<512x128xf32>
    %add3A_37 = arith.addf %add3A_32, %squeeze3A_36 : vector<512x128xf32>
    %mul3A_38 = arith.mulf %squeeze3A_36, %squeeze3A_36 : vector<512x128xf32>
    %add3A_39 = arith.addf %add3A_34, %mul3A_38 : vector<512x128xf32>
    %slice3A_40 = vector.extract_strided_slice %get3A_2 {offsets = [8, 0, 0], sizes = [1, 512, 128], strides = [1, 1, 1]} : vector<26x512x128xf32> to vector<1x512x128xf32>
    %squeeze3A_41 = vector.shape_cast %slice3A_40 : vector<1x512x128xf32> to vector<512x128xf32>
    %add3A_42 = arith.addf %add3A_37, %squeeze3A_41 : vector<512x128xf32>
    %mul3A_43 = arith.mulf %squeeze3A_41, %squeeze3A_41 : vector<512x128xf32>
    %add3A_44 = arith.addf %add3A_39, %mul3A_43 : vector<512x128xf32>
    %slice3A_45 = vector.extract_strided_slice %get3A_2 {offsets = [9, 0, 0], sizes = [1, 512, 128], strides = [1, 1, 1]} : vector<26x512x128xf32> to vector<1x512x128xf32>
    %squeeze3A_46 = vector.shape_cast %slice3A_45 : vector<1x512x128xf32> to vector<512x128xf32>
    %add3A_47 = arith.addf %add3A_42, %squeeze3A_46 : vector<512x128xf32>
    %mul3A_48 = arith.mulf %squeeze3A_46, %squeeze3A_46 : vector<512x128xf32>
    %add3A_49 = arith.addf %add3A_44, %mul3A_48 : vector<512x128xf32>
    %slice3A_50 = vector.extract_strided_slice %get3A_2 {offsets = [10, 0, 0], sizes = [1, 512, 128], strides = [1, 1, 1]} : vector<26x512x128xf32> to vector<1x512x128xf32>
    %squeeze3A_51 = vector.shape_cast %slice3A_50 : vector<1x512x128xf32> to vector<512x128xf32>
    %add3A_52 = arith.addf %add3A_47, %squeeze3A_51 : vector<512x128xf32>
    %mul3A_53 = arith.mulf %squeeze3A_51, %squeeze3A_51 : vector<512x128xf32>
    %add3A_54 = arith.addf %add3A_49, %mul3A_53 : vector<512x128xf32>
    %slice3A_55 = vector.extract_strided_slice %get3A_2 {offsets = [11, 0, 0], sizes = [1, 512, 128], strides = [1, 1, 1]} : vector<26x512x128xf32> to vector<1x512x128xf32>
    %squeeze3A_56 = vector.shape_cast %slice3A_55 : vector<1x512x128xf32> to vector<512x128xf32>
    %add3A_57 = arith.addf %add3A_52, %squeeze3A_56 : vector<512x128xf32>
    %mul3A_58 = arith.mulf %squeeze3A_56, %squeeze3A_56 : vector<512x128xf32>
    %add3A_59 = arith.addf %add3A_54, %mul3A_58 : vector<512x128xf32>
    %slice3A_60 = vector.extract_strided_slice %get3A_2 {offsets = [12, 0, 0], sizes = [1, 512, 128], strides = [1, 1, 1]} : vector<26x512x128xf32> to vector<1x512x128xf32>
    %squeeze3A_61 = vector.shape_cast %slice3A_60 : vector<1x512x128xf32> to vector<512x128xf32>
    %add3A_62 = arith.addf %add3A_57, %squeeze3A_61 : vector<512x128xf32>
    %mul3A_63 = arith.mulf %squeeze3A_61, %squeeze3A_61 : vector<512x128xf32>
    %add3A_64 = arith.addf %add3A_59, %mul3A_63 : vector<512x128xf32>
    %slice3A_65 = vector.extract_strided_slice %get3A_2 {offsets = [13, 0, 0], sizes = [1, 512, 128], strides = [1, 1, 1]} : vector<26x512x128xf32> to vector<1x512x128xf32>
    %squeeze3A_66 = vector.shape_cast %slice3A_65 : vector<1x512x128xf32> to vector<512x128xf32>
    %add3A_67 = arith.addf %add3A_62, %squeeze3A_66 : vector<512x128xf32>
    %mul3A_68 = arith.mulf %squeeze3A_66, %squeeze3A_66 : vector<512x128xf32>
    %add3A_69 = arith.addf %add3A_64, %mul3A_68 : vector<512x128xf32>
    %slice3A_70 = vector.extract_strided_slice %get3A_2 {offsets = [14, 0, 0], sizes = [1, 512, 128], strides = [1, 1, 1]} : vector<26x512x128xf32> to vector<1x512x128xf32>
    %squeeze3A_71 = vector.shape_cast %slice3A_70 : vector<1x512x128xf32> to vector<512x128xf32>
    %add3A_72 = arith.addf %add3A_67, %squeeze3A_71 : vector<512x128xf32>
    %mul3A_73 = arith.mulf %squeeze3A_71, %squeeze3A_71 : vector<512x128xf32>
    %add3A_74 = arith.addf %add3A_69, %mul3A_73 : vector<512x128xf32>
    %slice3A_75 = vector.extract_strided_slice %get3A_2 {offsets = [15, 0, 0], sizes = [1, 512, 128], strides = [1, 1, 1]} : vector<26x512x128xf32> to vector<1x512x128xf32>
    %squeeze3A_76 = vector.shape_cast %slice3A_75 : vector<1x512x128xf32> to vector<512x128xf32>
    %add3A_77 = arith.addf %add3A_72, %squeeze3A_76 : vector<512x128xf32>
    %mul3A_78 = arith.mulf %squeeze3A_76, %squeeze3A_76 : vector<512x128xf32>
    %add3A_79 = arith.addf %add3A_74, %mul3A_78 : vector<512x128xf32>
    %slice3A_80 = vector.extract_strided_slice %get3A_2 {offsets = [16, 0, 0], sizes = [1, 512, 128], strides = [1, 1, 1]} : vector<26x512x128xf32> to vector<1x512x128xf32>
    %squeeze3A_81 = vector.shape_cast %slice3A_80 : vector<1x512x128xf32> to vector<512x128xf32>
    %add3A_82 = arith.addf %add3A_77, %squeeze3A_81 : vector<512x128xf32>
    %mul3A_83 = arith.mulf %squeeze3A_81, %squeeze3A_81 : vector<512x128xf32>
    %add3A_84 = arith.addf %add3A_79, %mul3A_83 : vector<512x128xf32>
    %slice3A_85 = vector.extract_strided_slice %get3A_2 {offsets = [17, 0, 0], sizes = [1, 512, 128], strides = [1, 1, 1]} : vector<26x512x128xf32> to vector<1x512x128xf32>
    %squeeze3A_86 = vector.shape_cast %slice3A_85 : vector<1x512x128xf32> to vector<512x128xf32>
    %add3A_87 = arith.addf %add3A_82, %squeeze3A_86 : vector<512x128xf32>
    %mul3A_88 = arith.mulf %squeeze3A_86, %squeeze3A_86 : vector<512x128xf32>
    %add3A_89 = arith.addf %add3A_84, %mul3A_88 : vector<512x128xf32>
    %slice3A_90 = vector.extract_strided_slice %get3A_2 {offsets = [18, 0, 0], sizes = [1, 512, 128], strides = [1, 1, 1]} : vector<26x512x128xf32> to vector<1x512x128xf32>
    %squeeze3A_91 = vector.shape_cast %slice3A_90 : vector<1x512x128xf32> to vector<512x128xf32>
    %add3A_92 = arith.addf %add3A_87, %squeeze3A_91 : vector<512x128xf32>
    %mul3A_93 = arith.mulf %squeeze3A_91, %squeeze3A_91 : vector<512x128xf32>
    %add3A_94 = arith.addf %add3A_89, %mul3A_93 : vector<512x128xf32>
    %slice3A_95 = vector.extract_strided_slice %get3A_2 {offsets = [19, 0, 0], sizes = [1, 512, 128], strides = [1, 1, 1]} : vector<26x512x128xf32> to vector<1x512x128xf32>
    %squeeze3A_96 = vector.shape_cast %slice3A_95 : vector<1x512x128xf32> to vector<512x128xf32>
    %add3A_97 = arith.addf %add3A_92, %squeeze3A_96 : vector<512x128xf32>
    %mul3A_98 = arith.mulf %squeeze3A_96, %squeeze3A_96 : vector<512x128xf32>
    %add3A_99 = arith.addf %add3A_94, %mul3A_98 : vector<512x128xf32>
    %slice3A_100 = vector.extract_strided_slice %get3A_2 {offsets = [20, 0, 0], sizes = [1, 512, 128], strides = [1, 1, 1]} : vector<26x512x128xf32> to vector<1x512x128xf32>
    %squeeze3A_101 = vector.shape_cast %slice3A_100 : vector<1x512x128xf32> to vector<512x128xf32>
    %add3A_102 = arith.addf %add3A_97, %squeeze3A_101 : vector<512x128xf32>
    %mul3A_103 = arith.mulf %squeeze3A_101, %squeeze3A_101 : vector<512x128xf32>
    %add3A_104 = arith.addf %add3A_99, %mul3A_103 : vector<512x128xf32>
    %slice3A_105 = vector.extract_strided_slice %get3A_2 {offsets = [21, 0, 0], sizes = [1, 512, 128], strides = [1, 1, 1]} : vector<26x512x128xf32> to vector<1x512x128xf32>
    %squeeze3A_106 = vector.shape_cast %slice3A_105 : vector<1x512x128xf32> to vector<512x128xf32>
    %add3A_107 = arith.addf %add3A_102, %squeeze3A_106 : vector<512x128xf32>
    %mul3A_108 = arith.mulf %squeeze3A_106, %squeeze3A_106 : vector<512x128xf32>
    %add3A_109 = arith.addf %add3A_104, %mul3A_108 : vector<512x128xf32>
    %slice3A_110 = vector.extract_strided_slice %get3A_2 {offsets = [22, 0, 0], sizes = [1, 512, 128], strides = [1, 1, 1]} : vector<26x512x128xf32> to vector<1x512x128xf32>
    %squeeze3A_111 = vector.shape_cast %slice3A_110 : vector<1x512x128xf32> to vector<512x128xf32>
    %add3A_112 = arith.addf %add3A_107, %squeeze3A_111 : vector<512x128xf32>
    %mul3A_113 = arith.mulf %squeeze3A_111, %squeeze3A_111 : vector<512x128xf32>
    %add3A_114 = arith.addf %add3A_109, %mul3A_113 : vector<512x128xf32>
    %slice3A_115 = vector.extract_strided_slice %get3A_2 {offsets = [23, 0, 0], sizes = [1, 512, 128], strides = [1, 1, 1]} : vector<26x512x128xf32> to vector<1x512x128xf32>
    %squeeze3A_116 = vector.shape_cast %slice3A_115 : vector<1x512x128xf32> to vector<512x128xf32>
    %add3A_117 = arith.addf %add3A_112, %squeeze3A_116 : vector<512x128xf32>
    %mul3A_118 = arith.mulf %squeeze3A_116, %squeeze3A_116 : vector<512x128xf32>
    %add3A_119 = arith.addf %add3A_114, %mul3A_118 : vector<512x128xf32>
    %slice3A_120 = vector.extract_strided_slice %get3A_2 {offsets = [24, 0, 0], sizes = [1, 512, 128], strides = [1, 1, 1]} : vector<26x512x128xf32> to vector<1x512x128xf32>
    %squeeze3A_121 = vector.shape_cast %slice3A_120 : vector<1x512x128xf32> to vector<512x128xf32>
    %add3A_122 = arith.addf %add3A_117, %squeeze3A_121 : vector<512x128xf32>
    %mul3A_123 = arith.mulf %squeeze3A_121, %squeeze3A_121 : vector<512x128xf32>
    %add3A_124 = arith.addf %add3A_119, %mul3A_123 : vector<512x128xf32>
    %slice3A_125 = vector.extract_strided_slice %get3A_2 {offsets = [25, 0, 0], sizes = [1, 512, 128], strides = [1, 1, 1]} : vector<26x512x128xf32> to vector<1x512x128xf32>
    %squeeze3A_126 = vector.shape_cast %slice3A_125 : vector<1x512x128xf32> to vector<512x128xf32>
    %add3A_127 = arith.addf %add3A_122, %squeeze3A_126 : vector<512x128xf32>
    %mul3A_128 = arith.mulf %squeeze3A_126, %squeeze3A_126 : vector<512x128xf32>
    %add3A_129 = arith.addf %add3A_124, %mul3A_128 : vector<512x128xf32>
    %slice3A_130 = vector.extract_strided_slice %get3A_2 {offsets = [0, 0, 0], sizes = [1, 512, 128], strides = [1, 1, 1]} : vector<26x512x128xf32> to vector<1x512x128xf32>
    %squeeze3A_131 = vector.shape_cast %slice3A_130 : vector<1x512x128xf32> to vector<512x128xf32>
    %slice3A_132 = vector.extract_strided_slice %get3A_2 {offsets = [1, 0, 0], sizes = [1, 512, 128], strides = [1, 1, 1]} : vector<26x512x128xf32> to vector<1x512x128xf32>
    %squeeze3A_133 = vector.shape_cast %slice3A_132 : vector<1x512x128xf32> to vector<512x128xf32>
    %slice3A_134 = vector.extract_strided_slice %get3A_2 {offsets = [2, 0, 0], sizes = [1, 512, 128], strides = [1, 1, 1]} : vector<26x512x128xf32> to vector<1x512x128xf32>
    %squeeze3A_135 = vector.shape_cast %slice3A_134 : vector<1x512x128xf32> to vector<512x128xf32>
    %slice3A_136 = vector.extract_strided_slice %get3A_2 {offsets = [3, 0, 0], sizes = [1, 512, 128], strides = [1, 1, 1]} : vector<26x512x128xf32> to vector<1x512x128xf32>
    %squeeze3A_137 = vector.shape_cast %slice3A_136 : vector<1x512x128xf32> to vector<512x128xf32>
    %slice3A_138 = vector.extract_strided_slice %get3A_2 {offsets = [4, 0, 0], sizes = [1, 512, 128], strides = [1, 1, 1]} : vector<26x512x128xf32> to vector<1x512x128xf32>
    %squeeze3A_139 = vector.shape_cast %slice3A_138 : vector<1x512x128xf32> to vector<512x128xf32>
    %slice3A_140 = vector.extract_strided_slice %get3A_2 {offsets = [5, 0, 0], sizes = [1, 512, 128], strides = [1, 1, 1]} : vector<26x512x128xf32> to vector<1x512x128xf32>
    %squeeze3A_141 = vector.shape_cast %slice3A_140 : vector<1x512x128xf32> to vector<512x128xf32>
    %slice3A_142 = vector.extract_strided_slice %get3A_2 {offsets = [6, 0, 0], sizes = [1, 512, 128], strides = [1, 1, 1]} : vector<26x512x128xf32> to vector<1x512x128xf32>
    %squeeze3A_143 = vector.shape_cast %slice3A_142 : vector<1x512x128xf32> to vector<512x128xf32>
    %slice3A_144 = vector.extract_strided_slice %get3A_2 {offsets = [7, 0, 0], sizes = [1, 512, 128], strides = [1, 1, 1]} : vector<26x512x128xf32> to vector<1x512x128xf32>
    %squeeze3A_145 = vector.shape_cast %slice3A_144 : vector<1x512x128xf32> to vector<512x128xf32>
    %slice3A_146 = vector.extract_strided_slice %get3A_2 {offsets = [8, 0, 0], sizes = [1, 512, 128], strides = [1, 1, 1]} : vector<26x512x128xf32> to vector<1x512x128xf32>
    %squeeze3A_147 = vector.shape_cast %slice3A_146 : vector<1x512x128xf32> to vector<512x128xf32>
    %slice3A_148 = vector.extract_strided_slice %get3A_2 {offsets = [9, 0, 0], sizes = [1, 512, 128], strides = [1, 1, 1]} : vector<26x512x128xf32> to vector<1x512x128xf32>
    %squeeze3A_149 = vector.shape_cast %slice3A_148 : vector<1x512x128xf32> to vector<512x128xf32>
    %slice3A_150 = vector.extract_strided_slice %get3A_2 {offsets = [10, 0, 0], sizes = [1, 512, 128], strides = [1, 1, 1]} : vector<26x512x128xf32> to vector<1x512x128xf32>
    %squeeze3A_151 = vector.shape_cast %slice3A_150 : vector<1x512x128xf32> to vector<512x128xf32>
    %slice3A_152 = vector.extract_strided_slice %get3A_2 {offsets = [11, 0, 0], sizes = [1, 512, 128], strides = [1, 1, 1]} : vector<26x512x128xf32> to vector<1x512x128xf32>
    %squeeze3A_153 = vector.shape_cast %slice3A_152 : vector<1x512x128xf32> to vector<512x128xf32>
    %slice3A_154 = vector.extract_strided_slice %get3A_2 {offsets = [12, 0, 0], sizes = [1, 512, 128], strides = [1, 1, 1]} : vector<26x512x128xf32> to vector<1x512x128xf32>
    %squeeze3A_155 = vector.shape_cast %slice3A_154 : vector<1x512x128xf32> to vector<512x128xf32>
    %slice3A_156 = vector.extract_strided_slice %get3A_2 {offsets = [13, 0, 0], sizes = [1, 512, 128], strides = [1, 1, 1]} : vector<26x512x128xf32> to vector<1x512x128xf32>
    %squeeze3A_157 = vector.shape_cast %slice3A_156 : vector<1x512x128xf32> to vector<512x128xf32>
    %slice3A_158 = vector.extract_strided_slice %get3A_2 {offsets = [14, 0, 0], sizes = [1, 512, 128], strides = [1, 1, 1]} : vector<26x512x128xf32> to vector<1x512x128xf32>
    %squeeze3A_159 = vector.shape_cast %slice3A_158 : vector<1x512x128xf32> to vector<512x128xf32>
    %slice3A_160 = vector.extract_strided_slice %get3A_2 {offsets = [15, 0, 0], sizes = [1, 512, 128], strides = [1, 1, 1]} : vector<26x512x128xf32> to vector<1x512x128xf32>
    %squeeze3A_161 = vector.shape_cast %slice3A_160 : vector<1x512x128xf32> to vector<512x128xf32>
    %slice3A_162 = vector.extract_strided_slice %get3A_2 {offsets = [16, 0, 0], sizes = [1, 512, 128], strides = [1, 1, 1]} : vector<26x512x128xf32> to vector<1x512x128xf32>
    %squeeze3A_163 = vector.shape_cast %slice3A_162 : vector<1x512x128xf32> to vector<512x128xf32>
    %slice3A_164 = vector.extract_strided_slice %get3A_2 {offsets = [17, 0, 0], sizes = [1, 512, 128], strides = [1, 1, 1]} : vector<26x512x128xf32> to vector<1x512x128xf32>
    %squeeze3A_165 = vector.shape_cast %slice3A_164 : vector<1x512x128xf32> to vector<512x128xf32>
    %slice3A_166 = vector.extract_strided_slice %get3A_2 {offsets = [18, 0, 0], sizes = [1, 512, 128], strides = [1, 1, 1]} : vector<26x512x128xf32> to vector<1x512x128xf32>
    %squeeze3A_167 = vector.shape_cast %slice3A_166 : vector<1x512x128xf32> to vector<512x128xf32>
    %slice3A_168 = vector.extract_strided_slice %get3A_2 {offsets = [19, 0, 0], sizes = [1, 512, 128], strides = [1, 1, 1]} : vector<26x512x128xf32> to vector<1x512x128xf32>
    %squeeze3A_169 = vector.shape_cast %slice3A_168 : vector<1x512x128xf32> to vector<512x128xf32>
    %slice3A_170 = vector.extract_strided_slice %get3A_2 {offsets = [20, 0, 0], sizes = [1, 512, 128], strides = [1, 1, 1]} : vector<26x512x128xf32> to vector<1x512x128xf32>
    %squeeze3A_171 = vector.shape_cast %slice3A_170 : vector<1x512x128xf32> to vector<512x128xf32>
    %slice3A_172 = vector.extract_strided_slice %get3A_2 {offsets = [21, 0, 0], sizes = [1, 512, 128], strides = [1, 1, 1]} : vector<26x512x128xf32> to vector<1x512x128xf32>
    %squeeze3A_173 = vector.shape_cast %slice3A_172 : vector<1x512x128xf32> to vector<512x128xf32>
    %slice3A_174 = vector.extract_strided_slice %get3A_2 {offsets = [22, 0, 0], sizes = [1, 512, 128], strides = [1, 1, 1]} : vector<26x512x128xf32> to vector<1x512x128xf32>
    %squeeze3A_175 = vector.shape_cast %slice3A_174 : vector<1x512x128xf32> to vector<512x128xf32>
    %slice3A_176 = vector.extract_strided_slice %get3A_2 {offsets = [23, 0, 0], sizes = [1, 512, 128], strides = [1, 1, 1]} : vector<26x512x128xf32> to vector<1x512x128xf32>
    %squeeze3A_177 = vector.shape_cast %slice3A_176 : vector<1x512x128xf32> to vector<512x128xf32>
    %slice3A_178 = vector.extract_strided_slice %get3A_2 {offsets = [24, 0, 0], sizes = [1, 512, 128], strides = [1, 1, 1]} : vector<26x512x128xf32> to vector<1x512x128xf32>
    %squeeze3A_179 = vector.shape_cast %slice3A_178 : vector<1x512x128xf32> to vector<512x128xf32>
    %slice3A_180 = vector.extract_strided_slice %get3A_2 {offsets = [25, 0, 0], sizes = [1, 512, 128], strides = [1, 1, 1]} : vector<26x512x128xf32> to vector<1x512x128xf32>
    %squeeze3A_181 = vector.shape_cast %slice3A_180 : vector<1x512x128xf32> to vector<512x128xf32>
    %concatenate3A = tpu.concatenate %squeeze3A_131, %squeeze3A_133, %squeeze3A_135, %squeeze3A_137, %squeeze3A_139, %squeeze3A_141, %squeeze3A_143, %squeeze3A_145, %squeeze3A_147, %squeeze3A_149, %squeeze3A_151, %squeeze3A_153, %squeeze3A_155, %squeeze3A_157, %squeeze3A_159, %squeeze3A_161, %squeeze3A_163, %squeeze3A_165, %squeeze3A_167, %squeeze3A_169, %squeeze3A_171, %squeeze3A_173, %squeeze3A_175, %squeeze3A_177, %squeeze3A_179, %squeeze3A_181 in 1 : vector<512x128xf32>, vector<512x128xf32>, vector<512x128xf32>, vector<512x128xf32>, vector<512x128xf32>, vector<512x128xf32>, vector<512x128xf32>, vector<512x128xf32>, vector<512x128xf32>, vector<512x128xf32>, vector<512x128xf32>, vector<512x128xf32>, vector<512x128xf32>, vector<512x128xf32>, vector<512x128xf32>, vector<512x128xf32>, vector<512x128xf32>, vector<512x128xf32>, vector<512x128xf32>, vector<512x128xf32>, vector<512x128xf32>, vector<512x128xf32>, vector<512x128xf32>, vector<512x128xf32>, vector<512x128xf32>, vector<512x128xf32> -> vector<512x3328xf32>
    %convert_element_type3A = arith.truncf %concatenate3A : vector<512x3328xf32> to vector<512x3328xbf16>
    %get3A_182 = arith.constant 0 : index
    %get3A_183 = arith.constant 0 : index
    %get3A_184 = vector.load %arg4[%get3A_182, %get3A_183] : memref<3328x1024xbf16, #tpu.memory_space<vmem>>, vector<3328x1024xbf16>
    %dot_general3A = arith.constant dense<0.000000e+00> : vector<512x1024xf32>
    %dot_general3A_185 = tpu.matmul %convert_element_type3A, %get3A_184, %dot_general3A {dimension_numbers = #tpu.dot_dimension_numbers<[1], [0], [0], [1], [0, 0, 1, 1], [], []>, transpose_lhs_hint = false} : vector<512x3328xbf16>, vector<3328x1024xbf16>, vector<512x1024xf32> -> vector<512x1024xf32>
    %mul3A_186 = arith.mulf %add3A_127, %add3A_127 : vector<512x128xf32>
    %sub3A = arith.subf %mul3A_186, %add3A_129 : vector<512x128xf32>
    %reduce_sum3A = arith.constant dense<0.000000e+00> : vector<512xf32>
    %reduce_sum3A_187 = vector.multi_reduction <add>, %sub3A, %reduce_sum3A [1] : vector<512x128xf32> to vector<512xf32>
    %broadcast_in_dim3A = vector.shape_cast %reduce_sum3A_187 : vector<512xf32> to vector<512x1xf32>
    %mul3A_188 = arith.constant 5.000000e-01 : f32
    %mul3A_189 = vector.broadcast %mul3A_188 : f32 to vector<512x1xf32>
    %mul3A_190 = arith.mulf %mul3A_189, %broadcast_in_dim3A : vector<512x1xf32>
    %get3A_191 = arith.constant 0 : index
    %get3A_192 = arith.constant 0 : index
    %get3A_193 = vector.load %arg3[%get3A_191, %get3A_192] : memref<26x512xf32, #tpu.memory_space<vmem>>, vector<26x512xf32>
    %reduce_sum3A_194 = arith.constant dense<0.000000e+00> : vector<512xf32>
    %reduce_sum3A_195 = vector.multi_reduction <add>, %get3A_193, %reduce_sum3A_194 [0] : vector<26x512xf32> to vector<512xf32>
    %broadcast_in_dim3A_196 = vector.shape_cast %reduce_sum3A_195 : vector<512xf32> to vector<512x1xf32>
    %get3A_197 = arith.constant 0 : index
    %get3A_198 = arith.constant 0 : index
    %get3A_199 = vector.load %arg2[%get3A_197, %get3A_198] : memref<512x4xf32, #tpu.memory_space<vmem>>, vector<512x4xf32>
    %get3A_200 = arith.constant 0 : index
    %get3A_201 = arith.constant 0 : index
    %get3A_202 = vector.load %arg5[%get3A_200, %get3A_201] : memref<4x1024xf32, #tpu.memory_space<vmem>>, vector<4x1024xf32>
    %dot_general3A_203 = arith.constant dense<0.000000e+00> : vector<512x1024xf32>
    %dot_general3A_204 = tpu.matmul %get3A_199, %get3A_202, %dot_general3A_203 {dimension_numbers = #tpu.dot_dimension_numbers<[1], [0], [0], [1], [0, 0, 1, 1], [], []>, transpose_lhs_hint = false} : vector<512x4xf32>, vector<4x1024xf32>, vector<512x1024xf32> -> vector<512x1024xf32>
    %add3A_205 = arith.addf %dot_general3A_185, %dot_general3A_204 : vector<512x1024xf32>
    %get3A_206 = arith.constant 0 : index
    %get3A_207 = vector.load %arg6[%get3A_206] : memref<1024xf32, #tpu.memory_space<vmem>>, vector<1024xf32>
    %broadcast_in_dim3A_208 = vector.shape_cast %get3A_207 : vector<1024xf32> to vector<1x1024xf32>
    %add3A_209 = vector.broadcast %broadcast_in_dim3A_208 : vector<1x1024xf32> to vector<512x1024xf32>
    %add3A_210 = arith.addf %add3A_205, %add3A_209 : vector<512x1024xf32>
    %max3A = arith.constant 0.000000e+00 : f32
    %max3A_211 = vector.broadcast %max3A : f32 to vector<512x1024xf32>
    %max3A_212 = arith.maximumf %add3A_210, %max3A_211 : vector<512x1024xf32>
    %get3A_213 = arith.constant 0 : index
    %get3A_214 = vector.load %arg7[%get3A_213] : memref<1024xf32, #tpu.memory_space<vmem>>, vector<1024xf32>
    %get3A_215 = arith.constant 0 : index
    %get3A_216 = vector.load %arg8[%get3A_215] : memref<1024xf32, #tpu.memory_space<vmem>>, vector<1024xf32>
    %reduce_sum3A_217 = arith.constant dense<0.000000e+00> : vector<512xf32>
    %reduce_sum3A_218 = vector.multi_reduction <add>, %max3A_212, %reduce_sum3A_217 [1] : vector<512x1024xf32> to vector<512xf32>
    %broadcast_in_dim3A_219 = vector.shape_cast %reduce_sum3A_218 : vector<512xf32> to vector<512x1xf32>
    %div3A = arith.constant 1.024000e+03 : f32
    %div3A_220 = vector.broadcast %div3A : f32 to vector<512x1xf32>
    %div3A_221 = arith.divf %broadcast_in_dim3A_219, %div3A_220 : vector<512x1xf32>
    %jit3A = arith.constant 0 : i32
    %reduce_sum3A_222 = arith.constant dense<0.000000e+00> : vector<512xf32>
    %reduce_sum3A_223 = vector.multi_reduction <add>, %max3A_212, %reduce_sum3A_222 [1] : vector<512x1024xf32> to vector<512xf32>
    %broadcast_in_dim3A_224 = vector.shape_cast %reduce_sum3A_223 : vector<512xf32> to vector<512x1xf32>
    %div3A_225 = arith.constant 1.024000e+03 : f32
    %div3A_226 = vector.broadcast %div3A_225 : f32 to vector<512x1xf32>
    %div3A_227 = arith.divf %broadcast_in_dim3A_224, %div3A_226 : vector<512x1xf32>
    %sub3A_228 = vector.broadcast %div3A_227 : vector<512x1xf32> to vector<512x1024xf32>
    %sub3A_229 = arith.subf %max3A_212, %sub3A_228 : vector<512x1024xf32>
    %square3A = arith.mulf %sub3A_229, %sub3A_229 : vector<512x1024xf32>
    %convert_element_type3A_230 = arith.sitofp %jit3A : i32 to f32
    %sub3A_231 = arith.constant 1.024000e+03 : f32
    %sub3A_232 = arith.subf %sub3A_231, %convert_element_type3A_230 : f32
    %reduce_sum3A_233 = arith.constant dense<0.000000e+00> : vector<512xf32>
    %reduce_sum3A_234 = vector.multi_reduction <add>, %square3A, %reduce_sum3A_233 [1] : vector<512x1024xf32> to vector<512xf32>
    %broadcast_in_dim3A_235 = vector.shape_cast %reduce_sum3A_234 : vector<512xf32> to vector<512x1xf32>
    %div3A_236 = vector.broadcast %sub3A_232 : f32 to vector<512x1xf32>
    %div3A_237 = arith.divf %broadcast_in_dim3A_235, %div3A_236 : vector<512x1xf32>
    %gt3A = arith.constant 0.000000e+00 : f32
    %gt3A_238 = arith.cmpf ogt, %sub3A_232, %gt3A : f32
    %jit3A_239 = arith.constant 0x7FC00000 : f32
    %broadcast_in_dim3A_240 = vector.broadcast %jit3A_239 : f32 to vector<512x1xf32>
    %select_n3A = arith.select %gt3A_238, %div3A_237, %broadcast_in_dim3A_240 : vector<512x1xf32>
    %sub3A_241 = vector.broadcast %div3A_221 : vector<512x1xf32> to vector<512x1024xf32>
    %sub3A_242 = arith.subf %max3A_212, %sub3A_241 : vector<512x1024xf32>
    %add3A_243 = arith.constant 9.99999974E-6 : f32
    %add3A_244 = vector.broadcast %add3A_243 : f32 to vector<512x1xf32>
    %add3A_245 = arith.addf %select_n3A, %add3A_244 : vector<512x1xf32>
    %sqrt3A = math.sqrt %add3A_245 : vector<512x1xf32>
    %div3A_246 = vector.broadcast %sqrt3A : vector<512x1xf32> to vector<512x1024xf32>
    %div3A_247 = arith.divf %sub3A_242, %div3A_246 : vector<512x1024xf32>
    %broadcast_in_dim3A_248 = vector.shape_cast %get3A_214 : vector<1024xf32> to vector<1x1024xf32>
    %mul3A_249 = vector.broadcast %broadcast_in_dim3A_248 : vector<1x1024xf32> to vector<512x1024xf32>
    %mul3A_250 = arith.mulf %div3A_247, %mul3A_249 : vector<512x1024xf32>
    %broadcast_in_dim3A_251 = vector.shape_cast %get3A_216 : vector<1024xf32> to vector<1x1024xf32>
    %add3A_252 = vector.broadcast %broadcast_in_dim3A_251 : vector<1x1024xf32> to vector<512x1024xf32>
    %add3A_253 = arith.addf %mul3A_250, %add3A_252 : vector<512x1024xf32>
    %convert_element_type3A_254 = arith.truncf %add3A_253 : vector<512x1024xf32> to vector<512x1024xbf16>
    %get3A_255 = arith.constant 0 : index
    %get3A_256 = arith.constant 0 : index
    %get3A_257 = vector.load %arg9[%get3A_255, %get3A_256] : memref<1024x512xbf16, #tpu.memory_space<vmem>>, vector<1024x512xbf16>
    %dot_general3A_258 = arith.constant dense<0.000000e+00> : vector<512x512xf32>
    %dot_general3A_259 = tpu.matmul %convert_element_type3A_254, %get3A_257, %dot_general3A_258 {dimension_numbers = #tpu.dot_dimension_numbers<[1], [0], [0], [1], [0, 0, 1, 1], [], []>, transpose_lhs_hint = false} : vector<512x1024xbf16>, vector<1024x512xbf16>, vector<512x512xf32> -> vector<512x512xf32>
    %get3A_260 = arith.constant 0 : index
    %get3A_261 = vector.load %arg10[%get3A_260] : memref<512xf32, #tpu.memory_space<vmem>>, vector<512xf32>
    %broadcast_in_dim3A_262 = vector.shape_cast %get3A_261 : vector<512xf32> to vector<1x512xf32>
    %add3A_263 = vector.broadcast %broadcast_in_dim3A_262 : vector<1x512xf32> to vector<512x512xf32>
    %add3A_264 = arith.addf %dot_general3A_259, %add3A_263 : vector<512x512xf32>
    %max3A_265 = arith.constant 0.000000e+00 : f32
    %max3A_266 = vector.broadcast %max3A_265 : f32 to vector<512x512xf32>
    %max3A_267 = arith.maximumf %add3A_264, %max3A_266 : vector<512x512xf32>
    %get3A_268 = arith.constant 0 : index
    %get3A_269 = vector.load %arg11[%get3A_268] : memref<512xf32, #tpu.memory_space<vmem>>, vector<512xf32>
    %get3A_270 = arith.constant 0 : index
    %get3A_271 = vector.load %arg12[%get3A_270] : memref<512xf32, #tpu.memory_space<vmem>>, vector<512xf32>
    %reduce_sum3A_272 = arith.constant dense<0.000000e+00> : vector<512xf32>
    %reduce_sum3A_273 = vector.multi_reduction <add>, %max3A_267, %reduce_sum3A_272 [1] : vector<512x512xf32> to vector<512xf32>
    %broadcast_in_dim3A_274 = vector.shape_cast %reduce_sum3A_273 : vector<512xf32> to vector<512x1xf32>
    %div3A_275 = arith.constant 5.120000e+02 : f32
    %div3A_276 = vector.broadcast %div3A_275 : f32 to vector<512x1xf32>
    %div3A_277 = arith.divf %broadcast_in_dim3A_274, %div3A_276 : vector<512x1xf32>
    %jit3A_278 = arith.constant 0 : i32
    %reduce_sum3A_279 = arith.constant dense<0.000000e+00> : vector<512xf32>
    %reduce_sum3A_280 = vector.multi_reduction <add>, %max3A_267, %reduce_sum3A_279 [1] : vector<512x512xf32> to vector<512xf32>
    %broadcast_in_dim3A_281 = vector.shape_cast %reduce_sum3A_280 : vector<512xf32> to vector<512x1xf32>
    %div3A_282 = arith.constant 5.120000e+02 : f32
    %div3A_283 = vector.broadcast %div3A_282 : f32 to vector<512x1xf32>
    %div3A_284 = arith.divf %broadcast_in_dim3A_281, %div3A_283 : vector<512x1xf32>
    %sub3A_285 = vector.broadcast %div3A_284 : vector<512x1xf32> to vector<512x512xf32>
    %sub3A_286 = arith.subf %max3A_267, %sub3A_285 : vector<512x512xf32>
    %square3A_287 = arith.mulf %sub3A_286, %sub3A_286 : vector<512x512xf32>
    %convert_element_type3A_288 = arith.sitofp %jit3A_278 : i32 to f32
    %sub3A_289 = arith.constant 5.120000e+02 : f32
    %sub3A_290 = arith.subf %sub3A_289, %convert_element_type3A_288 : f32
    %reduce_sum3A_291 = arith.constant dense<0.000000e+00> : vector<512xf32>
    %reduce_sum3A_292 = vector.multi_reduction <add>, %square3A_287, %reduce_sum3A_291 [1] : vector<512x512xf32> to vector<512xf32>
    %broadcast_in_dim3A_293 = vector.shape_cast %reduce_sum3A_292 : vector<512xf32> to vector<512x1xf32>
    %div3A_294 = vector.broadcast %sub3A_290 : f32 to vector<512x1xf32>
    %div3A_295 = arith.divf %broadcast_in_dim3A_293, %div3A_294 : vector<512x1xf32>
    %gt3A_296 = arith.constant 0.000000e+00 : f32
    %gt3A_297 = arith.cmpf ogt, %sub3A_290, %gt3A_296 : f32
    %jit3A_298 = arith.constant 0x7FC00000 : f32
    %broadcast_in_dim3A_299 = vector.broadcast %jit3A_298 : f32 to vector<512x1xf32>
    %select_n3A_300 = arith.select %gt3A_297, %div3A_295, %broadcast_in_dim3A_299 : vector<512x1xf32>
    %sub3A_301 = vector.broadcast %div3A_277 : vector<512x1xf32> to vector<512x512xf32>
    %sub3A_302 = arith.subf %max3A_267, %sub3A_301 : vector<512x512xf32>
    %add3A_303 = arith.constant 9.99999974E-6 : f32
    %add3A_304 = vector.broadcast %add3A_303 : f32 to vector<512x1xf32>
    %add3A_305 = arith.addf %select_n3A_300, %add3A_304 : vector<512x1xf32>
    %sqrt3A_306 = math.sqrt %add3A_305 : vector<512x1xf32>
    %div3A_307 = vector.broadcast %sqrt3A_306 : vector<512x1xf32> to vector<512x512xf32>
    %div3A_308 = arith.divf %sub3A_302, %div3A_307 : vector<512x512xf32>
    %broadcast_in_dim3A_309 = vector.shape_cast %get3A_269 : vector<512xf32> to vector<1x512xf32>
    %mul3A_310 = vector.broadcast %broadcast_in_dim3A_309 : vector<1x512xf32> to vector<512x512xf32>
    %mul3A_311 = arith.mulf %div3A_308, %mul3A_310 : vector<512x512xf32>
    %broadcast_in_dim3A_312 = vector.shape_cast %get3A_271 : vector<512xf32> to vector<1x512xf32>
    %add3A_313 = vector.broadcast %broadcast_in_dim3A_312 : vector<1x512xf32> to vector<512x512xf32>
    %add3A_314 = arith.addf %mul3A_311, %add3A_313 : vector<512x512xf32>
    %convert_element_type3A_315 = arith.truncf %add3A_314 : vector<512x512xf32> to vector<512x512xbf16>
    %get3A_316 = arith.constant 0 : index
    %get3A_317 = arith.constant 0 : index
    %get3A_318 = vector.load %arg13[%get3A_316, %get3A_317] : memref<512x256xbf16, #tpu.memory_space<vmem>>, vector<512x256xbf16>
    %dot_general3A_319 = arith.constant dense<0.000000e+00> : vector<512x256xf32>
    %dot_general3A_320 = tpu.matmul %convert_element_type3A_315, %get3A_318, %dot_general3A_319 {dimension_numbers = #tpu.dot_dimension_numbers<[1], [0], [0], [1], [0, 0, 1, 1], [], []>, transpose_lhs_hint = false} : vector<512x512xbf16>, vector<512x256xbf16>, vector<512x256xf32> -> vector<512x256xf32>
    %get3A_321 = arith.constant 0 : index
    %get3A_322 = vector.load %arg14[%get3A_321] : memref<256xf32, #tpu.memory_space<vmem>>, vector<256xf32>
    %broadcast_in_dim3A_323 = vector.shape_cast %get3A_322 : vector<256xf32> to vector<1x256xf32>
    %add3A_324 = vector.broadcast %broadcast_in_dim3A_323 : vector<1x256xf32> to vector<512x256xf32>
    %add3A_325 = arith.addf %dot_general3A_320, %add3A_324 : vector<512x256xf32>
    %max3A_326 = arith.constant 0.000000e+00 : f32
    %max3A_327 = vector.broadcast %max3A_326 : f32 to vector<512x256xf32>
    %max3A_328 = arith.maximumf %add3A_325, %max3A_327 : vector<512x256xf32>
    %get3A_329 = arith.constant 0 : index
    %get3A_330 = vector.load %arg15[%get3A_329] : memref<256xf32, #tpu.memory_space<vmem>>, vector<256xf32>
    %get3A_331 = arith.constant 0 : index
    %get3A_332 = vector.load %arg16[%get3A_331] : memref<256xf32, #tpu.memory_space<vmem>>, vector<256xf32>
    %reduce_sum3A_333 = arith.constant dense<0.000000e+00> : vector<512xf32>
    %reduce_sum3A_334 = vector.multi_reduction <add>, %max3A_328, %reduce_sum3A_333 [1] : vector<512x256xf32> to vector<512xf32>
    %broadcast_in_dim3A_335 = vector.shape_cast %reduce_sum3A_334 : vector<512xf32> to vector<512x1xf32>
    %div3A_336 = arith.constant 2.560000e+02 : f32
    %div3A_337 = vector.broadcast %div3A_336 : f32 to vector<512x1xf32>
    %div3A_338 = arith.divf %broadcast_in_dim3A_335, %div3A_337 : vector<512x1xf32>
    %jit3A_339 = arith.constant 0 : i32
    %reduce_sum3A_340 = arith.constant dense<0.000000e+00> : vector<512xf32>
    %reduce_sum3A_341 = vector.multi_reduction <add>, %max3A_328, %reduce_sum3A_340 [1] : vector<512x256xf32> to vector<512xf32>
    %broadcast_in_dim3A_342 = vector.shape_cast %reduce_sum3A_341 : vector<512xf32> to vector<512x1xf32>
    %div3A_343 = arith.constant 2.560000e+02 : f32
    %div3A_344 = vector.broadcast %div3A_343 : f32 to vector<512x1xf32>
    %div3A_345 = arith.divf %broadcast_in_dim3A_342, %div3A_344 : vector<512x1xf32>
    %sub3A_346 = vector.broadcast %div3A_345 : vector<512x1xf32> to vector<512x256xf32>
    %sub3A_347 = arith.subf %max3A_328, %sub3A_346 : vector<512x256xf32>
    %square3A_348 = arith.mulf %sub3A_347, %sub3A_347 : vector<512x256xf32>
    %convert_element_type3A_349 = arith.sitofp %jit3A_339 : i32 to f32
    %sub3A_350 = arith.constant 2.560000e+02 : f32
    %sub3A_351 = arith.subf %sub3A_350, %convert_element_type3A_349 : f32
    %reduce_sum3A_352 = arith.constant dense<0.000000e+00> : vector<512xf32>
    %reduce_sum3A_353 = vector.multi_reduction <add>, %square3A_348, %reduce_sum3A_352 [1] : vector<512x256xf32> to vector<512xf32>
    %broadcast_in_dim3A_354 = vector.shape_cast %reduce_sum3A_353 : vector<512xf32> to vector<512x1xf32>
    %div3A_355 = vector.broadcast %sub3A_351 : f32 to vector<512x1xf32>
    %div3A_356 = arith.divf %broadcast_in_dim3A_354, %div3A_355 : vector<512x1xf32>
    %gt3A_357 = arith.constant 0.000000e+00 : f32
    %gt3A_358 = arith.cmpf ogt, %sub3A_351, %gt3A_357 : f32
    %jit3A_359 = arith.constant 0x7FC00000 : f32
    %broadcast_in_dim3A_360 = vector.broadcast %jit3A_359 : f32 to vector<512x1xf32>
    %select_n3A_361 = arith.select %gt3A_358, %div3A_356, %broadcast_in_dim3A_360 : vector<512x1xf32>
    %sub3A_362 = vector.broadcast %div3A_338 : vector<512x1xf32> to vector<512x256xf32>
    %sub3A_363 = arith.subf %max3A_328, %sub3A_362 : vector<512x256xf32>
    %add3A_364 = arith.constant 9.99999974E-6 : f32
    %add3A_365 = vector.broadcast %add3A_364 : f32 to vector<512x1xf32>
    %add3A_366 = arith.addf %select_n3A_361, %add3A_365 : vector<512x1xf32>
    %sqrt3A_367 = math.sqrt %add3A_366 : vector<512x1xf32>
    %div3A_368 = vector.broadcast %sqrt3A_367 : vector<512x1xf32> to vector<512x256xf32>
    %div3A_369 = arith.divf %sub3A_363, %div3A_368 : vector<512x256xf32>
    %broadcast_in_dim3A_370 = vector.shape_cast %get3A_330 : vector<256xf32> to vector<1x256xf32>
    %mul3A_371 = vector.broadcast %broadcast_in_dim3A_370 : vector<1x256xf32> to vector<512x256xf32>
    %mul3A_372 = arith.mulf %div3A_369, %mul3A_371 : vector<512x256xf32>
    %broadcast_in_dim3A_373 = vector.shape_cast %get3A_332 : vector<256xf32> to vector<1x256xf32>
    %add3A_374 = vector.broadcast %broadcast_in_dim3A_373 : vector<1x256xf32> to vector<512x256xf32>
    %add3A_375 = arith.addf %mul3A_372, %add3A_374 : vector<512x256xf32>
    %get3A_376 = arith.constant 0 : index
    %get3A_377 = arith.constant 0 : index
    %get3A_378 = vector.load %arg17[%get3A_376, %get3A_377] : memref<256x1xf32, #tpu.memory_space<vmem>>, vector<256x1xf32>
    %dot_general3A_379 = arith.constant dense<0.000000e+00> : vector<512x1xf32>
    %dot_general3A_380 = tpu.matmul %add3A_375, %get3A_378, %dot_general3A_379 {dimension_numbers = #tpu.dot_dimension_numbers<[1], [0], [0], [1], [0, 0, 1, 1], [], []>, transpose_lhs_hint = false} : vector<512x256xf32>, vector<256x1xf32>, vector<512x1xf32> -> vector<512x1xf32>
    %add3A_381 = arith.addf %broadcast_in_dim3A_196, %mul3A_190 : vector<512x1xf32>
    %add3A_382 = arith.addf %add3A_381, %dot_general3A_380 : vector<512x1xf32>
    %get3A_383 = arith.constant 0 : index
    %get3A_384 = vector.load %arg18[%get3A_383] : memref<1xf32, #tpu.memory_space<vmem>>, vector<1xf32>
    %get3A_385 = vector.extract %get3A_384[0] : f32 from vector<1xf32>
    %add3A_386 = vector.broadcast %get3A_385 : f32 to vector<512x1xf32>
    %add3A_387 = arith.addf %add3A_382, %add3A_386 : vector<512x1xf32>
    %swap3A_388 = arith.constant 0 : index
    %swap3A_389 = arith.constant 0 : index
    %swap3A_390 = vector.load %arg19[%swap3A_388, %swap3A_389] : memref<512x1xf32, #tpu.memory_space<vmem>>, vector<512x1xf32>
    tpu.vector_store %arg19[%swap3A_388, %swap3A_389], %add3A_387 {strides = array<i32>} : memref<512x1xf32, #tpu.memory_space<vmem>>, vector<512x1xf32>,
    return
  }
  func.func @transform_0(%arg0: i32) -> (i32, i32, i32) {
    %c0_i32 = arith.constant 0 : i32
    %c0_i32_0 = arith.constant 0 : i32
    %c0_i32_1 = arith.constant 0 : i32
    return %c0_i32, %arg0, %c0_i32_0 : i32, i32, i32
  }
  func.func @transform_1(%arg0: i32) -> (i32, i32) {
    %add3A = arith.constant 0 : i32
    %add3A_0 = arith.addi %add3A, %arg0 : i32
    %c0_i32 = arith.constant 0 : i32
    %c0_i32_1 = arith.constant 0 : i32
    return %add3A_0, %c0_i32 : i32, i32
  }
  func.func @transform_2(%arg0: i32) -> (i32, i32) {
    %add3A = arith.constant 0 : i32
    %add3A_0 = arith.addi %add3A, %arg0 : i32
    %c0_i32 = arith.constant 0 : i32
    %c0_i32_1 = arith.constant 0 : i32
    return %c0_i32, %add3A_0 : i32, i32
  }
  func.func @transform_3(%arg0: i32) -> (i32, i32) {
    %c0_i32 = arith.constant 0 : i32
    %c0_i32_0 = arith.constant 0 : i32
    %c0_i32_1 = arith.constant 0 : i32
    return %c0_i32, %c0_i32_0 : i32, i32
  }
  func.func @transform_4(%arg0: i32) -> (i32, i32) {
    %c0_i32 = arith.constant 0 : i32
    %c0_i32_0 = arith.constant 0 : i32
    %c0_i32_1 = arith.constant 0 : i32
    return %c0_i32, %c0_i32_0 : i32, i32
  }
  func.func @transform_5(%arg0: i32) -> i32 {
    %c0_i32 = arith.constant 0 : i32
    %c0_i32_0 = arith.constant 0 : i32
    return %c0_i32 : i32
  }
  func.func @transform_6(%arg0: i32) -> i32 {
    %c0_i32 = arith.constant 0 : i32
    %c0_i32_0 = arith.constant 0 : i32
    return %c0_i32 : i32
  }
  func.func @transform_7(%arg0: i32) -> i32 {
    %c0_i32 = arith.constant 0 : i32
    %c0_i32_0 = arith.constant 0 : i32
    return %c0_i32 : i32
  }
  func.func @transform_8(%arg0: i32) -> (i32, i32) {
    %c0_i32 = arith.constant 0 : i32
    %c0_i32_0 = arith.constant 0 : i32
    %c0_i32_1 = arith.constant 0 : i32
    return %c0_i32, %c0_i32_0 : i32, i32
  }
  func.func @transform_9(%arg0: i32) -> i32 {
    %c0_i32 = arith.constant 0 : i32
    %c0_i32_0 = arith.constant 0 : i32
    return %c0_i32 : i32
  }
  func.func @transform_10(%arg0: i32) -> i32 {
    %c0_i32 = arith.constant 0 : i32
    %c0_i32_0 = arith.constant 0 : i32
    return %c0_i32 : i32
  }
  func.func @transform_11(%arg0: i32) -> i32 {
    %c0_i32 = arith.constant 0 : i32
    %c0_i32_0 = arith.constant 0 : i32
    return %c0_i32 : i32
  }
  func.func @transform_12(%arg0: i32) -> (i32, i32) {
    %c0_i32 = arith.constant 0 : i32
    %c0_i32_0 = arith.constant 0 : i32
    %c0_i32_1 = arith.constant 0 : i32
    return %c0_i32, %c0_i32_0 : i32, i32
  }
  func.func @transform_13(%arg0: i32) -> i32 {
    %c0_i32 = arith.constant 0 : i32
    %c0_i32_0 = arith.constant 0 : i32
    return %c0_i32 : i32
  }
  func.func @transform_14(%arg0: i32) -> i32 {
    %c0_i32 = arith.constant 0 : i32
    %c0_i32_0 = arith.constant 0 : i32
    return %c0_i32 : i32
  }
  func.func @transform_15(%arg0: i32) -> i32 {
    %c0_i32 = arith.constant 0 : i32
    %c0_i32_0 = arith.constant 0 : i32
    return %c0_i32 : i32
  }
  func.func @transform_16(%arg0: i32) -> (i32, i32) {
    %c0_i32 = arith.constant 0 : i32
    %c0_i32_0 = arith.constant 0 : i32
    %c0_i32_1 = arith.constant 0 : i32
    return %c0_i32, %c0_i32_0 : i32, i32
  }
  func.func @transform_17(%arg0: i32) -> i32 {
    %c0_i32 = arith.constant 0 : i32
    %c0_i32_0 = arith.constant 0 : i32
    return %c0_i32 : i32
  }
  func.func @transform_18(%arg0: i32) -> (i32, i32) {
    %c0_i32 = arith.constant 0 : i32
    %c0_i32_0 = arith.constant 0 : i32
    return %arg0, %c0_i32 : i32, i32
  }
  func.func @transform_19(%arg0: i32) -> (i32, i32, i32) {
    %add3A = arith.constant 0 : i32
    %add3A_0 = arith.addi %add3A, %arg0 : i32
    %c0_i32 = arith.constant 0 : i32
    %c0_i32_1 = arith.constant 0 : i32
    %c0_i32_2 = arith.constant 0 : i32
    return %c0_i32, %add3A_0, %c0_i32_1 : i32, i32, i32
  }
}

module attributes {stable_mosaic.version = 14 : i64} {
  func.func @body(%arg0: i32, %arg1: memref<26x512x128xf32, #tpu.memory_space<vmem>>, %arg2: memref<512x4xf32, #tpu.memory_space<vmem>>, %arg3: memref<26x512xf32, #tpu.memory_space<vmem>>, %arg4: memref<3328x1024xbf16, #tpu.memory_space<vmem>>, %arg5: memref<4x1024xf32, #tpu.memory_space<vmem>>, %arg6: memref<1024xf32, #tpu.memory_space<vmem>>, %arg7: memref<1024xf32, #tpu.memory_space<vmem>>, %arg8: memref<1024xf32, #tpu.memory_space<vmem>>, %arg9: memref<1024x512xbf16, #tpu.memory_space<vmem>>, %arg10: memref<512xf32, #tpu.memory_space<vmem>>, %arg11: memref<512xf32, #tpu.memory_space<vmem>>, %arg12: memref<512xf32, #tpu.memory_space<vmem>>, %arg13: memref<512x256xbf16, #tpu.memory_space<vmem>>, %arg14: memref<256xf32, #tpu.memory_space<vmem>>, %arg15: memref<256xf32, #tpu.memory_space<vmem>>, %arg16: memref<256xf32, #tpu.memory_space<vmem>>, %arg17: memref<256x1xf32, #tpu.memory_space<vmem>>, %arg18: memref<1xf32, #tpu.memory_space<vmem>>, %arg19: memref<26x16384x128xf32, #tpu.memory_space<any>>, %arg20: memref<512x1xf32, #tpu.memory_space<vmem>>, %arg21: memref<26x512x128xf32, #tpu.memory_space<vmem>>) attributes {dimension_semantics = [#tpu.dimension_semantics<arbitrary>], iteration_bounds = array<i64: 16>, scalar_prefetch = 0 : i64, scratch_operands = 0 : i64, tpu.core_type = #tpu.core_type<tc>, window_params = [{transform_indices = @transform_0, window_bounds = array<i64: 26, 512, 128>}, {transform_indices = @transform_1, window_bounds = array<i64: 512, 4>}, {transform_indices = @transform_2, window_bounds = array<i64: 26, 512>}, {pipeline_mode = #tpu.pipeline_mode<synchronous>, transform_indices = @transform_3, window_bounds = array<i64: 3328, 1024>}, {pipeline_mode = #tpu.pipeline_mode<synchronous>, transform_indices = @transform_4, window_bounds = array<i64: 4, 1024>}, {pipeline_mode = #tpu.pipeline_mode<synchronous>, transform_indices = @transform_5, window_bounds = array<i64: 1024>}, {pipeline_mode = #tpu.pipeline_mode<synchronous>, transform_indices = @transform_6, window_bounds = array<i64: 1024>}, {pipeline_mode = #tpu.pipeline_mode<synchronous>, transform_indices = @transform_7, window_bounds = array<i64: 1024>}, {pipeline_mode = #tpu.pipeline_mode<synchronous>, transform_indices = @transform_8, window_bounds = array<i64: 1024, 512>}, {pipeline_mode = #tpu.pipeline_mode<synchronous>, transform_indices = @transform_9, window_bounds = array<i64: 512>}, {pipeline_mode = #tpu.pipeline_mode<synchronous>, transform_indices = @transform_10, window_bounds = array<i64: 512>}, {pipeline_mode = #tpu.pipeline_mode<synchronous>, transform_indices = @transform_11, window_bounds = array<i64: 512>}, {pipeline_mode = #tpu.pipeline_mode<synchronous>, transform_indices = @transform_12, window_bounds = array<i64: 512, 256>}, {pipeline_mode = #tpu.pipeline_mode<synchronous>, transform_indices = @transform_13, window_bounds = array<i64: 256>}, {pipeline_mode = #tpu.pipeline_mode<synchronous>, transform_indices = @transform_14, window_bounds = array<i64: 256>}, {pipeline_mode = #tpu.pipeline_mode<synchronous>, transform_indices = @transform_15, window_bounds = array<i64: 256>}, {pipeline_mode = #tpu.pipeline_mode<synchronous>, transform_indices = @transform_16, window_bounds = array<i64: 256, 1>}, {pipeline_mode = #tpu.pipeline_mode<synchronous>, transform_indices = @transform_17, window_bounds = array<i64: 1>}, {}, {transform_indices = @transform_19, window_bounds = array<i64: 512, 1>}, {transform_indices = @transform_20, window_bounds = array<i64: 26, 512, 128>}]} {
    %get3A = arith.constant 0 : index
    %get3A_0 = arith.constant 0 : index
    %get3A_1 = arith.constant 0 : index
    %get3A_2 = vector.load %arg1[%get3A, %get3A_0, %get3A_1] : memref<26x512x128xf32, #tpu.memory_space<vmem>>, vector<26x512x128xf32>
    %swap3A = arith.constant 0 : index
    %swap3A_3 = arith.constant 0 : index
    %swap3A_4 = arith.constant 0 : index
    %swap3A_5 = vector.load %arg21[%swap3A, %swap3A_3, %swap3A_4] : memref<26x512x128xf32, #tpu.memory_space<vmem>>, vector<26x512x128xf32>
    tpu.vector_store %arg21[%swap3A, %swap3A_3, %swap3A_4], %get3A_2 {strides = array<i32>} : memref<26x512x128xf32, #tpu.memory_space<vmem>>, vector<26x512x128xf32>,
    %slice3A = vector.extract_strided_slice %get3A_2 {offsets = [0, 0, 0], sizes = [1, 512, 128], strides = [1, 1, 1]} : vector<26x512x128xf32> to vector<1x512x128xf32>
    %squeeze3A = vector.shape_cast %slice3A : vector<1x512x128xf32> to vector<512x128xf32>
    %mul3A = arith.mulf %squeeze3A, %squeeze3A : vector<512x128xf32>
    %slice3A_6 = vector.extract_strided_slice %get3A_2 {offsets = [1, 0, 0], sizes = [1, 512, 128], strides = [1, 1, 1]} : vector<26x512x128xf32> to vector<1x512x128xf32>
    %squeeze3A_7 = vector.shape_cast %slice3A_6 : vector<1x512x128xf32> to vector<512x128xf32>
    %add3A = arith.addf %squeeze3A, %squeeze3A_7 : vector<512x128xf32>
    %mul3A_8 = arith.mulf %squeeze3A_7, %squeeze3A_7 : vector<512x128xf32>
    %add3A_9 = arith.addf %mul3A, %mul3A_8 : vector<512x128xf32>
    %slice3A_10 = vector.extract_strided_slice %get3A_2 {offsets = [2, 0, 0], sizes = [1, 512, 128], strides = [1, 1, 1]} : vector<26x512x128xf32> to vector<1x512x128xf32>
    %squeeze3A_11 = vector.shape_cast %slice3A_10 : vector<1x512x128xf32> to vector<512x128xf32>
    %add3A_12 = arith.addf %add3A, %squeeze3A_11 : vector<512x128xf32>
    %mul3A_13 = arith.mulf %squeeze3A_11, %squeeze3A_11 : vector<512x128xf32>
    %add3A_14 = arith.addf %add3A_9, %mul3A_13 : vector<512x128xf32>
    %slice3A_15 = vector.extract_strided_slice %get3A_2 {offsets = [3, 0, 0], sizes = [1, 512, 128], strides = [1, 1, 1]} : vector<26x512x128xf32> to vector<1x512x128xf32>
    %squeeze3A_16 = vector.shape_cast %slice3A_15 : vector<1x512x128xf32> to vector<512x128xf32>
    %add3A_17 = arith.addf %add3A_12, %squeeze3A_16 : vector<512x128xf32>
    %mul3A_18 = arith.mulf %squeeze3A_16, %squeeze3A_16 : vector<512x128xf32>
    %add3A_19 = arith.addf %add3A_14, %mul3A_18 : vector<512x128xf32>
    %slice3A_20 = vector.extract_strided_slice %get3A_2 {offsets = [4, 0, 0], sizes = [1, 512, 128], strides = [1, 1, 1]} : vector<26x512x128xf32> to vector<1x512x128xf32>
    %squeeze3A_21 = vector.shape_cast %slice3A_20 : vector<1x512x128xf32> to vector<512x128xf32>
    %add3A_22 = arith.addf %add3A_17, %squeeze3A_21 : vector<512x128xf32>
    %mul3A_23 = arith.mulf %squeeze3A_21, %squeeze3A_21 : vector<512x128xf32>
    %add3A_24 = arith.addf %add3A_19, %mul3A_23 : vector<512x128xf32>
    %slice3A_25 = vector.extract_strided_slice %get3A_2 {offsets = [5, 0, 0], sizes = [1, 512, 128], strides = [1, 1, 1]} : vector<26x512x128xf32> to vector<1x512x128xf32>
    %squeeze3A_26 = vector.shape_cast %slice3A_25 : vector<1x512x128xf32> to vector<512x128xf32>
    %add3A_27 = arith.addf %add3A_22, %squeeze3A_26 : vector<512x128xf32>
    %mul3A_28 = arith.mulf %squeeze3A_26, %squeeze3A_26 : vector<512x128xf32>
    %add3A_29 = arith.addf %add3A_24, %mul3A_28 : vector<512x128xf32>
    %slice3A_30 = vector.extract_strided_slice %get3A_2 {offsets = [6, 0, 0], sizes = [1, 512, 128], strides = [1, 1, 1]} : vector<26x512x128xf32> to vector<1x512x128xf32>
    %squeeze3A_31 = vector.shape_cast %slice3A_30 : vector<1x512x128xf32> to vector<512x128xf32>
    %add3A_32 = arith.addf %add3A_27, %squeeze3A_31 : vector<512x128xf32>
    %mul3A_33 = arith.mulf %squeeze3A_31, %squeeze3A_31 : vector<512x128xf32>
    %add3A_34 = arith.addf %add3A_29, %mul3A_33 : vector<512x128xf32>
    %slice3A_35 = vector.extract_strided_slice %get3A_2 {offsets = [7, 0, 0], sizes = [1, 512, 128], strides = [1, 1, 1]} : vector<26x512x128xf32> to vector<1x512x128xf32>
    %squeeze3A_36 = vector.shape_cast %slice3A_35 : vector<1x512x128xf32> to vector<512x128xf32>
    %add3A_37 = arith.addf %add3A_32, %squeeze3A_36 : vector<512x128xf32>
    %mul3A_38 = arith.mulf %squeeze3A_36, %squeeze3A_36 : vector<512x128xf32>
    %add3A_39 = arith.addf %add3A_34, %mul3A_38 : vector<512x128xf32>
    %slice3A_40 = vector.extract_strided_slice %get3A_2 {offsets = [8, 0, 0], sizes = [1, 512, 128], strides = [1, 1, 1]} : vector<26x512x128xf32> to vector<1x512x128xf32>
    %squeeze3A_41 = vector.shape_cast %slice3A_40 : vector<1x512x128xf32> to vector<512x128xf32>
    %add3A_42 = arith.addf %add3A_37, %squeeze3A_41 : vector<512x128xf32>
    %mul3A_43 = arith.mulf %squeeze3A_41, %squeeze3A_41 : vector<512x128xf32>
    %add3A_44 = arith.addf %add3A_39, %mul3A_43 : vector<512x128xf32>
    %slice3A_45 = vector.extract_strided_slice %get3A_2 {offsets = [9, 0, 0], sizes = [1, 512, 128], strides = [1, 1, 1]} : vector<26x512x128xf32> to vector<1x512x128xf32>
    %squeeze3A_46 = vector.shape_cast %slice3A_45 : vector<1x512x128xf32> to vector<512x128xf32>
    %add3A_47 = arith.addf %add3A_42, %squeeze3A_46 : vector<512x128xf32>
    %mul3A_48 = arith.mulf %squeeze3A_46, %squeeze3A_46 : vector<512x128xf32>
    %add3A_49 = arith.addf %add3A_44, %mul3A_48 : vector<512x128xf32>
    %slice3A_50 = vector.extract_strided_slice %get3A_2 {offsets = [10, 0, 0], sizes = [1, 512, 128], strides = [1, 1, 1]} : vector<26x512x128xf32> to vector<1x512x128xf32>
    %squeeze3A_51 = vector.shape_cast %slice3A_50 : vector<1x512x128xf32> to vector<512x128xf32>
    %add3A_52 = arith.addf %add3A_47, %squeeze3A_51 : vector<512x128xf32>
    %mul3A_53 = arith.mulf %squeeze3A_51, %squeeze3A_51 : vector<512x128xf32>
    %add3A_54 = arith.addf %add3A_49, %mul3A_53 : vector<512x128xf32>
    %slice3A_55 = vector.extract_strided_slice %get3A_2 {offsets = [11, 0, 0], sizes = [1, 512, 128], strides = [1, 1, 1]} : vector<26x512x128xf32> to vector<1x512x128xf32>
    %squeeze3A_56 = vector.shape_cast %slice3A_55 : vector<1x512x128xf32> to vector<512x128xf32>
    %add3A_57 = arith.addf %add3A_52, %squeeze3A_56 : vector<512x128xf32>
    %mul3A_58 = arith.mulf %squeeze3A_56, %squeeze3A_56 : vector<512x128xf32>
    %add3A_59 = arith.addf %add3A_54, %mul3A_58 : vector<512x128xf32>
    %slice3A_60 = vector.extract_strided_slice %get3A_2 {offsets = [12, 0, 0], sizes = [1, 512, 128], strides = [1, 1, 1]} : vector<26x512x128xf32> to vector<1x512x128xf32>
    %squeeze3A_61 = vector.shape_cast %slice3A_60 : vector<1x512x128xf32> to vector<512x128xf32>
    %add3A_62 = arith.addf %add3A_57, %squeeze3A_61 : vector<512x128xf32>
    %mul3A_63 = arith.mulf %squeeze3A_61, %squeeze3A_61 : vector<512x128xf32>
    %add3A_64 = arith.addf %add3A_59, %mul3A_63 : vector<512x128xf32>
    %slice3A_65 = vector.extract_strided_slice %get3A_2 {offsets = [13, 0, 0], sizes = [1, 512, 128], strides = [1, 1, 1]} : vector<26x512x128xf32> to vector<1x512x128xf32>
    %squeeze3A_66 = vector.shape_cast %slice3A_65 : vector<1x512x128xf32> to vector<512x128xf32>
    %add3A_67 = arith.addf %add3A_62, %squeeze3A_66 : vector<512x128xf32>
    %mul3A_68 = arith.mulf %squeeze3A_66, %squeeze3A_66 : vector<512x128xf32>
    %add3A_69 = arith.addf %add3A_64, %mul3A_68 : vector<512x128xf32>
    %slice3A_70 = vector.extract_strided_slice %get3A_2 {offsets = [14, 0, 0], sizes = [1, 512, 128], strides = [1, 1, 1]} : vector<26x512x128xf32> to vector<1x512x128xf32>
    %squeeze3A_71 = vector.shape_cast %slice3A_70 : vector<1x512x128xf32> to vector<512x128xf32>
    %add3A_72 = arith.addf %add3A_67, %squeeze3A_71 : vector<512x128xf32>
    %mul3A_73 = arith.mulf %squeeze3A_71, %squeeze3A_71 : vector<512x128xf32>
    %add3A_74 = arith.addf %add3A_69, %mul3A_73 : vector<512x128xf32>
    %slice3A_75 = vector.extract_strided_slice %get3A_2 {offsets = [15, 0, 0], sizes = [1, 512, 128], strides = [1, 1, 1]} : vector<26x512x128xf32> to vector<1x512x128xf32>
    %squeeze3A_76 = vector.shape_cast %slice3A_75 : vector<1x512x128xf32> to vector<512x128xf32>
    %add3A_77 = arith.addf %add3A_72, %squeeze3A_76 : vector<512x128xf32>
    %mul3A_78 = arith.mulf %squeeze3A_76, %squeeze3A_76 : vector<512x128xf32>
    %add3A_79 = arith.addf %add3A_74, %mul3A_78 : vector<512x128xf32>
    %slice3A_80 = vector.extract_strided_slice %get3A_2 {offsets = [16, 0, 0], sizes = [1, 512, 128], strides = [1, 1, 1]} : vector<26x512x128xf32> to vector<1x512x128xf32>
    %squeeze3A_81 = vector.shape_cast %slice3A_80 : vector<1x512x128xf32> to vector<512x128xf32>
    %add3A_82 = arith.addf %add3A_77, %squeeze3A_81 : vector<512x128xf32>
    %mul3A_83 = arith.mulf %squeeze3A_81, %squeeze3A_81 : vector<512x128xf32>
    %add3A_84 = arith.addf %add3A_79, %mul3A_83 : vector<512x128xf32>
    %slice3A_85 = vector.extract_strided_slice %get3A_2 {offsets = [17, 0, 0], sizes = [1, 512, 128], strides = [1, 1, 1]} : vector<26x512x128xf32> to vector<1x512x128xf32>
    %squeeze3A_86 = vector.shape_cast %slice3A_85 : vector<1x512x128xf32> to vector<512x128xf32>
    %add3A_87 = arith.addf %add3A_82, %squeeze3A_86 : vector<512x128xf32>
    %mul3A_88 = arith.mulf %squeeze3A_86, %squeeze3A_86 : vector<512x128xf32>
    %add3A_89 = arith.addf %add3A_84, %mul3A_88 : vector<512x128xf32>
    %slice3A_90 = vector.extract_strided_slice %get3A_2 {offsets = [18, 0, 0], sizes = [1, 512, 128], strides = [1, 1, 1]} : vector<26x512x128xf32> to vector<1x512x128xf32>
    %squeeze3A_91 = vector.shape_cast %slice3A_90 : vector<1x512x128xf32> to vector<512x128xf32>
    %add3A_92 = arith.addf %add3A_87, %squeeze3A_91 : vector<512x128xf32>
    %mul3A_93 = arith.mulf %squeeze3A_91, %squeeze3A_91 : vector<512x128xf32>
    %add3A_94 = arith.addf %add3A_89, %mul3A_93 : vector<512x128xf32>
    %slice3A_95 = vector.extract_strided_slice %get3A_2 {offsets = [19, 0, 0], sizes = [1, 512, 128], strides = [1, 1, 1]} : vector<26x512x128xf32> to vector<1x512x128xf32>
    %squeeze3A_96 = vector.shape_cast %slice3A_95 : vector<1x512x128xf32> to vector<512x128xf32>
    %add3A_97 = arith.addf %add3A_92, %squeeze3A_96 : vector<512x128xf32>
    %mul3A_98 = arith.mulf %squeeze3A_96, %squeeze3A_96 : vector<512x128xf32>
    %add3A_99 = arith.addf %add3A_94, %mul3A_98 : vector<512x128xf32>
    %slice3A_100 = vector.extract_strided_slice %get3A_2 {offsets = [20, 0, 0], sizes = [1, 512, 128], strides = [1, 1, 1]} : vector<26x512x128xf32> to vector<1x512x128xf32>
    %squeeze3A_101 = vector.shape_cast %slice3A_100 : vector<1x512x128xf32> to vector<512x128xf32>
    %add3A_102 = arith.addf %add3A_97, %squeeze3A_101 : vector<512x128xf32>
    %mul3A_103 = arith.mulf %squeeze3A_101, %squeeze3A_101 : vector<512x128xf32>
    %add3A_104 = arith.addf %add3A_99, %mul3A_103 : vector<512x128xf32>
    %slice3A_105 = vector.extract_strided_slice %get3A_2 {offsets = [21, 0, 0], sizes = [1, 512, 128], strides = [1, 1, 1]} : vector<26x512x128xf32> to vector<1x512x128xf32>
    %squeeze3A_106 = vector.shape_cast %slice3A_105 : vector<1x512x128xf32> to vector<512x128xf32>
    %add3A_107 = arith.addf %add3A_102, %squeeze3A_106 : vector<512x128xf32>
    %mul3A_108 = arith.mulf %squeeze3A_106, %squeeze3A_106 : vector<512x128xf32>
    %add3A_109 = arith.addf %add3A_104, %mul3A_108 : vector<512x128xf32>
    %slice3A_110 = vector.extract_strided_slice %get3A_2 {offsets = [22, 0, 0], sizes = [1, 512, 128], strides = [1, 1, 1]} : vector<26x512x128xf32> to vector<1x512x128xf32>
    %squeeze3A_111 = vector.shape_cast %slice3A_110 : vector<1x512x128xf32> to vector<512x128xf32>
    %add3A_112 = arith.addf %add3A_107, %squeeze3A_111 : vector<512x128xf32>
    %mul3A_113 = arith.mulf %squeeze3A_111, %squeeze3A_111 : vector<512x128xf32>
    %add3A_114 = arith.addf %add3A_109, %mul3A_113 : vector<512x128xf32>
    %slice3A_115 = vector.extract_strided_slice %get3A_2 {offsets = [23, 0, 0], sizes = [1, 512, 128], strides = [1, 1, 1]} : vector<26x512x128xf32> to vector<1x512x128xf32>
    %squeeze3A_116 = vector.shape_cast %slice3A_115 : vector<1x512x128xf32> to vector<512x128xf32>
    %add3A_117 = arith.addf %add3A_112, %squeeze3A_116 : vector<512x128xf32>
    %mul3A_118 = arith.mulf %squeeze3A_116, %squeeze3A_116 : vector<512x128xf32>
    %add3A_119 = arith.addf %add3A_114, %mul3A_118 : vector<512x128xf32>
    %slice3A_120 = vector.extract_strided_slice %get3A_2 {offsets = [24, 0, 0], sizes = [1, 512, 128], strides = [1, 1, 1]} : vector<26x512x128xf32> to vector<1x512x128xf32>
    %squeeze3A_121 = vector.shape_cast %slice3A_120 : vector<1x512x128xf32> to vector<512x128xf32>
    %add3A_122 = arith.addf %add3A_117, %squeeze3A_121 : vector<512x128xf32>
    %mul3A_123 = arith.mulf %squeeze3A_121, %squeeze3A_121 : vector<512x128xf32>
    %add3A_124 = arith.addf %add3A_119, %mul3A_123 : vector<512x128xf32>
    %slice3A_125 = vector.extract_strided_slice %get3A_2 {offsets = [25, 0, 0], sizes = [1, 512, 128], strides = [1, 1, 1]} : vector<26x512x128xf32> to vector<1x512x128xf32>
    %squeeze3A_126 = vector.shape_cast %slice3A_125 : vector<1x512x128xf32> to vector<512x128xf32>
    %add3A_127 = arith.addf %add3A_122, %squeeze3A_126 : vector<512x128xf32>
    %mul3A_128 = arith.mulf %squeeze3A_126, %squeeze3A_126 : vector<512x128xf32>
    %add3A_129 = arith.addf %add3A_124, %mul3A_128 : vector<512x128xf32>
    %slice3A_130 = vector.extract_strided_slice %get3A_2 {offsets = [0, 0, 0], sizes = [1, 512, 128], strides = [1, 1, 1]} : vector<26x512x128xf32> to vector<1x512x128xf32>
    %squeeze3A_131 = vector.shape_cast %slice3A_130 : vector<1x512x128xf32> to vector<512x128xf32>
    %slice3A_132 = vector.extract_strided_slice %get3A_2 {offsets = [1, 0, 0], sizes = [1, 512, 128], strides = [1, 1, 1]} : vector<26x512x128xf32> to vector<1x512x128xf32>
    %squeeze3A_133 = vector.shape_cast %slice3A_132 : vector<1x512x128xf32> to vector<512x128xf32>
    %slice3A_134 = vector.extract_strided_slice %get3A_2 {offsets = [2, 0, 0], sizes = [1, 512, 128], strides = [1, 1, 1]} : vector<26x512x128xf32> to vector<1x512x128xf32>
    %squeeze3A_135 = vector.shape_cast %slice3A_134 : vector<1x512x128xf32> to vector<512x128xf32>
    %slice3A_136 = vector.extract_strided_slice %get3A_2 {offsets = [3, 0, 0], sizes = [1, 512, 128], strides = [1, 1, 1]} : vector<26x512x128xf32> to vector<1x512x128xf32>
    %squeeze3A_137 = vector.shape_cast %slice3A_136 : vector<1x512x128xf32> to vector<512x128xf32>
    %slice3A_138 = vector.extract_strided_slice %get3A_2 {offsets = [4, 0, 0], sizes = [1, 512, 128], strides = [1, 1, 1]} : vector<26x512x128xf32> to vector<1x512x128xf32>
    %squeeze3A_139 = vector.shape_cast %slice3A_138 : vector<1x512x128xf32> to vector<512x128xf32>
    %slice3A_140 = vector.extract_strided_slice %get3A_2 {offsets = [5, 0, 0], sizes = [1, 512, 128], strides = [1, 1, 1]} : vector<26x512x128xf32> to vector<1x512x128xf32>
    %squeeze3A_141 = vector.shape_cast %slice3A_140 : vector<1x512x128xf32> to vector<512x128xf32>
    %slice3A_142 = vector.extract_strided_slice %get3A_2 {offsets = [6, 0, 0], sizes = [1, 512, 128], strides = [1, 1, 1]} : vector<26x512x128xf32> to vector<1x512x128xf32>
    %squeeze3A_143 = vector.shape_cast %slice3A_142 : vector<1x512x128xf32> to vector<512x128xf32>
    %slice3A_144 = vector.extract_strided_slice %get3A_2 {offsets = [7, 0, 0], sizes = [1, 512, 128], strides = [1, 1, 1]} : vector<26x512x128xf32> to vector<1x512x128xf32>
    %squeeze3A_145 = vector.shape_cast %slice3A_144 : vector<1x512x128xf32> to vector<512x128xf32>
    %slice3A_146 = vector.extract_strided_slice %get3A_2 {offsets = [8, 0, 0], sizes = [1, 512, 128], strides = [1, 1, 1]} : vector<26x512x128xf32> to vector<1x512x128xf32>
    %squeeze3A_147 = vector.shape_cast %slice3A_146 : vector<1x512x128xf32> to vector<512x128xf32>
    %slice3A_148 = vector.extract_strided_slice %get3A_2 {offsets = [9, 0, 0], sizes = [1, 512, 128], strides = [1, 1, 1]} : vector<26x512x128xf32> to vector<1x512x128xf32>
    %squeeze3A_149 = vector.shape_cast %slice3A_148 : vector<1x512x128xf32> to vector<512x128xf32>
    %slice3A_150 = vector.extract_strided_slice %get3A_2 {offsets = [10, 0, 0], sizes = [1, 512, 128], strides = [1, 1, 1]} : vector<26x512x128xf32> to vector<1x512x128xf32>
    %squeeze3A_151 = vector.shape_cast %slice3A_150 : vector<1x512x128xf32> to vector<512x128xf32>
    %slice3A_152 = vector.extract_strided_slice %get3A_2 {offsets = [11, 0, 0], sizes = [1, 512, 128], strides = [1, 1, 1]} : vector<26x512x128xf32> to vector<1x512x128xf32>
    %squeeze3A_153 = vector.shape_cast %slice3A_152 : vector<1x512x128xf32> to vector<512x128xf32>
    %slice3A_154 = vector.extract_strided_slice %get3A_2 {offsets = [12, 0, 0], sizes = [1, 512, 128], strides = [1, 1, 1]} : vector<26x512x128xf32> to vector<1x512x128xf32>
    %squeeze3A_155 = vector.shape_cast %slice3A_154 : vector<1x512x128xf32> to vector<512x128xf32>
    %slice3A_156 = vector.extract_strided_slice %get3A_2 {offsets = [13, 0, 0], sizes = [1, 512, 128], strides = [1, 1, 1]} : vector<26x512x128xf32> to vector<1x512x128xf32>
    %squeeze3A_157 = vector.shape_cast %slice3A_156 : vector<1x512x128xf32> to vector<512x128xf32>
    %slice3A_158 = vector.extract_strided_slice %get3A_2 {offsets = [14, 0, 0], sizes = [1, 512, 128], strides = [1, 1, 1]} : vector<26x512x128xf32> to vector<1x512x128xf32>
    %squeeze3A_159 = vector.shape_cast %slice3A_158 : vector<1x512x128xf32> to vector<512x128xf32>
    %slice3A_160 = vector.extract_strided_slice %get3A_2 {offsets = [15, 0, 0], sizes = [1, 512, 128], strides = [1, 1, 1]} : vector<26x512x128xf32> to vector<1x512x128xf32>
    %squeeze3A_161 = vector.shape_cast %slice3A_160 : vector<1x512x128xf32> to vector<512x128xf32>
    %slice3A_162 = vector.extract_strided_slice %get3A_2 {offsets = [16, 0, 0], sizes = [1, 512, 128], strides = [1, 1, 1]} : vector<26x512x128xf32> to vector<1x512x128xf32>
    %squeeze3A_163 = vector.shape_cast %slice3A_162 : vector<1x512x128xf32> to vector<512x128xf32>
    %slice3A_164 = vector.extract_strided_slice %get3A_2 {offsets = [17, 0, 0], sizes = [1, 512, 128], strides = [1, 1, 1]} : vector<26x512x128xf32> to vector<1x512x128xf32>
    %squeeze3A_165 = vector.shape_cast %slice3A_164 : vector<1x512x128xf32> to vector<512x128xf32>
    %slice3A_166 = vector.extract_strided_slice %get3A_2 {offsets = [18, 0, 0], sizes = [1, 512, 128], strides = [1, 1, 1]} : vector<26x512x128xf32> to vector<1x512x128xf32>
    %squeeze3A_167 = vector.shape_cast %slice3A_166 : vector<1x512x128xf32> to vector<512x128xf32>
    %slice3A_168 = vector.extract_strided_slice %get3A_2 {offsets = [19, 0, 0], sizes = [1, 512, 128], strides = [1, 1, 1]} : vector<26x512x128xf32> to vector<1x512x128xf32>
    %squeeze3A_169 = vector.shape_cast %slice3A_168 : vector<1x512x128xf32> to vector<512x128xf32>
    %slice3A_170 = vector.extract_strided_slice %get3A_2 {offsets = [20, 0, 0], sizes = [1, 512, 128], strides = [1, 1, 1]} : vector<26x512x128xf32> to vector<1x512x128xf32>
    %squeeze3A_171 = vector.shape_cast %slice3A_170 : vector<1x512x128xf32> to vector<512x128xf32>
    %slice3A_172 = vector.extract_strided_slice %get3A_2 {offsets = [21, 0, 0], sizes = [1, 512, 128], strides = [1, 1, 1]} : vector<26x512x128xf32> to vector<1x512x128xf32>
    %squeeze3A_173 = vector.shape_cast %slice3A_172 : vector<1x512x128xf32> to vector<512x128xf32>
    %slice3A_174 = vector.extract_strided_slice %get3A_2 {offsets = [22, 0, 0], sizes = [1, 512, 128], strides = [1, 1, 1]} : vector<26x512x128xf32> to vector<1x512x128xf32>
    %squeeze3A_175 = vector.shape_cast %slice3A_174 : vector<1x512x128xf32> to vector<512x128xf32>
    %slice3A_176 = vector.extract_strided_slice %get3A_2 {offsets = [23, 0, 0], sizes = [1, 512, 128], strides = [1, 1, 1]} : vector<26x512x128xf32> to vector<1x512x128xf32>
    %squeeze3A_177 = vector.shape_cast %slice3A_176 : vector<1x512x128xf32> to vector<512x128xf32>
    %slice3A_178 = vector.extract_strided_slice %get3A_2 {offsets = [24, 0, 0], sizes = [1, 512, 128], strides = [1, 1, 1]} : vector<26x512x128xf32> to vector<1x512x128xf32>
    %squeeze3A_179 = vector.shape_cast %slice3A_178 : vector<1x512x128xf32> to vector<512x128xf32>
    %slice3A_180 = vector.extract_strided_slice %get3A_2 {offsets = [25, 0, 0], sizes = [1, 512, 128], strides = [1, 1, 1]} : vector<26x512x128xf32> to vector<1x512x128xf32>
    %squeeze3A_181 = vector.shape_cast %slice3A_180 : vector<1x512x128xf32> to vector<512x128xf32>
    %concatenate3A = tpu.concatenate %squeeze3A_131, %squeeze3A_133, %squeeze3A_135, %squeeze3A_137, %squeeze3A_139, %squeeze3A_141, %squeeze3A_143, %squeeze3A_145, %squeeze3A_147, %squeeze3A_149, %squeeze3A_151, %squeeze3A_153, %squeeze3A_155, %squeeze3A_157, %squeeze3A_159, %squeeze3A_161, %squeeze3A_163, %squeeze3A_165, %squeeze3A_167, %squeeze3A_169, %squeeze3A_171, %squeeze3A_173, %squeeze3A_175, %squeeze3A_177, %squeeze3A_179, %squeeze3A_181 in 1 : vector<512x128xf32>, vector<512x128xf32>, vector<512x128xf32>, vector<512x128xf32>, vector<512x128xf32>, vector<512x128xf32>, vector<512x128xf32>, vector<512x128xf32>, vector<512x128xf32>, vector<512x128xf32>, vector<512x128xf32>, vector<512x128xf32>, vector<512x128xf32>, vector<512x128xf32>, vector<512x128xf32>, vector<512x128xf32>, vector<512x128xf32>, vector<512x128xf32>, vector<512x128xf32>, vector<512x128xf32>, vector<512x128xf32>, vector<512x128xf32>, vector<512x128xf32>, vector<512x128xf32>, vector<512x128xf32>, vector<512x128xf32> -> vector<512x3328xf32>
    %convert_element_type3A = arith.truncf %concatenate3A : vector<512x3328xf32> to vector<512x3328xbf16>
    %get3A_182 = arith.constant 0 : index
    %get3A_183 = arith.constant 0 : index
    %get3A_184 = vector.load %arg4[%get3A_182, %get3A_183] : memref<3328x1024xbf16, #tpu.memory_space<vmem>>, vector<3328x1024xbf16>
    %dot_general3A = arith.constant dense<0.000000e+00> : vector<512x1024xf32>
    %dot_general3A_185 = tpu.matmul %convert_element_type3A, %get3A_184, %dot_general3A {dimension_numbers = #tpu.dot_dimension_numbers<[1], [0], [0], [1], [0, 0, 1, 1], [], []>, transpose_lhs_hint = false} : vector<512x3328xbf16>, vector<3328x1024xbf16>, vector<512x1024xf32> -> vector<512x1024xf32>
    %mul3A_186 = arith.mulf %add3A_127, %add3A_127 : vector<512x128xf32>
    %sub3A = arith.subf %mul3A_186, %add3A_129 : vector<512x128xf32>
    %reduce_sum3A = arith.constant dense<0.000000e+00> : vector<512xf32>
    %reduce_sum3A_187 = vector.multi_reduction <add>, %sub3A, %reduce_sum3A [1] : vector<512x128xf32> to vector<512xf32>
    %broadcast_in_dim3A = vector.shape_cast %reduce_sum3A_187 : vector<512xf32> to vector<512x1xf32>
    %mul3A_188 = arith.constant 5.000000e-01 : f32
    %mul3A_189 = vector.broadcast %mul3A_188 : f32 to vector<512x1xf32>
    %mul3A_190 = arith.mulf %mul3A_189, %broadcast_in_dim3A : vector<512x1xf32>
    %get3A_191 = arith.constant 0 : index
    %get3A_192 = arith.constant 0 : index
    %get3A_193 = vector.load %arg3[%get3A_191, %get3A_192] : memref<26x512xf32, #tpu.memory_space<vmem>>, vector<26x512xf32>
    %reduce_sum3A_194 = arith.constant dense<0.000000e+00> : vector<512xf32>
    %reduce_sum3A_195 = vector.multi_reduction <add>, %get3A_193, %reduce_sum3A_194 [0] : vector<26x512xf32> to vector<512xf32>
    %broadcast_in_dim3A_196 = vector.shape_cast %reduce_sum3A_195 : vector<512xf32> to vector<512x1xf32>
    %get3A_197 = arith.constant 0 : index
    %get3A_198 = arith.constant 0 : index
    %get3A_199 = vector.load %arg2[%get3A_197, %get3A_198] : memref<512x4xf32, #tpu.memory_space<vmem>>, vector<512x4xf32>
    %get3A_200 = arith.constant 0 : index
    %get3A_201 = arith.constant 0 : index
    %get3A_202 = vector.load %arg5[%get3A_200, %get3A_201] : memref<4x1024xf32, #tpu.memory_space<vmem>>, vector<4x1024xf32>
    %dot_general3A_203 = arith.constant dense<0.000000e+00> : vector<512x1024xf32>
    %dot_general3A_204 = tpu.matmul %get3A_199, %get3A_202, %dot_general3A_203 {dimension_numbers = #tpu.dot_dimension_numbers<[1], [0], [0], [1], [0, 0, 1, 1], [], []>, transpose_lhs_hint = false} : vector<512x4xf32>, vector<4x1024xf32>, vector<512x1024xf32> -> vector<512x1024xf32>
    %add3A_205 = arith.addf %dot_general3A_185, %dot_general3A_204 : vector<512x1024xf32>
    %get3A_206 = arith.constant 0 : index
    %get3A_207 = vector.load %arg6[%get3A_206] : memref<1024xf32, #tpu.memory_space<vmem>>, vector<1024xf32>
    %broadcast_in_dim3A_208 = vector.shape_cast %get3A_207 : vector<1024xf32> to vector<1x1024xf32>
    %add3A_209 = vector.broadcast %broadcast_in_dim3A_208 : vector<1x1024xf32> to vector<512x1024xf32>
    %add3A_210 = arith.addf %add3A_205, %add3A_209 : vector<512x1024xf32>
    %max3A = arith.constant 0.000000e+00 : f32
    %max3A_211 = vector.broadcast %max3A : f32 to vector<512x1024xf32>
    %max3A_212 = arith.maximumf %add3A_210, %max3A_211 : vector<512x1024xf32>
    %get3A_213 = arith.constant 0 : index
    %get3A_214 = vector.load %arg7[%get3A_213] : memref<1024xf32, #tpu.memory_space<vmem>>, vector<1024xf32>
    %get3A_215 = arith.constant 0 : index
    %get3A_216 = vector.load %arg8[%get3A_215] : memref<1024xf32, #tpu.memory_space<vmem>>, vector<1024xf32>
    %reduce_sum3A_217 = arith.constant dense<0.000000e+00> : vector<512xf32>
    %reduce_sum3A_218 = vector.multi_reduction <add>, %max3A_212, %reduce_sum3A_217 [1] : vector<512x1024xf32> to vector<512xf32>
    %broadcast_in_dim3A_219 = vector.shape_cast %reduce_sum3A_218 : vector<512xf32> to vector<512x1xf32>
    %div3A = arith.constant 1.024000e+03 : f32
    %div3A_220 = vector.broadcast %div3A : f32 to vector<512x1xf32>
    %div3A_221 = arith.divf %broadcast_in_dim3A_219, %div3A_220 : vector<512x1xf32>
    %jit3A = arith.constant 0 : i32
    %reduce_sum3A_222 = arith.constant dense<0.000000e+00> : vector<512xf32>
    %reduce_sum3A_223 = vector.multi_reduction <add>, %max3A_212, %reduce_sum3A_222 [1] : vector<512x1024xf32> to vector<512xf32>
    %broadcast_in_dim3A_224 = vector.shape_cast %reduce_sum3A_223 : vector<512xf32> to vector<512x1xf32>
    %div3A_225 = arith.constant 1.024000e+03 : f32
    %div3A_226 = vector.broadcast %div3A_225 : f32 to vector<512x1xf32>
    %div3A_227 = arith.divf %broadcast_in_dim3A_224, %div3A_226 : vector<512x1xf32>
    %sub3A_228 = vector.broadcast %div3A_227 : vector<512x1xf32> to vector<512x1024xf32>
    %sub3A_229 = arith.subf %max3A_212, %sub3A_228 : vector<512x1024xf32>
    %square3A = arith.mulf %sub3A_229, %sub3A_229 : vector<512x1024xf32>
    %convert_element_type3A_230 = arith.sitofp %jit3A : i32 to f32
    %sub3A_231 = arith.constant 1.024000e+03 : f32
    %sub3A_232 = arith.subf %sub3A_231, %convert_element_type3A_230 : f32
    %reduce_sum3A_233 = arith.constant dense<0.000000e+00> : vector<512xf32>
    %reduce_sum3A_234 = vector.multi_reduction <add>, %square3A, %reduce_sum3A_233 [1] : vector<512x1024xf32> to vector<512xf32>
    %broadcast_in_dim3A_235 = vector.shape_cast %reduce_sum3A_234 : vector<512xf32> to vector<512x1xf32>
    %div3A_236 = vector.broadcast %sub3A_232 : f32 to vector<512x1xf32>
    %div3A_237 = arith.divf %broadcast_in_dim3A_235, %div3A_236 : vector<512x1xf32>
    %gt3A = arith.constant 0.000000e+00 : f32
    %gt3A_238 = arith.cmpf ogt, %sub3A_232, %gt3A : f32
    %jit3A_239 = arith.constant 0x7FC00000 : f32
    %broadcast_in_dim3A_240 = vector.broadcast %jit3A_239 : f32 to vector<512x1xf32>
    %select_n3A = arith.select %gt3A_238, %div3A_237, %broadcast_in_dim3A_240 : vector<512x1xf32>
    %sub3A_241 = vector.broadcast %div3A_221 : vector<512x1xf32> to vector<512x1024xf32>
    %sub3A_242 = arith.subf %max3A_212, %sub3A_241 : vector<512x1024xf32>
    %add3A_243 = arith.constant 9.99999974E-6 : f32
    %add3A_244 = vector.broadcast %add3A_243 : f32 to vector<512x1xf32>
    %add3A_245 = arith.addf %select_n3A, %add3A_244 : vector<512x1xf32>
    %sqrt3A = math.sqrt %add3A_245 : vector<512x1xf32>
    %div3A_246 = vector.broadcast %sqrt3A : vector<512x1xf32> to vector<512x1024xf32>
    %div3A_247 = arith.divf %sub3A_242, %div3A_246 : vector<512x1024xf32>
    %broadcast_in_dim3A_248 = vector.shape_cast %get3A_214 : vector<1024xf32> to vector<1x1024xf32>
    %mul3A_249 = vector.broadcast %broadcast_in_dim3A_248 : vector<1x1024xf32> to vector<512x1024xf32>
    %mul3A_250 = arith.mulf %div3A_247, %mul3A_249 : vector<512x1024xf32>
    %broadcast_in_dim3A_251 = vector.shape_cast %get3A_216 : vector<1024xf32> to vector<1x1024xf32>
    %add3A_252 = vector.broadcast %broadcast_in_dim3A_251 : vector<1x1024xf32> to vector<512x1024xf32>
    %add3A_253 = arith.addf %mul3A_250, %add3A_252 : vector<512x1024xf32>
    %convert_element_type3A_254 = arith.truncf %add3A_253 : vector<512x1024xf32> to vector<512x1024xbf16>
    %get3A_255 = arith.constant 0 : index
    %get3A_256 = arith.constant 0 : index
    %get3A_257 = vector.load %arg9[%get3A_255, %get3A_256] : memref<1024x512xbf16, #tpu.memory_space<vmem>>, vector<1024x512xbf16>
    %dot_general3A_258 = arith.constant dense<0.000000e+00> : vector<512x512xf32>
    %dot_general3A_259 = tpu.matmul %convert_element_type3A_254, %get3A_257, %dot_general3A_258 {dimension_numbers = #tpu.dot_dimension_numbers<[1], [0], [0], [1], [0, 0, 1, 1], [], []>, transpose_lhs_hint = false} : vector<512x1024xbf16>, vector<1024x512xbf16>, vector<512x512xf32> -> vector<512x512xf32>
    %get3A_260 = arith.constant 0 : index
    %get3A_261 = vector.load %arg10[%get3A_260] : memref<512xf32, #tpu.memory_space<vmem>>, vector<512xf32>
    %broadcast_in_dim3A_262 = vector.shape_cast %get3A_261 : vector<512xf32> to vector<1x512xf32>
    %add3A_263 = vector.broadcast %broadcast_in_dim3A_262 : vector<1x512xf32> to vector<512x512xf32>
    %add3A_264 = arith.addf %dot_general3A_259, %add3A_263 : vector<512x512xf32>
    %max3A_265 = arith.constant 0.000000e+00 : f32
    %max3A_266 = vector.broadcast %max3A_265 : f32 to vector<512x512xf32>
    %max3A_267 = arith.maximumf %add3A_264, %max3A_266 : vector<512x512xf32>
    %get3A_268 = arith.constant 0 : index
    %get3A_269 = vector.load %arg11[%get3A_268] : memref<512xf32, #tpu.memory_space<vmem>>, vector<512xf32>
    %get3A_270 = arith.constant 0 : index
    %get3A_271 = vector.load %arg12[%get3A_270] : memref<512xf32, #tpu.memory_space<vmem>>, vector<512xf32>
    %reduce_sum3A_272 = arith.constant dense<0.000000e+00> : vector<512xf32>
    %reduce_sum3A_273 = vector.multi_reduction <add>, %max3A_267, %reduce_sum3A_272 [1] : vector<512x512xf32> to vector<512xf32>
    %broadcast_in_dim3A_274 = vector.shape_cast %reduce_sum3A_273 : vector<512xf32> to vector<512x1xf32>
    %div3A_275 = arith.constant 5.120000e+02 : f32
    %div3A_276 = vector.broadcast %div3A_275 : f32 to vector<512x1xf32>
    %div3A_277 = arith.divf %broadcast_in_dim3A_274, %div3A_276 : vector<512x1xf32>
    %jit3A_278 = arith.constant 0 : i32
    %reduce_sum3A_279 = arith.constant dense<0.000000e+00> : vector<512xf32>
    %reduce_sum3A_280 = vector.multi_reduction <add>, %max3A_267, %reduce_sum3A_279 [1] : vector<512x512xf32> to vector<512xf32>
    %broadcast_in_dim3A_281 = vector.shape_cast %reduce_sum3A_280 : vector<512xf32> to vector<512x1xf32>
    %div3A_282 = arith.constant 5.120000e+02 : f32
    %div3A_283 = vector.broadcast %div3A_282 : f32 to vector<512x1xf32>
    %div3A_284 = arith.divf %broadcast_in_dim3A_281, %div3A_283 : vector<512x1xf32>
    %sub3A_285 = vector.broadcast %div3A_284 : vector<512x1xf32> to vector<512x512xf32>
    %sub3A_286 = arith.subf %max3A_267, %sub3A_285 : vector<512x512xf32>
    %square3A_287 = arith.mulf %sub3A_286, %sub3A_286 : vector<512x512xf32>
    %convert_element_type3A_288 = arith.sitofp %jit3A_278 : i32 to f32
    %sub3A_289 = arith.constant 5.120000e+02 : f32
    %sub3A_290 = arith.subf %sub3A_289, %convert_element_type3A_288 : f32
    %reduce_sum3A_291 = arith.constant dense<0.000000e+00> : vector<512xf32>
    %reduce_sum3A_292 = vector.multi_reduction <add>, %square3A_287, %reduce_sum3A_291 [1] : vector<512x512xf32> to vector<512xf32>
    %broadcast_in_dim3A_293 = vector.shape_cast %reduce_sum3A_292 : vector<512xf32> to vector<512x1xf32>
    %div3A_294 = vector.broadcast %sub3A_290 : f32 to vector<512x1xf32>
    %div3A_295 = arith.divf %broadcast_in_dim3A_293, %div3A_294 : vector<512x1xf32>
    %gt3A_296 = arith.constant 0.000000e+00 : f32
    %gt3A_297 = arith.cmpf ogt, %sub3A_290, %gt3A_296 : f32
    %jit3A_298 = arith.constant 0x7FC00000 : f32
    %broadcast_in_dim3A_299 = vector.broadcast %jit3A_298 : f32 to vector<512x1xf32>
    %select_n3A_300 = arith.select %gt3A_297, %div3A_295, %broadcast_in_dim3A_299 : vector<512x1xf32>
    %sub3A_301 = vector.broadcast %div3A_277 : vector<512x1xf32> to vector<512x512xf32>
    %sub3A_302 = arith.subf %max3A_267, %sub3A_301 : vector<512x512xf32>
    %add3A_303 = arith.constant 9.99999974E-6 : f32
    %add3A_304 = vector.broadcast %add3A_303 : f32 to vector<512x1xf32>
    %add3A_305 = arith.addf %select_n3A_300, %add3A_304 : vector<512x1xf32>
    %sqrt3A_306 = math.sqrt %add3A_305 : vector<512x1xf32>
    %div3A_307 = vector.broadcast %sqrt3A_306 : vector<512x1xf32> to vector<512x512xf32>
    %div3A_308 = arith.divf %sub3A_302, %div3A_307 : vector<512x512xf32>
    %broadcast_in_dim3A_309 = vector.shape_cast %get3A_269 : vector<512xf32> to vector<1x512xf32>
    %mul3A_310 = vector.broadcast %broadcast_in_dim3A_309 : vector<1x512xf32> to vector<512x512xf32>
    %mul3A_311 = arith.mulf %div3A_308, %mul3A_310 : vector<512x512xf32>
    %broadcast_in_dim3A_312 = vector.shape_cast %get3A_271 : vector<512xf32> to vector<1x512xf32>
    %add3A_313 = vector.broadcast %broadcast_in_dim3A_312 : vector<1x512xf32> to vector<512x512xf32>
    %add3A_314 = arith.addf %mul3A_311, %add3A_313 : vector<512x512xf32>
    %convert_element_type3A_315 = arith.truncf %add3A_314 : vector<512x512xf32> to vector<512x512xbf16>
    %get3A_316 = arith.constant 0 : index
    %get3A_317 = arith.constant 0 : index
    %get3A_318 = vector.load %arg13[%get3A_316, %get3A_317] : memref<512x256xbf16, #tpu.memory_space<vmem>>, vector<512x256xbf16>
    %dot_general3A_319 = arith.constant dense<0.000000e+00> : vector<512x256xf32>
    %dot_general3A_320 = tpu.matmul %convert_element_type3A_315, %get3A_318, %dot_general3A_319 {dimension_numbers = #tpu.dot_dimension_numbers<[1], [0], [0], [1], [0, 0, 1, 1], [], []>, transpose_lhs_hint = false} : vector<512x512xbf16>, vector<512x256xbf16>, vector<512x256xf32> -> vector<512x256xf32>
    %get3A_321 = arith.constant 0 : index
    %get3A_322 = vector.load %arg14[%get3A_321] : memref<256xf32, #tpu.memory_space<vmem>>, vector<256xf32>
    %broadcast_in_dim3A_323 = vector.shape_cast %get3A_322 : vector<256xf32> to vector<1x256xf32>
    %add3A_324 = vector.broadcast %broadcast_in_dim3A_323 : vector<1x256xf32> to vector<512x256xf32>
    %add3A_325 = arith.addf %dot_general3A_320, %add3A_324 : vector<512x256xf32>
    %max3A_326 = arith.constant 0.000000e+00 : f32
    %max3A_327 = vector.broadcast %max3A_326 : f32 to vector<512x256xf32>
    %max3A_328 = arith.maximumf %add3A_325, %max3A_327 : vector<512x256xf32>
    %get3A_329 = arith.constant 0 : index
    %get3A_330 = vector.load %arg15[%get3A_329] : memref<256xf32, #tpu.memory_space<vmem>>, vector<256xf32>
    %get3A_331 = arith.constant 0 : index
    %get3A_332 = vector.load %arg16[%get3A_331] : memref<256xf32, #tpu.memory_space<vmem>>, vector<256xf32>
    %reduce_sum3A_333 = arith.constant dense<0.000000e+00> : vector<512xf32>
    %reduce_sum3A_334 = vector.multi_reduction <add>, %max3A_328, %reduce_sum3A_333 [1] : vector<512x256xf32> to vector<512xf32>
    %broadcast_in_dim3A_335 = vector.shape_cast %reduce_sum3A_334 : vector<512xf32> to vector<512x1xf32>
    %div3A_336 = arith.constant 2.560000e+02 : f32
    %div3A_337 = vector.broadcast %div3A_336 : f32 to vector<512x1xf32>
    %div3A_338 = arith.divf %broadcast_in_dim3A_335, %div3A_337 : vector<512x1xf32>
    %jit3A_339 = arith.constant 0 : i32
    %reduce_sum3A_340 = arith.constant dense<0.000000e+00> : vector<512xf32>
    %reduce_sum3A_341 = vector.multi_reduction <add>, %max3A_328, %reduce_sum3A_340 [1] : vector<512x256xf32> to vector<512xf32>
    %broadcast_in_dim3A_342 = vector.shape_cast %reduce_sum3A_341 : vector<512xf32> to vector<512x1xf32>
    %div3A_343 = arith.constant 2.560000e+02 : f32
    %div3A_344 = vector.broadcast %div3A_343 : f32 to vector<512x1xf32>
    %div3A_345 = arith.divf %broadcast_in_dim3A_342, %div3A_344 : vector<512x1xf32>
    %sub3A_346 = vector.broadcast %div3A_345 : vector<512x1xf32> to vector<512x256xf32>
    %sub3A_347 = arith.subf %max3A_328, %sub3A_346 : vector<512x256xf32>
    %square3A_348 = arith.mulf %sub3A_347, %sub3A_347 : vector<512x256xf32>
    %convert_element_type3A_349 = arith.sitofp %jit3A_339 : i32 to f32
    %sub3A_350 = arith.constant 2.560000e+02 : f32
    %sub3A_351 = arith.subf %sub3A_350, %convert_element_type3A_349 : f32
    %reduce_sum3A_352 = arith.constant dense<0.000000e+00> : vector<512xf32>
    %reduce_sum3A_353 = vector.multi_reduction <add>, %square3A_348, %reduce_sum3A_352 [1] : vector<512x256xf32> to vector<512xf32>
    %broadcast_in_dim3A_354 = vector.shape_cast %reduce_sum3A_353 : vector<512xf32> to vector<512x1xf32>
    %div3A_355 = vector.broadcast %sub3A_351 : f32 to vector<512x1xf32>
    %div3A_356 = arith.divf %broadcast_in_dim3A_354, %div3A_355 : vector<512x1xf32>
    %gt3A_357 = arith.constant 0.000000e+00 : f32
    %gt3A_358 = arith.cmpf ogt, %sub3A_351, %gt3A_357 : f32
    %jit3A_359 = arith.constant 0x7FC00000 : f32
    %broadcast_in_dim3A_360 = vector.broadcast %jit3A_359 : f32 to vector<512x1xf32>
    %select_n3A_361 = arith.select %gt3A_358, %div3A_356, %broadcast_in_dim3A_360 : vector<512x1xf32>
    %sub3A_362 = vector.broadcast %div3A_338 : vector<512x1xf32> to vector<512x256xf32>
    %sub3A_363 = arith.subf %max3A_328, %sub3A_362 : vector<512x256xf32>
    %add3A_364 = arith.constant 9.99999974E-6 : f32
    %add3A_365 = vector.broadcast %add3A_364 : f32 to vector<512x1xf32>
    %add3A_366 = arith.addf %select_n3A_361, %add3A_365 : vector<512x1xf32>
    %sqrt3A_367 = math.sqrt %add3A_366 : vector<512x1xf32>
    %div3A_368 = vector.broadcast %sqrt3A_367 : vector<512x1xf32> to vector<512x256xf32>
    %div3A_369 = arith.divf %sub3A_363, %div3A_368 : vector<512x256xf32>
    %broadcast_in_dim3A_370 = vector.shape_cast %get3A_330 : vector<256xf32> to vector<1x256xf32>
    %mul3A_371 = vector.broadcast %broadcast_in_dim3A_370 : vector<1x256xf32> to vector<512x256xf32>
    %mul3A_372 = arith.mulf %div3A_369, %mul3A_371 : vector<512x256xf32>
    %broadcast_in_dim3A_373 = vector.shape_cast %get3A_332 : vector<256xf32> to vector<1x256xf32>
    %add3A_374 = vector.broadcast %broadcast_in_dim3A_373 : vector<1x256xf32> to vector<512x256xf32>
    %add3A_375 = arith.addf %mul3A_372, %add3A_374 : vector<512x256xf32>
    %get3A_376 = arith.constant 0 : index
    %get3A_377 = arith.constant 0 : index
    %get3A_378 = vector.load %arg17[%get3A_376, %get3A_377] : memref<256x1xf32, #tpu.memory_space<vmem>>, vector<256x1xf32>
    %dot_general3A_379 = arith.constant dense<0.000000e+00> : vector<512x1xf32>
    %dot_general3A_380 = tpu.matmul %add3A_375, %get3A_378, %dot_general3A_379 {dimension_numbers = #tpu.dot_dimension_numbers<[1], [0], [0], [1], [0, 0, 1, 1], [], []>, transpose_lhs_hint = false} : vector<512x256xf32>, vector<256x1xf32>, vector<512x1xf32> -> vector<512x1xf32>
    %add3A_381 = arith.addf %broadcast_in_dim3A_196, %mul3A_190 : vector<512x1xf32>
    %add3A_382 = arith.addf %add3A_381, %dot_general3A_380 : vector<512x1xf32>
    %get3A_383 = arith.constant 0 : index
    %get3A_384 = vector.load %arg18[%get3A_383] : memref<1xf32, #tpu.memory_space<vmem>>, vector<1xf32>
    %get3A_385 = vector.extract %get3A_384[0] : f32 from vector<1xf32>
    %add3A_386 = vector.broadcast %get3A_385 : f32 to vector<512x1xf32>
    %add3A_387 = arith.addf %add3A_382, %add3A_386 : vector<512x1xf32>
    %swap3A_388 = arith.constant 0 : index
    %swap3A_389 = arith.constant 0 : index
    %swap3A_390 = vector.load %arg20[%swap3A_388, %swap3A_389] : memref<512x1xf32, #tpu.memory_space<vmem>>, vector<512x1xf32>
    tpu.vector_store %arg20[%swap3A_388, %swap3A_389], %add3A_387 {strides = array<i32>} : memref<512x1xf32, #tpu.memory_space<vmem>>, vector<512x1xf32>,
    return
  }
  func.func @transform_0(%arg0: i32) -> (i32, i32, i32) {
    %c0_i32 = arith.constant 0 : i32
    %c0_i32_0 = arith.constant 0 : i32
    %c0_i32_1 = arith.constant 0 : i32
    return %c0_i32, %arg0, %c0_i32_0 : i32, i32, i32
  }
  func.func @transform_1(%arg0: i32) -> (i32, i32) {
    %add3A = arith.constant 16 : i32
    %add3A_0 = arith.addi %add3A, %arg0 : i32
    %c0_i32 = arith.constant 0 : i32
    %c0_i32_1 = arith.constant 0 : i32
    return %add3A_0, %c0_i32 : i32, i32
  }
  func.func @transform_2(%arg0: i32) -> (i32, i32) {
    %add3A = arith.constant 16 : i32
    %add3A_0 = arith.addi %add3A, %arg0 : i32
    %c0_i32 = arith.constant 0 : i32
    %c0_i32_1 = arith.constant 0 : i32
    return %c0_i32, %add3A_0 : i32, i32
  }
  func.func @transform_3(%arg0: i32) -> (i32, i32) {
    %c0_i32 = arith.constant 0 : i32
    %c0_i32_0 = arith.constant 0 : i32
    %c0_i32_1 = arith.constant 0 : i32
    return %c0_i32, %c0_i32_0 : i32, i32
  }
  func.func @transform_4(%arg0: i32) -> (i32, i32) {
    %c0_i32 = arith.constant 0 : i32
    %c0_i32_0 = arith.constant 0 : i32
    %c0_i32_1 = arith.constant 0 : i32
    return %c0_i32, %c0_i32_0 : i32, i32
  }
  func.func @transform_5(%arg0: i32) -> i32 {
    %c0_i32 = arith.constant 0 : i32
    %c0_i32_0 = arith.constant 0 : i32
    return %c0_i32 : i32
  }
  func.func @transform_6(%arg0: i32) -> i32 {
    %c0_i32 = arith.constant 0 : i32
    %c0_i32_0 = arith.constant 0 : i32
    return %c0_i32 : i32
  }
  func.func @transform_7(%arg0: i32) -> i32 {
    %c0_i32 = arith.constant 0 : i32
    %c0_i32_0 = arith.constant 0 : i32
    return %c0_i32 : i32
  }
  func.func @transform_8(%arg0: i32) -> (i32, i32) {
    %c0_i32 = arith.constant 0 : i32
    %c0_i32_0 = arith.constant 0 : i32
    %c0_i32_1 = arith.constant 0 : i32
    return %c0_i32, %c0_i32_0 : i32, i32
  }
  func.func @transform_9(%arg0: i32) -> i32 {
    %c0_i32 = arith.constant 0 : i32
    %c0_i32_0 = arith.constant 0 : i32
    return %c0_i32 : i32
  }
  func.func @transform_10(%arg0: i32) -> i32 {
    %c0_i32 = arith.constant 0 : i32
    %c0_i32_0 = arith.constant 0 : i32
    return %c0_i32 : i32
  }
  func.func @transform_11(%arg0: i32) -> i32 {
    %c0_i32 = arith.constant 0 : i32
    %c0_i32_0 = arith.constant 0 : i32
    return %c0_i32 : i32
  }
  func.func @transform_12(%arg0: i32) -> (i32, i32) {
    %c0_i32 = arith.constant 0 : i32
    %c0_i32_0 = arith.constant 0 : i32
    %c0_i32_1 = arith.constant 0 : i32
    return %c0_i32, %c0_i32_0 : i32, i32
  }
  func.func @transform_13(%arg0: i32) -> i32 {
    %c0_i32 = arith.constant 0 : i32
    %c0_i32_0 = arith.constant 0 : i32
    return %c0_i32 : i32
  }
  func.func @transform_14(%arg0: i32) -> i32 {
    %c0_i32 = arith.constant 0 : i32
    %c0_i32_0 = arith.constant 0 : i32
    return %c0_i32 : i32
  }
  func.func @transform_15(%arg0: i32) -> i32 {
    %c0_i32 = arith.constant 0 : i32
    %c0_i32_0 = arith.constant 0 : i32
    return %c0_i32 : i32
  }
  func.func @transform_16(%arg0: i32) -> (i32, i32) {
    %c0_i32 = arith.constant 0 : i32
    %c0_i32_0 = arith.constant 0 : i32
    %c0_i32_1 = arith.constant 0 : i32
    return %c0_i32, %c0_i32_0 : i32, i32
  }
  func.func @transform_17(%arg0: i32) -> i32 {
    %c0_i32 = arith.constant 0 : i32
    %c0_i32_0 = arith.constant 0 : i32
    return %c0_i32 : i32
  }
  func.func @transform_19(%arg0: i32) -> (i32, i32) {
    %c0_i32 = arith.constant 0 : i32
    %c0_i32_0 = arith.constant 0 : i32
    return %arg0, %c0_i32 : i32, i32
  }
  func.func @transform_20(%arg0: i32) -> (i32, i32, i32) {
    %add3A = arith.constant 16 : i32
    %add3A_0 = arith.addi %add3A, %arg0 : i32
    %c0_i32 = arith.constant 0 : i32
    %c0_i32_1 = arith.constant 0 : i32
    %c0_i32_2 = arith.constant 0 : i32
    return %c0_i32, %add3A_0, %c0_i32_1 : i32, i32, i32
  }
}

</mosaic_0001>

<sc_bundles>
// kernel: kernel.10.cloned.1.call-start
scs
__scs_entry_jumppad:
0x0: {  	(pc) =	sbr.rel $0x88, $3  }
0x1: {  	(tag) =	ssettag $0x0;
	lr =	simm.s32 $0x1  }
0x2: {  	[smem:$0x3F8F] =	sst lr;
	_ =	strace $0xD0000000  }
0x3: {  	_ = 	snop  }
0x4: {  	_ = 	snop  }
0x5: {  	_ = 	snop  }
0x6: {  	_ = 	snop  }
0x7: {  	_ = 	snop  }
__scs_overlays_trampoline_lowered:
0x8: {  	[smem:$0x3F9E] =	sst s0  }
0x9: {  	[smem:$0x3F9F] =	sst s1  }
0xa: {  	[smem:$0x3FA0] =	sst s2  }
0xb: {  	[smem:$0x3FA1] =	sst s3  }
0xc: {  	[smem:$0x3FA2] =	sst s4  }
0xd: {  	[smem:$0x3FA3] =	sst s5  }
0xe: {  	[smem:$0x3FA4] =	sst s6  }
0xf: {  	[smem:$0x3FA5] =	sst s7  }
0x10: {  	[smem:$0x3FA6] =	sst s8  }
0x11: {  	[smem:$0x3FA7] =	sst s9;
	s0 =	simm.s32 @!p0 $0x0  }
0x12: {  	s1 =	sld [smem:$0x3F8D];
	s0 =	simm.s32 @p0 $0x1  }
0x13: {  	[smem:$0x3FA8] =	sst s0;
	s0 =	simm.s32 @!p1 $0x0  }
0x14: {  	s2 =	sld [smem:$0x3F8C];
	s0 =	simm.s32 @p1 $0x1  }
0x15: {  	[smem:$0x3FA9] =	sst s0;
	s0 =	simm.s32 @!p2 $0x0  }
0x16: {  	s3 =	sld [smem:$0x3FDB];
	s0 =	simm.s32 @p2 $0x1  }
0x17: {  	s4 =	simm.s32 $0x1BF5;
	[smem:$0x3FAB] =	sst s0  }
0x18: {  	s0 =	sld [smem:$0x3F8E];
	_ =	swait.ge [sflag:s4], $0x0  }
0x19: {  	s7 =	sld [smem:$0x3F8F]  }
0x1a: {  	s8 =	sadd.s32 $0xFFFFE003, lr  }
0x1b: {  	s9 =	sadd.s32 $0xFFFFFEF7, lr;
	s5 =	simm.s32 $0xFFFFFFFF;
	p2 =	slt.u32 s8, $0xFFFFF086  }
0x1c: {  	p1 =	slt.u32 s9, $0xF7A;
	s5 =	simm.s32 @!p2 $0x0  }
0x1d: {  	s5 =	simm.s32 @p1 $0x1;
	p0 =	seq.s32 s7, s2  }
0x1e: {  	s7 =	smul.u32 @!p0 $0xF7A, s2;
	p2 =	seq.s32 @!p0 s5, $0x0  }
0x1f: {  	s9 =	smul.u32 $0xF7A, s1;
	s8 =	simm.s32 @!p0 $0x1BF5;
	p2 =	por !p2, p0  }
0x20: {  	[sflag:s8] =	ssyncset.s32 @!p0 $0xFFFFF086;
	s6 =	sadd.s32 @!p0 s3, s7;
	s7 =	simm.s32 @!p0 $0x108  }
0x21: {  	s3 =	sadd.s32 s3, s9;
	s6 =	sadd.s32 @!p0 $0x88, s6;
	s7 =	simm.s32 @p2 $0x1082  }
0x22: {  	[simem:s7], [sflag:s8] =	dma.local @!p0 [hbm:s6], $0xF7A  }
0x23: {  	s9 =	sor.u32 $0xD0000000, s2;
	s6 =	simm.s32 $0x108;
	_ =	swait.ge @!p0 [sflag:s8], $0x0  }
0x24: {  	s3 =	sadd.s32 $0x88, s3;
	s6 =	simm.s32 @!p1 $0x1082;
	[sflag:s4] =	ssyncset.s32 $0xFFFFF086  }
0x25: {  	[simem:s6], [sflag:s4] =	dma.local [hbm:s3], $0xF7A  }
0x26: {  	[smem:$0x3F8F] =	sst s1;
	(tag) =	ssettag s2;
	_ =	strace s9  }
0x27: {  	s1 =	sld [smem:$0x3F9F]  }
0x28: {  	s2 =	sld [smem:$0x3FA0]  }
0x29: {  	s4 =	sld [smem:$0x3FA2]  }
0x2a: {  	p0 =	seq.s32 s5, $0x0;
	s5 =	sld [smem:$0x3FA3]  }
0x2b: {  	s6 =	sld [smem:$0x3FA4]  }
0x2c: {  	s7 =	sld [smem:$0x3FA5]  }
0x2d: {  	s3 =	simm.s32 $0x108;
	s8 =	sld [smem:$0x3FA6]  }
0x2e: {  	s3 =	simm.s32 @!p0 $0x1082;
	s9 =	sld [smem:$0x3FA7]  }
0x2f: {  	lr =	sadd.s32 s0, s3;
	s0 =	sld [smem:$0x3F9E]  }
0x30: {  	s3 =	sld [smem:$0x3FA1]  }
0x31: {  	[smem:$0x3FAA] =	sst s10  }
0x32: {  	s10 =	sld [smem:$0x3FA8];
	_ =	sdelay $0x3  }
0x33: {  	p0 =	seq.s32 s10, $0x1;
	s10 =	sld [smem:$0x3FAA];
	_ =	sdelay $0x3  }
0x34: {  	[smem:$0x3FAA] =	sst s10  }
0x35: {  	s10 =	sld [smem:$0x3FA9];
	_ =	sdelay $0x3  }
0x36: {  	p1 =	seq.s32 s10, $0x1;
	s10 =	sld [smem:$0x3FAA];
	_ =	sdelay $0x3  }
0x37: {  	[smem:$0x3FAA] =	sst s10  }
0x38: {  	s10 =	sld [smem:$0x3FAB]  }
0x39: {  	_ = 	snop;
	(pc) =	sbr.ind lr, $3  }
0x3a: {  	_ = 	snop  }
0x3b: {  	_ = 	snop  }
0x3c: {  	p2 =	seq.s32 s10, $0x1;
	s10 =	sld [smem:$0x3FAA]  }
0x3d: {  	_ =	shalt  }
0x3e: {  	_ =	shalt  }
0x3f: {  	_ =	shalt  }
0x40: {  	_ =	shalt  }
0x41: {  	_ =	shalt  }
0x42: {  	_ =	shalt  }
0x43: {  	_ =	shalt  }
0x44: {  	_ =	shalt  }
0x45: {  	_ =	shalt  }
0x46: {  	_ =	shalt  }
0x47: {  	_ =	shalt  }
0x48: {  	_ =	shalt  }
0x49: {  	_ =	shalt  }
0x4a: {  	_ =	shalt  }
0x4b: {  	_ =	shalt  }
0x4c: {  	_ =	shalt  }
0x4d: {  	_ =	shalt  }
0x4e: {  	_ =	shalt  }
0x4f: {  	_ =	shalt  }
0x50: {  	_ =	shalt  }
0x51: {  	_ =	shalt  }
0x52: {  	_ =	shalt  }
0x53: {  	_ =	shalt  }
0x54: {  	_ =	shalt  }
0x55: {  	_ =	shalt  }
0x56: {  	_ =	shalt  }
0x57: {  	_ =	shalt  }
0x58: {  	_ =	shalt  }
0x59: {  	_ =	shalt  }
0x5a: {  	_ =	shalt  }
0x5b: {  	_ =	shalt  }
0x5c: {  	_ =	shalt  }
0x5d: {  	_ =	shalt  }
0x5e: {  	_ =	shalt  }
0x5f: {  	_ =	shalt  }
0x60: {  	_ =	shalt  }
0x61: {  	_ =	shalt  }
0x62: {  	_ =	shalt  }
0x63: {  	_ =	shalt  }
0x64: {  	_ =	shalt  }
0x65: {  	_ =	shalt  }
0x66: {  	_ =	shalt  }
0x67: {  	_ =	shalt  }
0x68: {  	_ =	shalt  }
0x69: {  	_ =	shalt  }
0x6a: {  	_ =	shalt  }
0x6b: {  	_ =	shalt  }
0x6c: {  	_ =	shalt  }
0x6d: {  	_ =	shalt  }
0x6e: {  	_ =	shalt  }
0x6f: {  	_ =	shalt  }
0x70: {  	_ =	shalt  }
0x71: {  	_ =	shalt  }
0x72: {  	_ =	shalt  }
0x73: {  	_ =	shalt  }
0x74: {  	_ =	shalt  }
0x75: {  	_ =	shalt  }
0x76: {  	_ =	shalt  }
0x77: {  	_ =	shalt  }
0x78: {  	_ =	shalt  }
0x79: {  	_ =	shalt  }
0x7a: {  	_ =	shalt  }
0x7b: {  	_ =	shalt  }
0x7c: {  	_ =	shalt  }
0x7d: {  	_ =	shalt  }
0x7e: {  	_ =	shalt  }
0x7f: {  	_ =	shalt  }
0x80: {  	_ =	shalt  }
0x81: {  	_ =	shalt  }
0x82: {  	_ =	shalt  }
0x83: {  	_ =	shalt  }
0x84: {  	_ =	shalt  }
0x85: {  	_ =	shalt  }
0x86: {  	_ =	shalt  }
0x87: {  	_ =	shalt  }
.Lfunc_end0:
.L_simem_size_0:
called_computation.1_lowered:
.L_overlay_start_0:
0x88: {  	s2 =	sld [smem:$0x3FD9]  }
0x89: {  	s3 =	sld [smem:$0x3FFE];
	_ =	sdelay $0x1  }
0x8a: {  	s1 =	srdreg.scid  }
0x8b: {  	s0 =	sand.u32 $0x1, s1  }
0x8c: {  	s17 =	sshll.u32 s0, $0xA;
	s2 =	sadd.s32 s3, s2  }
0x8d: {  	s2 =	sadd.s32 s2, s17  }
0x8e: {  	[smem:$0x3FB6] =	sst s2  }
0x8f: {  	_ = 	snop  }
0x90: {  	s18 =	sld [smem:$0x3FC7];
	(tm) =	ssettm $0x1  }
0x91: {  	s19 =	sld [smem:$0x3FFB];
	_ =	sdelay $0x3  }
0x92: {  	_ =	strace s19  }
0x93: {  	s2 =	sld [smem:$0x3FFC];
	_ =	sdelay $0x3  }
0x94: {  	_ =	strace s2  }
0x95: {  	s2 =	sld [smem:$0x3FFD];
	_ =	sdelay $0x3  }
0x96: {  	_ =	strace s2  }
0x97: {  	_ =	strace $0x8FFFFFFF  }
0x98: {  	s20 =	sld [smem:$0x3FDB];
	_ =	sdelay $0x1  }
0x99: {  	s4 =	simm.s32 $_scs_section_size  }
0x9a: {  	s5 =	simm.s32 $_size__tile_overlayer_lowered;
	s6 =	simm.s32 $_tile_overlayer_lowered  }
0x9b: {  	s7 =	simm.s32 $0x1BFF;
	s21 =	sshll.u32 s6, $0x1;
	s4 =	sadd.s32 s4, s20  }
0x9c: {  	s22 =	simm.s32 $0x0;
	s5 =	sshll.u32 s5, $0x1;
	s6 =	sadd.s32 s21, s4  }
0x9d: {  	[timem:s22], [sflag:s7] =	dma.local [hbm:s6], s5  }
0x9e: {  	_ =	swait.ge [sflag:s7], s5  }
0x9f: {  	s5 =	ssub.s32 $0x0, s5;
	[sflag:s7] =	ssyncset.done $0x0  }
0xa0: {  	[sflag:s7] =	ssyncadd.s32 s5;
	_ =	sdelay $0x1  }
0xa1: {  	s23 =	simm.s32 $0x1B8B  }
0xa2: {  	_ =	swait.ge [sflag:s23], $0x1  }
0xa3: {  	[sflag:s23] =	ssyncset.done $0x0  }
0xa4: {  	[sflag:s23] =	ssyncadd.s32 $0xFFFFFFFF  }
0xa5: {  	s5 =	sld [smem:$0x0]  }
0xa6: {  	s6 =	sand.u32 $0xFFFFFFFE, s1  }
0xa7: {  	p0 =	sne.s32 s1, s6  }
0xa8: {  	s6 =	sshll.u32 @p0 s6, $0xE  }
0xa9: {  	s6 =	sadd.s32 @p0 $0x11B8D, s6;
	s7 =	sshll.u32 @p0 s5, $0x11  }
0xaa: {  	s6 =	sor.u32 @p0 s7, s6  }
0xab: {  	[sflag:s6] =	ssyncadd.remote.s32 @p0 $0x1;
	_ =	sdelay $0x1  }
0xac: {  	s6 =	simm.s32 @p0 $0x1B8D  }
0xad: {  	_ =	swait.eq @p0 [sflag:s6], $0x1  }
0xae: {  	[sflag:s6] =	ssyncadd.s32 @p0 $0xFFFFFFFF  }
0xaf: {  	s7 =	sshll.u32 @!p0 s1, $0xE  }
0xb0: {  	s7 =	sor.u32 @!p0 $0x4000, s7;
	s6 =	simm.s32 @!p0 $0x1B8D  }
0xb1: {  	s5 =	sshll.u32 @!p0 s5, $0x11;
	s7 =	sadd.s32 @!p0 $0x11B8D, s7;
	_ =	swait.eq @!p0 [sflag:s6], $0x1  }
0xb2: {  	s5 =	sor.u32 @!p0 s5, s7;
	[sflag:s6] =	ssyncadd.s32 @!p0 $0xFFFFFFFF  }
0xb3: {  	s25 =	simm.s32 $0x1B8E;
	s24 =	sld [smem:$0x3FFE];
	[sflag:s5] =	ssyncadd.remote.s32 @!p0 $0x1  }
0xb4: {  	s26 =	simm.s32 $execute0_lowered;
	[smem:$0x3FD2] =	sst s25  }
0xb5: {  	s6 =	sshll.u32 s26, $0x1;
	_ =	strace $0x80000049;
	[dreg:$0x1] =	wrdreg $0xFFFFFFFF  }
0xb6: {  	s28 =	simm.s32 $_size_execute0_lowered;
	s4 =	sadd.s32 s4, s6;
	[dreg:$0x0] =	wrdreg $0x0  }
0xb7: {  	s6 =	sshll.u32 s28, $0x1;
	[dreg:$0x2] =	wrdreg s4  }
0xb8: {  	[dreg:$0x3] =	wrdreg s6  }
0xb9: {  	[dreg:$0x4] =	wrdreg $0xC0  }
0xba: {  	_ =	task [dreg:s22], $0x5FFFF  }
0xbb: {  	[dreg:$0x1] =	wrdreg $0xFFFFFFFF  }
0xbc: {  	[dreg:$0x0] =	wrdreg $0x60  }
0xbd: {  	[dreg:$0x2] =	wrdreg s24  }
0xbe: {  	[dreg:$0x3] =	wrdreg s18  }
0xbf: {  	[dreg:$0x4] =	wrdreg $0xA  }
0xc0: {  	_ =	task.clear_ibuf [dreg:s22], $0x5FFFF;
	_ =	strace $0x90000049  }
0xc1: {  	s29 =	simm.s32 $0xA;
	_ =	strace $0x8000004B  }
0xc2: {  	_ =	swait.ge [sflag:s29], $0x1  }
0xc3: {  	[sflag:s29] =	ssyncadd.s32 $0xFFFFFFFF  }
0xc4: {  	_ =	strace $0x9000004B  }
0xc5: {  	_ =	sfence  }
0xc6: {  	s30 =	sld [smem:$0x0];
	_ =	sdelay $0x2  }
0xc7: {  	s31 =	sshll.u32 s1, $0xD;
	s1 =	sshrl.u32 s1, $0x2  }
0xc8: {  	s4 =	sand.u32 $0x4000, s31;
	s1 =	sadd.s32 s1, s30  }
0xc9: {  	s0 =	sor.u32 s4, s0;
	s1 =	sshll.u32 s1, $0x11  }
0xca: {  	s0 =	sor.u32 s1, s0  }
0xcb: {  	s0 =	sadd.s32 $0x8F2B, s0  }
0xcc: {  	[sflag:s0] =	ssyncadd.remote.s32 $0x1  }
0xcd: {  	_ =	sfence.sel $0xFFFF  }
0xce: {  	[dreg:$0x0] =	wrdreg $0xFFFFFFFF;
	(pc) =	sbr.abs _section_cstart, $3  }
0xcf: {  	[dreg:$0x1] =	wrdreg $0xFFFFFFFF  }
0xd0: {  	_ =	task.clear_ibuf [dreg:s22], $0x2FFFF;
	_ =	strace $0x9FFFFFFF  }
0xd1: {  	(tm) =	ssettm $0x7FFFFFFF  }
tec
execute0_lowered:
.L_overlay_start_1:
0x0: {  	(tag) =	ssettag $0x1  }
0x1: {  	s0 =	srdreg.scid  }
0x2: {  	s9 =	sand.u32 $0x1, s0  }
0x3: {  	s0 =	stileid.u32;
	s12 =	smul.u32 $0x1A0000, s9  }
0x4: {  	s13 =	smul.u32 $0x1A000, s0  }
0x5: {  	s4 =	rddreg [dreg:$0x0];
	s14 =	smul.u32 $0xD00000, s9  }
0x6: {  	s2 =	rddreg [dreg:$0x1];
	s3 =	simm.s32 $0x0;
	s15 =	smul.u32 $0xD0000, s0  }
0x7: {  	[smem:$0x7FF] =	sst s3;
	s10 =	sadd.s32 $0x10C00, s4;
	s16 =	smul.u32 $0x1A000, s9  }
0x8: {  	s11 =	sadd.s32 $0x17400, s4;
	s1 =	sshll.u32 s9, $0x4;
	s17 =	smul.u32 $0x1A00, s0  }
0x9: {  	s19 =	ssub.s32 $0x2, s9;
	s20 =	sshll.u32 s0, $0x9;
	s18 =	smul.u32 $0x3400, s9  }
0xa: {  	s28 =	smul.u32 $0x340, s0;
	s5 =	sor.u32 s0, s1;
	s1 =	rddreg [dreg:$0x2]  }
0xb: {  	_ =	strace $0x8000004A;
	s8 =	sshrl.u32 s19, $0x1;
	s6 =	smul.u32 $0x1A00, s5  }
0xc: {  	s5 =	smul.u32 $0xD0000, s5;
	s8 =	ssub.s32 s19, s8;
	s12 =	sadd.s32 s12, s11  }
0xd: {  	s26 =	sadd.s32 s15, s14;
	s29 =	sadd.s32 s18, s10;
	s30 =	sadd.s32 s17, s16  }
0xe: {  	s14 =	simm.s32 $0x80;
	s15 =	simm.s32 $0x200;
	s16 =	simm.s32 $0x4200  }
0xf: {  	s17 =	simm.s32 $0x100;
	s18 =	simm.s32 $0x8200;
	s19 =	simm.s32 $0x180  }
0x10: {  	s8 =	smax.u32 s8, $0x1;
	s25 =	sadd.s32 s13, s12;
	s12 =	sshrl.u32 s26, $0x3  }
0x11: {  	s31 =	sadd.s32 s28, s29;
	s13 =	simm.s32 $0x5;
	s7 =	sshrl.u32 s6, $0xD  }
0x12: {  	s6 =	sand.u32 $0x3FC00, s6;
	s22 =	sshrl.u32 s5, $0x3;
	s9 =	sadd.s32 $0x1000, s25  }
0x13: {  	s25 =	simm.s32 $0x0;
	s23 =	smul.u32 $0x3E8, s7;
	s7 =	sand.u32 $0x200, s20  }
0x14: {  	s24 =	sadd.s32 s11, s22;
	s20 =	simm.s32 $0xC200;
	s6 =	sor.u32 s7, s6  }
0x15: {  	s22 =	simm.s32 $0x2;
	s7 =	sadd.s32 $0x19000, s24;
	s21 =	sshrl.u32 s6, $0x3  }
0x16: {  	s6 =	sadd.s32 $0x18000, s24;
	v0 =	vmov s23;
	s23 =	simm.s32 $0x3;
	s24 =	simm.s32 $0x4  }
0x17: {  	s4 =	sadd.s32 s10, s21;
	s10 =	sadd.s32 s12, s11;
	s11 =	sadd.s32 $0x200, s30  }
0x18: {  	s12 =	sadd.s32 $0x40, s31;
	s21 =	simm.s32 $0x1;
	s5 =	sadd.s32 $0x20, s4  }
.LBB2_1:
0x19: {  	[tilespmem:s3], [sflag:$0x5] =	stream.linear.gather [hbm4b:s4+s3], $0x100, $0x38;
	[tilespmem:$0x10200] =	vst v63  }
0x1a: {  	_ =	swait.ge [sflag:s13], $0x100  }
0x1b: {  	[sflag:s13] =	ssyncset.done $0x0  }
0x1c: {  	[sflag:s13] =	ssyncadd.s32 $0xFFFFFF00  }
0x1d: {  	v1 =	vld [tilespmem:$0x0]  }
0x1e: {  	v2 =	vld [tilespmem:$0x10]  }
0x1f: {  	v3 =	vld [tilespmem:$0x20]  }
0x20: {  	v4 =	vld [tilespmem:$0x30]  }
0x21: {  	v5 =	vld [tilespmem:$0x40]  }
0x22: {  	v6 =	vld [tilespmem:$0x50];
	v1 =	vadd.s32 v0, v1  }
0x23: {  	[tilespmem:$0x0] =	vst v1;
	v1 =	vadd.s32 v0, v2;
	v2 =	vld [tilespmem:$0x60]  }
0x24: {  	[tilespmem:$0x10] =	vst v1;
	v1 =	vadd.s32 v0, v3;
	v3 =	vld [tilespmem:$0x70]  }
0x25: {  	v49 =	vld [tilespmem:$0x80];
	[tilespmem:$0x20] =	vst v1;
	v1 =	vadd.s32 v0, v4  }
0x26: {  	v50 =	vld [tilespmem:$0x90];
	[tilespmem:$0x30] =	vst v1;
	v1 =	vadd.s32 v0, v5  }
0x27: {  	v51 =	vld [tilespmem:$0xA0];
	[tilespmem:$0x40] =	vst v1;
	v1 =	vadd.s32 v0, v6  }
0x28: {  	[tilespmem:$0x50] =	vst v1;
	v1 =	vadd.s32 v0, v2;
	v2 =	vld [tilespmem:$0xB0]  }
0x29: {  	[tilespmem:$0x60] =	vst v1;
	v1 =	vadd.s32 v0, v3;
	v3 =	vld [tilespmem:$0xC0]  }
0x2a: {  	v52 =	vld [tilespmem:$0xD0];
	[tilespmem:$0x70] =	vst v1;
	v1 =	vadd.s32 v0, v49  }
0x2b: {  	v53 =	vld [tilespmem:$0xE0];
	[tilespmem:$0x80] =	vst v1;
	v1 =	vadd.s32 v0, v50  }
0x2c: {  	v54 =	vld [tilespmem:$0xF0];
	[tilespmem:$0x90] =	vst v1;
	v1 =	vadd.s32 v0, v51  }
0x2d: {  	[tilespmem:$0xA0] =	vst v1;
	v1 =	vadd.s32 v0, v2  }
0x2e: {  	[tilespmem:$0xB0] =	vst v1;
	v1 =	vadd.s32 v0, v3  }
0x2f: {  	[tilespmem:$0xC0] =	vst v1;
	v1 =	vadd.s32 v0, v52  }
0x30: {  	[tilespmem:$0xD0] =	vst v1;
	v1 =	vadd.s32 v0, v53  }
0x31: {  	[tilespmem:$0xE0] =	vst v1;
	v1 =	vadd.s32 v0, v54  }
0x32: {  	[tilespmem:$0xF0] =	vst v1  }
0x33: {  	[tilespmem:s15], [sflag:$0x1] =	stream.indirect.gather [hbm4b:s2+s14], $0x80, s3, s14, $0xb8;
	[tilespmem:$0x10200] =	vst v63  }
0x34: {  	_ = 	snop  }
0x35: {  	[tilespmem:s16], [sflag:$0x1] =	stream.indirect.gather [hbm4b:s2+s14], $0x80, s14, s14, $0xb8;
	[tilespmem:$0x10200] =	vst v63  }
0x36: {  	_ = 	snop  }
0x37: {  	[tilespmem:s17], [sflag:$0x5] =	stream.linear.gather [hbm4b:s5+s3], $0x100, $0x38;
	[tilespmem:$0x10200] =	vst v63  }
0x38: {  	_ =	swait.ge [sflag:s13], $0x100  }
0x39: {  	[sflag:s13] =	ssyncset.done $0x0  }
0x3a: {  	[sflag:s13] =	ssyncadd.s32 $0xFFFFFF00  }
0x3b: {  	v1 =	vld [tilespmem:$0x100]  }
0x3c: {  	v2 =	vld [tilespmem:$0x110]  }
0x3d: {  	v3 =	vld [tilespmem:$0x120]  }
0x3e: {  	v55 =	vld [tilespmem:$0x130]  }
0x3f: {  	v56 =	vld [tilespmem:$0x140]  }
0x40: {  	v57 =	vld [tilespmem:$0x150];
	v1 =	vadd.s32 v0, v1  }
0x41: {  	[tilespmem:$0x100] =	vst v1;
	v1 =	vadd.s32 v0, v2;
	v2 =	vld [tilespmem:$0x160]  }
0x42: {  	[tilespmem:$0x110] =	vst v1;
	v1 =	vadd.s32 v0, v3;
	v3 =	vld [tilespmem:$0x170]  }
0x43: {  	v58 =	vld [tilespmem:$0x180];
	[tilespmem:$0x120] =	vst v1;
	v1 =	vadd.s32 v0, v55  }
0x44: {  	v59 =	vld [tilespmem:$0x190];
	[tilespmem:$0x130] =	vst v1;
	v1 =	vadd.s32 v0, v56  }
0x45: {  	v60 =	vld [tilespmem:$0x1A0];
	[tilespmem:$0x140] =	vst v1;
	v1 =	vadd.s32 v0, v57  }
0x46: {  	[tilespmem:$0x150] =	vst v1;
	v1 =	vadd.s32 v0, v2;
	v2 =	vld [tilespmem:$0x1B0]  }
0x47: {  	[tilespmem:$0x160] =	vst v1;
	v1 =	vadd.s32 v0, v3;
	v3 =	vld [tilespmem:$0x1C0]  }
0x48: {  	v61 =	vld [tilespmem:$0x1D0];
	[tilespmem:$0x170] =	vst v1;
	v1 =	vadd.s32 v0, v58  }
0x49: {  	v62 =	vld [tilespmem:$0x1E0];
	[tilespmem:$0x180] =	vst v1;
	v1 =	vadd.s32 v0, v59  }
0x4a: {  	v63 =	vld [tilespmem:$0x1F0];
	[tilespmem:$0x190] =	vst v1;
	v1 =	vadd.s32 v0, v60  }
0x4b: {  	[tilespmem:$0x1A0] =	vst v1;
	v1 =	vadd.s32 v0, v2  }
0x4c: {  	[tilespmem:$0x1B0] =	vst v1;
	v1 =	vadd.s32 v0, v3  }
0x4d: {  	[tilespmem:$0x1C0] =	vst v1;
	v1 =	vadd.s32 v0, v61  }
0x4e: {  	[tilespmem:$0x1D0] =	vst v1;
	v1 =	vadd.s32 v0, v62  }
0x4f: {  	[tilespmem:$0x1E0] =	vst v1;
	v1 =	vadd.s32 v0, v63  }
0x50: {  	[tilespmem:$0x1F0] =	vst v1  }
0x51: {  	[tilespmem:s18], [sflag:$0x2] =	stream.indirect.gather [hbm4b:s2+s14], $0x80, s17, s14, $0xb8;
	[tilespmem:$0x10200] =	vst v63  }
0x52: {  	s26 =	smov.u32 s12;
	s28 =	smov.u32 s11;
	s29 =	simm.s32 $0x0  }
0x53: {  	[tilespmem:s20], [sflag:$0x2] =	stream.indirect.gather [hbm4b:s2+s14], $0x80, s19, s14, $0xb8;
	[tilespmem:$0x10200] =	vst v63  }
.LBB2_2:
0x54: {  	_ =	swait.ge [sflag:s21], $0x4000  }
0x55: {  	[sflag:s21] =	ssyncset.done $0x0  }
0x56: {  	[sflag:s21] =	ssyncadd.s32 $0xFFFFC000  }
0x57: {  	_ =	swait.ge [sflag:s21], $0x4000  }
0x58: {  	[sflag:s21] =	ssyncset.done $0x0  }
0x59: {  	s30 =	sadd.s32 s29, s10;
	[sflag:s21] =	ssyncadd.s32 $0xFFFFC000  }
0x5a: {  	[hbm4b:s30+s3] =	stream.linear.scatter [tilespmem:s15], [sflag:$0x3], $0x8000, $0x38;
	[tilespmem:$0x10200] =	vst v63  }
0x5b: {  	_ =	swait.ge [sflag:s22], $0x4000  }
0x5c: {  	[sflag:s22] =	ssyncset.done $0x0  }
0x5d: {  	[sflag:s22] =	ssyncadd.s32 $0xFFFFC000  }
0x5e: {  	_ =	swait.ge [sflag:s22], $0x4000  }
0x5f: {  	[sflag:s22] =	ssyncset.done $0x0  }
0x60: {  	s31 =	sadd.s32 s29, s9;
	[sflag:s22] =	ssyncadd.s32 $0xFFFFC000  }
0x61: {  	[hbm4b:s31+s3] =	stream.linear.scatter [tilespmem:s18], [sflag:$0x4], $0x8000, $0x38;
	[tilespmem:$0x10200] =	vst v63  }
0x62: {  	_ = 	snop  }
0x63: {  	[tilespmem:s3], [sflag:$0x5] =	stream.linear.gather [hbm4b:s26+s3], $0x100, $0x38;
	[tilespmem:$0x10200] =	vst v63  }
0x64: {  	_ =	swait.ge [sflag:s13], $0x100  }
0x65: {  	[sflag:s13] =	ssyncset.done $0x0  }
0x66: {  	[sflag:s13] =	ssyncadd.s32 $0xFFFFFF00  }
0x67: {  	v1 =	vld [tilespmem:$0x0]  }
0x68: {  	v2 =	vld [tilespmem:$0x10]  }
0x69: {  	s31 =	sshrl.u32 s28, $0xD;
	v3 =	vld [tilespmem:$0x20]  }
0x6a: {  	s30 =	smul.u32 $0x3E8, s31;
	v4 =	vld [tilespmem:$0x30]  }
0x6b: {  	v5 =	vld [tilespmem:$0x40]  }
0x6c: {  	v6 =	vld [tilespmem:$0x50];
	v1 =	vadd.s32 s30, v1  }
0x6d: {  	[tilespmem:$0x0] =	vst v1;
	v1 =	vadd.s32 s30, v2;
	v2 =	vld [tilespmem:$0x60]  }
0x6e: {  	[tilespmem:$0x10] =	vst v1;
	v1 =	vadd.s32 s30, v3;
	v3 =	vld [tilespmem:$0x70]  }
0x6f: {  	v49 =	vld [tilespmem:$0x80];
	[tilespmem:$0x20] =	vst v1;
	v1 =	vadd.s32 s30, v4  }
0x70: {  	v50 =	vld [tilespmem:$0x90];
	[tilespmem:$0x30] =	vst v1;
	v1 =	vadd.s32 s30, v5  }
0x71: {  	v51 =	vld [tilespmem:$0xA0];
	[tilespmem:$0x40] =	vst v1;
	v1 =	vadd.s32 s30, v6  }
0x72: {  	[tilespmem:$0x50] =	vst v1;
	v1 =	vadd.s32 s30, v2;
	v2 =	vld [tilespmem:$0xB0]  }
0x73: {  	[tilespmem:$0x60] =	vst v1;
	v1 =	vadd.s32 s30, v3;
	v3 =	vld [tilespmem:$0xC0]  }
0x74: {  	v52 =	vld [tilespmem:$0xD0];
	[tilespmem:$0x70] =	vst v1;
	v1 =	vadd.s32 s30, v49  }
0x75: {  	v53 =	vld [tilespmem:$0xE0];
	[tilespmem:$0x80] =	vst v1;
	v1 =	vadd.s32 s30, v50  }
0x76: {  	v54 =	vld [tilespmem:$0xF0];
	[tilespmem:$0x90] =	vst v1;
	v1 =	vadd.s32 s30, v51  }
0x77: {  	[tilespmem:$0xA0] =	vst v1;
	v1 =	vadd.s32 s30, v2  }
0x78: {  	[tilespmem:$0xB0] =	vst v1;
	v1 =	vadd.s32 s30, v3  }
0x79: {  	[tilespmem:$0xC0] =	vst v1;
	v1 =	vadd.s32 s30, v52  }
0x7a: {  	[tilespmem:$0xD0] =	vst v1;
	v1 =	vadd.s32 s30, v53  }
0x7b: {  	[tilespmem:$0xE0] =	vst v1;
	v1 =	vadd.s32 s30, v54  }
0x7c: {  	[tilespmem:$0xF0] =	vst v1  }
0x7d: {  	_ =	swait.ge [sflag:s23], $0x8000  }
0x7e: {  	[sflag:s23] =	ssyncset.done $0x0  }
0x7f: {  	[sflag:s23] =	ssyncadd.s32 $0xFFFF8000  }
0x80: {  	[tilespmem:s15], [sflag:$0x1] =	stream.indirect.gather [hbm4b:s2+s14], $0x80, s3, s14, $0xb8;
	[tilespmem:$0x10200] =	vst v63  }
0x81: {  	_ = 	snop  }
0x82: {  	[tilespmem:s16], [sflag:$0x1] =	stream.indirect.gather [hbm4b:s2+s14], $0x80, s14, s14, $0xb8;
	[tilespmem:$0x10200] =	vst v63  }
0x83: {  	s31 =	sadd.s32 $0x20, s26  }
0x84: {  	[tilespmem:s17], [sflag:$0x5] =	stream.linear.gather [hbm4b:s31+s3], $0x100, $0x38;
	[tilespmem:$0x10200] =	vst v63  }
0x85: {  	_ =	swait.ge [sflag:s13], $0x100  }
0x86: {  	[sflag:s13] =	ssyncset.done $0x0  }
0x87: {  	[sflag:s13] =	ssyncadd.s32 $0xFFFFFF00  }
0x88: {  	v1 =	vld [tilespmem:$0x100]  }
0x89: {  	s31 =	sadd.s32 $0x100, s28;
	v2 =	vld [tilespmem:$0x110]  }
0x8a: {  	s30 =	sshrl.u32 s31, $0xD;
	v3 =	vld [tilespmem:$0x120]  }
0x8b: {  	s30 =	smul.u32 $0x3E8, s30;
	v55 =	vld [tilespmem:$0x130]  }
0x8c: {  	v56 =	vld [tilespmem:$0x140]  }
0x8d: {  	v57 =	vld [tilespmem:$0x150];
	v1 =	vadd.s32 s30, v1  }
0x8e: {  	[tilespmem:$0x100] =	vst v1;
	v1 =	vadd.s32 s30, v2;
	v2 =	vld [tilespmem:$0x160]  }
0x8f: {  	[tilespmem:$0x110] =	vst v1;
	v1 =	vadd.s32 s30, v3;
	v3 =	vld [tilespmem:$0x170]  }
0x90: {  	v58 =	vld [tilespmem:$0x180];
	[tilespmem:$0x120] =	vst v1;
	v1 =	vadd.s32 s30, v55  }
0x91: {  	v59 =	vld [tilespmem:$0x190];
	[tilespmem:$0x130] =	vst v1;
	v1 =	vadd.s32 s30, v56  }
0x92: {  	v60 =	vld [tilespmem:$0x1A0];
	[tilespmem:$0x140] =	vst v1;
	v1 =	vadd.s32 s30, v57  }
0x93: {  	[tilespmem:$0x150] =	vst v1;
	v1 =	vadd.s32 s30, v2;
	v2 =	vld [tilespmem:$0x1B0]  }
0x94: {  	[tilespmem:$0x160] =	vst v1;
	v1 =	vadd.s32 s30, v3;
	v3 =	vld [tilespmem:$0x1C0]  }
0x95: {  	v61 =	vld [tilespmem:$0x1D0];
	[tilespmem:$0x170] =	vst v1;
	v1 =	vadd.s32 s30, v58  }
0x96: {  	v62 =	vld [tilespmem:$0x1E0];
	[tilespmem:$0x180] =	vst v1;
	v1 =	vadd.s32 s30, v59  }
0x97: {  	v63 =	vld [tilespmem:$0x1F0];
	[tilespmem:$0x190] =	vst v1;
	v1 =	vadd.s32 s30, v60  }
0x98: {  	[tilespmem:$0x1A0] =	vst v1;
	v1 =	vadd.s32 s30, v2  }
0x99: {  	[tilespmem:$0x1B0] =	vst v1;
	v1 =	vadd.s32 s30, v3  }
0x9a: {  	[tilespmem:$0x1C0] =	vst v1;
	v1 =	vadd.s32 s30, v61  }
0x9b: {  	[tilespmem:$0x1D0] =	vst v1;
	v1 =	vadd.s32 s30, v62  }
0x9c: {  	[tilespmem:$0x1E0] =	vst v1;
	v1 =	vadd.s32 s30, v63  }
0x9d: {  	[tilespmem:$0x1F0] =	vst v1  }
0x9e: {  	p0 =	sne.s32 s29, $0x16000;
	_ =	swait.ge [sflag:s24], $0x8000  }
.Ltmp0:
0x9f: {  	[sflag:s24] =	ssyncset.done $0x0;
	(pc) =	sbr.rel @p0 .LBB2_2-.Ltmp0, $4  }
0xa0: {  	[sflag:s24] =	ssyncadd.s32 $0xFFFF8000  }
0xa1: {  	[tilespmem:s18], [sflag:$0x2] =	stream.indirect.gather [hbm4b:s2+s14], $0x80, s17, s14, $0xb8;
	[tilespmem:$0x10200] =	vst v63  }
0xa2: {  	s29 =	sadd.s32 $0x2000, s29;
	s26 =	sadd.s32 $0x40, s26;
	s28 =	sadd.s32 $0x200, s28  }
0xa3: {  	[tilespmem:s20], [sflag:$0x2] =	stream.indirect.gather [hbm4b:s2+s14], $0x80, s19, s14, $0xb8;
	[tilespmem:$0x10200] =	vst v63  }
0xa4: {  	_ =	swait.ge [sflag:s21], $0x4000  }
0xa5: {  	[sflag:s21] =	ssyncset.done $0x0  }
0xa6: {  	[sflag:s21] =	ssyncadd.s32 $0xFFFFC000  }
0xa7: {  	_ =	swait.ge [sflag:s21], $0x4000  }
0xa8: {  	[sflag:s21] =	ssyncset.done $0x0  }
0xa9: {  	[sflag:s21] =	ssyncadd.s32 $0xFFFFC000  }
0xaa: {  	[hbm4b:s6+s3] =	stream.linear.scatter [tilespmem:s15], [sflag:$0x3], $0x8000, $0x38;
	[tilespmem:$0x10200] =	vst v63  }
0xab: {  	_ =	swait.ge [sflag:s22], $0x4000  }
0xac: {  	[sflag:s22] =	ssyncset.done $0x0  }
0xad: {  	[sflag:s22] =	ssyncadd.s32 $0xFFFFC000  }
0xae: {  	_ =	swait.ge [sflag:s22], $0x4000  }
0xaf: {  	[sflag:s22] =	ssyncset.done $0x0  }
0xb0: {  	s25 =	sadd.s32 $0x1, s25;
	[sflag:s22] =	ssyncadd.s32 $0xFFFFC000  }
0xb1: {  	[hbm4b:s7+s3] =	stream.linear.scatter [tilespmem:s18], [sflag:$0x4], $0x8000, $0x38;
	[tilespmem:$0x10200] =	vst v63  }
0xb2: {  	p0 =	sne.s32 s25, s8;
	_ =	swait.ge [sflag:s23], $0x8000  }
.Ltmp1:
0xb3: {  	[sflag:s23] =	ssyncset.done $0x0;
	(pc) =	sbr.rel @p0 .LBB2_1-.Ltmp1, $4  }
0xb4: {  	[sflag:s23] =	ssyncadd.s32 $0xFFFF8000  }
0xb5: {  	_ =	swait.ge [sflag:s24], $0x8000  }
0xb6: {  	[sflag:s24] =	ssyncset.done $0x0  }
0xb7: {  	[sflag:s24] =	ssyncadd.s32 $0xFFFF8000  }
0xb8: {  	_ =	sfence.sel $0x180000  }
0xb9: {  	[bflag:$0x0] =	sbarrier.arrive $0xFFFF  }
0xba: {  	p0 =	sne.s32 s0, $0x0;
	_ =	strace $0x9000004A  }
0xbb: {  	s0 =	sadd.s32 @!p0 $0x100000, s1;
	[bflag:$0x2] =	sbarrier.arrive $0xFFFF  }
0xbc: {  	[sflag:s0] =	ssyncadd.tile.s32 @!p0 $0x1;
	_ =	shalt  }
.Lfunc_end2:
_tile_overlayer_lowered:
.L_overlay_start_2:
0xbd: {  	(tag) =	ssettag $0x2  }
0xbe: {  	s0 =	rddreg [dreg:$0x0];
	s2 =	stileid.u32  }
0xbf: {  	s1 =	rddreg [dreg:$0x1];
	p0 =	sne.s32 s2, $0x0  }
0xc0: {  	s3 =	rddreg [dreg:$0x2];
	[bflag:$0x3] =	sbarrier.arrive $0xFFFF;
	s2 =	simm.s32 @!p0 $0x1C05  }
0xc1: {  	[timem:s3], [sflag:s2] =	dma.local @!p0 [hbm:s0], s1  }
0xc2: {  	s0 =	simm.s32 @!p0 $0x5  }
0xc3: {  	_ =	swait.ge @!p0 [sflag:s0], s1  }
0xc4: {  	s1 =	ssub.s32 @!p0 $0x0, s1;
	[sflag:s0] =	ssyncset.done @!p0 $0x0  }
0xc5: {  	[sflag:s0] =	ssyncadd.s32 @!p0 s1  }
0xc6: {  	[bflag:$0x3] =	sbarrier.arrive $0xFFFF  }
0xc7: {  	_ =	shalt  }

// kernel: kernel.13.cloned.1.call-start
scs
__scs_entry_jumppad:
0x0: {  	(pc) =	sbr.rel $0x88, $3  }
0x1: {  	(tag) =	ssettag $0x0;
	lr =	simm.s32 $0x1  }
0x2: {  	[smem:$0x3F8F] =	sst lr;
	_ =	strace $0xD0000000  }
0x3: {  	_ = 	snop  }
0x4: {  	_ = 	snop  }
0x5: {  	_ = 	snop  }
0x6: {  	_ = 	snop  }
0x7: {  	_ = 	snop  }
__scs_overlays_trampoline_lowered:
0x8: {  	[smem:$0x3F9E] =	sst s0  }
0x9: {  	[smem:$0x3F9F] =	sst s1  }
0xa: {  	[smem:$0x3FA0] =	sst s2  }
0xb: {  	[smem:$0x3FA1] =	sst s3  }
0xc: {  	[smem:$0x3FA2] =	sst s4  }
0xd: {  	[smem:$0x3FA3] =	sst s5  }
0xe: {  	[smem:$0x3FA4] =	sst s6  }
0xf: {  	[smem:$0x3FA5] =	sst s7  }
0x10: {  	[smem:$0x3FA6] =	sst s8  }
0x11: {  	[smem:$0x3FA7] =	sst s9;
	s0 =	simm.s32 @!p0 $0x0  }
0x12: {  	s1 =	sld [smem:$0x3F8D];
	s0 =	simm.s32 @p0 $0x1  }
0x13: {  	[smem:$0x3FA8] =	sst s0;
	s0 =	simm.s32 @!p1 $0x0  }
0x14: {  	s2 =	sld [smem:$0x3F8C];
	s0 =	simm.s32 @p1 $0x1  }
0x15: {  	[smem:$0x3FA9] =	sst s0;
	s0 =	simm.s32 @!p2 $0x0  }
0x16: {  	s3 =	sld [smem:$0x3FDB];
	s0 =	simm.s32 @p2 $0x1  }
0x17: {  	s4 =	simm.s32 $0x1BF5;
	[smem:$0x3FAB] =	sst s0  }
0x18: {  	s0 =	sld [smem:$0x3F8E];
	_ =	swait.ge [sflag:s4], $0x0  }
0x19: {  	s7 =	sld [smem:$0x3F8F]  }
0x1a: {  	s8 =	sadd.s32 $0xFFFFE003, lr  }
0x1b: {  	s9 =	sadd.s32 $0xFFFFFEF7, lr;
	s5 =	simm.s32 $0xFFFFFFFF;
	p2 =	slt.u32 s8, $0xFFFFF086  }
0x1c: {  	p1 =	slt.u32 s9, $0xF7A;
	s5 =	simm.s32 @!p2 $0x0  }
0x1d: {  	s5 =	simm.s32 @p1 $0x1;
	p0 =	seq.s32 s7, s2  }
0x1e: {  	s7 =	smul.u32 @!p0 $0xF7A, s2;
	p2 =	seq.s32 @!p0 s5, $0x0  }
0x1f: {  	s9 =	smul.u32 $0xF7A, s1;
	s8 =	simm.s32 @!p0 $0x1BF5;
	p2 =	por !p2, p0  }
0x20: {  	[sflag:s8] =	ssyncset.s32 @!p0 $0xFFFFF086;
	s6 =	sadd.s32 @!p0 s3, s7;
	s7 =	simm.s32 @!p0 $0x108  }
0x21: {  	s3 =	sadd.s32 s3, s9;
	s6 =	sadd.s32 @!p0 $0x88, s6;
	s7 =	simm.s32 @p2 $0x1082  }
0x22: {  	[simem:s7], [sflag:s8] =	dma.local @!p0 [hbm:s6], $0xF7A  }
0x23: {  	s9 =	sor.u32 $0xD0000000, s2;
	s6 =	simm.s32 $0x108;
	_ =	swait.ge @!p0 [sflag:s8], $0x0  }
0x24: {  	s3 =	sadd.s32 $0x88, s3;
	s6 =	simm.s32 @!p1 $0x1082;
	[sflag:s4] =	ssyncset.s32 $0xFFFFF086  }
0x25: {  	[simem:s6], [sflag:s4] =	dma.local [hbm:s3], $0xF7A  }
0x26: {  	[smem:$0x3F8F] =	sst s1;
	(tag) =	ssettag s2;
	_ =	strace s9  }
0x27: {  	s1 =	sld [smem:$0x3F9F]  }
0x28: {  	s2 =	sld [smem:$0x3FA0]  }
0x29: {  	s4 =	sld [smem:$0x3FA2]  }
0x2a: {  	p0 =	seq.s32 s5, $0x0;
	s5 =	sld [smem:$0x3FA3]  }
0x2b: {  	s6 =	sld [smem:$0x3FA4]  }
0x2c: {  	s7 =	sld [smem:$0x3FA5]  }
0x2d: {  	s3 =	simm.s32 $0x108;
	s8 =	sld [smem:$0x3FA6]  }
0x2e: {  	s3 =	simm.s32 @!p0 $0x1082;
	s9 =	sld [smem:$0x3FA7]  }
0x2f: {  	lr =	sadd.s32 s0, s3;
	s0 =	sld [smem:$0x3F9E]  }
0x30: {  	s3 =	sld [smem:$0x3FA1]  }
0x31: {  	[smem:$0x3FAA] =	sst s10  }
0x32: {  	s10 =	sld [smem:$0x3FA8];
	_ =	sdelay $0x3  }
0x33: {  	p0 =	seq.s32 s10, $0x1;
	s10 =	sld [smem:$0x3FAA];
	_ =	sdelay $0x3  }
0x34: {  	[smem:$0x3FAA] =	sst s10  }
0x35: {  	s10 =	sld [smem:$0x3FA9];
	_ =	sdelay $0x3  }
0x36: {  	p1 =	seq.s32 s10, $0x1;
	s10 =	sld [smem:$0x3FAA];
	_ =	sdelay $0x3  }
0x37: {  	[smem:$0x3FAA] =	sst s10  }
0x38: {  	s10 =	sld [smem:$0x3FAB]  }
0x39: {  	_ = 	snop;
	(pc) =	sbr.ind lr, $3  }
0x3a: {  	_ = 	snop  }
0x3b: {  	_ = 	snop  }
0x3c: {  	p2 =	seq.s32 s10, $0x1;
	s10 =	sld [smem:$0x3FAA]  }
0x3d: {  	_ =	shalt  }
0x3e: {  	_ =	shalt  }
0x3f: {  	_ =	shalt  }
0x40: {  	_ =	shalt  }
0x41: {  	_ =	shalt  }
0x42: {  	_ =	shalt  }
0x43: {  	_ =	shalt  }
0x44: {  	_ =	shalt  }
0x45: {  	_ =	shalt  }
0x46: {  	_ =	shalt  }
0x47: {  	_ =	shalt  }
0x48: {  	_ =	shalt  }
0x49: {  	_ =	shalt  }
0x4a: {  	_ =	shalt  }
0x4b: {  	_ =	shalt  }
0x4c: {  	_ =	shalt  }
0x4d: {  	_ =	shalt  }
0x4e: {  	_ =	shalt  }
0x4f: {  	_ =	shalt  }
0x50: {  	_ =	shalt  }
0x51: {  	_ =	shalt  }
0x52: {  	_ =	shalt  }
0x53: {  	_ =	shalt  }
0x54: {  	_ =	shalt  }
0x55: {  	_ =	shalt  }
0x56: {  	_ =	shalt  }
0x57: {  	_ =	shalt  }
0x58: {  	_ =	shalt  }
0x59: {  	_ =	shalt  }
0x5a: {  	_ =	shalt  }
0x5b: {  	_ =	shalt  }
0x5c: {  	_ =	shalt  }
0x5d: {  	_ =	shalt  }
0x5e: {  	_ =	shalt  }
0x5f: {  	_ =	shalt  }
0x60: {  	_ =	shalt  }
0x61: {  	_ =	shalt  }
0x62: {  	_ =	shalt  }
0x63: {  	_ =	shalt  }
0x64: {  	_ =	shalt  }
0x65: {  	_ =	shalt  }
0x66: {  	_ =	shalt  }
0x67: {  	_ =	shalt  }
0x68: {  	_ =	shalt  }
0x69: {  	_ =	shalt  }
0x6a: {  	_ =	shalt  }
0x6b: {  	_ =	shalt  }
0x6c: {  	_ =	shalt  }
0x6d: {  	_ =	shalt  }
0x6e: {  	_ =	shalt  }
0x6f: {  	_ =	shalt  }
0x70: {  	_ =	shalt  }
0x71: {  	_ =	shalt  }
0x72: {  	_ =	shalt  }
0x73: {  	_ =	shalt  }
0x74: {  	_ =	shalt  }
0x75: {  	_ =	shalt  }
0x76: {  	_ =	shalt  }
0x77: {  	_ =	shalt  }
0x78: {  	_ =	shalt  }
0x79: {  	_ =	shalt  }
0x7a: {  	_ =	shalt  }
0x7b: {  	_ =	shalt  }
0x7c: {  	_ =	shalt  }
0x7d: {  	_ =	shalt  }
0x7e: {  	_ =	shalt  }
0x7f: {  	_ =	shalt  }
0x80: {  	_ =	shalt  }
0x81: {  	_ =	shalt  }
0x82: {  	_ =	shalt  }
0x83: {  	_ =	shalt  }
0x84: {  	_ =	shalt  }
0x85: {  	_ =	shalt  }
0x86: {  	_ =	shalt  }
0x87: {  	_ =	shalt  }
.Lfunc_end0:
.L_simem_size_0:
called_computation.2_lowered:
.L_overlay_start_0:
0x88: {  	s2 =	sld [smem:$0x3FD9]  }
0x89: {  	s3 =	sld [smem:$0x3FFE];
	_ =	sdelay $0x1  }
0x8a: {  	s1 =	srdreg.scid  }
0x8b: {  	s0 =	sand.u32 $0x1, s1  }
0x8c: {  	s17 =	sshll.u32 s0, $0xA;
	s2 =	sadd.s32 s3, s2  }
0x8d: {  	s2 =	sadd.s32 s2, s17  }
0x8e: {  	[smem:$0x3FB6] =	sst s2  }
0x8f: {  	_ = 	snop  }
0x90: {  	s18 =	sld [smem:$0x3FC7];
	(tm) =	ssettm $0x1  }
0x91: {  	s19 =	sld [smem:$0x3FFB];
	_ =	sdelay $0x3  }
0x92: {  	_ =	strace s19  }
0x93: {  	s2 =	sld [smem:$0x3FFC];
	_ =	sdelay $0x3  }
0x94: {  	_ =	strace s2  }
0x95: {  	s2 =	sld [smem:$0x3FFD];
	_ =	sdelay $0x3  }
0x96: {  	_ =	strace s2  }
0x97: {  	_ =	strace $0x8FFFFFFF  }
0x98: {  	s20 =	sld [smem:$0x3FDB];
	_ =	sdelay $0x1  }
0x99: {  	s4 =	simm.s32 $_scs_section_size  }
0x9a: {  	s5 =	simm.s32 $_size__tile_overlayer_lowered;
	s6 =	simm.s32 $_tile_overlayer_lowered  }
0x9b: {  	s7 =	simm.s32 $0x1BFF;
	s21 =	sshll.u32 s6, $0x1;
	s4 =	sadd.s32 s4, s20  }
0x9c: {  	s22 =	simm.s32 $0x0;
	s5 =	sshll.u32 s5, $0x1;
	s6 =	sadd.s32 s21, s4  }
0x9d: {  	[timem:s22], [sflag:s7] =	dma.local [hbm:s6], s5  }
0x9e: {  	_ =	swait.ge [sflag:s7], s5  }
0x9f: {  	s5 =	ssub.s32 $0x0, s5;
	[sflag:s7] =	ssyncset.done $0x0  }
0xa0: {  	[sflag:s7] =	ssyncadd.s32 s5;
	_ =	sdelay $0x1  }
0xa1: {  	s23 =	simm.s32 $0x1B8B  }
0xa2: {  	_ =	swait.ge [sflag:s23], $0x1  }
0xa3: {  	[sflag:s23] =	ssyncset.done $0x0  }
0xa4: {  	[sflag:s23] =	ssyncadd.s32 $0xFFFFFFFF  }
0xa5: {  	s5 =	sld [smem:$0x0]  }
0xa6: {  	s6 =	sand.u32 $0xFFFFFFFE, s1  }
0xa7: {  	p0 =	sne.s32 s1, s6  }
0xa8: {  	s6 =	sshll.u32 @p0 s6, $0xE  }
0xa9: {  	s6 =	sadd.s32 @p0 $0x11B8D, s6;
	s7 =	sshll.u32 @p0 s5, $0x11  }
0xaa: {  	s6 =	sor.u32 @p0 s7, s6  }
0xab: {  	[sflag:s6] =	ssyncadd.remote.s32 @p0 $0x1;
	_ =	sdelay $0x1  }
0xac: {  	s6 =	simm.s32 @p0 $0x1B8D  }
0xad: {  	_ =	swait.eq @p0 [sflag:s6], $0x1  }
0xae: {  	[sflag:s6] =	ssyncadd.s32 @p0 $0xFFFFFFFF  }
0xaf: {  	s7 =	sshll.u32 @!p0 s1, $0xE  }
0xb0: {  	s7 =	sor.u32 @!p0 $0x4000, s7;
	s6 =	simm.s32 @!p0 $0x1B8D  }
0xb1: {  	s5 =	sshll.u32 @!p0 s5, $0x11;
	s7 =	sadd.s32 @!p0 $0x11B8D, s7;
	_ =	swait.eq @!p0 [sflag:s6], $0x1  }
0xb2: {  	s5 =	sor.u32 @!p0 s5, s7;
	[sflag:s6] =	ssyncadd.s32 @!p0 $0xFFFFFFFF  }
0xb3: {  	s25 =	simm.s32 $0x1B8E;
	s24 =	sld [smem:$0x3FFE];
	[sflag:s5] =	ssyncadd.remote.s32 @!p0 $0x1  }
0xb4: {  	s26 =	simm.s32 $execute0_lowered;
	[smem:$0x3FD2] =	sst s25  }
0xb5: {  	s6 =	sshll.u32 s26, $0x1;
	_ =	strace $0x8000004C;
	[dreg:$0x1] =	wrdreg $0xFFFFFFFF  }
0xb6: {  	s28 =	simm.s32 $_size_execute0_lowered;
	s4 =	sadd.s32 s4, s6;
	[dreg:$0x0] =	wrdreg $0x0  }
0xb7: {  	s6 =	sshll.u32 s28, $0x1;
	[dreg:$0x2] =	wrdreg s4  }
0xb8: {  	[dreg:$0x3] =	wrdreg s6  }
0xb9: {  	[dreg:$0x4] =	wrdreg $0xC0  }
0xba: {  	_ =	task [dreg:s22], $0x5FFFF  }
0xbb: {  	[dreg:$0x1] =	wrdreg $0xFFFFFFFF  }
0xbc: {  	[dreg:$0x0] =	wrdreg $0x60  }
0xbd: {  	[dreg:$0x2] =	wrdreg s24  }
0xbe: {  	[dreg:$0x3] =	wrdreg s18  }
0xbf: {  	[dreg:$0x4] =	wrdreg $0xB  }
0xc0: {  	_ =	task.clear_ibuf [dreg:s22], $0x5FFFF;
	_ =	strace $0x9000004C  }
0xc1: {  	s29 =	simm.s32 $0xB;
	_ =	strace $0x8000004E  }
0xc2: {  	_ =	swait.ge [sflag:s29], $0x1  }
0xc3: {  	[sflag:s29] =	ssyncadd.s32 $0xFFFFFFFF  }
0xc4: {  	_ =	strace $0x9000004E  }
0xc5: {  	_ =	sfence  }
0xc6: {  	s30 =	sld [smem:$0x0];
	_ =	sdelay $0x2  }
0xc7: {  	s31 =	sshll.u32 s1, $0xD;
	s1 =	sshrl.u32 s1, $0x2  }
0xc8: {  	s4 =	sand.u32 $0x4000, s31;
	s1 =	sadd.s32 s1, s30  }
0xc9: {  	s0 =	sor.u32 s4, s0;
	s1 =	sshll.u32 s1, $0x11  }
0xca: {  	s0 =	sor.u32 s1, s0  }
0xcb: {  	s0 =	sadd.s32 $0x8F2B, s0  }
0xcc: {  	[sflag:s0] =	ssyncadd.remote.s32 $0x1  }
0xcd: {  	_ =	sfence.sel $0xFFFF  }
0xce: {  	[dreg:$0x0] =	wrdreg $0xFFFFFFFF;
	(pc) =	sbr.abs _section_cstart, $3  }
0xcf: {  	[dreg:$0x1] =	wrdreg $0xFFFFFFFF  }
0xd0: {  	_ =	task.clear_ibuf [dreg:s22], $0x2FFFF;
	_ =	strace $0x9FFFFFFF  }
0xd1: {  	(tm) =	ssettm $0x7FFFFFFF  }
tec
execute0_lowered:
.L_overlay_start_1:
0x0: {  	(tag) =	ssettag $0x1  }
0x1: {  	s1 =	stileid.u32  }
0x2: {  	s0 =	srdreg.scid;
	s13 =	smul.u32 $0x1A000, s1  }
0x3: {  	s4 =	rddreg [dreg:$0x0];
	s15 =	smul.u32 $0xD0000, s1  }
0x4: {  	s2 =	rddreg [dreg:$0x1];
	s17 =	smul.u32 $0x1A00, s1  }
0x5: {  	s3 =	simm.s32 $0x0;
	s9 =	sand.u32 $0x1, s0;
	s28 =	smul.u32 $0x340, s1  }
0x6: {  	s0 =	rddreg [dreg:$0x2];
	s10 =	sadd.s32 $0x357400, s4;
	s12 =	smul.u32 $0x1A0000, s9  }
0x7: {  	[smem:$0x7FF] =	sst s3;
	s11 =	sadd.s32 $0x35DC00, s4;
	s14 =	smul.u32 $0xD00000, s9  }
0x8: {  	s20 =	sshll.u32 s1, $0x9;
	s5 =	sshll.u32 s9, $0x4;
	s16 =	smul.u32 $0x1A000, s9  }
0x9: {  	s19 =	ssub.s32 $0x2, s9;
	s18 =	smul.u32 $0x3400, s9;
	s5 =	sor.u32 s1, s5  }
0xa: {  	_ =	strace $0x8000004D;
	s8 =	sshrl.u32 s19, $0x1;
	s6 =	smul.u32 $0x1A00, s5  }
0xb: {  	s5 =	smul.u32 $0xD0000, s5;
	s8 =	ssub.s32 s19, s8;
	s12 =	sadd.s32 s12, s11  }
0xc: {  	s26 =	sadd.s32 s15, s14;
	s29 =	sadd.s32 s18, s10;
	s30 =	sadd.s32 s17, s16  }
0xd: {  	s14 =	simm.s32 $0x80;
	s15 =	simm.s32 $0x200;
	s16 =	simm.s32 $0x4200  }
0xe: {  	s17 =	simm.s32 $0x100;
	s18 =	simm.s32 $0x8200;
	s19 =	simm.s32 $0x180  }
0xf: {  	s8 =	smax.u32 s8, $0x1;
	s25 =	sadd.s32 s13, s12;
	s12 =	sshrl.u32 s26, $0x3  }
0x10: {  	s31 =	sadd.s32 s28, s29;
	s13 =	simm.s32 $0x5;
	s7 =	sshrl.u32 s6, $0xD  }
0x11: {  	s6 =	sand.u32 $0x3FC00, s6;
	s22 =	sshrl.u32 s5, $0x3;
	s9 =	sadd.s32 $0x1000, s25  }
0x12: {  	s25 =	simm.s32 $0x0;
	s23 =	smul.u32 $0x3E8, s7;
	s7 =	sand.u32 $0x200, s20  }
0x13: {  	s24 =	sadd.s32 s11, s22;
	s20 =	simm.s32 $0xC200;
	s6 =	sor.u32 s7, s6  }
0x14: {  	s22 =	simm.s32 $0x2;
	s7 =	sadd.s32 $0x19000, s24;
	s21 =	sshrl.u32 s6, $0x3  }
0x15: {  	s6 =	sadd.s32 $0x18000, s24;
	v0 =	vmov s23;
	s23 =	simm.s32 $0x3;
	s24 =	simm.s32 $0x4  }
0x16: {  	s4 =	sadd.s32 s10, s21;
	s10 =	sadd.s32 s12, s11;
	s11 =	sadd.s32 $0x200, s30  }
0x17: {  	s12 =	sadd.s32 $0x40, s31;
	s21 =	simm.s32 $0x1;
	s5 =	sadd.s32 $0x20, s4  }
.LBB2_1:
0x18: {  	[tilespmem:s3], [sflag:$0x5] =	stream.linear.gather [hbm4b:s4+s3], $0x100, $0x38;
	[tilespmem:$0x10200] =	vst v63  }
0x19: {  	_ =	swait.ge [sflag:s13], $0x100  }
0x1a: {  	[sflag:s13] =	ssyncset.done $0x0  }
0x1b: {  	[sflag:s13] =	ssyncadd.s32 $0xFFFFFF00  }
0x1c: {  	v1 =	vld [tilespmem:$0x0]  }
0x1d: {  	v2 =	vld [tilespmem:$0x10]  }
0x1e: {  	v3 =	vld [tilespmem:$0x20]  }
0x1f: {  	v4 =	vld [tilespmem:$0x30]  }
0x20: {  	v5 =	vld [tilespmem:$0x40]  }
0x21: {  	v6 =	vld [tilespmem:$0x50];
	v1 =	vadd.s32 v0, v1  }
0x22: {  	[tilespmem:$0x0] =	vst v1;
	v1 =	vadd.s32 v0, v2;
	v2 =	vld [tilespmem:$0x60]  }
0x23: {  	[tilespmem:$0x10] =	vst v1;
	v1 =	vadd.s32 v0, v3;
	v3 =	vld [tilespmem:$0x70]  }
0x24: {  	v49 =	vld [tilespmem:$0x80];
	[tilespmem:$0x20] =	vst v1;
	v1 =	vadd.s32 v0, v4  }
0x25: {  	v50 =	vld [tilespmem:$0x90];
	[tilespmem:$0x30] =	vst v1;
	v1 =	vadd.s32 v0, v5  }
0x26: {  	v51 =	vld [tilespmem:$0xA0];
	[tilespmem:$0x40] =	vst v1;
	v1 =	vadd.s32 v0, v6  }
0x27: {  	[tilespmem:$0x50] =	vst v1;
	v1 =	vadd.s32 v0, v2;
	v2 =	vld [tilespmem:$0xB0]  }
0x28: {  	[tilespmem:$0x60] =	vst v1;
	v1 =	vadd.s32 v0, v3;
	v3 =	vld [tilespmem:$0xC0]  }
0x29: {  	v52 =	vld [tilespmem:$0xD0];
	[tilespmem:$0x70] =	vst v1;
	v1 =	vadd.s32 v0, v49  }
0x2a: {  	v53 =	vld [tilespmem:$0xE0];
	[tilespmem:$0x80] =	vst v1;
	v1 =	vadd.s32 v0, v50  }
0x2b: {  	v54 =	vld [tilespmem:$0xF0];
	[tilespmem:$0x90] =	vst v1;
	v1 =	vadd.s32 v0, v51  }
0x2c: {  	[tilespmem:$0xA0] =	vst v1;
	v1 =	vadd.s32 v0, v2  }
0x2d: {  	[tilespmem:$0xB0] =	vst v1;
	v1 =	vadd.s32 v0, v3  }
0x2e: {  	[tilespmem:$0xC0] =	vst v1;
	v1 =	vadd.s32 v0, v52  }
0x2f: {  	[tilespmem:$0xD0] =	vst v1;
	v1 =	vadd.s32 v0, v53  }
0x30: {  	[tilespmem:$0xE0] =	vst v1;
	v1 =	vadd.s32 v0, v54  }
0x31: {  	[tilespmem:$0xF0] =	vst v1  }
0x32: {  	[tilespmem:s15], [sflag:$0x1] =	stream.indirect.gather [hbm4b:s2+s14], $0x80, s3, s14, $0xb8;
	[tilespmem:$0x10200] =	vst v63  }
0x33: {  	_ = 	snop  }
0x34: {  	[tilespmem:s16], [sflag:$0x1] =	stream.indirect.gather [hbm4b:s2+s14], $0x80, s14, s14, $0xb8;
	[tilespmem:$0x10200] =	vst v63  }
0x35: {  	_ = 	snop  }
0x36: {  	[tilespmem:s17], [sflag:$0x5] =	stream.linear.gather [hbm4b:s5+s3], $0x100, $0x38;
	[tilespmem:$0x10200] =	vst v63  }
0x37: {  	_ =	swait.ge [sflag:s13], $0x100  }
0x38: {  	[sflag:s13] =	ssyncset.done $0x0  }
0x39: {  	[sflag:s13] =	ssyncadd.s32 $0xFFFFFF00  }
0x3a: {  	v1 =	vld [tilespmem:$0x100]  }
0x3b: {  	v2 =	vld [tilespmem:$0x110]  }
0x3c: {  	v3 =	vld [tilespmem:$0x120]  }
0x3d: {  	v55 =	vld [tilespmem:$0x130]  }
0x3e: {  	v56 =	vld [tilespmem:$0x140]  }
0x3f: {  	v57 =	vld [tilespmem:$0x150];
	v1 =	vadd.s32 v0, v1  }
0x40: {  	[tilespmem:$0x100] =	vst v1;
	v1 =	vadd.s32 v0, v2;
	v2 =	vld [tilespmem:$0x160]  }
0x41: {  	[tilespmem:$0x110] =	vst v1;
	v1 =	vadd.s32 v0, v3;
	v3 =	vld [tilespmem:$0x170]  }
0x42: {  	v58 =	vld [tilespmem:$0x180];
	[tilespmem:$0x120] =	vst v1;
	v1 =	vadd.s32 v0, v55  }
0x43: {  	v59 =	vld [tilespmem:$0x190];
	[tilespmem:$0x130] =	vst v1;
	v1 =	vadd.s32 v0, v56  }
0x44: {  	v60 =	vld [tilespmem:$0x1A0];
	[tilespmem:$0x140] =	vst v1;
	v1 =	vadd.s32 v0, v57  }
0x45: {  	[tilespmem:$0x150] =	vst v1;
	v1 =	vadd.s32 v0, v2;
	v2 =	vld [tilespmem:$0x1B0]  }
0x46: {  	[tilespmem:$0x160] =	vst v1;
	v1 =	vadd.s32 v0, v3;
	v3 =	vld [tilespmem:$0x1C0]  }
0x47: {  	v61 =	vld [tilespmem:$0x1D0];
	[tilespmem:$0x170] =	vst v1;
	v1 =	vadd.s32 v0, v58  }
0x48: {  	v62 =	vld [tilespmem:$0x1E0];
	[tilespmem:$0x180] =	vst v1;
	v1 =	vadd.s32 v0, v59  }
0x49: {  	v63 =	vld [tilespmem:$0x1F0];
	[tilespmem:$0x190] =	vst v1;
	v1 =	vadd.s32 v0, v60  }
0x4a: {  	[tilespmem:$0x1A0] =	vst v1;
	v1 =	vadd.s32 v0, v2  }
0x4b: {  	[tilespmem:$0x1B0] =	vst v1;
	v1 =	vadd.s32 v0, v3  }
0x4c: {  	[tilespmem:$0x1C0] =	vst v1;
	v1 =	vadd.s32 v0, v61  }
0x4d: {  	[tilespmem:$0x1D0] =	vst v1;
	v1 =	vadd.s32 v0, v62  }
0x4e: {  	[tilespmem:$0x1E0] =	vst v1;
	v1 =	vadd.s32 v0, v63  }
0x4f: {  	[tilespmem:$0x1F0] =	vst v1  }
0x50: {  	[tilespmem:s18], [sflag:$0x2] =	stream.indirect.gather [hbm4b:s2+s14], $0x80, s17, s14, $0xb8;
	[tilespmem:$0x10200] =	vst v63  }
0x51: {  	s26 =	smov.u32 s12;
	s28 =	smov.u32 s11;
	s29 =	simm.s32 $0x0  }
0x52: {  	[tilespmem:s20], [sflag:$0x2] =	stream.indirect.gather [hbm4b:s2+s14], $0x80, s19, s14, $0xb8;
	[tilespmem:$0x10200] =	vst v63  }
.LBB2_2:
0x53: {  	_ =	swait.ge [sflag:s21], $0x4000  }
0x54: {  	[sflag:s21] =	ssyncset.done $0x0  }
0x55: {  	[sflag:s21] =	ssyncadd.s32 $0xFFFFC000  }
0x56: {  	_ =	swait.ge [sflag:s21], $0x4000  }
0x57: {  	[sflag:s21] =	ssyncset.done $0x0  }
0x58: {  	s30 =	sadd.s32 s29, s10;
	[sflag:s21] =	ssyncadd.s32 $0xFFFFC000  }
0x59: {  	[hbm4b:s30+s3] =	stream.linear.scatter [tilespmem:s15], [sflag:$0x3], $0x8000, $0x38;
	[tilespmem:$0x10200] =	vst v63  }
0x5a: {  	_ =	swait.ge [sflag:s22], $0x4000  }
0x5b: {  	[sflag:s22] =	ssyncset.done $0x0  }
0x5c: {  	[sflag:s22] =	ssyncadd.s32 $0xFFFFC000  }
0x5d: {  	_ =	swait.ge [sflag:s22], $0x4000  }
0x5e: {  	[sflag:s22] =	ssyncset.done $0x0  }
0x5f: {  	s31 =	sadd.s32 s29, s9;
	[sflag:s22] =	ssyncadd.s32 $0xFFFFC000  }
0x60: {  	[hbm4b:s31+s3] =	stream.linear.scatter [tilespmem:s18], [sflag:$0x4], $0x8000, $0x38;
	[tilespmem:$0x10200] =	vst v63  }
0x61: {  	_ = 	snop  }
0x62: {  	[tilespmem:s3], [sflag:$0x5] =	stream.linear.gather [hbm4b:s26+s3], $0x100, $0x38;
	[tilespmem:$0x10200] =	vst v63  }
0x63: {  	_ =	swait.ge [sflag:s13], $0x100  }
0x64: {  	[sflag:s13] =	ssyncset.done $0x0  }
0x65: {  	[sflag:s13] =	ssyncadd.s32 $0xFFFFFF00  }
0x66: {  	v1 =	vld [tilespmem:$0x0]  }
0x67: {  	v2 =	vld [tilespmem:$0x10]  }
0x68: {  	s31 =	sshrl.u32 s28, $0xD;
	v3 =	vld [tilespmem:$0x20]  }
0x69: {  	s30 =	smul.u32 $0x3E8, s31;
	v4 =	vld [tilespmem:$0x30]  }
0x6a: {  	v5 =	vld [tilespmem:$0x40]  }
0x6b: {  	v6 =	vld [tilespmem:$0x50];
	v1 =	vadd.s32 s30, v1  }
0x6c: {  	[tilespmem:$0x0] =	vst v1;
	v1 =	vadd.s32 s30, v2;
	v2 =	vld [tilespmem:$0x60]  }
0x6d: {  	[tilespmem:$0x10] =	vst v1;
	v1 =	vadd.s32 s30, v3;
	v3 =	vld [tilespmem:$0x70]  }
0x6e: {  	v49 =	vld [tilespmem:$0x80];
	[tilespmem:$0x20] =	vst v1;
	v1 =	vadd.s32 s30, v4  }
0x6f: {  	v50 =	vld [tilespmem:$0x90];
	[tilespmem:$0x30] =	vst v1;
	v1 =	vadd.s32 s30, v5  }
0x70: {  	v51 =	vld [tilespmem:$0xA0];
	[tilespmem:$0x40] =	vst v1;
	v1 =	vadd.s32 s30, v6  }
0x71: {  	[tilespmem:$0x50] =	vst v1;
	v1 =	vadd.s32 s30, v2;
	v2 =	vld [tilespmem:$0xB0]  }
0x72: {  	[tilespmem:$0x60] =	vst v1;
	v1 =	vadd.s32 s30, v3;
	v3 =	vld [tilespmem:$0xC0]  }
0x73: {  	v52 =	vld [tilespmem:$0xD0];
	[tilespmem:$0x70] =	vst v1;
	v1 =	vadd.s32 s30, v49  }
0x74: {  	v53 =	vld [tilespmem:$0xE0];
	[tilespmem:$0x80] =	vst v1;
	v1 =	vadd.s32 s30, v50  }
0x75: {  	v54 =	vld [tilespmem:$0xF0];
	[tilespmem:$0x90] =	vst v1;
	v1 =	vadd.s32 s30, v51  }
0x76: {  	[tilespmem:$0xA0] =	vst v1;
	v1 =	vadd.s32 s30, v2  }
0x77: {  	[tilespmem:$0xB0] =	vst v1;
	v1 =	vadd.s32 s30, v3  }
0x78: {  	[tilespmem:$0xC0] =	vst v1;
	v1 =	vadd.s32 s30, v52  }
0x79: {  	[tilespmem:$0xD0] =	vst v1;
	v1 =	vadd.s32 s30, v53  }
0x7a: {  	[tilespmem:$0xE0] =	vst v1;
	v1 =	vadd.s32 s30, v54  }
0x7b: {  	[tilespmem:$0xF0] =	vst v1  }
0x7c: {  	_ =	swait.ge [sflag:s23], $0x8000  }
0x7d: {  	[sflag:s23] =	ssyncset.done $0x0  }
0x7e: {  	[sflag:s23] =	ssyncadd.s32 $0xFFFF8000  }
0x7f: {  	[tilespmem:s15], [sflag:$0x1] =	stream.indirect.gather [hbm4b:s2+s14], $0x80, s3, s14, $0xb8;
	[tilespmem:$0x10200] =	vst v63  }
0x80: {  	_ = 	snop  }
0x81: {  	[tilespmem:s16], [sflag:$0x1] =	stream.indirect.gather [hbm4b:s2+s14], $0x80, s14, s14, $0xb8;
	[tilespmem:$0x10200] =	vst v63  }
0x82: {  	s31 =	sadd.s32 $0x20, s26  }
0x83: {  	[tilespmem:s17], [sflag:$0x5] =	stream.linear.gather [hbm4b:s31+s3], $0x100, $0x38;
	[tilespmem:$0x10200] =	vst v63  }
0x84: {  	_ =	swait.ge [sflag:s13], $0x100  }
0x85: {  	[sflag:s13] =	ssyncset.done $0x0  }
0x86: {  	[sflag:s13] =	ssyncadd.s32 $0xFFFFFF00  }
0x87: {  	v1 =	vld [tilespmem:$0x100]  }
0x88: {  	s31 =	sadd.s32 $0x100, s28;
	v2 =	vld [tilespmem:$0x110]  }
0x89: {  	s30 =	sshrl.u32 s31, $0xD;
	v3 =	vld [tilespmem:$0x120]  }
0x8a: {  	s30 =	smul.u32 $0x3E8, s30;
	v55 =	vld [tilespmem:$0x130]  }
0x8b: {  	v56 =	vld [tilespmem:$0x140]  }
0x8c: {  	v57 =	vld [tilespmem:$0x150];
	v1 =	vadd.s32 s30, v1  }
0x8d: {  	[tilespmem:$0x100] =	vst v1;
	v1 =	vadd.s32 s30, v2;
	v2 =	vld [tilespmem:$0x160]  }
0x8e: {  	[tilespmem:$0x110] =	vst v1;
	v1 =	vadd.s32 s30, v3;
	v3 =	vld [tilespmem:$0x170]  }
0x8f: {  	v58 =	vld [tilespmem:$0x180];
	[tilespmem:$0x120] =	vst v1;
	v1 =	vadd.s32 s30, v55  }
0x90: {  	v59 =	vld [tilespmem:$0x190];
	[tilespmem:$0x130] =	vst v1;
	v1 =	vadd.s32 s30, v56  }
0x91: {  	v60 =	vld [tilespmem:$0x1A0];
	[tilespmem:$0x140] =	vst v1;
	v1 =	vadd.s32 s30, v57  }
0x92: {  	[tilespmem:$0x150] =	vst v1;
	v1 =	vadd.s32 s30, v2;
	v2 =	vld [tilespmem:$0x1B0]  }
0x93: {  	[tilespmem:$0x160] =	vst v1;
	v1 =	vadd.s32 s30, v3;
	v3 =	vld [tilespmem:$0x1C0]  }
0x94: {  	v61 =	vld [tilespmem:$0x1D0];
	[tilespmem:$0x170] =	vst v1;
	v1 =	vadd.s32 s30, v58  }
0x95: {  	v62 =	vld [tilespmem:$0x1E0];
	[tilespmem:$0x180] =	vst v1;
	v1 =	vadd.s32 s30, v59  }
0x96: {  	v63 =	vld [tilespmem:$0x1F0];
	[tilespmem:$0x190] =	vst v1;
	v1 =	vadd.s32 s30, v60  }
0x97: {  	[tilespmem:$0x1A0] =	vst v1;
	v1 =	vadd.s32 s30, v2  }
0x98: {  	[tilespmem:$0x1B0] =	vst v1;
	v1 =	vadd.s32 s30, v3  }
0x99: {  	[tilespmem:$0x1C0] =	vst v1;
	v1 =	vadd.s32 s30, v61  }
0x9a: {  	[tilespmem:$0x1D0] =	vst v1;
	v1 =	vadd.s32 s30, v62  }
0x9b: {  	[tilespmem:$0x1E0] =	vst v1;
	v1 =	vadd.s32 s30, v63  }
0x9c: {  	[tilespmem:$0x1F0] =	vst v1  }
0x9d: {  	p0 =	sne.s32 s29, $0x16000;
	_ =	swait.ge [sflag:s24], $0x8000  }
.Ltmp0:
0x9e: {  	[sflag:s24] =	ssyncset.done $0x0;
	(pc) =	sbr.rel @p0 .LBB2_2-.Ltmp0, $4  }
0x9f: {  	[sflag:s24] =	ssyncadd.s32 $0xFFFF8000  }
0xa0: {  	[tilespmem:s18], [sflag:$0x2] =	stream.indirect.gather [hbm4b:s2+s14], $0x80, s17, s14, $0xb8;
	[tilespmem:$0x10200] =	vst v63  }
0xa1: {  	s29 =	sadd.s32 $0x2000, s29;
	s26 =	sadd.s32 $0x40, s26;
	s28 =	sadd.s32 $0x200, s28  }
0xa2: {  	[tilespmem:s20], [sflag:$0x2] =	stream.indirect.gather [hbm4b:s2+s14], $0x80, s19, s14, $0xb8;
	[tilespmem:$0x10200] =	vst v63  }
0xa3: {  	_ =	swait.ge [sflag:s21], $0x4000  }
0xa4: {  	[sflag:s21] =	ssyncset.done $0x0  }
0xa5: {  	[sflag:s21] =	ssyncadd.s32 $0xFFFFC000  }
0xa6: {  	_ =	swait.ge [sflag:s21], $0x4000  }
0xa7: {  	[sflag:s21] =	ssyncset.done $0x0  }
0xa8: {  	[sflag:s21] =	ssyncadd.s32 $0xFFFFC000  }
0xa9: {  	[hbm4b:s6+s3] =	stream.linear.scatter [tilespmem:s15], [sflag:$0x3], $0x8000, $0x38;
	[tilespmem:$0x10200] =	vst v63  }
0xaa: {  	_ =	swait.ge [sflag:s22], $0x4000  }
0xab: {  	[sflag:s22] =	ssyncset.done $0x0  }
0xac: {  	[sflag:s22] =	ssyncadd.s32 $0xFFFFC000  }
0xad: {  	_ =	swait.ge [sflag:s22], $0x4000  }
0xae: {  	[sflag:s22] =	ssyncset.done $0x0  }
0xaf: {  	s25 =	sadd.s32 $0x1, s25;
	[sflag:s22] =	ssyncadd.s32 $0xFFFFC000  }
0xb0: {  	[hbm4b:s7+s3] =	stream.linear.scatter [tilespmem:s18], [sflag:$0x4], $0x8000, $0x38;
	[tilespmem:$0x10200] =	vst v63  }
0xb1: {  	p0 =	sne.s32 s25, s8;
	_ =	swait.ge [sflag:s23], $0x8000  }
.Ltmp1:
0xb2: {  	[sflag:s23] =	ssyncset.done $0x0;
	(pc) =	sbr.rel @p0 .LBB2_1-.Ltmp1, $4  }
0xb3: {  	[sflag:s23] =	ssyncadd.s32 $0xFFFF8000  }
0xb4: {  	_ =	swait.ge [sflag:s24], $0x8000  }
0xb5: {  	[sflag:s24] =	ssyncset.done $0x0  }
0xb6: {  	[sflag:s24] =	ssyncadd.s32 $0xFFFF8000  }
0xb7: {  	_ =	sfence.sel $0x180000  }
0xb8: {  	[bflag:$0x0] =	sbarrier.arrive $0xFFFF  }
0xb9: {  	p0 =	sne.s32 s1, $0x0;
	_ =	strace $0x9000004D  }
0xba: {  	s0 =	sadd.s32 @!p0 $0x100000, s0;
	[bflag:$0x2] =	sbarrier.arrive $0xFFFF  }
0xbb: {  	[sflag:s0] =	ssyncadd.tile.s32 @!p0 $0x1;
	_ =	shalt  }
.Lfunc_end2:
_tile_overlayer_lowered:
.L_overlay_start_2:
0xbc: {  	(tag) =	ssettag $0x2  }
0xbd: {  	s0 =	rddreg [dreg:$0x0];
	s2 =	stileid.u32  }
0xbe: {  	s1 =	rddreg [dreg:$0x1];
	p0 =	sne.s32 s2, $0x0  }
0xbf: {  	s3 =	rddreg [dreg:$0x2];
	[bflag:$0x3] =	sbarrier.arrive $0xFFFF;
	s2 =	simm.s32 @!p0 $0x1C05  }
0xc0: {  	[timem:s3], [sflag:s2] =	dma.local @!p0 [hbm:s0], s1  }
0xc1: {  	s0 =	simm.s32 @!p0 $0x5  }
0xc2: {  	_ =	swait.ge @!p0 [sflag:s0], s1  }
0xc3: {  	s1 =	ssub.s32 @!p0 $0x0, s1;
	[sflag:s0] =	ssyncset.done @!p0 $0x0  }
0xc4: {  	[sflag:s0] =	ssyncadd.s32 @!p0 s1  }
0xc5: {  	[bflag:$0x3] =	sbarrier.arrive $0xFFFF  }
0xc6: {  	_ =	shalt  }

// kernel: kernel.7.cloned.1.call-start
scs
__scs_entry_jumppad:
0x0: {  	(pc) =	sbr.rel $0x88, $3  }
0x1: {  	(tag) =	ssettag $0x0;
	lr =	simm.s32 $0x1  }
0x2: {  	[smem:$0x3F8F] =	sst lr;
	_ =	strace $0xD0000000  }
0x3: {  	_ = 	snop  }
0x4: {  	_ = 	snop  }
0x5: {  	_ = 	snop  }
0x6: {  	_ = 	snop  }
0x7: {  	_ = 	snop  }
__scs_overlays_trampoline_lowered:
0x8: {  	[smem:$0x3F9E] =	sst s0  }
0x9: {  	[smem:$0x3F9F] =	sst s1  }
0xa: {  	[smem:$0x3FA0] =	sst s2  }
0xb: {  	[smem:$0x3FA1] =	sst s3  }
0xc: {  	[smem:$0x3FA2] =	sst s4  }
0xd: {  	[smem:$0x3FA3] =	sst s5  }
0xe: {  	[smem:$0x3FA4] =	sst s6  }
0xf: {  	[smem:$0x3FA5] =	sst s7  }
0x10: {  	[smem:$0x3FA6] =	sst s8  }
0x11: {  	[smem:$0x3FA7] =	sst s9;
	s0 =	simm.s32 @!p0 $0x0  }
0x12: {  	s1 =	sld [smem:$0x3F8D];
	s0 =	simm.s32 @p0 $0x1  }
0x13: {  	[smem:$0x3FA8] =	sst s0;
	s0 =	simm.s32 @!p1 $0x0  }
0x14: {  	s2 =	sld [smem:$0x3F8C];
	s0 =	simm.s32 @p1 $0x1  }
0x15: {  	[smem:$0x3FA9] =	sst s0;
	s0 =	simm.s32 @!p2 $0x0  }
0x16: {  	s3 =	sld [smem:$0x3FDB];
	s0 =	simm.s32 @p2 $0x1  }
0x17: {  	s4 =	simm.s32 $0x1BF5;
	[smem:$0x3FAB] =	sst s0  }
0x18: {  	s0 =	sld [smem:$0x3F8E];
	_ =	swait.ge [sflag:s4], $0x0  }
0x19: {  	s7 =	sld [smem:$0x3F8F]  }
0x1a: {  	s8 =	sadd.s32 $0xFFFFE003, lr  }
0x1b: {  	s9 =	sadd.s32 $0xFFFFFEF7, lr;
	s5 =	simm.s32 $0xFFFFFFFF;
	p2 =	slt.u32 s8, $0xFFFFF086  }
0x1c: {  	p1 =	slt.u32 s9, $0xF7A;
	s5 =	simm.s32 @!p2 $0x0  }
0x1d: {  	s5 =	simm.s32 @p1 $0x1;
	p0 =	seq.s32 s7, s2  }
0x1e: {  	s7 =	smul.u32 @!p0 $0xF7A, s2;
	p2 =	seq.s32 @!p0 s5, $0x0  }
0x1f: {  	s9 =	smul.u32 $0xF7A, s1;
	s8 =	simm.s32 @!p0 $0x1BF5;
	p2 =	por !p2, p0  }
0x20: {  	[sflag:s8] =	ssyncset.s32 @!p0 $0xFFFFF086;
	s6 =	sadd.s32 @!p0 s3, s7;
	s7 =	simm.s32 @!p0 $0x108  }
0x21: {  	s3 =	sadd.s32 s3, s9;
	s6 =	sadd.s32 @!p0 $0x88, s6;
	s7 =	simm.s32 @p2 $0x1082  }
0x22: {  	[simem:s7], [sflag:s8] =	dma.local @!p0 [hbm:s6], $0xF7A  }
0x23: {  	s9 =	sor.u32 $0xD0000000, s2;
	s6 =	simm.s32 $0x108;
	_ =	swait.ge @!p0 [sflag:s8], $0x0  }
0x24: {  	s3 =	sadd.s32 $0x88, s3;
	s6 =	simm.s32 @!p1 $0x1082;
	[sflag:s4] =	ssyncset.s32 $0xFFFFF086  }
0x25: {  	[simem:s6], [sflag:s4] =	dma.local [hbm:s3], $0xF7A  }
0x26: {  	[smem:$0x3F8F] =	sst s1;
	(tag) =	ssettag s2;
	_ =	strace s9  }
0x27: {  	s1 =	sld [smem:$0x3F9F]  }
0x28: {  	s2 =	sld [smem:$0x3FA0]  }
0x29: {  	s4 =	sld [smem:$0x3FA2]  }
0x2a: {  	p0 =	seq.s32 s5, $0x0;
	s5 =	sld [smem:$0x3FA3]  }
0x2b: {  	s6 =	sld [smem:$0x3FA4]  }
0x2c: {  	s7 =	sld [smem:$0x3FA5]  }
0x2d: {  	s3 =	simm.s32 $0x108;
	s8 =	sld [smem:$0x3FA6]  }
0x2e: {  	s3 =	simm.s32 @!p0 $0x1082;
	s9 =	sld [smem:$0x3FA7]  }
0x2f: {  	lr =	sadd.s32 s0, s3;
	s0 =	sld [smem:$0x3F9E]  }
0x30: {  	s3 =	sld [smem:$0x3FA1]  }
0x31: {  	[smem:$0x3FAA] =	sst s10  }
0x32: {  	s10 =	sld [smem:$0x3FA8];
	_ =	sdelay $0x3  }
0x33: {  	p0 =	seq.s32 s10, $0x1;
	s10 =	sld [smem:$0x3FAA];
	_ =	sdelay $0x3  }
0x34: {  	[smem:$0x3FAA] =	sst s10  }
0x35: {  	s10 =	sld [smem:$0x3FA9];
	_ =	sdelay $0x3  }
0x36: {  	p1 =	seq.s32 s10, $0x1;
	s10 =	sld [smem:$0x3FAA];
	_ =	sdelay $0x3  }
0x37: {  	[smem:$0x3FAA] =	sst s10  }
0x38: {  	s10 =	sld [smem:$0x3FAB]  }
0x39: {  	_ = 	snop;
	(pc) =	sbr.ind lr, $3  }
0x3a: {  	_ = 	snop  }
0x3b: {  	_ = 	snop  }
0x3c: {  	p2 =	seq.s32 s10, $0x1;
	s10 =	sld [smem:$0x3FAA]  }
0x3d: {  	_ =	shalt  }
0x3e: {  	_ =	shalt  }
0x3f: {  	_ =	shalt  }
0x40: {  	_ =	shalt  }
0x41: {  	_ =	shalt  }
0x42: {  	_ =	shalt  }
0x43: {  	_ =	shalt  }
0x44: {  	_ =	shalt  }
0x45: {  	_ =	shalt  }
0x46: {  	_ =	shalt  }
0x47: {  	_ =	shalt  }
0x48: {  	_ =	shalt  }
0x49: {  	_ =	shalt  }
0x4a: {  	_ =	shalt  }
0x4b: {  	_ =	shalt  }
0x4c: {  	_ =	shalt  }
0x4d: {  	_ =	shalt  }
0x4e: {  	_ =	shalt  }
0x4f: {  	_ =	shalt  }
0x50: {  	_ =	shalt  }
0x51: {  	_ =	shalt  }
0x52: {  	_ =	shalt  }
0x53: {  	_ =	shalt  }
0x54: {  	_ =	shalt  }
0x55: {  	_ =	shalt  }
0x56: {  	_ =	shalt  }
0x57: {  	_ =	shalt  }
0x58: {  	_ =	shalt  }
0x59: {  	_ =	shalt  }
0x5a: {  	_ =	shalt  }
0x5b: {  	_ =	shalt  }
0x5c: {  	_ =	shalt  }
0x5d: {  	_ =	shalt  }
0x5e: {  	_ =	shalt  }
0x5f: {  	_ =	shalt  }
0x60: {  	_ =	shalt  }
0x61: {  	_ =	shalt  }
0x62: {  	_ =	shalt  }
0x63: {  	_ =	shalt  }
0x64: {  	_ =	shalt  }
0x65: {  	_ =	shalt  }
0x66: {  	_ =	shalt  }
0x67: {  	_ =	shalt  }
0x68: {  	_ =	shalt  }
0x69: {  	_ =	shalt  }
0x6a: {  	_ =	shalt  }
0x6b: {  	_ =	shalt  }
0x6c: {  	_ =	shalt  }
0x6d: {  	_ =	shalt  }
0x6e: {  	_ =	shalt  }
0x6f: {  	_ =	shalt  }
0x70: {  	_ =	shalt  }
0x71: {  	_ =	shalt  }
0x72: {  	_ =	shalt  }
0x73: {  	_ =	shalt  }
0x74: {  	_ =	shalt  }
0x75: {  	_ =	shalt  }
0x76: {  	_ =	shalt  }
0x77: {  	_ =	shalt  }
0x78: {  	_ =	shalt  }
0x79: {  	_ =	shalt  }
0x7a: {  	_ =	shalt  }
0x7b: {  	_ =	shalt  }
0x7c: {  	_ =	shalt  }
0x7d: {  	_ =	shalt  }
0x7e: {  	_ =	shalt  }
0x7f: {  	_ =	shalt  }
0x80: {  	_ =	shalt  }
0x81: {  	_ =	shalt  }
0x82: {  	_ =	shalt  }
0x83: {  	_ =	shalt  }
0x84: {  	_ =	shalt  }
0x85: {  	_ =	shalt  }
0x86: {  	_ =	shalt  }
0x87: {  	_ =	shalt  }
.Lfunc_end0:
.L_simem_size_0:
called_computation_lowered:
.L_overlay_start_0:
0x88: {  	s2 =	sld [smem:$0x3FD9]  }
0x89: {  	s3 =	sld [smem:$0x3FFE];
	_ =	sdelay $0x1  }
0x8a: {  	s1 =	srdreg.scid  }
0x8b: {  	s0 =	sand.u32 $0x1, s1  }
0x8c: {  	s14 =	sshll.u32 s0, $0xA;
	s2 =	sadd.s32 s3, s2  }
0x8d: {  	s2 =	sadd.s32 s2, s14  }
0x8e: {  	[smem:$0x3FB6] =	sst s2  }
0x8f: {  	_ = 	snop  }
0x90: {  	s2 =	sld [smem:$0x3FD0];
	_ =	sdelay $0x2  }
0x91: {  	s15 =	simm.s32 $0xC;
	s4 =	simm.s32 $0x10  }
0x92: {  	[smem:s4], [sflag:s15] =	dma.local [hbm:s2], $0x1  }
0x93: {  	_ =	swait.eq [sflag:s15], $0x1  }
0x94: {  	[sflag:s15] =	ssyncset.done $0x0  }
0x95: {  	[sflag:s15] =	ssyncadd.s32 $0xFFFFFFFF  }
0x96: {  	s16 =	sld [smem:$0x11];
	(tm) =	ssettm $0x1  }
0x97: {  	s17 =	sld [smem:$0x3FFB];
	_ =	sdelay $0x3  }
0x98: {  	_ =	strace s17  }
0x99: {  	s3 =	sld [smem:$0x3FFC];
	_ =	sdelay $0x3  }
0x9a: {  	_ =	strace s3  }
0x9b: {  	s3 =	sld [smem:$0x3FFD];
	_ =	sdelay $0x3  }
0x9c: {  	_ =	strace s3  }
0x9d: {  	_ =	strace $0x8FFFFFFF  }
0x9e: {  	s18 =	sld [smem:$0x3FDB];
	_ =	sdelay $0x1  }
0x9f: {  	s19 =	simm.s32 $_scs_section_size  }
0xa0: {  	s5 =	simm.s32 $_size__tile_overlayer_lowered;
	s6 =	simm.s32 $_tile_overlayer_lowered  }
0xa1: {  	s22 =	simm.s32 $0x1BFF;
	s21 =	sshll.u32 s6, $0x1;
	s3 =	sadd.s32 s19, s18  }
0xa2: {  	s7 =	simm.s32 $0x0;
	s20 =	sshll.u32 s5, $0x1;
	s5 =	sadd.s32 s21, s3  }
0xa3: {  	[timem:s7], [sflag:s22] =	dma.local [hbm:s5], s20  }
0xa4: {  	_ =	swait.ge [sflag:s22], s20  }
0xa5: {  	s4 =	ssub.s32 $0x0, s20;
	[sflag:s22] =	ssyncset.done $0x0  }
0xa6: {  	[sflag:s22] =	ssyncadd.s32 s4;
	_ =	sdelay $0x1  }
0xa7: {  	s23 =	simm.s32 $0x1B8B  }
0xa8: {  	_ =	swait.ge [sflag:s23], $0x1  }
0xa9: {  	[sflag:s23] =	ssyncset.done $0x0  }
0xaa: {  	s25 =	simm.s32 $0x1B8E;
	s24 =	sld [smem:$0x3FFE];
	[sflag:s23] =	ssyncadd.s32 $0xFFFFFFFF  }
0xab: {  	s26 =	simm.s32 $execute0_lowered;
	[smem:$0x3FD2] =	sst s25  }
0xac: {  	s5 =	sshll.u32 s26, $0x1;
	_ =	strace $0x80000046;
	[dreg:$0x1] =	wrdreg $0xFFFFFFFF  }
0xad: {  	s28 =	simm.s32 $_size_execute0_lowered;
	s3 =	sadd.s32 s3, s5;
	[dreg:$0x0] =	wrdreg $0x0  }
0xae: {  	s5 =	sshll.u32 s28, $0x1;
	[dreg:$0x2] =	wrdreg s3  }
0xaf: {  	[dreg:$0x3] =	wrdreg s5  }
0xb0: {  	[dreg:$0x4] =	wrdreg $0xC0  }
0xb1: {  	_ =	task [dreg:s7], $0x5FFFF  }
0xb2: {  	[dreg:$0x1] =	wrdreg $0xFFFFFFFF  }
0xb3: {  	[dreg:$0x0] =	wrdreg $0x60  }
0xb4: {  	[dreg:$0x2] =	wrdreg s24  }
0xb5: {  	[dreg:$0x3] =	wrdreg s16  }
0xb6: {  	[dreg:$0x4] =	wrdreg $0x9  }
0xb7: {  	_ =	task.clear_ibuf [dreg:s7], $0x5FFFF;
	_ =	strace $0x90000046  }
0xb8: {  	s29 =	simm.s32 $0x9;
	_ =	strace $0x80000048  }
0xb9: {  	_ =	swait.ge [sflag:s29], $0x1  }
0xba: {  	[sflag:s29] =	ssyncadd.s32 $0xFFFFFFFF  }
0xbb: {  	_ =	strace $0x90000048  }
0xbc: {  	_ =	sfence  }
0xbd: {  	s30 =	sld [smem:$0x0];
	_ =	sdelay $0x2  }
0xbe: {  	s31 =	sshll.u32 s1, $0xD;
	s1 =	sshrl.u32 s1, $0x2  }
0xbf: {  	s3 =	sand.u32 $0x4000, s31;
	s1 =	sadd.s32 s1, s30  }
0xc0: {  	s0 =	sor.u32 s3, s0;
	s1 =	sshll.u32 s1, $0x11  }
0xc1: {  	s0 =	sor.u32 s1, s0  }
0xc2: {  	s0 =	sadd.s32 $0x8F2B, s0  }
0xc3: {  	[sflag:s0] =	ssyncadd.remote.s32 $0x1  }
0xc4: {  	_ =	sfence.sel $0xFFFF  }
0xc5: {  	[dreg:$0x0] =	wrdreg $0xFFFFFFFF;
	(pc) =	sbr.abs _section_cstart, $3  }
0xc6: {  	[dreg:$0x1] =	wrdreg $0xFFFFFFFF  }
0xc7: {  	_ =	task.clear_ibuf [dreg:s7], $0x2FFFF;
	_ =	strace $0x9FFFFFFF  }
0xc8: {  	(tm) =	ssettm $0x7FFFFFFF  }
0xc9: {  	_ =	shalt  }
tec
execute0_lowered:
.L_overlay_start_1:
0x0: {  	(tag) =	ssettag $0x1  }
0x1: {  	s5 =	rddreg [dreg:$0x0]  }
0x2: {  	s1 =	rddreg [dreg:$0x1];
	s2 =	srdreg.scid  }
0x3: {  	s0 =	rddreg [dreg:$0x2];
	s6 =	sand.u32 $0x1, s2  }
0x4: {  	s3 =	simm.s32 $0x0;
	s2 =	stileid.u32;
	s4 =	smul.u32 $0x34000, s6  }
0x5: {  	s12 =	simm.s32 $0x400;
	s13 =	simm.s32 $0x6800;
	s7 =	smul.u32 $0x3400, s2  }
0x6: {  	s14 =	simm.s32 $0x0;
	s29 =	ssub.s32 $0x2, s6;
	s8 =	smul.u32 $0x1A0000, s6  }
0x7: {  	[smem:$0x7FF] =	sst s3;
	s10 =	smul.u32 $0x1A000, s2;
	s9 =	sshrl.u32 s29, $0x1  }
0x8: {  	_ =	strace $0x80000047;
	s4 =	sadd.s32 s7, s4;
	s31 =	ssub.s32 s29, s9  }
0x9: {  	s7 =	sadd.s32 s10, s8;
	s9 =	simm.s32 $0x1;
	s30 =	sshrl.u32 s4, $0x3  }
0xa: {  	s10 =	simm.s32 $0x6600;
	s6 =	smax.u32 s31, $0x1;
	s11 =	sadd.s32 s30, s5  }
0xb: {  	s5 =	sadd.s32 $0xFE00, s5;
	s8 =	sadd.s32 $0x2E00, s11;
	s11 =	simm.s32 $0x80  }
.LBB2_1:
0xc: {  	[tilespmem:s3], [sflag:$0x1] =	stream.linear.gather [hbm4b:s5+s3], $0x6600, $0x38;
	[tilespmem:$0x6A00] =	vst v63  }
0xd: {  	_ =	swait.ge [sflag:s9], $0x6600  }
0xe: {  	[sflag:s9] =	ssyncset.done $0x0  }
0xf: {  	s15 =	sadd.s32 $0x0, s8;
	[sflag:s9] =	ssyncadd.s32 $0xFFFF9A00  }
0x10: {  	[tilespmem:s10], [sflag:$0x1] =	stream.linear.gather [hbm4b:s15+s3], $0x200, $0x38;
	[tilespmem:$0x6A00] =	vst v63  }
0x11: {  	_ =	swait.ge [sflag:s9], $0x200  }
0x12: {  	[sflag:s9] =	ssyncset.done $0x0  }
0x13: {  	[sflag:s9] =	ssyncadd.s32 $0xFFFFFE00  }
0x14: {  	v0 =	vld [tilespmem:$0x6600];
	_ =	sdelay $0x1  }
0x15: {  	s29 =	sshrl.u32 s4, $0xE  }
0x16: {  	s15 =	smul.u32 $0x3E8, s29;
	_ =	sdelay $0x1  }
0x17: {  	v0 =	vadd.s32 s15, v0  }
0x18: {  	v1 =	vld [tilespmem:$0x6610];
	_ =	sdelay $0x3  }
0x19: {  	v0 =	vld.idx.msk [tilespmem:v0+s3+$0x0], $0xffff  }
0x1a: {  	v1 =	vadd.s32 s15, v1  }
0x1b: {  	v2 =	vld [tilespmem:$0x6620];
	_ =	sdelay $0x2  }
0x1c: {  	[tilespmem:$0x6800] =	vst v0  }
0x1d: {  	v0 =	vld.idx.msk [tilespmem:v1+s3+$0x0], $0xffff  }
0x1e: {  	v5 =	vadd.s32 s15, v2  }
0x1f: {  	v6 =	vld [tilespmem:$0x6630];
	_ =	sdelay $0x2  }
0x20: {  	[tilespmem:$0x6810] =	vst v0  }
0x21: {  	v0 =	vld.idx.msk [tilespmem:v5+s3+$0x0], $0xffff  }
0x22: {  	v7 =	vadd.s32 s15, v6  }
0x23: {  	v8 =	vld [tilespmem:$0x6640];
	_ =	sdelay $0x2  }
0x24: {  	[tilespmem:$0x6820] =	vst v0  }
0x25: {  	v0 =	vld.idx.msk [tilespmem:v7+s3+$0x0], $0xffff  }
0x26: {  	v9 =	vadd.s32 s15, v8  }
0x27: {  	v10 =	vld [tilespmem:$0x6650];
	_ =	sdelay $0x2  }
0x28: {  	[tilespmem:$0x6830] =	vst v0  }
0x29: {  	v0 =	vld.idx.msk [tilespmem:v9+s3+$0x0], $0xffff  }
0x2a: {  	v11 =	vadd.s32 s15, v10  }
0x2b: {  	v12 =	vld [tilespmem:$0x6660];
	_ =	sdelay $0x2  }
0x2c: {  	[tilespmem:$0x6840] =	vst v0  }
0x2d: {  	v0 =	vld.idx.msk [tilespmem:v11+s3+$0x0], $0xffff  }
0x2e: {  	v13 =	vadd.s32 s15, v12  }
0x2f: {  	v14 =	vld [tilespmem:$0x6670];
	_ =	sdelay $0x2  }
0x30: {  	[tilespmem:$0x6850] =	vst v0  }
0x31: {  	v0 =	vld.idx.msk [tilespmem:v13+s3+$0x0], $0xffff  }
0x32: {  	v15 =	vadd.s32 s15, v14  }
0x33: {  	v16 =	vld [tilespmem:$0x6680];
	_ =	sdelay $0x2  }
0x34: {  	[tilespmem:$0x6860] =	vst v0  }
0x35: {  	v0 =	vld.idx.msk [tilespmem:v15+s3+$0x0], $0xffff  }
0x36: {  	v17 =	vadd.s32 s15, v16  }
0x37: {  	v18 =	vld [tilespmem:$0x6690];
	_ =	sdelay $0x2  }
0x38: {  	[tilespmem:$0x6870] =	vst v0  }
0x39: {  	v0 =	vld.idx.msk [tilespmem:v17+s3+$0x0], $0xffff  }
0x3a: {  	v19 =	vadd.s32 s15, v18  }
0x3b: {  	v20 =	vld [tilespmem:$0x66A0];
	_ =	sdelay $0x2  }
0x3c: {  	[tilespmem:$0x6880] =	vst v0  }
0x3d: {  	v0 =	vld.idx.msk [tilespmem:v19+s3+$0x0], $0xffff  }
0x3e: {  	v21 =	vadd.s32 s15, v20  }
0x3f: {  	v22 =	vld [tilespmem:$0x66B0];
	_ =	sdelay $0x2  }
0x40: {  	[tilespmem:$0x6890] =	vst v0  }
0x41: {  	v0 =	vld.idx.msk [tilespmem:v21+s3+$0x0], $0xffff  }
0x42: {  	v23 =	vadd.s32 s15, v22  }
0x43: {  	v24 =	vld [tilespmem:$0x66C0];
	_ =	sdelay $0x2  }
0x44: {  	[tilespmem:$0x68A0] =	vst v0  }
0x45: {  	v0 =	vld.idx.msk [tilespmem:v23+s3+$0x0], $0xffff  }
0x46: {  	v25 =	vadd.s32 s15, v24  }
0x47: {  	v26 =	vld [tilespmem:$0x66D0];
	_ =	sdelay $0x2  }
0x48: {  	[tilespmem:$0x68B0] =	vst v0  }
0x49: {  	v0 =	vld.idx.msk [tilespmem:v25+s3+$0x0], $0xffff  }
0x4a: {  	v27 =	vadd.s32 s15, v26  }
0x4b: {  	v28 =	vld [tilespmem:$0x66E0];
	_ =	sdelay $0x2  }
0x4c: {  	[tilespmem:$0x68C0] =	vst v0  }
0x4d: {  	v0 =	vld.idx.msk [tilespmem:v27+s3+$0x0], $0xffff  }
0x4e: {  	v29 =	vadd.s32 s15, v28  }
0x4f: {  	v30 =	vld [tilespmem:$0x66F0];
	_ =	sdelay $0x2  }
0x50: {  	[tilespmem:$0x68D0] =	vst v0  }
0x51: {  	v0 =	vld.idx.msk [tilespmem:v29+s3+$0x0], $0xffff  }
0x52: {  	v31 =	vadd.s32 s15, v30  }
0x53: {  	v32 =	vld [tilespmem:$0x6700];
	_ =	sdelay $0x2  }
0x54: {  	[tilespmem:$0x68E0] =	vst v0  }
0x55: {  	v0 =	vld.idx.msk [tilespmem:v31+s3+$0x0], $0xffff  }
0x56: {  	v33 =	vadd.s32 s15, v32  }
0x57: {  	v34 =	vld [tilespmem:$0x6710];
	_ =	sdelay $0x2  }
0x58: {  	[tilespmem:$0x68F0] =	vst v0  }
0x59: {  	v0 =	vld.idx.msk [tilespmem:v33+s3+$0x0], $0xffff  }
0x5a: {  	v35 =	vadd.s32 s15, v34  }
0x5b: {  	v36 =	vld [tilespmem:$0x6720];
	_ =	sdelay $0x2  }
0x5c: {  	[tilespmem:$0x6900] =	vst v0  }
0x5d: {  	v0 =	vld.idx.msk [tilespmem:v35+s3+$0x0], $0xffff  }
0x5e: {  	v37 =	vadd.s32 s15, v36  }
0x5f: {  	v38 =	vld [tilespmem:$0x6730];
	_ =	sdelay $0x2  }
0x60: {  	[tilespmem:$0x6910] =	vst v0  }
0x61: {  	v0 =	vld.idx.msk [tilespmem:v37+s3+$0x0], $0xffff  }
0x62: {  	v39 =	vadd.s32 s15, v38  }
0x63: {  	v40 =	vld [tilespmem:$0x6740];
	_ =	sdelay $0x2  }
0x64: {  	[tilespmem:$0x6920] =	vst v0  }
0x65: {  	v0 =	vld.idx.msk [tilespmem:v39+s3+$0x0], $0xffff  }
0x66: {  	v41 =	vadd.s32 s15, v40  }
0x67: {  	v42 =	vld [tilespmem:$0x6750];
	_ =	sdelay $0x2  }
0x68: {  	[tilespmem:$0x6930] =	vst v0  }
0x69: {  	v0 =	vld.idx.msk [tilespmem:v41+s3+$0x0], $0xffff  }
0x6a: {  	v43 =	vadd.s32 s15, v42  }
0x6b: {  	v44 =	vld [tilespmem:$0x6760];
	_ =	sdelay $0x2  }
0x6c: {  	[tilespmem:$0x6940] =	vst v0  }
0x6d: {  	v0 =	vld.idx.msk [tilespmem:v43+s3+$0x0], $0xffff  }
0x6e: {  	v45 =	vadd.s32 s15, v44  }
0x6f: {  	v46 =	vld [tilespmem:$0x6770];
	_ =	sdelay $0x2  }
0x70: {  	[tilespmem:$0x6950] =	vst v0  }
0x71: {  	v0 =	vld.idx.msk [tilespmem:v45+s3+$0x0], $0xffff  }
0x72: {  	v47 =	vadd.s32 s15, v46  }
0x73: {  	v48 =	vld [tilespmem:$0x6780];
	_ =	sdelay $0x2  }
0x74: {  	[tilespmem:$0x6960] =	vst v0  }
0x75: {  	v0 =	vld.idx.msk [tilespmem:v47+s3+$0x0], $0xffff  }
0x76: {  	v49 =	vadd.s32 s15, v48  }
0x77: {  	v50 =	vld [tilespmem:$0x6790];
	_ =	sdelay $0x2  }
0x78: {  	[tilespmem:$0x6970] =	vst v0  }
0x79: {  	v0 =	vld.idx.msk [tilespmem:v49+s3+$0x0], $0xffff  }
0x7a: {  	v51 =	vadd.s32 s15, v50  }
0x7b: {  	v52 =	vld [tilespmem:$0x67A0];
	_ =	sdelay $0x2  }
0x7c: {  	[tilespmem:$0x6980] =	vst v0  }
0x7d: {  	v0 =	vld.idx.msk [tilespmem:v51+s3+$0x0], $0xffff  }
0x7e: {  	v53 =	vadd.s32 s15, v52  }
0x7f: {  	v54 =	vld [tilespmem:$0x67B0];
	_ =	sdelay $0x2  }
0x80: {  	[tilespmem:$0x6990] =	vst v0  }
0x81: {  	v0 =	vld.idx.msk [tilespmem:v53+s3+$0x0], $0xffff  }
0x82: {  	v55 =	vadd.s32 s15, v54  }
0x83: {  	v56 =	vld [tilespmem:$0x67C0];
	_ =	sdelay $0x2  }
0x84: {  	[tilespmem:$0x69A0] =	vst v0  }
0x85: {  	v0 =	vld.idx.msk [tilespmem:v55+s3+$0x0], $0xffff  }
0x86: {  	v57 =	vadd.s32 s15, v56  }
0x87: {  	v58 =	vld [tilespmem:$0x67D0];
	_ =	sdelay $0x2  }
0x88: {  	[tilespmem:$0x69B0] =	vst v0  }
0x89: {  	v0 =	vld.idx.msk [tilespmem:v57+s3+$0x0], $0xffff  }
0x8a: {  	v59 =	vadd.s32 s15, v58  }
0x8b: {  	v60 =	vld [tilespmem:$0x67E0];
	_ =	sdelay $0x2  }
0x8c: {  	[tilespmem:$0x69C0] =	vst v0  }
0x8d: {  	v0 =	vld.idx.msk [tilespmem:v59+s3+$0x0], $0xffff  }
0x8e: {  	v61 =	vadd.s32 s15, v60  }
0x8f: {  	v62 =	vld [tilespmem:$0x67F0];
	_ =	sdelay $0x2  }
0x90: {  	[tilespmem:$0x69D0] =	vst v0  }
0x91: {  	v0 =	vld.idx.msk [tilespmem:v61+s3+$0x0], $0xffff  }
0x92: {  	v63 =	vadd.s32 s15, v62;
	_ =	sdelay $0x3  }
0x93: {  	[tilespmem:$0x69E0] =	vst v0  }
0x94: {  	v0 =	vld.idx.msk [tilespmem:v63+s3+$0x0], $0xffff  }
0x95: {  	s30 =	sand.u32 $0xE0000, s4;
	s16 =	sand.u32 $0x1F000, s7;
	s17 =	sshrl.u32 s4, $0x7  }
0x96: {  	s31 =	sand.u32 $0x380, s17;
	s15 =	sor.u32 s30, s16  }
0x97: {  	s15 =	sor.u32 s31, s15  }
0x98: {  	s15 =	sshrl.u32 s15, $0x3  }
0x99: {  	s15 =	sadd.s32 s1, s15;
	[tilespmem:$0x69F0] =	vst v0  }
0x9a: {  	[hbm4b:s15+s11] =	stream.strided.scatter [tilespmem:s13], [sflag:$0x1], $0x200, s12, s11, $0x38;
	[tilespmem:$0x6A00] =	vst v63  }
0x9b: {  	s19 =	simm.s32 $0x80;
	s17 =	simm.s32 $0x40;
	_ =	swait.ge [sflag:s9], $0x200  }
0x9c: {  	s16 =	sadd.s32 $0x1000, s7;
	s15 =	sadd.s32 $0x200, s4;
	[sflag:s9] =	ssyncset.done $0x0  }
.LBB2_2:
0x9d: {  	s20 =	sadd.s32 s17, s8  }
0x9e: {  	[sflag:s9] =	ssyncadd.s32 $0xFFFFFE00;
	s17 =	smov.u32 s19;
	s18 =	sadd.s32 $0x40, s19  }
0x9f: {  	[tilespmem:s10], [sflag:$0x1] =	stream.linear.gather [hbm4b:s20+s3], $0x200, $0x38;
	[tilespmem:$0x6A00] =	vst v63  }
0xa0: {  	p0 =	sne.s32 s19, $0x640;
	_ =	swait.ge [sflag:s9], $0x200  }
0xa1: {  	[sflag:s9] =	ssyncset.done $0x0  }
0xa2: {  	[sflag:s9] =	ssyncadd.s32 $0xFFFFFE00  }
0xa3: {  	v0 =	vld [tilespmem:$0x6600]  }
0xa4: {  	v1 =	vld [tilespmem:$0x6610]  }
0xa5: {  	s19 =	sshrl.u32 s15, $0xE;
	v2 =	vld [tilespmem:$0x6620]  }
0xa6: {  	s19 =	smul.u32 $0x3E8, s19;
	v3 =	vld [tilespmem:$0x6630]  }
0xa7: {  	v19 =	vld [tilespmem:$0x6640]  }
0xa8: {  	v0 =	vadd.s32 s19, v0;
	v20 =	vld [tilespmem:$0x6650]  }
0xa9: {  	v21 =	vld [tilespmem:$0x6660]  }
0xaa: {  	v22 =	vld [tilespmem:$0x6670]  }
0xab: {  	v23 =	vld [tilespmem:$0x6680]  }
0xac: {  	v24 =	vld [tilespmem:$0x6690]  }
0xad: {  	v0 =	vld.idx.msk [tilespmem:v0+s3+$0x0], $0xffff  }
0xae: {  	v25 =	vld [tilespmem:$0x66A0]  }
0xaf: {  	v1 =	vadd.s32 s19, v1;
	v26 =	vld [tilespmem:$0x66B0]  }
0xb0: {  	v27 =	vld [tilespmem:$0x66C0]  }
0xb1: {  	v18 =	vld [tilespmem:$0x66D0]  }
0xb2: {  	v17 =	vld [tilespmem:$0x66E0]  }
0xb3: {  	[tilespmem:$0x6800] =	vst v0;
	v16 =	vld [tilespmem:$0x66F0]  }
0xb4: {  	v0 =	vld.idx.msk [tilespmem:v1+s3+$0x0], $0xffff  }
0xb5: {  	v15 =	vld [tilespmem:$0x6700]  }
0xb6: {  	v1 =	vadd.s32 s19, v2;
	v14 =	vld [tilespmem:$0x6710]  }
0xb7: {  	v13 =	vld [tilespmem:$0x6720]  }
0xb8: {  	v12 =	vld [tilespmem:$0x6730]  }
0xb9: {  	v11 =	vld [tilespmem:$0x6740]  }
0xba: {  	[tilespmem:$0x6810] =	vst v0;
	v10 =	vld [tilespmem:$0x6750]  }
0xbb: {  	v0 =	vld.idx.msk [tilespmem:v1+s3+$0x0], $0xffff  }
0xbc: {  	v9 =	vld [tilespmem:$0x6760]  }
0xbd: {  	v1 =	vadd.s32 s19, v3;
	v8 =	vld [tilespmem:$0x6770]  }
0xbe: {  	v7 =	vld [tilespmem:$0x6780]  }
0xbf: {  	v6 =	vld [tilespmem:$0x6790]  }
0xc0: {  	v5 =	vld [tilespmem:$0x67A0]  }
0xc1: {  	[tilespmem:$0x6820] =	vst v0;
	v4 =	vld [tilespmem:$0x67B0]  }
0xc2: {  	v28 =	vld.idx.msk [tilespmem:v1+s3+$0x0], $0xffff  }
0xc3: {  	v3 =	vld [tilespmem:$0x67C0]  }
0xc4: {  	v19 =	vadd.s32 s19, v19;
	v2 =	vld [tilespmem:$0x67D0]  }
0xc5: {  	v1 =	vld [tilespmem:$0x67E0]  }
0xc6: {  	v0 =	vld [tilespmem:$0x67F0];
	_ =	sdelay $0x1  }
0xc7: {  	[tilespmem:$0x6830] =	vst v28  }
0xc8: {  	v19 =	vld.idx.msk [tilespmem:v19+s3+$0x0], $0xffff;
	_ =	sdelay $0x1  }
0xc9: {  	v20 =	vadd.s32 s19, v20;
	_ =	sdelay $0x3  }
0xca: {  	[tilespmem:$0x6840] =	vst v19  }
0xcb: {  	v19 =	vld.idx.msk [tilespmem:v20+s3+$0x0], $0xffff;
	_ =	sdelay $0x1  }
0xcc: {  	v20 =	vadd.s32 s19, v21;
	_ =	sdelay $0x3  }
0xcd: {  	[tilespmem:$0x6850] =	vst v19  }
0xce: {  	v19 =	vld.idx.msk [tilespmem:v20+s3+$0x0], $0xffff;
	_ =	sdelay $0x1  }
0xcf: {  	v20 =	vadd.s32 s19, v22;
	_ =	sdelay $0x3  }
0xd0: {  	[tilespmem:$0x6860] =	vst v19  }
0xd1: {  	v19 =	vld.idx.msk [tilespmem:v20+s3+$0x0], $0xffff;
	_ =	sdelay $0x1  }
0xd2: {  	v20 =	vadd.s32 s19, v23;
	_ =	sdelay $0x3  }
0xd3: {  	[tilespmem:$0x6870] =	vst v19  }
0xd4: {  	v19 =	vld.idx.msk [tilespmem:v20+s3+$0x0], $0xffff;
	_ =	sdelay $0x1  }
0xd5: {  	v20 =	vadd.s32 s19, v24;
	_ =	sdelay $0x3  }
0xd6: {  	[tilespmem:$0x6880] =	vst v19  }
0xd7: {  	v19 =	vld.idx.msk [tilespmem:v20+s3+$0x0], $0xffff;
	_ =	sdelay $0x1  }
0xd8: {  	v20 =	vadd.s32 s19, v25;
	_ =	sdelay $0x3  }
0xd9: {  	[tilespmem:$0x6890] =	vst v19  }
0xda: {  	v19 =	vld.idx.msk [tilespmem:v20+s3+$0x0], $0xffff;
	_ =	sdelay $0x1  }
0xdb: {  	v20 =	vadd.s32 s19, v26;
	_ =	sdelay $0x3  }
0xdc: {  	[tilespmem:$0x68A0] =	vst v19  }
0xdd: {  	v19 =	vld.idx.msk [tilespmem:v20+s3+$0x0], $0xffff;
	_ =	sdelay $0x1  }
0xde: {  	v20 =	vadd.s32 s19, v27;
	_ =	sdelay $0x3  }
0xdf: {  	[tilespmem:$0x68B0] =	vst v19  }
0xe0: {  	v19 =	vld.idx.msk [tilespmem:v20+s3+$0x0], $0xffff;
	_ =	sdelay $0x1  }
0xe1: {  	v18 =	vadd.s32 s19, v18;
	_ =	sdelay $0x3  }
0xe2: {  	[tilespmem:$0x68C0] =	vst v19  }
0xe3: {  	v18 =	vld.idx.msk [tilespmem:v18+s3+$0x0], $0xffff;
	_ =	sdelay $0x1  }
0xe4: {  	v17 =	vadd.s32 s19, v17;
	_ =	sdelay $0x3  }
0xe5: {  	[tilespmem:$0x68D0] =	vst v18  }
0xe6: {  	v17 =	vld.idx.msk [tilespmem:v17+s3+$0x0], $0xffff;
	_ =	sdelay $0x1  }
0xe7: {  	v16 =	vadd.s32 s19, v16;
	_ =	sdelay $0x3  }
0xe8: {  	[tilespmem:$0x68E0] =	vst v17  }
0xe9: {  	v16 =	vld.idx.msk [tilespmem:v16+s3+$0x0], $0xffff;
	_ =	sdelay $0x1  }
0xea: {  	v15 =	vadd.s32 s19, v15;
	_ =	sdelay $0x3  }
0xeb: {  	[tilespmem:$0x68F0] =	vst v16  }
0xec: {  	v15 =	vld.idx.msk [tilespmem:v15+s3+$0x0], $0xffff;
	_ =	sdelay $0x1  }
0xed: {  	v14 =	vadd.s32 s19, v14;
	_ =	sdelay $0x3  }
0xee: {  	[tilespmem:$0x6900] =	vst v15  }
0xef: {  	v14 =	vld.idx.msk [tilespmem:v14+s3+$0x0], $0xffff;
	_ =	sdelay $0x1  }
0xf0: {  	v13 =	vadd.s32 s19, v13;
	_ =	sdelay $0x3  }
0xf1: {  	[tilespmem:$0x6910] =	vst v14  }
0xf2: {  	v13 =	vld.idx.msk [tilespmem:v13+s3+$0x0], $0xffff;
	_ =	sdelay $0x1  }
0xf3: {  	v12 =	vadd.s32 s19, v12;
	_ =	sdelay $0x3  }
0xf4: {  	[tilespmem:$0x6920] =	vst v13  }
0xf5: {  	v12 =	vld.idx.msk [tilespmem:v12+s3+$0x0], $0xffff;
	_ =	sdelay $0x1  }
0xf6: {  	v11 =	vadd.s32 s19, v11;
	_ =	sdelay $0x3  }
0xf7: {  	[tilespmem:$0x6930] =	vst v12  }
0xf8: {  	v11 =	vld.idx.msk [tilespmem:v11+s3+$0x0], $0xffff;
	_ =	sdelay $0x1  }
0xf9: {  	v10 =	vadd.s32 s19, v10;
	_ =	sdelay $0x3  }
0xfa: {  	[tilespmem:$0x6940] =	vst v11  }
0xfb: {  	v10 =	vld.idx.msk [tilespmem:v10+s3+$0x0], $0xffff;
	_ =	sdelay $0x1  }
0xfc: {  	v9 =	vadd.s32 s19, v9;
	_ =	sdelay $0x3  }
0xfd: {  	[tilespmem:$0x6950] =	vst v10  }
0xfe: {  	v9 =	vld.idx.msk [tilespmem:v9+s3+$0x0], $0xffff;
	_ =	sdelay $0x1  }
0xff: {  	v8 =	vadd.s32 s19, v8;
	_ =	sdelay $0x3  }
0x100: {  	[tilespmem:$0x6960] =	vst v9  }
0x101: {  	v8 =	vld.idx.msk [tilespmem:v8+s3+$0x0], $0xffff;
	_ =	sdelay $0x1  }
0x102: {  	v7 =	vadd.s32 s19, v7;
	_ =	sdelay $0x3  }
0x103: {  	[tilespmem:$0x6970] =	vst v8  }
0x104: {  	v7 =	vld.idx.msk [tilespmem:v7+s3+$0x0], $0xffff;
	_ =	sdelay $0x1  }
0x105: {  	v6 =	vadd.s32 s19, v6;
	_ =	sdelay $0x3  }
0x106: {  	[tilespmem:$0x6980] =	vst v7  }
0x107: {  	v6 =	vld.idx.msk [tilespmem:v6+s3+$0x0], $0xffff;
	_ =	sdelay $0x1  }
0x108: {  	v5 =	vadd.s32 s19, v5;
	_ =	sdelay $0x3  }
0x109: {  	[tilespmem:$0x6990] =	vst v6  }
0x10a: {  	v5 =	vld.idx.msk [tilespmem:v5+s3+$0x0], $0xffff;
	_ =	sdelay $0x1  }
0x10b: {  	v4 =	vadd.s32 s19, v4;
	_ =	sdelay $0x3  }
0x10c: {  	[tilespmem:$0x69A0] =	vst v5  }
0x10d: {  	v4 =	vld.idx.msk [tilespmem:v4+s3+$0x0], $0xffff;
	_ =	sdelay $0x1  }
0x10e: {  	v3 =	vadd.s32 s19, v3;
	_ =	sdelay $0x3  }
0x10f: {  	[tilespmem:$0x69B0] =	vst v4  }
0x110: {  	v3 =	vld.idx.msk [tilespmem:v3+s3+$0x0], $0xffff;
	_ =	sdelay $0x1  }
0x111: {  	v2 =	vadd.s32 s19, v2;
	_ =	sdelay $0x3  }
0x112: {  	[tilespmem:$0x69C0] =	vst v3  }
0x113: {  	v2 =	vld.idx.msk [tilespmem:v2+s3+$0x0], $0xffff;
	_ =	sdelay $0x1  }
0x114: {  	v1 =	vadd.s32 s19, v1;
	_ =	sdelay $0x3  }
0x115: {  	[tilespmem:$0x69D0] =	vst v2  }
0x116: {  	v1 =	vld.idx.msk [tilespmem:v1+s3+$0x0], $0xffff;
	_ =	sdelay $0x1  }
0x117: {  	v0 =	vadd.s32 s19, v0;
	_ =	sdelay $0x3  }
0x118: {  	[tilespmem:$0x69E0] =	vst v1  }
0x119: {  	v0 =	vld.idx.msk [tilespmem:v0+s3+$0x0], $0xffff;
	_ =	sdelay $0x1  }
0x11a: {  	s21 =	sshrl.u32 s15, $0x7;
	s20 =	sand.u32 $0x1F000, s16;
	s19 =	sand.u32 $0xE0000, s15  }
0x11b: {  	s19 =	sor.u32 s19, s20;
	s20 =	sand.u32 $0x380, s21  }
0x11c: {  	s19 =	sor.u32 s20, s19  }
.Ltmp0:
0x11d: {  	s19 =	sshrl.u32 s19, $0x3;
	(pc) =	sbr.rel @p0 .LBB2_2-.Ltmp0, $4  }
0x11e: {  	s19 =	sadd.s32 s1, s19;
	[tilespmem:$0x69F0] =	vst v0  }
0x11f: {  	[hbm4b:s19+s11] =	stream.strided.scatter [tilespmem:s13], [sflag:$0x1], $0x200, s12, s11, $0x38;
	[tilespmem:$0x6A00] =	vst v63  }
0x120: {  	s16 =	sadd.s32 $0x1000, s16;
	_ =	swait.ge [sflag:s9], $0x200  }
0x121: {  	s15 =	sadd.s32 $0x200, s15;
	s19 =	smov.u32 s18;
	[sflag:s9] =	ssyncset.done $0x0  }
0x122: {  	s17 =	sadd.s32 s17, s8;
	[sflag:s9] =	ssyncadd.s32 $0xFFFFFE00  }
0x123: {  	[tilespmem:s10], [sflag:$0x1] =	stream.linear.gather [hbm4b:s17+s3], $0x200, $0x38;
	[tilespmem:$0x6A00] =	vst v63  }
0x124: {  	_ =	swait.ge [sflag:s9], $0x200  }
0x125: {  	[sflag:s9] =	ssyncset.done $0x0  }
0x126: {  	[sflag:s9] =	ssyncadd.s32 $0xFFFFFE00  }
0x127: {  	v0 =	vld [tilespmem:$0x6600];
	_ =	sdelay $0x1  }
0x128: {  	s29 =	sshrl.u32 s15, $0xE  }
0x129: {  	s17 =	smul.u32 $0x3E8, s29;
	_ =	sdelay $0x1  }
0x12a: {  	v0 =	vadd.s32 s17, v0  }
0x12b: {  	v1 =	vld [tilespmem:$0x6610];
	_ =	sdelay $0x3  }
0x12c: {  	v0 =	vld.idx.msk [tilespmem:v0+s3+$0x0], $0xffff  }
0x12d: {  	v1 =	vadd.s32 s17, v1  }
0x12e: {  	v2 =	vld [tilespmem:$0x6620];
	_ =	sdelay $0x2  }
0x12f: {  	[tilespmem:$0x6800] =	vst v0  }
0x130: {  	v0 =	vld.idx.msk [tilespmem:v1+s3+$0x0], $0xffff  }
0x131: {  	v5 =	vadd.s32 s17, v2  }
0x132: {  	v6 =	vld [tilespmem:$0x6630];
	_ =	sdelay $0x2  }
0x133: {  	[tilespmem:$0x6810] =	vst v0  }
0x134: {  	v0 =	vld.idx.msk [tilespmem:v5+s3+$0x0], $0xffff  }
0x135: {  	v7 =	vadd.s32 s17, v6  }
0x136: {  	v8 =	vld [tilespmem:$0x6640];
	_ =	sdelay $0x2  }
0x137: {  	[tilespmem:$0x6820] =	vst v0  }
0x138: {  	v0 =	vld.idx.msk [tilespmem:v7+s3+$0x0], $0xffff  }
0x139: {  	v9 =	vadd.s32 s17, v8  }
0x13a: {  	v10 =	vld [tilespmem:$0x6650];
	_ =	sdelay $0x2  }
0x13b: {  	[tilespmem:$0x6830] =	vst v0  }
0x13c: {  	v0 =	vld.idx.msk [tilespmem:v9+s3+$0x0], $0xffff  }
0x13d: {  	v11 =	vadd.s32 s17, v10  }
0x13e: {  	v12 =	vld [tilespmem:$0x6660];
	_ =	sdelay $0x2  }
0x13f: {  	[tilespmem:$0x6840] =	vst v0  }
0x140: {  	v0 =	vld.idx.msk [tilespmem:v11+s3+$0x0], $0xffff  }
0x141: {  	v13 =	vadd.s32 s17, v12  }
0x142: {  	v14 =	vld [tilespmem:$0x6670];
	_ =	sdelay $0x2  }
0x143: {  	[tilespmem:$0x6850] =	vst v0  }
0x144: {  	v0 =	vld.idx.msk [tilespmem:v13+s3+$0x0], $0xffff  }
0x145: {  	v15 =	vadd.s32 s17, v14  }
0x146: {  	v16 =	vld [tilespmem:$0x6680];
	_ =	sdelay $0x2  }
0x147: {  	[tilespmem:$0x6860] =	vst v0  }
0x148: {  	v0 =	vld.idx.msk [tilespmem:v15+s3+$0x0], $0xffff  }
0x149: {  	v17 =	vadd.s32 s17, v16  }
0x14a: {  	v18 =	vld [tilespmem:$0x6690];
	_ =	sdelay $0x2  }
0x14b: {  	[tilespmem:$0x6870] =	vst v0  }
0x14c: {  	v0 =	vld.idx.msk [tilespmem:v17+s3+$0x0], $0xffff  }
0x14d: {  	v19 =	vadd.s32 s17, v18  }
0x14e: {  	v20 =	vld [tilespmem:$0x66A0];
	_ =	sdelay $0x2  }
0x14f: {  	[tilespmem:$0x6880] =	vst v0  }
0x150: {  	v0 =	vld.idx.msk [tilespmem:v19+s3+$0x0], $0xffff  }
0x151: {  	v21 =	vadd.s32 s17, v20  }
0x152: {  	v22 =	vld [tilespmem:$0x66B0];
	_ =	sdelay $0x2  }
0x153: {  	[tilespmem:$0x6890] =	vst v0  }
0x154: {  	v0 =	vld.idx.msk [tilespmem:v21+s3+$0x0], $0xffff  }
0x155: {  	v23 =	vadd.s32 s17, v22  }
0x156: {  	v24 =	vld [tilespmem:$0x66C0];
	_ =	sdelay $0x2  }
0x157: {  	[tilespmem:$0x68A0] =	vst v0  }
0x158: {  	v0 =	vld.idx.msk [tilespmem:v23+s3+$0x0], $0xffff  }
0x159: {  	v25 =	vadd.s32 s17, v24  }
0x15a: {  	v26 =	vld [tilespmem:$0x66D0];
	_ =	sdelay $0x2  }
0x15b: {  	[tilespmem:$0x68B0] =	vst v0  }
0x15c: {  	v0 =	vld.idx.msk [tilespmem:v25+s3+$0x0], $0xffff  }
0x15d: {  	v27 =	vadd.s32 s17, v26  }
0x15e: {  	v28 =	vld [tilespmem:$0x66E0];
	_ =	sdelay $0x2  }
0x15f: {  	[tilespmem:$0x68C0] =	vst v0  }
0x160: {  	v0 =	vld.idx.msk [tilespmem:v27+s3+$0x0], $0xffff  }
0x161: {  	v29 =	vadd.s32 s17, v28  }
0x162: {  	v30 =	vld [tilespmem:$0x66F0];
	_ =	sdelay $0x2  }
0x163: {  	[tilespmem:$0x68D0] =	vst v0  }
0x164: {  	v0 =	vld.idx.msk [tilespmem:v29+s3+$0x0], $0xffff  }
0x165: {  	v31 =	vadd.s32 s17, v30  }
0x166: {  	v32 =	vld [tilespmem:$0x6700];
	_ =	sdelay $0x2  }
0x167: {  	[tilespmem:$0x68E0] =	vst v0  }
0x168: {  	v0 =	vld.idx.msk [tilespmem:v31+s3+$0x0], $0xffff  }
0x169: {  	v33 =	vadd.s32 s17, v32  }
0x16a: {  	v34 =	vld [tilespmem:$0x6710];
	_ =	sdelay $0x2  }
0x16b: {  	[tilespmem:$0x68F0] =	vst v0  }
0x16c: {  	v0 =	vld.idx.msk [tilespmem:v33+s3+$0x0], $0xffff  }
0x16d: {  	v35 =	vadd.s32 s17, v34  }
0x16e: {  	v36 =	vld [tilespmem:$0x6720];
	_ =	sdelay $0x2  }
0x16f: {  	[tilespmem:$0x6900] =	vst v0  }
0x170: {  	v0 =	vld.idx.msk [tilespmem:v35+s3+$0x0], $0xffff  }
0x171: {  	v37 =	vadd.s32 s17, v36  }
0x172: {  	v38 =	vld [tilespmem:$0x6730];
	_ =	sdelay $0x2  }
0x173: {  	[tilespmem:$0x6910] =	vst v0  }
0x174: {  	v0 =	vld.idx.msk [tilespmem:v37+s3+$0x0], $0xffff  }
0x175: {  	v39 =	vadd.s32 s17, v38  }
0x176: {  	v40 =	vld [tilespmem:$0x6740];
	_ =	sdelay $0x2  }
0x177: {  	[tilespmem:$0x6920] =	vst v0  }
0x178: {  	v0 =	vld.idx.msk [tilespmem:v39+s3+$0x0], $0xffff  }
0x179: {  	v41 =	vadd.s32 s17, v40  }
0x17a: {  	v42 =	vld [tilespmem:$0x6750];
	_ =	sdelay $0x2  }
0x17b: {  	[tilespmem:$0x6930] =	vst v0  }
0x17c: {  	v0 =	vld.idx.msk [tilespmem:v41+s3+$0x0], $0xffff  }
0x17d: {  	v43 =	vadd.s32 s17, v42  }
0x17e: {  	v44 =	vld [tilespmem:$0x6760];
	_ =	sdelay $0x2  }
0x17f: {  	[tilespmem:$0x6940] =	vst v0  }
0x180: {  	v0 =	vld.idx.msk [tilespmem:v43+s3+$0x0], $0xffff  }
0x181: {  	v45 =	vadd.s32 s17, v44  }
0x182: {  	v46 =	vld [tilespmem:$0x6770];
	_ =	sdelay $0x2  }
0x183: {  	[tilespmem:$0x6950] =	vst v0  }
0x184: {  	v0 =	vld.idx.msk [tilespmem:v45+s3+$0x0], $0xffff  }
0x185: {  	v47 =	vadd.s32 s17, v46  }
0x186: {  	v48 =	vld [tilespmem:$0x6780];
	_ =	sdelay $0x2  }
0x187: {  	[tilespmem:$0x6960] =	vst v0  }
0x188: {  	v0 =	vld.idx.msk [tilespmem:v47+s3+$0x0], $0xffff  }
0x189: {  	v49 =	vadd.s32 s17, v48  }
0x18a: {  	v50 =	vld [tilespmem:$0x6790];
	_ =	sdelay $0x2  }
0x18b: {  	[tilespmem:$0x6970] =	vst v0  }
0x18c: {  	v0 =	vld.idx.msk [tilespmem:v49+s3+$0x0], $0xffff  }
0x18d: {  	v51 =	vadd.s32 s17, v50  }
0x18e: {  	v52 =	vld [tilespmem:$0x67A0];
	_ =	sdelay $0x2  }
0x18f: {  	[tilespmem:$0x6980] =	vst v0  }
0x190: {  	v0 =	vld.idx.msk [tilespmem:v51+s3+$0x0], $0xffff  }
0x191: {  	v53 =	vadd.s32 s17, v52  }
0x192: {  	v54 =	vld [tilespmem:$0x67B0];
	_ =	sdelay $0x2  }
0x193: {  	[tilespmem:$0x6990] =	vst v0  }
0x194: {  	v0 =	vld.idx.msk [tilespmem:v53+s3+$0x0], $0xffff  }
0x195: {  	v55 =	vadd.s32 s17, v54  }
0x196: {  	v56 =	vld [tilespmem:$0x67C0];
	_ =	sdelay $0x2  }
0x197: {  	[tilespmem:$0x69A0] =	vst v0  }
0x198: {  	v0 =	vld.idx.msk [tilespmem:v55+s3+$0x0], $0xffff  }
0x199: {  	v57 =	vadd.s32 s17, v56  }
0x19a: {  	v58 =	vld [tilespmem:$0x67D0];
	_ =	sdelay $0x2  }
0x19b: {  	[tilespmem:$0x69B0] =	vst v0  }
0x19c: {  	v0 =	vld.idx.msk [tilespmem:v57+s3+$0x0], $0xffff  }
0x19d: {  	v59 =	vadd.s32 s17, v58  }
0x19e: {  	v60 =	vld [tilespmem:$0x67E0];
	_ =	sdelay $0x2  }
0x19f: {  	[tilespmem:$0x69C0] =	vst v0  }
0x1a0: {  	v0 =	vld.idx.msk [tilespmem:v59+s3+$0x0], $0xffff  }
0x1a1: {  	v61 =	vadd.s32 s17, v60  }
0x1a2: {  	v62 =	vld [tilespmem:$0x67F0];
	_ =	sdelay $0x2  }
0x1a3: {  	[tilespmem:$0x69D0] =	vst v0  }
0x1a4: {  	v0 =	vld.idx.msk [tilespmem:v61+s3+$0x0], $0xffff  }
0x1a5: {  	v63 =	vadd.s32 s17, v62;
	_ =	sdelay $0x3  }
0x1a6: {  	[tilespmem:$0x69E0] =	vst v0  }
0x1a7: {  	v0 =	vld.idx.msk [tilespmem:v63+s3+$0x0], $0xffff  }
0x1a8: {  	s30 =	sand.u32 $0xE0000, s15;
	s16 =	sand.u32 $0x1F000, s16;
	s31 =	sshrl.u32 s15, $0x7  }
0x1a9: {  	s16 =	sor.u32 s30, s16;
	s15 =	sand.u32 $0x380, s31  }
0x1aa: {  	s14 =	sadd.s32 $0x1, s14;
	s15 =	sor.u32 s15, s16  }
0x1ab: {  	p0 =	sne.s32 s14, s6;
	s15 =	sshrl.u32 s15, $0x3  }
.Ltmp1:
0x1ac: {  	s15 =	sadd.s32 s1, s15;
	[tilespmem:$0x69F0] =	vst v0;
	(pc) =	sbr.rel @p0 .LBB2_1-.Ltmp1, $4  }
0x1ad: {  	[hbm4b:s15+s11] =	stream.strided.scatter [tilespmem:s13], [sflag:$0x1], $0x200, s12, s11, $0x38;
	[tilespmem:$0x6A00] =	vst v63  }
0x1ae: {  	_ =	swait.ge [sflag:s9], $0x200  }
0x1af: {  	[sflag:s9] =	ssyncset.done $0x0  }
0x1b0: {  	[sflag:s9] =	ssyncadd.s32 $0xFFFFFE00  }
0x1b1: {  	_ =	sfence.sel $0x180000  }
0x1b2: {  	[bflag:$0x0] =	sbarrier.arrive $0xFFFF  }
0x1b3: {  	p0 =	sne.s32 s2, $0x0;
	_ =	strace $0x90000047  }
0x1b4: {  	s0 =	sadd.s32 @!p0 $0x100000, s0;
	[bflag:$0x2] =	sbarrier.arrive $0xFFFF  }
0x1b5: {  	[sflag:s0] =	ssyncadd.tile.s32 @!p0 $0x1;
	_ =	shalt  }
.Lfunc_end2:
_tile_overlayer_lowered:
.L_overlay_start_2:
0x1b6: {  	(tag) =	ssettag $0x2  }
0x1b7: {  	s0 =	rddreg [dreg:$0x0];
	s2 =	stileid.u32  }
0x1b8: {  	s1 =	rddreg [dreg:$0x1];
	p0 =	sne.s32 s2, $0x0  }
0x1b9: {  	s3 =	rddreg [dreg:$0x2];
	[bflag:$0x3] =	sbarrier.arrive $0xFFFF;
	s2 =	simm.s32 @!p0 $0x1C01  }
0x1ba: {  	[timem:s3], [sflag:s2] =	dma.local @!p0 [hbm:s0], s1  }
0x1bb: {  	s0 =	simm.s32 @!p0 $0x1  }
0x1bc: {  	_ =	swait.ge @!p0 [sflag:s0], s1  }
0x1bd: {  	s1 =	ssub.s32 @!p0 $0x0, s1;
	[sflag:s0] =	ssyncset.done @!p0 $0x0  }
0x1be: {  	[sflag:s0] =	ssyncadd.s32 @!p0 s1  }
0x1bf: {  	[bflag:$0x3] =	sbarrier.arrive $0xFFFF  }
0x1c0: {  	_ =	shalt  }

</sc_bundles>
